<compile_context>
chip_gen: v7x
topology: tpu7x:2x2x1
jax: 0.10.2.dev20260603
libtpu: 0.0.44.dev20260713+nightly
codegen_flags: <defaults>
</compile_context>

<pallas_src>
import jax
import jax.numpy as jnp
from jax import lax
from jax.experimental import pallas as pl
from jax.experimental.pallas import tpu as pltpu
from jax.experimental.pallas import tpu_sc as plsc

HIDDEN = 768
BATCH = 4
SEQ = 2048
TOK = BATCH * SEQ

NC, NS = 2, 16
NW = NC * NS
PPW = SEQ // NW
C = 16
NPC = PPW // C
NSTEP = NPC * BATCH
NBUF = 6
GROUPS = HIDDEN // 16

_DNUMS = lax.GatherDimensionNumbers(
    offset_dims=(), collapsed_slice_dims=(0,), start_index_map=(0,))


def _embed_body(ids_hbm, tt_hbm, word_hbm, type_hbm, pos_hbm, out_hbm,
                widx_v, tidx_v, typ2_v, dt_v,
                w0, w1, w2, w3, w4, w5, p0, p1,
                sw0, sw1, sw2, sw3, sw4, sw5, sp0, sp1,
                so0, so1, so2, so3, so4, so5):
    wid = lax.axis_index("s") * NC + lax.axis_index("c")
    pbase = wid * PPW

    for b in range(BATCH):
        pltpu.sync_copy(ids_hbm.at[pl.ds(b * SEQ + pbase, PPW)],
                        widx_v.at[pl.ds(b * PPW, PPW)])
        pltpu.sync_copy(tt_hbm.at[pl.ds(b * SEQ + pbase, PPW)],
                        tidx_v.at[pl.ds(b * PPW, PPW)])
    pltpu.sync_copy(type_hbm, typ2_v)
    for g in range(GROUPS):
        sl = pl.ds(g * 16, 16)
        dt_v[sl] = typ2_v[1, sl] - typ2_v[0, sl]

    wbufs = [w0, w1, w2, w3, w4, w5]
    pbufs = [p0, p1]
    sem_w = [sw0, sw1, sw2, sw3, sw4, sw5]
    sem_p = [sp0, sp1]
    sem_o = [so0, so1, so2, so3, so4, so5]
    cp_w = [None] * NBUF
    cp_p = [None, None]
    cp_o = [None] * NBUF

    def start_pos(pc):
        cp_p[pc & 1] = pltpu.async_copy(
            pos_hbm.at[pl.ds(pbase + pc * C, C)], pbufs[pc & 1], sem_p[pc & 1])

    def start_word(s):
        pc, b = divmod(s, BATCH)
        k = s % NBUF
        cp_w[k] = pltpu.async_copy(
            word_hbm.at[widx_v.at[pl.ds(b * PPW + pc * C, C)]],
            wbufs[k], sem_w[k])

    start_pos(0)
    start_pos(1)
    for s in range(min(NBUF - 1, NSTEP)):
        start_word(s)

    for s in range(NSTEP):
        pc, b = divmod(s, BATCH)
        k = s % NBUF
        if s + NBUF - 1 < NSTEP:
            kn = (s + NBUF - 1) % NBUF
            if cp_o[kn] is not None:
                cp_o[kn].wait()
            start_word(s + NBUF - 1)
        if b == 0:
            cp_p[pc & 1].wait()
            pos_v = pbufs[pc & 1]

            @plsc.parallel_loop(0, C)
            def fold_row(i):
                @plsc.parallel_loop(0, GROUPS, unroll=8)
                def fold_grp(g):
                    sl = pl.ds(g * 16, 16)
                    pos_v[i, sl] = pos_v[i, sl] + typ2_v[0, sl]
        pos_v = pbufs[pc & 1]
        cp_w[k].wait()
        acc_v = wbufs[k]
        ttf16 = tidx_v[pl.ds(b * PPW + pc * C, C)].astype(jnp.float32)

        @plsc.parallel_loop(0, C)
        def add_row(i):
            ttf_s = lax.gather(
                ttf16, jnp.full((16, 1), i, jnp.int32), _DNUMS,
                slice_sizes=(1,),
                mode=lax.GatherScatterMode.PROMISE_IN_BOUNDS)

            @plsc.parallel_loop(0, GROUPS, unroll=8)
            def add_grp(g):
                sl = pl.ds(g * 16, 16)
                plsc.addupdate(acc_v.at[i, sl],
                               pos_v[i, sl] + ttf_s * dt_v[sl])
        if b == BATCH - 1 and pc + 2 < NPC:
            start_pos(pc + 2)
        cp_o[k] = pltpu.async_copy(
            acc_v, out_hbm.at[pl.ds(b * SEQ + pbase + pc * C, C)], sem_o[k])
    for k in range(NBUF):
        if cp_o[k] is not None:
            cp_o[k].wait()


@jax.jit
def _embed(ids, tt, word_table, type_table, pos_table):
    mesh = plsc.VectorSubcoreMesh(
        core_axis_name="c", subcore_axis_name="s", num_cores=NC, num_subcores=NS)
    k = pl.kernel(
        _embed_body,
        out_type=jax.ShapeDtypeStruct((TOK, HIDDEN), jnp.float32),
        mesh=mesh,
        scratch_types=(
            [pltpu.VMEM((BATCH * PPW,), jnp.int32)] * 2
            + [pltpu.VMEM((2, HIDDEN), jnp.float32),
               pltpu.VMEM((HIDDEN,), jnp.float32)]
            + [pltpu.VMEM((C, HIDDEN), jnp.float32)] * (NBUF + 2)
            + [pltpu.SemaphoreType.DMA] * (NBUF + 2 + NBUF)
        ),
    )
    return k(ids, tt, word_table, type_table, pos_table)


def kernel(input_ids, token_type_ids, word_table, type_table, pos_table):
    ids = input_ids.reshape(-1)
    tt = token_type_ids.reshape(-1)
    out = _embed(ids, tt, word_table, type_table, pos_table)
    return out.reshape(BATCH, SEQ, HIDDEN)

# --- scband reference (transcript-rebuilt; emitter-appended) ---
"""Pipeline reference for scband-bert-embeddings-88072599372526 (READ-ONLY COPY).

The authoritative reference and input builder live on the scoring server;
editing this copy changes nothing except your own understanding.
"""

import jax, jax.numpy as jnp
import numpy as np

VOCAB = 100000
HIDDEN = 768
MAX_POS = 2048
TYPE_VOCAB = 2
BATCH = 4
SEQ = 2048

def setup_inputs(seed: int = 0) -> dict:
    key = jax.random.key(seed)
    k1, k2, k3, k4, k5 = jax.random.split(key, 5)
    input_ids = jax.random.randint(k1, (BATCH, SEQ), 0, VOCAB, dtype=jnp.int32)
    token_type_ids = jax.random.randint(k2, (BATCH, SEQ), 0, TYPE_VOCAB, dtype=jnp.int32)
    # truncated-normal-ish init, stddev=0.02
    word_table = (jax.random.truncated_normal(k3, -2.0, 2.0, (VOCAB, HIDDEN), dtype=jnp.float32) * 0.02)
    type_table = (jax.random.truncated_normal(k4, -2.0, 2.0, (TYPE_VOCAB, HIDDEN), dtype=jnp.float32) * 0.02)
    pos_table = (jax.random.truncated_normal(k5, -2.0, 2.0, (MAX_POS, HIDDEN), dtype=jnp.float32) * 0.02)
    return {
        "input_ids": input_ids,
        "token_type_ids": token_type_ids,
        "word_table": word_table,
        "type_table": type_table,
        "pos_table": pos_table,
    }

def reference(input_ids, token_type_ids, word_table, type_table, pos_table):
    seq_len = input_ids.shape[1]
    position_ids = jnp.arange(seq_len)
    word_embeds = jnp.take(word_table, input_ids, axis=0)            # [B, S, H]
    pos_embeds = jnp.take(pos_table, position_ids, axis=0)          # [S, H], broadcasts
    token_type_embeds = jnp.take(type_table, token_type_ids, axis=0) # [B, S, H]
    return word_embeds + pos_embeds[None, :, :] + token_type_embeds

if __name__ == "__main__":
    import jax
    _d = setup_inputs()
    print(jax.jit(kernel)(*tuple(_d.values())))

</pallas_src>

<mosaic_0001>
#map = affine_map<(d0, d1) -> (0)>
#map1 = affine_map<(d0, d1) -> (0, 0)>
module attributes {stable_mosaic.version = 14 : i64} {
  func.func @_embed_body(%arg0: i32, %arg1: i32, %arg2: memref<8192xi32, #tpu.memory_space<hbm>>, %arg3: memref<8192xi32, #tpu.memory_space<hbm>>, %arg4: memref<100000x768xf32, #tpu.memory_space<hbm>>, %arg5: memref<2x768xf32, #tpu.memory_space<hbm>>, %arg6: memref<2048x768xf32, #tpu.memory_space<hbm>>, %arg7: memref<8192x768xf32, #tpu.memory_space<hbm>>, %arg8: memref<256xi32, #tpu.memory_space<vmem>>, %arg9: memref<256xi32, #tpu.memory_space<vmem>>, %arg10: memref<2x768xf32, #tpu.memory_space<vmem>>, %arg11: memref<768xf32, #tpu.memory_space<vmem>>, %arg12: memref<16x768xf32, #tpu.memory_space<vmem>>, %arg13: memref<16x768xf32, #tpu.memory_space<vmem>>, %arg14: memref<16x768xf32, #tpu.memory_space<vmem>>, %arg15: memref<16x768xf32, #tpu.memory_space<vmem>>, %arg16: memref<16x768xf32, #tpu.memory_space<vmem>>, %arg17: memref<16x768xf32, #tpu.memory_space<vmem>>, %arg18: memref<16x768xf32, #tpu.memory_space<vmem>>, %arg19: memref<16x768xf32, #tpu.memory_space<vmem>>, %arg20: memref<!tpu.dma_semaphore, #tpu.memory_space<semaphore_mem>>, %arg21: memref<!tpu.dma_semaphore, #tpu.memory_space<semaphore_mem>>, %arg22: memref<!tpu.dma_semaphore, #tpu.memory_space<semaphore_mem>>, %arg23: memref<!tpu.dma_semaphore, #tpu.memory_space<semaphore_mem>>, %arg24: memref<!tpu.dma_semaphore, #tpu.memory_space<semaphore_mem>>, %arg25: memref<!tpu.dma_semaphore, #tpu.memory_space<semaphore_mem>>, %arg26: memref<!tpu.dma_semaphore, #tpu.memory_space<semaphore_mem>>, %arg27: memref<!tpu.dma_semaphore, #tpu.memory_space<semaphore_mem>>, %arg28: memref<!tpu.dma_semaphore, #tpu.memory_space<semaphore_mem>>, %arg29: memref<!tpu.dma_semaphore, #tpu.memory_space<semaphore_mem>>, %arg30: memref<!tpu.dma_semaphore, #tpu.memory_space<semaphore_mem>>, %arg31: memref<!tpu.dma_semaphore, #tpu.memory_space<semaphore_mem>>, %arg32: memref<!tpu.dma_semaphore, #tpu.memory_space<semaphore_mem>>, %arg33: memref<!tpu.dma_semaphore, #tpu.memory_space<semaphore_mem>>) attributes {dimension_semantics = [#tpu.dimension_semantics<core_parallel>, #tpu.dimension_semantics<subcore_parallel>], iteration_bounds = array<i64: 2, 16>, scalar_prefetch = 0 : i64, scratch_operands = 26 : i64, tpu.core_type = #tpu.core_type<sc_vector_subcore>, window_params = [{transform_indices = #map}, {transform_indices = #map}, {transform_indices = #map1}, {transform_indices = #map1}, {transform_indices = #map1}, {transform_indices = #map1}]} {
    %mul3A = arith.constant 2 : i32
    %mul3A_0 = arith.muli %arg1, %mul3A : i32
    %add3A = arith.addi %mul3A_0, %arg0 : i32
    %mul3A_1 = arith.constant 64 : i32
    %mul3A_2 = arith.muli %add3A, %mul3A_1 : i32
    %add3A_3 = arith.constant 0 : i32
    %add3A_4 = arith.addi %add3A_3, %mul3A_2 : i32
    "tpu.region"() ({
      %run_scoped3A = tpu.sem_alloc : memref<!tpu.dma_semaphore, #tpu.memory_space<semaphore_mem>>
      %dma_start3A_1248 = arith.constant 0 : i32
      %dma_start3A_1249 = tpu.memref_slice %arg8[%dma_start3A_1248] : memref<256xi32, #tpu.memory_space<vmem>> -> memref<64xi32, #tpu.memory_space<vmem>>
      %dma_start3A_1250 = tpu.memref_slice %arg2[%add3A_4] : memref<8192xi32, #tpu.memory_space<hbm>> -> memref<64xi32, #tpu.memory_space<hbm>>
      %dma_start3A_1251 = arith.constant 0 : i32
      %dma_start3A_1252 = tpu.memref_slice %arg8[%dma_start3A_1251] : memref<256xi32, #tpu.memory_space<vmem>> -> memref<64xi32, #tpu.memory_space<vmem>>
      %dma_start3A_1253 = tpu.memref_slice %arg2[%add3A_4] : memref<8192xi32, #tpu.memory_space<hbm>> -> memref<64xi32, #tpu.memory_space<hbm>>
      tpu.enqueue_dma source(%dma_start3A_1253 : memref<64xi32, #tpu.memory_space<hbm>>) target(%dma_start3A_1252 : memref<64xi32, #tpu.memory_space<vmem>>) target_semaphore(%run_scoped3A : memref<!tpu.dma_semaphore, #tpu.memory_space<semaphore_mem>>)
      %dma_wait3A_1254 = arith.constant 0 : i32
      %dma_wait3A_1255 = tpu.memref_slice %arg8[%dma_wait3A_1254] : memref<256xi32, #tpu.memory_space<vmem>> -> memref<64xi32, #tpu.memory_space<vmem>>
      %dma_wait3A_1256 = tpu.memref_slice %arg2[%add3A_4] : memref<8192xi32, #tpu.memory_space<hbm>> -> memref<64xi32, #tpu.memory_space<hbm>>
      %dma_wait3A_1257 = arith.constant 0 : i32
      %dma_wait3A_1258 = tpu.memref_slice %arg8[%dma_wait3A_1257] : memref<256xi32, #tpu.memory_space<vmem>> -> memref<64xi32, #tpu.memory_space<vmem>>
      %dma_wait3A_1259 = tpu.memref_slice %arg2[%add3A_4] : memref<8192xi32, #tpu.memory_space<hbm>> -> memref<64xi32, #tpu.memory_space<hbm>>
      tpu.wait_dma2 semaphore(%run_scoped3A : memref<!tpu.dma_semaphore, #tpu.memory_space<semaphore_mem>>) src(%dma_wait3A_1259 : memref<64xi32, #tpu.memory_space<hbm>>) dst(%dma_wait3A_1258 : memref<64xi32, #tpu.memory_space<vmem>>)
      tpu.yield
    }) : () -> ()
    %add3A_5 = arith.constant 0 : i32
    %add3A_6 = arith.addi %add3A_5, %mul3A_2 : i32
    "tpu.region"() ({
      %run_scoped3A = tpu.sem_alloc : memref<!tpu.dma_semaphore, #tpu.memory_space<semaphore_mem>>
      %dma_start3A_1248 = arith.constant 0 : i32
      %dma_start3A_1249 = tpu.memref_slice %arg9[%dma_start3A_1248] : memref<256xi32, #tpu.memory_space<vmem>> -> memref<64xi32, #tpu.memory_space<vmem>>
      %dma_start3A_1250 = tpu.memref_slice %arg3[%add3A_6] : memref<8192xi32, #tpu.memory_space<hbm>> -> memref<64xi32, #tpu.memory_space<hbm>>
      %dma_start3A_1251 = arith.constant 0 : i32
      %dma_start3A_1252 = tpu.memref_slice %arg9[%dma_start3A_1251] : memref<256xi32, #tpu.memory_space<vmem>> -> memref<64xi32, #tpu.memory_space<vmem>>
      %dma_start3A_1253 = tpu.memref_slice %arg3[%add3A_6] : memref<8192xi32, #tpu.memory_space<hbm>> -> memref<64xi32, #tpu.memory_space<hbm>>
      tpu.enqueue_dma source(%dma_start3A_1253 : memref<64xi32, #tpu.memory_space<hbm>>) target(%dma_start3A_1252 : memref<64xi32, #tpu.memory_space<vmem>>) target_semaphore(%run_scoped3A : memref<!tpu.dma_semaphore, #tpu.memory_space<semaphore_mem>>)
      %dma_wait3A_1254 = arith.constant 0 : i32
      %dma_wait3A_1255 = tpu.memref_slice %arg9[%dma_wait3A_1254] : memref<256xi32, #tpu.memory_space<vmem>> -> memref<64xi32, #tpu.memory_space<vmem>>
      %dma_wait3A_1256 = tpu.memref_slice %arg3[%add3A_6] : memref<8192xi32, #tpu.memory_space<hbm>> -> memref<64xi32, #tpu.memory_space<hbm>>
      %dma_wait3A_1257 = arith.constant 0 : i32
      %dma_wait3A_1258 = tpu.memref_slice %arg9[%dma_wait3A_1257] : memref<256xi32, #tpu.memory_space<vmem>> -> memref<64xi32, #tpu.memory_space<vmem>>
      %dma_wait3A_1259 = tpu.memref_slice %arg3[%add3A_6] : memref<8192xi32, #tpu.memory_space<hbm>> -> memref<64xi32, #tpu.memory_space<hbm>>
      tpu.wait_dma2 semaphore(%run_scoped3A : memref<!tpu.dma_semaphore, #tpu.memory_space<semaphore_mem>>) src(%dma_wait3A_1259 : memref<64xi32, #tpu.memory_space<hbm>>) dst(%dma_wait3A_1258 : memref<64xi32, #tpu.memory_space<vmem>>)
      tpu.yield
    }) : () -> ()
    %add3A_7 = arith.constant 2048 : i32
    %add3A_8 = arith.addi %add3A_7, %mul3A_2 : i32
    "tpu.region"() ({
      %run_scoped3A = tpu.sem_alloc : memref<!tpu.dma_semaphore, #tpu.memory_space<semaphore_mem>>
      %dma_start3A_1248 = arith.constant 64 : i32
      %dma_start3A_1249 = tpu.memref_slice %arg8[%dma_start3A_1248] : memref<256xi32, #tpu.memory_space<vmem>> -> memref<64xi32, #tpu.memory_space<vmem>>
      %dma_start3A_1250 = tpu.memref_slice %arg2[%add3A_8] : memref<8192xi32, #tpu.memory_space<hbm>> -> memref<64xi32, #tpu.memory_space<hbm>>
      %dma_start3A_1251 = arith.constant 64 : i32
      %dma_start3A_1252 = tpu.memref_slice %arg8[%dma_start3A_1251] : memref<256xi32, #tpu.memory_space<vmem>> -> memref<64xi32, #tpu.memory_space<vmem>>
      %dma_start3A_1253 = tpu.memref_slice %arg2[%add3A_8] : memref<8192xi32, #tpu.memory_space<hbm>> -> memref<64xi32, #tpu.memory_space<hbm>>
      tpu.enqueue_dma source(%dma_start3A_1253 : memref<64xi32, #tpu.memory_space<hbm>>) target(%dma_start3A_1252 : memref<64xi32, #tpu.memory_space<vmem>>) target_semaphore(%run_scoped3A : memref<!tpu.dma_semaphore, #tpu.memory_space<semaphore_mem>>)
      %dma_wait3A_1254 = arith.constant 64 : i32
      %dma_wait3A_1255 = tpu.memref_slice %arg8[%dma_wait3A_1254] : memref<256xi32, #tpu.memory_space<vmem>> -> memref<64xi32, #tpu.memory_space<vmem>>
      %dma_wait3A_1256 = tpu.memref_slice %arg2[%add3A_8] : memref<8192xi32, #tpu.memory_space<hbm>> -> memref<64xi32, #tpu.memory_space<hbm>>
      %dma_wait3A_1257 = arith.constant 64 : i32
      %dma_wait3A_1258 = tpu.memref_slice %arg8[%dma_wait3A_1257] : memref<256xi32, #tpu.memory_space<vmem>> -> memref<64xi32, #tpu.memory_space<vmem>>
      %dma_wait3A_1259 = tpu.memref_slice %arg2[%add3A_8] : memref<8192xi32, #tpu.memory_space<hbm>> -> memref<64xi32, #tpu.memory_space<hbm>>
      tpu.wait_dma2 semaphore(%run_scoped3A : memref<!tpu.dma_semaphore, #tpu.memory_space<semaphore_mem>>) src(%dma_wait3A_1259 : memref<64xi32, #tpu.memory_space<hbm>>) dst(%dma_wait3A_1258 : memref<64xi32, #tpu.memory_space<vmem>>)
      tpu.yield
    }) : () -> ()
    %add3A_9 = arith.constant 2048 : i32
    %add3A_10 = arith.addi %add3A_9, %mul3A_2 : i32
    "tpu.region"() ({
      %run_scoped3A = tpu.sem_alloc : memref<!tpu.dma_semaphore, #tpu.memory_space<semaphore_mem>>
      %dma_start3A_1248 = arith.constant 64 : i32
      %dma_start3A_1249 = tpu.memref_slice %arg9[%dma_start3A_1248] : memref<256xi32, #tpu.memory_space<vmem>> -> memref<64xi32, #tpu.memory_space<vmem>>
      %dma_start3A_1250 = tpu.memref_slice %arg3[%add3A_10] : memref<8192xi32, #tpu.memory_space<hbm>> -> memref<64xi32, #tpu.memory_space<hbm>>
      %dma_start3A_1251 = arith.constant 64 : i32
      %dma_start3A_1252 = tpu.memref_slice %arg9[%dma_start3A_1251] : memref<256xi32, #tpu.memory_space<vmem>> -> memref<64xi32, #tpu.memory_space<vmem>>
      %dma_start3A_1253 = tpu.memref_slice %arg3[%add3A_10] : memref<8192xi32, #tpu.memory_space<hbm>> -> memref<64xi32, #tpu.memory_space<hbm>>
      tpu.enqueue_dma source(%dma_start3A_1253 : memref<64xi32, #tpu.memory_space<hbm>>) target(%dma_start3A_1252 : memref<64xi32, #tpu.memory_space<vmem>>) target_semaphore(%run_scoped3A : memref<!tpu.dma_semaphore, #tpu.memory_space<semaphore_mem>>)
      %dma_wait3A_1254 = arith.constant 64 : i32
      %dma_wait3A_1255 = tpu.memref_slice %arg9[%dma_wait3A_1254] : memref<256xi32, #tpu.memory_space<vmem>> -> memref<64xi32, #tpu.memory_space<vmem>>
      %dma_wait3A_1256 = tpu.memref_slice %arg3[%add3A_10] : memref<8192xi32, #tpu.memory_space<hbm>> -> memref<64xi32, #tpu.memory_space<hbm>>
      %dma_wait3A_1257 = arith.constant 64 : i32
      %dma_wait3A_1258 = tpu.memref_slice %arg9[%dma_wait3A_1257] : memref<256xi32, #tpu.memory_space<vmem>> -> memref<64xi32, #tpu.memory_space<vmem>>
      %dma_wait3A_1259 = tpu.memref_slice %arg3[%add3A_10] : memref<8192xi32, #tpu.memory_space<hbm>> -> memref<64xi32, #tpu.memory_space<hbm>>
      tpu.wait_dma2 semaphore(%run_scoped3A : memref<!tpu.dma_semaphore, #tpu.memory_space<semaphore_mem>>) src(%dma_wait3A_1259 : memref<64xi32, #tpu.memory_space<hbm>>) dst(%dma_wait3A_1258 : memref<64xi32, #tpu.memory_space<vmem>>)
      tpu.yield
    }) : () -> ()
    %add3A_11 = arith.constant 4096 : i32
    %add3A_12 = arith.addi %add3A_11, %mul3A_2 : i32
    "tpu.region"() ({
      %run_scoped3A = tpu.sem_alloc : memref<!tpu.dma_semaphore, #tpu.memory_space<semaphore_mem>>
      %dma_start3A_1248 = arith.constant 128 : i32
      %dma_start3A_1249 = tpu.memref_slice %arg8[%dma_start3A_1248] : memref<256xi32, #tpu.memory_space<vmem>> -> memref<64xi32, #tpu.memory_space<vmem>>
      %dma_start3A_1250 = tpu.memref_slice %arg2[%add3A_12] : memref<8192xi32, #tpu.memory_space<hbm>> -> memref<64xi32, #tpu.memory_space<hbm>>
      %dma_start3A_1251 = arith.constant 128 : i32
      %dma_start3A_1252 = tpu.memref_slice %arg8[%dma_start3A_1251] : memref<256xi32, #tpu.memory_space<vmem>> -> memref<64xi32, #tpu.memory_space<vmem>>
      %dma_start3A_1253 = tpu.memref_slice %arg2[%add3A_12] : memref<8192xi32, #tpu.memory_space<hbm>> -> memref<64xi32, #tpu.memory_space<hbm>>
      tpu.enqueue_dma source(%dma_start3A_1253 : memref<64xi32, #tpu.memory_space<hbm>>) target(%dma_start3A_1252 : memref<64xi32, #tpu.memory_space<vmem>>) target_semaphore(%run_scoped3A : memref<!tpu.dma_semaphore, #tpu.memory_space<semaphore_mem>>)
      %dma_wait3A_1254 = arith.constant 128 : i32
      %dma_wait3A_1255 = tpu.memref_slice %arg8[%dma_wait3A_1254] : memref<256xi32, #tpu.memory_space<vmem>> -> memref<64xi32, #tpu.memory_space<vmem>>
      %dma_wait3A_1256 = tpu.memref_slice %arg2[%add3A_12] : memref<8192xi32, #tpu.memory_space<hbm>> -> memref<64xi32, #tpu.memory_space<hbm>>
      %dma_wait3A_1257 = arith.constant 128 : i32
      %dma_wait3A_1258 = tpu.memref_slice %arg8[%dma_wait3A_1257] : memref<256xi32, #tpu.memory_space<vmem>> -> memref<64xi32, #tpu.memory_space<vmem>>
      %dma_wait3A_1259 = tpu.memref_slice %arg2[%add3A_12] : memref<8192xi32, #tpu.memory_space<hbm>> -> memref<64xi32, #tpu.memory_space<hbm>>
      tpu.wait_dma2 semaphore(%run_scoped3A : memref<!tpu.dma_semaphore, #tpu.memory_space<semaphore_mem>>) src(%dma_wait3A_1259 : memref<64xi32, #tpu.memory_space<hbm>>) dst(%dma_wait3A_1258 : memref<64xi32, #tpu.memory_space<vmem>>)
      tpu.yield
    }) : () -> ()
    %add3A_13 = arith.constant 4096 : i32
    %add3A_14 = arith.addi %add3A_13, %mul3A_2 : i32
    "tpu.region"() ({
      %run_scoped3A = tpu.sem_alloc : memref<!tpu.dma_semaphore, #tpu.memory_space<semaphore_mem>>
      %dma_start3A_1248 = arith.constant 128 : i32
      %dma_start3A_1249 = tpu.memref_slice %arg9[%dma_start3A_1248] : memref<256xi32, #tpu.memory_space<vmem>> -> memref<64xi32, #tpu.memory_space<vmem>>
      %dma_start3A_1250 = tpu.memref_slice %arg3[%add3A_14] : memref<8192xi32, #tpu.memory_space<hbm>> -> memref<64xi32, #tpu.memory_space<hbm>>
      %dma_start3A_1251 = arith.constant 128 : i32
      %dma_start3A_1252 = tpu.memref_slice %arg9[%dma_start3A_1251] : memref<256xi32, #tpu.memory_space<vmem>> -> memref<64xi32, #tpu.memory_space<vmem>>
      %dma_start3A_1253 = tpu.memref_slice %arg3[%add3A_14] : memref<8192xi32, #tpu.memory_space<hbm>> -> memref<64xi32, #tpu.memory_space<hbm>>
      tpu.enqueue_dma source(%dma_start3A_1253 : memref<64xi32, #tpu.memory_space<hbm>>) target(%dma_start3A_1252 : memref<64xi32, #tpu.memory_space<vmem>>) target_semaphore(%run_scoped3A : memref<!tpu.dma_semaphore, #tpu.memory_space<semaphore_mem>>)
      %dma_wait3A_1254 = arith.constant 128 : i32
      %dma_wait3A_1255 = tpu.memref_slice %arg9[%dma_wait3A_1254] : memref<256xi32, #tpu.memory_space<vmem>> -> memref<64xi32, #tpu.memory_space<vmem>>
      %dma_wait3A_1256 = tpu.memref_slice %arg3[%add3A_14] : memref<8192xi32, #tpu.memory_space<hbm>> -> memref<64xi32, #tpu.memory_space<hbm>>
      %dma_wait3A_1257 = arith.constant 128 : i32
      %dma_wait3A_1258 = tpu.memref_slice %arg9[%dma_wait3A_1257] : memref<256xi32, #tpu.memory_space<vmem>> -> memref<64xi32, #tpu.memory_space<vmem>>
      %dma_wait3A_1259 = tpu.memref_slice %arg3[%add3A_14] : memref<8192xi32, #tpu.memory_space<hbm>> -> memref<64xi32, #tpu.memory_space<hbm>>
      tpu.wait_dma2 semaphore(%run_scoped3A : memref<!tpu.dma_semaphore, #tpu.memory_space<semaphore_mem>>) src(%dma_wait3A_1259 : memref<64xi32, #tpu.memory_space<hbm>>) dst(%dma_wait3A_1258 : memref<64xi32, #tpu.memory_space<vmem>>)
      tpu.yield
    }) : () -> ()
    %add3A_15 = arith.constant 6144 : i32
    %add3A_16 = arith.addi %add3A_15, %mul3A_2 : i32
    "tpu.region"() ({
      %run_scoped3A = tpu.sem_alloc : memref<!tpu.dma_semaphore, #tpu.memory_space<semaphore_mem>>
      %dma_start3A_1248 = arith.constant 192 : i32
      %dma_start3A_1249 = tpu.memref_slice %arg8[%dma_start3A_1248] : memref<256xi32, #tpu.memory_space<vmem>> -> memref<64xi32, #tpu.memory_space<vmem>>
      %dma_start3A_1250 = tpu.memref_slice %arg2[%add3A_16] : memref<8192xi32, #tpu.memory_space<hbm>> -> memref<64xi32, #tpu.memory_space<hbm>>
      %dma_start3A_1251 = arith.constant 192 : i32
      %dma_start3A_1252 = tpu.memref_slice %arg8[%dma_start3A_1251] : memref<256xi32, #tpu.memory_space<vmem>> -> memref<64xi32, #tpu.memory_space<vmem>>
      %dma_start3A_1253 = tpu.memref_slice %arg2[%add3A_16] : memref<8192xi32, #tpu.memory_space<hbm>> -> memref<64xi32, #tpu.memory_space<hbm>>
      tpu.enqueue_dma source(%dma_start3A_1253 : memref<64xi32, #tpu.memory_space<hbm>>) target(%dma_start3A_1252 : memref<64xi32, #tpu.memory_space<vmem>>) target_semaphore(%run_scoped3A : memref<!tpu.dma_semaphore, #tpu.memory_space<semaphore_mem>>)
      %dma_wait3A_1254 = arith.constant 192 : i32
      %dma_wait3A_1255 = tpu.memref_slice %arg8[%dma_wait3A_1254] : memref<256xi32, #tpu.memory_space<vmem>> -> memref<64xi32, #tpu.memory_space<vmem>>
      %dma_wait3A_1256 = tpu.memref_slice %arg2[%add3A_16] : memref<8192xi32, #tpu.memory_space<hbm>> -> memref<64xi32, #tpu.memory_space<hbm>>
      %dma_wait3A_1257 = arith.constant 192 : i32
      %dma_wait3A_1258 = tpu.memref_slice %arg8[%dma_wait3A_1257] : memref<256xi32, #tpu.memory_space<vmem>> -> memref<64xi32, #tpu.memory_space<vmem>>
      %dma_wait3A_1259 = tpu.memref_slice %arg2[%add3A_16] : memref<8192xi32, #tpu.memory_space<hbm>> -> memref<64xi32, #tpu.memory_space<hbm>>
      tpu.wait_dma2 semaphore(%run_scoped3A : memref<!tpu.dma_semaphore, #tpu.memory_space<semaphore_mem>>) src(%dma_wait3A_1259 : memref<64xi32, #tpu.memory_space<hbm>>) dst(%dma_wait3A_1258 : memref<64xi32, #tpu.memory_space<vmem>>)
      tpu.yield
    }) : () -> ()
    %add3A_17 = arith.constant 6144 : i32
    %add3A_18 = arith.addi %add3A_17, %mul3A_2 : i32
    "tpu.region"() ({
      %run_scoped3A = tpu.sem_alloc : memref<!tpu.dma_semaphore, #tpu.memory_space<semaphore_mem>>
      %dma_start3A_1248 = arith.constant 192 : i32
      %dma_start3A_1249 = tpu.memref_slice %arg9[%dma_start3A_1248] : memref<256xi32, #tpu.memory_space<vmem>> -> memref<64xi32, #tpu.memory_space<vmem>>
      %dma_start3A_1250 = tpu.memref_slice %arg3[%add3A_18] : memref<8192xi32, #tpu.memory_space<hbm>> -> memref<64xi32, #tpu.memory_space<hbm>>
      %dma_start3A_1251 = arith.constant 192 : i32
      %dma_start3A_1252 = tpu.memref_slice %arg9[%dma_start3A_1251] : memref<256xi32, #tpu.memory_space<vmem>> -> memref<64xi32, #tpu.memory_space<vmem>>
      %dma_start3A_1253 = tpu.memref_slice %arg3[%add3A_18] : memref<8192xi32, #tpu.memory_space<hbm>> -> memref<64xi32, #tpu.memory_space<hbm>>
      tpu.enqueue_dma source(%dma_start3A_1253 : memref<64xi32, #tpu.memory_space<hbm>>) target(%dma_start3A_1252 : memref<64xi32, #tpu.memory_space<vmem>>) target_semaphore(%run_scoped3A : memref<!tpu.dma_semaphore, #tpu.memory_space<semaphore_mem>>)
      %dma_wait3A_1254 = arith.constant 192 : i32
      %dma_wait3A_1255 = tpu.memref_slice %arg9[%dma_wait3A_1254] : memref<256xi32, #tpu.memory_space<vmem>> -> memref<64xi32, #tpu.memory_space<vmem>>
      %dma_wait3A_1256 = tpu.memref_slice %arg3[%add3A_18] : memref<8192xi32, #tpu.memory_space<hbm>> -> memref<64xi32, #tpu.memory_space<hbm>>
      %dma_wait3A_1257 = arith.constant 192 : i32
      %dma_wait3A_1258 = tpu.memref_slice %arg9[%dma_wait3A_1257] : memref<256xi32, #tpu.memory_space<vmem>> -> memref<64xi32, #tpu.memory_space<vmem>>
      %dma_wait3A_1259 = tpu.memref_slice %arg3[%add3A_18] : memref<8192xi32, #tpu.memory_space<hbm>> -> memref<64xi32, #tpu.memory_space<hbm>>
      tpu.wait_dma2 semaphore(%run_scoped3A : memref<!tpu.dma_semaphore, #tpu.memory_space<semaphore_mem>>) src(%dma_wait3A_1259 : memref<64xi32, #tpu.memory_space<hbm>>) dst(%dma_wait3A_1258 : memref<64xi32, #tpu.memory_space<vmem>>)
      tpu.yield
    }) : () -> ()
    "tpu.region"() ({
      %run_scoped3A = tpu.sem_alloc : memref<!tpu.dma_semaphore, #tpu.memory_space<semaphore_mem>>
      tpu.enqueue_dma source(%arg5 : memref<2x768xf32, #tpu.memory_space<hbm>>) target(%arg10 : memref<2x768xf32, #tpu.memory_space<vmem>>) target_semaphore(%run_scoped3A : memref<!tpu.dma_semaphore, #tpu.memory_space<semaphore_mem>>)
      tpu.wait_dma2 semaphore(%run_scoped3A : memref<!tpu.dma_semaphore, #tpu.memory_space<semaphore_mem>>) src(%arg5 : memref<2x768xf32, #tpu.memory_space<hbm>>) dst(%arg10 : memref<2x768xf32, #tpu.memory_space<vmem>>)
      tpu.yield
    }) : () -> ()
    %get3A = arith.constant 1 : i32
    %get3A_19 = arith.index_cast %get3A : i32 to index
    %get3A_20 = arith.constant 0 : index
    %get3A_21 = tpu.vector_load %arg10[%get3A_19, %get3A_20] {strides = array<i32>} : memref<2x768xf32, #tpu.memory_space<vmem>>, vector<1x16xf32>,
    %get3A_22 = vector.shape_cast %get3A_21 : vector<1x16xf32> to vector<16xf32>
    %get3A_23 = arith.constant 0 : i32
    %get3A_24 = arith.index_cast %get3A_23 : i32 to index
    %get3A_25 = arith.constant 0 : index
    %get3A_26 = tpu.vector_load %arg10[%get3A_24, %get3A_25] {strides = array<i32>} : memref<2x768xf32, #tpu.memory_space<vmem>>, vector<1x16xf32>,
    %get3A_27 = vector.shape_cast %get3A_26 : vector<1x16xf32> to vector<16xf32>
    %sub3A = arith.subf %get3A_22, %get3A_27 : vector<16xf32>
    %swap3A = arith.constant 0 : index
    %swap3A_28 = tpu.vector_load %arg11[%swap3A] {strides = array<i32>} : memref<768xf32, #tpu.memory_space<vmem>>, vector<16xf32>,
    %swap3A_29 = vector.shape_cast %swap3A_28 : vector<16xf32> to vector<16xf32>
    %swap3A_30 = vector.shape_cast %sub3A : vector<16xf32> to vector<16xf32>
    tpu.vector_store %arg11[%swap3A], %swap3A_30 {strides = array<i32>} : memref<768xf32, #tpu.memory_space<vmem>>, vector<16xf32>,
    %get3A_31 = arith.constant 1 : i32
    %get3A_32 = arith.index_cast %get3A_31 : i32 to index
    %get3A_33 = arith.constant 16 : index
    %get3A_34 = tpu.vector_load %arg10[%get3A_32, %get3A_33] {strides = array<i32>} : memref<2x768xf32, #tpu.memory_space<vmem>>, vector<1x16xf32>,
    %get3A_35 = vector.shape_cast %get3A_34 : vector<1x16xf32> to vector<16xf32>
    %get3A_36 = arith.constant 0 : i32
    %get3A_37 = arith.index_cast %get3A_36 : i32 to index
    %get3A_38 = arith.constant 16 : index
    %get3A_39 = tpu.vector_load %arg10[%get3A_37, %get3A_38] {strides = array<i32>} : memref<2x768xf32, #tpu.memory_space<vmem>>, vector<1x16xf32>,
    %get3A_40 = vector.shape_cast %get3A_39 : vector<1x16xf32> to vector<16xf32>
    %sub3A_41 = arith.subf %get3A_35, %get3A_40 : vector<16xf32>
    %swap3A_42 = arith.constant 16 : index
    %swap3A_43 = tpu.vector_load %arg11[%swap3A_42] {strides = array<i32>} : memref<768xf32, #tpu.memory_space<vmem>>, vector<16xf32>,
    %swap3A_44 = vector.shape_cast %swap3A_43 : vector<16xf32> to vector<16xf32>
    %swap3A_45 = vector.shape_cast %sub3A_41 : vector<16xf32> to vector<16xf32>
    tpu.vector_store %arg11[%swap3A_42], %swap3A_45 {strides = array<i32>} : memref<768xf32, #tpu.memory_space<vmem>>, vector<16xf32>,
    %get3A_46 = arith.constant 1 : i32
    %get3A_47 = arith.index_cast %get3A_46 : i32 to index
    %get3A_48 = arith.constant 32 : index
    %get3A_49 = tpu.vector_load %arg10[%get3A_47, %get3A_48] {strides = array<i32>} : memref<2x768xf32, #tpu.memory_space<vmem>>, vector<1x16xf32>,
    %get3A_50 = vector.shape_cast %get3A_49 : vector<1x16xf32> to vector<16xf32>
    %get3A_51 = arith.constant 0 : i32
    %get3A_52 = arith.index_cast %get3A_51 : i32 to index
    %get3A_53 = arith.constant 32 : index
    %get3A_54 = tpu.vector_load %arg10[%get3A_52, %get3A_53] {strides = array<i32>} : memref<2x768xf32, #tpu.memory_space<vmem>>, vector<1x16xf32>,
    %get3A_55 = vector.shape_cast %get3A_54 : vector<1x16xf32> to vector<16xf32>
    %sub3A_56 = arith.subf %get3A_50, %get3A_55 : vector<16xf32>
    %swap3A_57 = arith.constant 32 : index
    %swap3A_58 = tpu.vector_load %arg11[%swap3A_57] {strides = array<i32>} : memref<768xf32, #tpu.memory_space<vmem>>, vector<16xf32>,
    %swap3A_59 = vector.shape_cast %swap3A_58 : vector<16xf32> to vector<16xf32>
    %swap3A_60 = vector.shape_cast %sub3A_56 : vector<16xf32> to vector<16xf32>
    tpu.vector_store %arg11[%swap3A_57], %swap3A_60 {strides = array<i32>} : memref<768xf32, #tpu.memory_space<vmem>>, vector<16xf32>,
    %get3A_61 = arith.constant 1 : i32
    %get3A_62 = arith.index_cast %get3A_61 : i32 to index
    %get3A_63 = arith.constant 48 : index
    %get3A_64 = tpu.vector_load %arg10[%get3A_62, %get3A_63] {strides = array<i32>} : memref<2x768xf32, #tpu.memory_space<vmem>>, vector<1x16xf32>,
    %get3A_65 = vector.shape_cast %get3A_64 : vector<1x16xf32> to vector<16xf32>
    %get3A_66 = arith.constant 0 : i32
    %get3A_67 = arith.index_cast %get3A_66 : i32 to index
    %get3A_68 = arith.constant 48 : index
    %get3A_69 = tpu.vector_load %arg10[%get3A_67, %get3A_68] {strides = array<i32>} : memref<2x768xf32, #tpu.memory_space<vmem>>, vector<1x16xf32>,
    %get3A_70 = vector.shape_cast %get3A_69 : vector<1x16xf32> to vector<16xf32>
    %sub3A_71 = arith.subf %get3A_65, %get3A_70 : vector<16xf32>
    %swap3A_72 = arith.constant 48 : index
    %swap3A_73 = tpu.vector_load %arg11[%swap3A_72] {strides = array<i32>} : memref<768xf32, #tpu.memory_space<vmem>>, vector<16xf32>,
    %swap3A_74 = vector.shape_cast %swap3A_73 : vector<16xf32> to vector<16xf32>
    %swap3A_75 = vector.shape_cast %sub3A_71 : vector<16xf32> to vector<16xf32>
    tpu.vector_store %arg11[%swap3A_72], %swap3A_75 {strides = array<i32>} : memref<768xf32, #tpu.memory_space<vmem>>, vector<16xf32>,
    %get3A_76 = arith.constant 1 : i32
    %get3A_77 = arith.index_cast %get3A_76 : i32 to index
    %get3A_78 = arith.constant 64 : index
    %get3A_79 = tpu.vector_load %arg10[%get3A_77, %get3A_78] {strides = array<i32>} : memref<2x768xf32, #tpu.memory_space<vmem>>, vector<1x16xf32>,
    %get3A_80 = vector.shape_cast %get3A_79 : vector<1x16xf32> to vector<16xf32>
    %get3A_81 = arith.constant 0 : i32
    %get3A_82 = arith.index_cast %get3A_81 : i32 to index
    %get3A_83 = arith.constant 64 : index
    %get3A_84 = tpu.vector_load %arg10[%get3A_82, %get3A_83] {strides = array<i32>} : memref<2x768xf32, #tpu.memory_space<vmem>>, vector<1x16xf32>,
    %get3A_85 = vector.shape_cast %get3A_84 : vector<1x16xf32> to vector<16xf32>
    %sub3A_86 = arith.subf %get3A_80, %get3A_85 : vector<16xf32>
    %swap3A_87 = arith.constant 64 : index
    %swap3A_88 = tpu.vector_load %arg11[%swap3A_87] {strides = array<i32>} : memref<768xf32, #tpu.memory_space<vmem>>, vector<16xf32>,
    %swap3A_89 = vector.shape_cast %swap3A_88 : vector<16xf32> to vector<16xf32>
    %swap3A_90 = vector.shape_cast %sub3A_86 : vector<16xf32> to vector<16xf32>
    tpu.vector_store %arg11[%swap3A_87], %swap3A_90 {strides = array<i32>} : memref<768xf32, #tpu.memory_space<vmem>>, vector<16xf32>,
    %get3A_91 = arith.constant 1 : i32
    %get3A_92 = arith.index_cast %get3A_91 : i32 to index
    %get3A_93 = arith.constant 80 : index
    %get3A_94 = tpu.vector_load %arg10[%get3A_92, %get3A_93] {strides = array<i32>} : memref<2x768xf32, #tpu.memory_space<vmem>>, vector<1x16xf32>,
    %get3A_95 = vector.shape_cast %get3A_94 : vector<1x16xf32> to vector<16xf32>
    %get3A_96 = arith.constant 0 : i32
    %get3A_97 = arith.index_cast %get3A_96 : i32 to index
    %get3A_98 = arith.constant 80 : index
    %get3A_99 = tpu.vector_load %arg10[%get3A_97, %get3A_98] {strides = array<i32>} : memref<2x768xf32, #tpu.memory_space<vmem>>, vector<1x16xf32>,
    %get3A_100 = vector.shape_cast %get3A_99 : vector<1x16xf32> to vector<16xf32>
    %sub3A_101 = arith.subf %get3A_95, %get3A_100 : vector<16xf32>
    %swap3A_102 = arith.constant 80 : index
    %swap3A_103 = tpu.vector_load %arg11[%swap3A_102] {strides = array<i32>} : memref<768xf32, #tpu.memory_space<vmem>>, vector<16xf32>,
    %swap3A_104 = vector.shape_cast %swap3A_103 : vector<16xf32> to vector<16xf32>
    %swap3A_105 = vector.shape_cast %sub3A_101 : vector<16xf32> to vector<16xf32>
    tpu.vector_store %arg11[%swap3A_102], %swap3A_105 {strides = array<i32>} : memref<768xf32, #tpu.memory_space<vmem>>, vector<16xf32>,
    %get3A_106 = arith.constant 1 : i32
    %get3A_107 = arith.index_cast %get3A_106 : i32 to index
    %get3A_108 = arith.constant 96 : index
    %get3A_109 = tpu.vector_load %arg10[%get3A_107, %get3A_108] {strides = array<i32>} : memref<2x768xf32, #tpu.memory_space<vmem>>, vector<1x16xf32>,
    %get3A_110 = vector.shape_cast %get3A_109 : vector<1x16xf32> to vector<16xf32>
    %get3A_111 = arith.constant 0 : i32
    %get3A_112 = arith.index_cast %get3A_111 : i32 to index
    %get3A_113 = arith.constant 96 : index
    %get3A_114 = tpu.vector_load %arg10[%get3A_112, %get3A_113] {strides = array<i32>} : memref<2x768xf32, #tpu.memory_space<vmem>>, vector<1x16xf32>,
    %get3A_115 = vector.shape_cast %get3A_114 : vector<1x16xf32> to vector<16xf32>
    %sub3A_116 = arith.subf %get3A_110, %get3A_115 : vector<16xf32>
    %swap3A_117 = arith.constant 96 : index
    %swap3A_118 = tpu.vector_load %arg11[%swap3A_117] {strides = array<i32>} : memref<768xf32, #tpu.memory_space<vmem>>, vector<16xf32>,
    %swap3A_119 = vector.shape_cast %swap3A_118 : vector<16xf32> to vector<16xf32>
    %swap3A_120 = vector.shape_cast %sub3A_116 : vector<16xf32> to vector<16xf32>
    tpu.vector_store %arg11[%swap3A_117], %swap3A_120 {strides = array<i32>} : memref<768xf32, #tpu.memory_space<vmem>>, vector<16xf32>,
    %get3A_121 = arith.constant 1 : i32
    %get3A_122 = arith.index_cast %get3A_121 : i32 to index
    %get3A_123 = arith.constant 112 : index
    %get3A_124 = tpu.vector_load %arg10[%get3A_122, %get3A_123] {strides = array<i32>} : memref<2x768xf32, #tpu.memory_space<vmem>>, vector<1x16xf32>,
    %get3A_125 = vector.shape_cast %get3A_124 : vector<1x16xf32> to vector<16xf32>
    %get3A_126 = arith.constant 0 : i32
    %get3A_127 = arith.index_cast %get3A_126 : i32 to index
    %get3A_128 = arith.constant 112 : index
    %get3A_129 = tpu.vector_load %arg10[%get3A_127, %get3A_128] {strides = array<i32>} : memref<2x768xf32, #tpu.memory_space<vmem>>, vector<1x16xf32>,
    %get3A_130 = vector.shape_cast %get3A_129 : vector<1x16xf32> to vector<16xf32>
    %sub3A_131 = arith.subf %get3A_125, %get3A_130 : vector<16xf32>
    %swap3A_132 = arith.constant 112 : index
    %swap3A_133 = tpu.vector_load %arg11[%swap3A_132] {strides = array<i32>} : memref<768xf32, #tpu.memory_space<vmem>>, vector<16xf32>,
    %swap3A_134 = vector.shape_cast %swap3A_133 : vector<16xf32> to vector<16xf32>
    %swap3A_135 = vector.shape_cast %sub3A_131 : vector<16xf32> to vector<16xf32>
    tpu.vector_store %arg11[%swap3A_132], %swap3A_135 {strides = array<i32>} : memref<768xf32, #tpu.memory_space<vmem>>, vector<16xf32>,
    %get3A_136 = arith.constant 1 : i32
    %get3A_137 = arith.index_cast %get3A_136 : i32 to index
    %get3A_138 = arith.constant 128 : index
    %get3A_139 = tpu.vector_load %arg10[%get3A_137, %get3A_138] {strides = array<i32>} : memref<2x768xf32, #tpu.memory_space<vmem>>, vector<1x16xf32>,
    %get3A_140 = vector.shape_cast %get3A_139 : vector<1x16xf32> to vector<16xf32>
    %get3A_141 = arith.constant 0 : i32
    %get3A_142 = arith.index_cast %get3A_141 : i32 to index
    %get3A_143 = arith.constant 128 : index
    %get3A_144 = tpu.vector_load %arg10[%get3A_142, %get3A_143] {strides = array<i32>} : memref<2x768xf32, #tpu.memory_space<vmem>>, vector<1x16xf32>,
    %get3A_145 = vector.shape_cast %get3A_144 : vector<1x16xf32> to vector<16xf32>
    %sub3A_146 = arith.subf %get3A_140, %get3A_145 : vector<16xf32>
    %swap3A_147 = arith.constant 128 : index
    %swap3A_148 = tpu.vector_load %arg11[%swap3A_147] {strides = array<i32>} : memref<768xf32, #tpu.memory_space<vmem>>, vector<16xf32>,
    %swap3A_149 = vector.shape_cast %swap3A_148 : vector<16xf32> to vector<16xf32>
    %swap3A_150 = vector.shape_cast %sub3A_146 : vector<16xf32> to vector<16xf32>
    tpu.vector_store %arg11[%swap3A_147], %swap3A_150 {strides = array<i32>} : memref<768xf32, #tpu.memory_space<vmem>>, vector<16xf32>,
    %get3A_151 = arith.constant 1 : i32
    %get3A_152 = arith.index_cast %get3A_151 : i32 to index
    %get3A_153 = arith.constant 144 : index
    %get3A_154 = tpu.vector_load %arg10[%get3A_152, %get3A_153] {strides = array<i32>} : memref<2x768xf32, #tpu.memory_space<vmem>>, vector<1x16xf32>,
    %get3A_155 = vector.shape_cast %get3A_154 : vector<1x16xf32> to vector<16xf32>
    %get3A_156 = arith.constant 0 : i32
    %get3A_157 = arith.index_cast %get3A_156 : i32 to index
    %get3A_158 = arith.constant 144 : index
    %get3A_159 = tpu.vector_load %arg10[%get3A_157, %get3A_158] {strides = array<i32>} : memref<2x768xf32, #tpu.memory_space<vmem>>, vector<1x16xf32>,
    %get3A_160 = vector.shape_cast %get3A_159 : vector<1x16xf32> to vector<16xf32>
    %sub3A_161 = arith.subf %get3A_155, %get3A_160 : vector<16xf32>
    %swap3A_162 = arith.constant 144 : index
    %swap3A_163 = tpu.vector_load %arg11[%swap3A_162] {strides = array<i32>} : memref<768xf32, #tpu.memory_space<vmem>>, vector<16xf32>,
    %swap3A_164 = vector.shape_cast %swap3A_163 : vector<16xf32> to vector<16xf32>
    %swap3A_165 = vector.shape_cast %sub3A_161 : vector<16xf32> to vector<16xf32>
    tpu.vector_store %arg11[%swap3A_162], %swap3A_165 {strides = array<i32>} : memref<768xf32, #tpu.memory_space<vmem>>, vector<16xf32>,
    %get3A_166 = arith.constant 1 : i32
    %get3A_167 = arith.index_cast %get3A_166 : i32 to index
    %get3A_168 = arith.constant 160 : index
    %get3A_169 = tpu.vector_load %arg10[%get3A_167, %get3A_168] {strides = array<i32>} : memref<2x768xf32, #tpu.memory_space<vmem>>, vector<1x16xf32>,
    %get3A_170 = vector.shape_cast %get3A_169 : vector<1x16xf32> to vector<16xf32>
    %get3A_171 = arith.constant 0 : i32
    %get3A_172 = arith.index_cast %get3A_171 : i32 to index
    %get3A_173 = arith.constant 160 : index
    %get3A_174 = tpu.vector_load %arg10[%get3A_172, %get3A_173] {strides = array<i32>} : memref<2x768xf32, #tpu.memory_space<vmem>>, vector<1x16xf32>,
    %get3A_175 = vector.shape_cast %get3A_174 : vector<1x16xf32> to vector<16xf32>
    %sub3A_176 = arith.subf %get3A_170, %get3A_175 : vector<16xf32>
    %swap3A_177 = arith.constant 160 : index
    %swap3A_178 = tpu.vector_load %arg11[%swap3A_177] {strides = array<i32>} : memref<768xf32, #tpu.memory_space<vmem>>, vector<16xf32>,
    %swap3A_179 = vector.shape_cast %swap3A_178 : vector<16xf32> to vector<16xf32>
    %swap3A_180 = vector.shape_cast %sub3A_176 : vector<16xf32> to vector<16xf32>
    tpu.vector_store %arg11[%swap3A_177], %swap3A_180 {strides = array<i32>} : memref<768xf32, #tpu.memory_space<vmem>>, vector<16xf32>,
    %get3A_181 = arith.constant 1 : i32
    %get3A_182 = arith.index_cast %get3A_181 : i32 to index
    %get3A_183 = arith.constant 176 : index
    %get3A_184 = tpu.vector_load %arg10[%get3A_182, %get3A_183] {strides = array<i32>} : memref<2x768xf32, #tpu.memory_space<vmem>>, vector<1x16xf32>,
    %get3A_185 = vector.shape_cast %get3A_184 : vector<1x16xf32> to vector<16xf32>
    %get3A_186 = arith.constant 0 : i32
    %get3A_187 = arith.index_cast %get3A_186 : i32 to index
    %get3A_188 = arith.constant 176 : index
    %get3A_189 = tpu.vector_load %arg10[%get3A_187, %get3A_188] {strides = array<i32>} : memref<2x768xf32, #tpu.memory_space<vmem>>, vector<1x16xf32>,
    %get3A_190 = vector.shape_cast %get3A_189 : vector<1x16xf32> to vector<16xf32>
    %sub3A_191 = arith.subf %get3A_185, %get3A_190 : vector<16xf32>
    %swap3A_192 = arith.constant 176 : index
    %swap3A_193 = tpu.vector_load %arg11[%swap3A_192] {strides = array<i32>} : memref<768xf32, #tpu.memory_space<vmem>>, vector<16xf32>,
    %swap3A_194 = vector.shape_cast %swap3A_193 : vector<16xf32> to vector<16xf32>
    %swap3A_195 = vector.shape_cast %sub3A_191 : vector<16xf32> to vector<16xf32>
    tpu.vector_store %arg11[%swap3A_192], %swap3A_195 {strides = array<i32>} : memref<768xf32, #tpu.memory_space<vmem>>, vector<16xf32>,
    %get3A_196 = arith.constant 1 : i32
    %get3A_197 = arith.index_cast %get3A_196 : i32 to index
    %get3A_198 = arith.constant 192 : index
    %get3A_199 = tpu.vector_load %arg10[%get3A_197, %get3A_198] {strides = array<i32>} : memref<2x768xf32, #tpu.memory_space<vmem>>, vector<1x16xf32>,
    %get3A_200 = vector.shape_cast %get3A_199 : vector<1x16xf32> to vector<16xf32>
    %get3A_201 = arith.constant 0 : i32
    %get3A_202 = arith.index_cast %get3A_201 : i32 to index
    %get3A_203 = arith.constant 192 : index
    %get3A_204 = tpu.vector_load %arg10[%get3A_202, %get3A_203] {strides = array<i32>} : memref<2x768xf32, #tpu.memory_space<vmem>>, vector<1x16xf32>,
    %get3A_205 = vector.shape_cast %get3A_204 : vector<1x16xf32> to vector<16xf32>
    %sub3A_206 = arith.subf %get3A_200, %get3A_205 : vector<16xf32>
    %swap3A_207 = arith.constant 192 : index
    %swap3A_208 = tpu.vector_load %arg11[%swap3A_207] {strides = array<i32>} : memref<768xf32, #tpu.memory_space<vmem>>, vector<16xf32>,
    %swap3A_209 = vector.shape_cast %swap3A_208 : vector<16xf32> to vector<16xf32>
    %swap3A_210 = vector.shape_cast %sub3A_206 : vector<16xf32> to vector<16xf32>
    tpu.vector_store %arg11[%swap3A_207], %swap3A_210 {strides = array<i32>} : memref<768xf32, #tpu.memory_space<vmem>>, vector<16xf32>,
    %get3A_211 = arith.constant 1 : i32
    %get3A_212 = arith.index_cast %get3A_211 : i32 to index
    %get3A_213 = arith.constant 208 : index
    %get3A_214 = tpu.vector_load %arg10[%get3A_212, %get3A_213] {strides = array<i32>} : memref<2x768xf32, #tpu.memory_space<vmem>>, vector<1x16xf32>,
    %get3A_215 = vector.shape_cast %get3A_214 : vector<1x16xf32> to vector<16xf32>
    %get3A_216 = arith.constant 0 : i32
    %get3A_217 = arith.index_cast %get3A_216 : i32 to index
    %get3A_218 = arith.constant 208 : index
    %get3A_219 = tpu.vector_load %arg10[%get3A_217, %get3A_218] {strides = array<i32>} : memref<2x768xf32, #tpu.memory_space<vmem>>, vector<1x16xf32>,
    %get3A_220 = vector.shape_cast %get3A_219 : vector<1x16xf32> to vector<16xf32>
    %sub3A_221 = arith.subf %get3A_215, %get3A_220 : vector<16xf32>
    %swap3A_222 = arith.constant 208 : index
    %swap3A_223 = tpu.vector_load %arg11[%swap3A_222] {strides = array<i32>} : memref<768xf32, #tpu.memory_space<vmem>>, vector<16xf32>,
    %swap3A_224 = vector.shape_cast %swap3A_223 : vector<16xf32> to vector<16xf32>
    %swap3A_225 = vector.shape_cast %sub3A_221 : vector<16xf32> to vector<16xf32>
    tpu.vector_store %arg11[%swap3A_222], %swap3A_225 {strides = array<i32>} : memref<768xf32, #tpu.memory_space<vmem>>, vector<16xf32>,
    %get3A_226 = arith.constant 1 : i32
    %get3A_227 = arith.index_cast %get3A_226 : i32 to index
    %get3A_228 = arith.constant 224 : index
    %get3A_229 = tpu.vector_load %arg10[%get3A_227, %get3A_228] {strides = array<i32>} : memref<2x768xf32, #tpu.memory_space<vmem>>, vector<1x16xf32>,
    %get3A_230 = vector.shape_cast %get3A_229 : vector<1x16xf32> to vector<16xf32>
    %get3A_231 = arith.constant 0 : i32
    %get3A_232 = arith.index_cast %get3A_231 : i32 to index
    %get3A_233 = arith.constant 224 : index
    %get3A_234 = tpu.vector_load %arg10[%get3A_232, %get3A_233] {strides = array<i32>} : memref<2x768xf32, #tpu.memory_space<vmem>>, vector<1x16xf32>,
    %get3A_235 = vector.shape_cast %get3A_234 : vector<1x16xf32> to vector<16xf32>
    %sub3A_236 = arith.subf %get3A_230, %get3A_235 : vector<16xf32>
    %swap3A_237 = arith.constant 224 : index
    %swap3A_238 = tpu.vector_load %arg11[%swap3A_237] {strides = array<i32>} : memref<768xf32, #tpu.memory_space<vmem>>, vector<16xf32>,
    %swap3A_239 = vector.shape_cast %swap3A_238 : vector<16xf32> to vector<16xf32>
    %swap3A_240 = vector.shape_cast %sub3A_236 : vector<16xf32> to vector<16xf32>
    tpu.vector_store %arg11[%swap3A_237], %swap3A_240 {strides = array<i32>} : memref<768xf32, #tpu.memory_space<vmem>>, vector<16xf32>,
    %get3A_241 = arith.constant 1 : i32
    %get3A_242 = arith.index_cast %get3A_241 : i32 to index
    %get3A_243 = arith.constant 240 : index
    %get3A_244 = tpu.vector_load %arg10[%get3A_242, %get3A_243] {strides = array<i32>} : memref<2x768xf32, #tpu.memory_space<vmem>>, vector<1x16xf32>,
    %get3A_245 = vector.shape_cast %get3A_244 : vector<1x16xf32> to vector<16xf32>
    %get3A_246 = arith.constant 0 : i32
    %get3A_247 = arith.index_cast %get3A_246 : i32 to index
    %get3A_248 = arith.constant 240 : index
    %get3A_249 = tpu.vector_load %arg10[%get3A_247, %get3A_248] {strides = array<i32>} : memref<2x768xf32, #tpu.memory_space<vmem>>, vector<1x16xf32>,
    %get3A_250 = vector.shape_cast %get3A_249 : vector<1x16xf32> to vector<16xf32>
    %sub3A_251 = arith.subf %get3A_245, %get3A_250 : vector<16xf32>
    %swap3A_252 = arith.constant 240 : index
    %swap3A_253 = tpu.vector_load %arg11[%swap3A_252] {strides = array<i32>} : memref<768xf32, #tpu.memory_space<vmem>>, vector<16xf32>,
    %swap3A_254 = vector.shape_cast %swap3A_253 : vector<16xf32> to vector<16xf32>
    %swap3A_255 = vector.shape_cast %sub3A_251 : vector<16xf32> to vector<16xf32>
    tpu.vector_store %arg11[%swap3A_252], %swap3A_255 {strides = array<i32>} : memref<768xf32, #tpu.memory_space<vmem>>, vector<16xf32>,
    %get3A_256 = arith.constant 1 : i32
    %get3A_257 = arith.index_cast %get3A_256 : i32 to index
    %get3A_258 = arith.constant 256 : index
    %get3A_259 = tpu.vector_load %arg10[%get3A_257, %get3A_258] {strides = array<i32>} : memref<2x768xf32, #tpu.memory_space<vmem>>, vector<1x16xf32>,
    %get3A_260 = vector.shape_cast %get3A_259 : vector<1x16xf32> to vector<16xf32>
    %get3A_261 = arith.constant 0 : i32
    %get3A_262 = arith.index_cast %get3A_261 : i32 to index
    %get3A_263 = arith.constant 256 : index
    %get3A_264 = tpu.vector_load %arg10[%get3A_262, %get3A_263] {strides = array<i32>} : memref<2x768xf32, #tpu.memory_space<vmem>>, vector<1x16xf32>,
    %get3A_265 = vector.shape_cast %get3A_264 : vector<1x16xf32> to vector<16xf32>
    %sub3A_266 = arith.subf %get3A_260, %get3A_265 : vector<16xf32>
    %swap3A_267 = arith.constant 256 : index
    %swap3A_268 = tpu.vector_load %arg11[%swap3A_267] {strides = array<i32>} : memref<768xf32, #tpu.memory_space<vmem>>, vector<16xf32>,
    %swap3A_269 = vector.shape_cast %swap3A_268 : vector<16xf32> to vector<16xf32>
    %swap3A_270 = vector.shape_cast %sub3A_266 : vector<16xf32> to vector<16xf32>
    tpu.vector_store %arg11[%swap3A_267], %swap3A_270 {strides = array<i32>} : memref<768xf32, #tpu.memory_space<vmem>>, vector<16xf32>,
    %get3A_271 = arith.constant 1 : i32
    %get3A_272 = arith.index_cast %get3A_271 : i32 to index
    %get3A_273 = arith.constant 272 : index
    %get3A_274 = tpu.vector_load %arg10[%get3A_272, %get3A_273] {strides = array<i32>} : memref<2x768xf32, #tpu.memory_space<vmem>>, vector<1x16xf32>,
    %get3A_275 = vector.shape_cast %get3A_274 : vector<1x16xf32> to vector<16xf32>
    %get3A_276 = arith.constant 0 : i32
    %get3A_277 = arith.index_cast %get3A_276 : i32 to index
    %get3A_278 = arith.constant 272 : index
    %get3A_279 = tpu.vector_load %arg10[%get3A_277, %get3A_278] {strides = array<i32>} : memref<2x768xf32, #tpu.memory_space<vmem>>, vector<1x16xf32>,
    %get3A_280 = vector.shape_cast %get3A_279 : vector<1x16xf32> to vector<16xf32>
    %sub3A_281 = arith.subf %get3A_275, %get3A_280 : vector<16xf32>
    %swap3A_282 = arith.constant 272 : index
    %swap3A_283 = tpu.vector_load %arg11[%swap3A_282] {strides = array<i32>} : memref<768xf32, #tpu.memory_space<vmem>>, vector<16xf32>,
    %swap3A_284 = vector.shape_cast %swap3A_283 : vector<16xf32> to vector<16xf32>
    %swap3A_285 = vector.shape_cast %sub3A_281 : vector<16xf32> to vector<16xf32>
    tpu.vector_store %arg11[%swap3A_282], %swap3A_285 {strides = array<i32>} : memref<768xf32, #tpu.memory_space<vmem>>, vector<16xf32>,
    %get3A_286 = arith.constant 1 : i32
    %get3A_287 = arith.index_cast %get3A_286 : i32 to index
    %get3A_288 = arith.constant 288 : index
    %get3A_289 = tpu.vector_load %arg10[%get3A_287, %get3A_288] {strides = array<i32>} : memref<2x768xf32, #tpu.memory_space<vmem>>, vector<1x16xf32>,
    %get3A_290 = vector.shape_cast %get3A_289 : vector<1x16xf32> to vector<16xf32>
    %get3A_291 = arith.constant 0 : i32
    %get3A_292 = arith.index_cast %get3A_291 : i32 to index
    %get3A_293 = arith.constant 288 : index
    %get3A_294 = tpu.vector_load %arg10[%get3A_292, %get3A_293] {strides = array<i32>} : memref<2x768xf32, #tpu.memory_space<vmem>>, vector<1x16xf32>,
    %get3A_295 = vector.shape_cast %get3A_294 : vector<1x16xf32> to vector<16xf32>
    %sub3A_296 = arith.subf %get3A_290, %get3A_295 : vector<16xf32>
    %swap3A_297 = arith.constant 288 : index
    %swap3A_298 = tpu.vector_load %arg11[%swap3A_297] {strides = array<i32>} : memref<768xf32, #tpu.memory_space<vmem>>, vector<16xf32>,
    %swap3A_299 = vector.shape_cast %swap3A_298 : vector<16xf32> to vector<16xf32>
    %swap3A_300 = vector.shape_cast %sub3A_296 : vector<16xf32> to vector<16xf32>
    tpu.vector_store %arg11[%swap3A_297], %swap3A_300 {strides = array<i32>} : memref<768xf32, #tpu.memory_space<vmem>>, vector<16xf32>,
    %get3A_301 = arith.constant 1 : i32
    %get3A_302 = arith.index_cast %get3A_301 : i32 to index
    %get3A_303 = arith.constant 304 : index
    %get3A_304 = tpu.vector_load %arg10[%get3A_302, %get3A_303] {strides = array<i32>} : memref<2x768xf32, #tpu.memory_space<vmem>>, vector<1x16xf32>,
    %get3A_305 = vector.shape_cast %get3A_304 : vector<1x16xf32> to vector<16xf32>
    %get3A_306 = arith.constant 0 : i32
    %get3A_307 = arith.index_cast %get3A_306 : i32 to index
    %get3A_308 = arith.constant 304 : index
    %get3A_309 = tpu.vector_load %arg10[%get3A_307, %get3A_308] {strides = array<i32>} : memref<2x768xf32, #tpu.memory_space<vmem>>, vector<1x16xf32>,
    %get3A_310 = vector.shape_cast %get3A_309 : vector<1x16xf32> to vector<16xf32>
    %sub3A_311 = arith.subf %get3A_305, %get3A_310 : vector<16xf32>
    %swap3A_312 = arith.constant 304 : index
    %swap3A_313 = tpu.vector_load %arg11[%swap3A_312] {strides = array<i32>} : memref<768xf32, #tpu.memory_space<vmem>>, vector<16xf32>,
    %swap3A_314 = vector.shape_cast %swap3A_313 : vector<16xf32> to vector<16xf32>
    %swap3A_315 = vector.shape_cast %sub3A_311 : vector<16xf32> to vector<16xf32>
    tpu.vector_store %arg11[%swap3A_312], %swap3A_315 {strides = array<i32>} : memref<768xf32, #tpu.memory_space<vmem>>, vector<16xf32>,
    %get3A_316 = arith.constant 1 : i32
    %get3A_317 = arith.index_cast %get3A_316 : i32 to index
    %get3A_318 = arith.constant 320 : index
    %get3A_319 = tpu.vector_load %arg10[%get3A_317, %get3A_318] {strides = array<i32>} : memref<2x768xf32, #tpu.memory_space<vmem>>, vector<1x16xf32>,
    %get3A_320 = vector.shape_cast %get3A_319 : vector<1x16xf32> to vector<16xf32>
    %get3A_321 = arith.constant 0 : i32
    %get3A_322 = arith.index_cast %get3A_321 : i32 to index
    %get3A_323 = arith.constant 320 : index
    %get3A_324 = tpu.vector_load %arg10[%get3A_322, %get3A_323] {strides = array<i32>} : memref<2x768xf32, #tpu.memory_space<vmem>>, vector<1x16xf32>,
    %get3A_325 = vector.shape_cast %get3A_324 : vector<1x16xf32> to vector<16xf32>
    %sub3A_326 = arith.subf %get3A_320, %get3A_325 : vector<16xf32>
    %swap3A_327 = arith.constant 320 : index
    %swap3A_328 = tpu.vector_load %arg11[%swap3A_327] {strides = array<i32>} : memref<768xf32, #tpu.memory_space<vmem>>, vector<16xf32>,
    %swap3A_329 = vector.shape_cast %swap3A_328 : vector<16xf32> to vector<16xf32>
    %swap3A_330 = vector.shape_cast %sub3A_326 : vector<16xf32> to vector<16xf32>
    tpu.vector_store %arg11[%swap3A_327], %swap3A_330 {strides = array<i32>} : memref<768xf32, #tpu.memory_space<vmem>>, vector<16xf32>,
    %get3A_331 = arith.constant 1 : i32
    %get3A_332 = arith.index_cast %get3A_331 : i32 to index
    %get3A_333 = arith.constant 336 : index
    %get3A_334 = tpu.vector_load %arg10[%get3A_332, %get3A_333] {strides = array<i32>} : memref<2x768xf32, #tpu.memory_space<vmem>>, vector<1x16xf32>,
    %get3A_335 = vector.shape_cast %get3A_334 : vector<1x16xf32> to vector<16xf32>
    %get3A_336 = arith.constant 0 : i32
    %get3A_337 = arith.index_cast %get3A_336 : i32 to index
    %get3A_338 = arith.constant 336 : index
    %get3A_339 = tpu.vector_load %arg10[%get3A_337, %get3A_338] {strides = array<i32>} : memref<2x768xf32, #tpu.memory_space<vmem>>, vector<1x16xf32>,
    %get3A_340 = vector.shape_cast %get3A_339 : vector<1x16xf32> to vector<16xf32>
    %sub3A_341 = arith.subf %get3A_335, %get3A_340 : vector<16xf32>
    %swap3A_342 = arith.constant 336 : index
    %swap3A_343 = tpu.vector_load %arg11[%swap3A_342] {strides = array<i32>} : memref<768xf32, #tpu.memory_space<vmem>>, vector<16xf32>,
    %swap3A_344 = vector.shape_cast %swap3A_343 : vector<16xf32> to vector<16xf32>
    %swap3A_345 = vector.shape_cast %sub3A_341 : vector<16xf32> to vector<16xf32>
    tpu.vector_store %arg11[%swap3A_342], %swap3A_345 {strides = array<i32>} : memref<768xf32, #tpu.memory_space<vmem>>, vector<16xf32>,
    %get3A_346 = arith.constant 1 : i32
    %get3A_347 = arith.index_cast %get3A_346 : i32 to index
    %get3A_348 = arith.constant 352 : index
    %get3A_349 = tpu.vector_load %arg10[%get3A_347, %get3A_348] {strides = array<i32>} : memref<2x768xf32, #tpu.memory_space<vmem>>, vector<1x16xf32>,
    %get3A_350 = vector.shape_cast %get3A_349 : vector<1x16xf32> to vector<16xf32>
    %get3A_351 = arith.constant 0 : i32
    %get3A_352 = arith.index_cast %get3A_351 : i32 to index
    %get3A_353 = arith.constant 352 : index
    %get3A_354 = tpu.vector_load %arg10[%get3A_352, %get3A_353] {strides = array<i32>} : memref<2x768xf32, #tpu.memory_space<vmem>>, vector<1x16xf32>,
    %get3A_355 = vector.shape_cast %get3A_354 : vector<1x16xf32> to vector<16xf32>
    %sub3A_356 = arith.subf %get3A_350, %get3A_355 : vector<16xf32>
    %swap3A_357 = arith.constant 352 : index
    %swap3A_358 = tpu.vector_load %arg11[%swap3A_357] {strides = array<i32>} : memref<768xf32, #tpu.memory_space<vmem>>, vector<16xf32>,
    %swap3A_359 = vector.shape_cast %swap3A_358 : vector<16xf32> to vector<16xf32>
    %swap3A_360 = vector.shape_cast %sub3A_356 : vector<16xf32> to vector<16xf32>
    tpu.vector_store %arg11[%swap3A_357], %swap3A_360 {strides = array<i32>} : memref<768xf32, #tpu.memory_space<vmem>>, vector<16xf32>,
    %get3A_361 = arith.constant 1 : i32
    %get3A_362 = arith.index_cast %get3A_361 : i32 to index
    %get3A_363 = arith.constant 368 : index
    %get3A_364 = tpu.vector_load %arg10[%get3A_362, %get3A_363] {strides = array<i32>} : memref<2x768xf32, #tpu.memory_space<vmem>>, vector<1x16xf32>,
    %get3A_365 = vector.shape_cast %get3A_364 : vector<1x16xf32> to vector<16xf32>
    %get3A_366 = arith.constant 0 : i32
    %get3A_367 = arith.index_cast %get3A_366 : i32 to index
    %get3A_368 = arith.constant 368 : index
    %get3A_369 = tpu.vector_load %arg10[%get3A_367, %get3A_368] {strides = array<i32>} : memref<2x768xf32, #tpu.memory_space<vmem>>, vector<1x16xf32>,
    %get3A_370 = vector.shape_cast %get3A_369 : vector<1x16xf32> to vector<16xf32>
    %sub3A_371 = arith.subf %get3A_365, %get3A_370 : vector<16xf32>
    %swap3A_372 = arith.constant 368 : index
    %swap3A_373 = tpu.vector_load %arg11[%swap3A_372] {strides = array<i32>} : memref<768xf32, #tpu.memory_space<vmem>>, vector<16xf32>,
    %swap3A_374 = vector.shape_cast %swap3A_373 : vector<16xf32> to vector<16xf32>
    %swap3A_375 = vector.shape_cast %sub3A_371 : vector<16xf32> to vector<16xf32>
    tpu.vector_store %arg11[%swap3A_372], %swap3A_375 {strides = array<i32>} : memref<768xf32, #tpu.memory_space<vmem>>, vector<16xf32>,
    %get3A_376 = arith.constant 1 : i32
    %get3A_377 = arith.index_cast %get3A_376 : i32 to index
    %get3A_378 = arith.constant 384 : index
    %get3A_379 = tpu.vector_load %arg10[%get3A_377, %get3A_378] {strides = array<i32>} : memref<2x768xf32, #tpu.memory_space<vmem>>, vector<1x16xf32>,
    %get3A_380 = vector.shape_cast %get3A_379 : vector<1x16xf32> to vector<16xf32>
    %get3A_381 = arith.constant 0 : i32
    %get3A_382 = arith.index_cast %get3A_381 : i32 to index
    %get3A_383 = arith.constant 384 : index
    %get3A_384 = tpu.vector_load %arg10[%get3A_382, %get3A_383] {strides = array<i32>} : memref<2x768xf32, #tpu.memory_space<vmem>>, vector<1x16xf32>,
    %get3A_385 = vector.shape_cast %get3A_384 : vector<1x16xf32> to vector<16xf32>
    %sub3A_386 = arith.subf %get3A_380, %get3A_385 : vector<16xf32>
    %swap3A_387 = arith.constant 384 : index
    %swap3A_388 = tpu.vector_load %arg11[%swap3A_387] {strides = array<i32>} : memref<768xf32, #tpu.memory_space<vmem>>, vector<16xf32>,
    %swap3A_389 = vector.shape_cast %swap3A_388 : vector<16xf32> to vector<16xf32>
    %swap3A_390 = vector.shape_cast %sub3A_386 : vector<16xf32> to vector<16xf32>
    tpu.vector_store %arg11[%swap3A_387], %swap3A_390 {strides = array<i32>} : memref<768xf32, #tpu.memory_space<vmem>>, vector<16xf32>,
    %get3A_391 = arith.constant 1 : i32
    %get3A_392 = arith.index_cast %get3A_391 : i32 to index
    %get3A_393 = arith.constant 400 : index
    %get3A_394 = tpu.vector_load %arg10[%get3A_392, %get3A_393] {strides = array<i32>} : memref<2x768xf32, #tpu.memory_space<vmem>>, vector<1x16xf32>,
    %get3A_395 = vector.shape_cast %get3A_394 : vector<1x16xf32> to vector<16xf32>
    %get3A_396 = arith.constant 0 : i32
    %get3A_397 = arith.index_cast %get3A_396 : i32 to index
    %get3A_398 = arith.constant 400 : index
    %get3A_399 = tpu.vector_load %arg10[%get3A_397, %get3A_398] {strides = array<i32>} : memref<2x768xf32, #tpu.memory_space<vmem>>, vector<1x16xf32>,
    %get3A_400 = vector.shape_cast %get3A_399 : vector<1x16xf32> to vector<16xf32>
    %sub3A_401 = arith.subf %get3A_395, %get3A_400 : vector<16xf32>
    %swap3A_402 = arith.constant 400 : index
    %swap3A_403 = tpu.vector_load %arg11[%swap3A_402] {strides = array<i32>} : memref<768xf32, #tpu.memory_space<vmem>>, vector<16xf32>,
    %swap3A_404 = vector.shape_cast %swap3A_403 : vector<16xf32> to vector<16xf32>
    %swap3A_405 = vector.shape_cast %sub3A_401 : vector<16xf32> to vector<16xf32>
    tpu.vector_store %arg11[%swap3A_402], %swap3A_405 {strides = array<i32>} : memref<768xf32, #tpu.memory_space<vmem>>, vector<16xf32>,
    %get3A_406 = arith.constant 1 : i32
    %get3A_407 = arith.index_cast %get3A_406 : i32 to index
    %get3A_408 = arith.constant 416 : index
    %get3A_409 = tpu.vector_load %arg10[%get3A_407, %get3A_408] {strides = array<i32>} : memref<2x768xf32, #tpu.memory_space<vmem>>, vector<1x16xf32>,
    %get3A_410 = vector.shape_cast %get3A_409 : vector<1x16xf32> to vector<16xf32>
    %get3A_411 = arith.constant 0 : i32
    %get3A_412 = arith.index_cast %get3A_411 : i32 to index
    %get3A_413 = arith.constant 416 : index
    %get3A_414 = tpu.vector_load %arg10[%get3A_412, %get3A_413] {strides = array<i32>} : memref<2x768xf32, #tpu.memory_space<vmem>>, vector<1x16xf32>,
    %get3A_415 = vector.shape_cast %get3A_414 : vector<1x16xf32> to vector<16xf32>
    %sub3A_416 = arith.subf %get3A_410, %get3A_415 : vector<16xf32>
    %swap3A_417 = arith.constant 416 : index
    %swap3A_418 = tpu.vector_load %arg11[%swap3A_417] {strides = array<i32>} : memref<768xf32, #tpu.memory_space<vmem>>, vector<16xf32>,
    %swap3A_419 = vector.shape_cast %swap3A_418 : vector<16xf32> to vector<16xf32>
    %swap3A_420 = vector.shape_cast %sub3A_416 : vector<16xf32> to vector<16xf32>
    tpu.vector_store %arg11[%swap3A_417], %swap3A_420 {strides = array<i32>} : memref<768xf32, #tpu.memory_space<vmem>>, vector<16xf32>,
    %get3A_421 = arith.constant 1 : i32
    %get3A_422 = arith.index_cast %get3A_421 : i32 to index
    %get3A_423 = arith.constant 432 : index
    %get3A_424 = tpu.vector_load %arg10[%get3A_422, %get3A_423] {strides = array<i32>} : memref<2x768xf32, #tpu.memory_space<vmem>>, vector<1x16xf32>,
    %get3A_425 = vector.shape_cast %get3A_424 : vector<1x16xf32> to vector<16xf32>
    %get3A_426 = arith.constant 0 : i32
    %get3A_427 = arith.index_cast %get3A_426 : i32 to index
    %get3A_428 = arith.constant 432 : index
    %get3A_429 = tpu.vector_load %arg10[%get3A_427, %get3A_428] {strides = array<i32>} : memref<2x768xf32, #tpu.memory_space<vmem>>, vector<1x16xf32>,
    %get3A_430 = vector.shape_cast %get3A_429 : vector<1x16xf32> to vector<16xf32>
    %sub3A_431 = arith.subf %get3A_425, %get3A_430 : vector<16xf32>
    %swap3A_432 = arith.constant 432 : index
    %swap3A_433 = tpu.vector_load %arg11[%swap3A_432] {strides = array<i32>} : memref<768xf32, #tpu.memory_space<vmem>>, vector<16xf32>,
    %swap3A_434 = vector.shape_cast %swap3A_433 : vector<16xf32> to vector<16xf32>
    %swap3A_435 = vector.shape_cast %sub3A_431 : vector<16xf32> to vector<16xf32>
    tpu.vector_store %arg11[%swap3A_432], %swap3A_435 {strides = array<i32>} : memref<768xf32, #tpu.memory_space<vmem>>, vector<16xf32>,
    %get3A_436 = arith.constant 1 : i32
    %get3A_437 = arith.index_cast %get3A_436 : i32 to index
    %get3A_438 = arith.constant 448 : index
    %get3A_439 = tpu.vector_load %arg10[%get3A_437, %get3A_438] {strides = array<i32>} : memref<2x768xf32, #tpu.memory_space<vmem>>, vector<1x16xf32>,
    %get3A_440 = vector.shape_cast %get3A_439 : vector<1x16xf32> to vector<16xf32>
    %get3A_441 = arith.constant 0 : i32
    %get3A_442 = arith.index_cast %get3A_441 : i32 to index
    %get3A_443 = arith.constant 448 : index
    %get3A_444 = tpu.vector_load %arg10[%get3A_442, %get3A_443] {strides = array<i32>} : memref<2x768xf32, #tpu.memory_space<vmem>>, vector<1x16xf32>,
    %get3A_445 = vector.shape_cast %get3A_444 : vector<1x16xf32> to vector<16xf32>
    %sub3A_446 = arith.subf %get3A_440, %get3A_445 : vector<16xf32>
    %swap3A_447 = arith.constant 448 : index
    %swap3A_448 = tpu.vector_load %arg11[%swap3A_447] {strides = array<i32>} : memref<768xf32, #tpu.memory_space<vmem>>, vector<16xf32>,
    %swap3A_449 = vector.shape_cast %swap3A_448 : vector<16xf32> to vector<16xf32>
    %swap3A_450 = vector.shape_cast %sub3A_446 : vector<16xf32> to vector<16xf32>
    tpu.vector_store %arg11[%swap3A_447], %swap3A_450 {strides = array<i32>} : memref<768xf32, #tpu.memory_space<vmem>>, vector<16xf32>,
    %get3A_451 = arith.constant 1 : i32
    %get3A_452 = arith.index_cast %get3A_451 : i32 to index
    %get3A_453 = arith.constant 464 : index
    %get3A_454 = tpu.vector_load %arg10[%get3A_452, %get3A_453] {strides = array<i32>} : memref<2x768xf32, #tpu.memory_space<vmem>>, vector<1x16xf32>,
    %get3A_455 = vector.shape_cast %get3A_454 : vector<1x16xf32> to vector<16xf32>
    %get3A_456 = arith.constant 0 : i32
    %get3A_457 = arith.index_cast %get3A_456 : i32 to index
    %get3A_458 = arith.constant 464 : index
    %get3A_459 = tpu.vector_load %arg10[%get3A_457, %get3A_458] {strides = array<i32>} : memref<2x768xf32, #tpu.memory_space<vmem>>, vector<1x16xf32>,
    %get3A_460 = vector.shape_cast %get3A_459 : vector<1x16xf32> to vector<16xf32>
    %sub3A_461 = arith.subf %get3A_455, %get3A_460 : vector<16xf32>
    %swap3A_462 = arith.constant 464 : index
    %swap3A_463 = tpu.vector_load %arg11[%swap3A_462] {strides = array<i32>} : memref<768xf32, #tpu.memory_space<vmem>>, vector<16xf32>,
    %swap3A_464 = vector.shape_cast %swap3A_463 : vector<16xf32> to vector<16xf32>
    %swap3A_465 = vector.shape_cast %sub3A_461 : vector<16xf32> to vector<16xf32>
    tpu.vector_store %arg11[%swap3A_462], %swap3A_465 {strides = array<i32>} : memref<768xf32, #tpu.memory_space<vmem>>, vector<16xf32>,
    %get3A_466 = arith.constant 1 : i32
    %get3A_467 = arith.index_cast %get3A_466 : i32 to index
    %get3A_468 = arith.constant 480 : index
    %get3A_469 = tpu.vector_load %arg10[%get3A_467, %get3A_468] {strides = array<i32>} : memref<2x768xf32, #tpu.memory_space<vmem>>, vector<1x16xf32>,
    %get3A_470 = vector.shape_cast %get3A_469 : vector<1x16xf32> to vector<16xf32>
    %get3A_471 = arith.constant 0 : i32
    %get3A_472 = arith.index_cast %get3A_471 : i32 to index
    %get3A_473 = arith.constant 480 : index
    %get3A_474 = tpu.vector_load %arg10[%get3A_472, %get3A_473] {strides = array<i32>} : memref<2x768xf32, #tpu.memory_space<vmem>>, vector<1x16xf32>,
    %get3A_475 = vector.shape_cast %get3A_474 : vector<1x16xf32> to vector<16xf32>
    %sub3A_476 = arith.subf %get3A_470, %get3A_475 : vector<16xf32>
    %swap3A_477 = arith.constant 480 : index
    %swap3A_478 = tpu.vector_load %arg11[%swap3A_477] {strides = array<i32>} : memref<768xf32, #tpu.memory_space<vmem>>, vector<16xf32>,
    %swap3A_479 = vector.shape_cast %swap3A_478 : vector<16xf32> to vector<16xf32>
    %swap3A_480 = vector.shape_cast %sub3A_476 : vector<16xf32> to vector<16xf32>
    tpu.vector_store %arg11[%swap3A_477], %swap3A_480 {strides = array<i32>} : memref<768xf32, #tpu.memory_space<vmem>>, vector<16xf32>,
    %get3A_481 = arith.constant 1 : i32
    %get3A_482 = arith.index_cast %get3A_481 : i32 to index
    %get3A_483 = arith.constant 496 : index
    %get3A_484 = tpu.vector_load %arg10[%get3A_482, %get3A_483] {strides = array<i32>} : memref<2x768xf32, #tpu.memory_space<vmem>>, vector<1x16xf32>,
    %get3A_485 = vector.shape_cast %get3A_484 : vector<1x16xf32> to vector<16xf32>
    %get3A_486 = arith.constant 0 : i32
    %get3A_487 = arith.index_cast %get3A_486 : i32 to index
    %get3A_488 = arith.constant 496 : index
    %get3A_489 = tpu.vector_load %arg10[%get3A_487, %get3A_488] {strides = array<i32>} : memref<2x768xf32, #tpu.memory_space<vmem>>, vector<1x16xf32>,
    %get3A_490 = vector.shape_cast %get3A_489 : vector<1x16xf32> to vector<16xf32>
    %sub3A_491 = arith.subf %get3A_485, %get3A_490 : vector<16xf32>
    %swap3A_492 = arith.constant 496 : index
    %swap3A_493 = tpu.vector_load %arg11[%swap3A_492] {strides = array<i32>} : memref<768xf32, #tpu.memory_space<vmem>>, vector<16xf32>,
    %swap3A_494 = vector.shape_cast %swap3A_493 : vector<16xf32> to vector<16xf32>
    %swap3A_495 = vector.shape_cast %sub3A_491 : vector<16xf32> to vector<16xf32>
    tpu.vector_store %arg11[%swap3A_492], %swap3A_495 {strides = array<i32>} : memref<768xf32, #tpu.memory_space<vmem>>, vector<16xf32>,
    %get3A_496 = arith.constant 1 : i32
    %get3A_497 = arith.index_cast %get3A_496 : i32 to index
    %get3A_498 = arith.constant 512 : index
    %get3A_499 = tpu.vector_load %arg10[%get3A_497, %get3A_498] {strides = array<i32>} : memref<2x768xf32, #tpu.memory_space<vmem>>, vector<1x16xf32>,
    %get3A_500 = vector.shape_cast %get3A_499 : vector<1x16xf32> to vector<16xf32>
    %get3A_501 = arith.constant 0 : i32
    %get3A_502 = arith.index_cast %get3A_501 : i32 to index
    %get3A_503 = arith.constant 512 : index
    %get3A_504 = tpu.vector_load %arg10[%get3A_502, %get3A_503] {strides = array<i32>} : memref<2x768xf32, #tpu.memory_space<vmem>>, vector<1x16xf32>,
    %get3A_505 = vector.shape_cast %get3A_504 : vector<1x16xf32> to vector<16xf32>
    %sub3A_506 = arith.subf %get3A_500, %get3A_505 : vector<16xf32>
    %swap3A_507 = arith.constant 512 : index
    %swap3A_508 = tpu.vector_load %arg11[%swap3A_507] {strides = array<i32>} : memref<768xf32, #tpu.memory_space<vmem>>, vector<16xf32>,
    %swap3A_509 = vector.shape_cast %swap3A_508 : vector<16xf32> to vector<16xf32>
    %swap3A_510 = vector.shape_cast %sub3A_506 : vector<16xf32> to vector<16xf32>
    tpu.vector_store %arg11[%swap3A_507], %swap3A_510 {strides = array<i32>} : memref<768xf32, #tpu.memory_space<vmem>>, vector<16xf32>,
    %get3A_511 = arith.constant 1 : i32
    %get3A_512 = arith.index_cast %get3A_511 : i32 to index
    %get3A_513 = arith.constant 528 : index
    %get3A_514 = tpu.vector_load %arg10[%get3A_512, %get3A_513] {strides = array<i32>} : memref<2x768xf32, #tpu.memory_space<vmem>>, vector<1x16xf32>,
    %get3A_515 = vector.shape_cast %get3A_514 : vector<1x16xf32> to vector<16xf32>
    %get3A_516 = arith.constant 0 : i32
    %get3A_517 = arith.index_cast %get3A_516 : i32 to index
    %get3A_518 = arith.constant 528 : index
    %get3A_519 = tpu.vector_load %arg10[%get3A_517, %get3A_518] {strides = array<i32>} : memref<2x768xf32, #tpu.memory_space<vmem>>, vector<1x16xf32>,
    %get3A_520 = vector.shape_cast %get3A_519 : vector<1x16xf32> to vector<16xf32>
    %sub3A_521 = arith.subf %get3A_515, %get3A_520 : vector<16xf32>
    %swap3A_522 = arith.constant 528 : index
    %swap3A_523 = tpu.vector_load %arg11[%swap3A_522] {strides = array<i32>} : memref<768xf32, #tpu.memory_space<vmem>>, vector<16xf32>,
    %swap3A_524 = vector.shape_cast %swap3A_523 : vector<16xf32> to vector<16xf32>
    %swap3A_525 = vector.shape_cast %sub3A_521 : vector<16xf32> to vector<16xf32>
    tpu.vector_store %arg11[%swap3A_522], %swap3A_525 {strides = array<i32>} : memref<768xf32, #tpu.memory_space<vmem>>, vector<16xf32>,
    %get3A_526 = arith.constant 1 : i32
    %get3A_527 = arith.index_cast %get3A_526 : i32 to index
    %get3A_528 = arith.constant 544 : index
    %get3A_529 = tpu.vector_load %arg10[%get3A_527, %get3A_528] {strides = array<i32>} : memref<2x768xf32, #tpu.memory_space<vmem>>, vector<1x16xf32>,
    %get3A_530 = vector.shape_cast %get3A_529 : vector<1x16xf32> to vector<16xf32>
    %get3A_531 = arith.constant 0 : i32
    %get3A_532 = arith.index_cast %get3A_531 : i32 to index
    %get3A_533 = arith.constant 544 : index
    %get3A_534 = tpu.vector_load %arg10[%get3A_532, %get3A_533] {strides = array<i32>} : memref<2x768xf32, #tpu.memory_space<vmem>>, vector<1x16xf32>,
    %get3A_535 = vector.shape_cast %get3A_534 : vector<1x16xf32> to vector<16xf32>
    %sub3A_536 = arith.subf %get3A_530, %get3A_535 : vector<16xf32>
    %swap3A_537 = arith.constant 544 : index
    %swap3A_538 = tpu.vector_load %arg11[%swap3A_537] {strides = array<i32>} : memref<768xf32, #tpu.memory_space<vmem>>, vector<16xf32>,
    %swap3A_539 = vector.shape_cast %swap3A_538 : vector<16xf32> to vector<16xf32>
    %swap3A_540 = vector.shape_cast %sub3A_536 : vector<16xf32> to vector<16xf32>
    tpu.vector_store %arg11[%swap3A_537], %swap3A_540 {strides = array<i32>} : memref<768xf32, #tpu.memory_space<vmem>>, vector<16xf32>,
    %get3A_541 = arith.constant 1 : i32
    %get3A_542 = arith.index_cast %get3A_541 : i32 to index
    %get3A_543 = arith.constant 560 : index
    %get3A_544 = tpu.vector_load %arg10[%get3A_542, %get3A_543] {strides = array<i32>} : memref<2x768xf32, #tpu.memory_space<vmem>>, vector<1x16xf32>,
    %get3A_545 = vector.shape_cast %get3A_544 : vector<1x16xf32> to vector<16xf32>
    %get3A_546 = arith.constant 0 : i32
    %get3A_547 = arith.index_cast %get3A_546 : i32 to index
    %get3A_548 = arith.constant 560 : index
    %get3A_549 = tpu.vector_load %arg10[%get3A_547, %get3A_548] {strides = array<i32>} : memref<2x768xf32, #tpu.memory_space<vmem>>, vector<1x16xf32>,
    %get3A_550 = vector.shape_cast %get3A_549 : vector<1x16xf32> to vector<16xf32>
    %sub3A_551 = arith.subf %get3A_545, %get3A_550 : vector<16xf32>
    %swap3A_552 = arith.constant 560 : index
    %swap3A_553 = tpu.vector_load %arg11[%swap3A_552] {strides = array<i32>} : memref<768xf32, #tpu.memory_space<vmem>>, vector<16xf32>,
    %swap3A_554 = vector.shape_cast %swap3A_553 : vector<16xf32> to vector<16xf32>
    %swap3A_555 = vector.shape_cast %sub3A_551 : vector<16xf32> to vector<16xf32>
    tpu.vector_store %arg11[%swap3A_552], %swap3A_555 {strides = array<i32>} : memref<768xf32, #tpu.memory_space<vmem>>, vector<16xf32>,
    %get3A_556 = arith.constant 1 : i32
    %get3A_557 = arith.index_cast %get3A_556 : i32 to index
    %get3A_558 = arith.constant 576 : index
    %get3A_559 = tpu.vector_load %arg10[%get3A_557, %get3A_558] {strides = array<i32>} : memref<2x768xf32, #tpu.memory_space<vmem>>, vector<1x16xf32>,
    %get3A_560 = vector.shape_cast %get3A_559 : vector<1x16xf32> to vector<16xf32>
    %get3A_561 = arith.constant 0 : i32
    %get3A_562 = arith.index_cast %get3A_561 : i32 to index
    %get3A_563 = arith.constant 576 : index
    %get3A_564 = tpu.vector_load %arg10[%get3A_562, %get3A_563] {strides = array<i32>} : memref<2x768xf32, #tpu.memory_space<vmem>>, vector<1x16xf32>,
    %get3A_565 = vector.shape_cast %get3A_564 : vector<1x16xf32> to vector<16xf32>
    %sub3A_566 = arith.subf %get3A_560, %get3A_565 : vector<16xf32>
    %swap3A_567 = arith.constant 576 : index
    %swap3A_568 = tpu.vector_load %arg11[%swap3A_567] {strides = array<i32>} : memref<768xf32, #tpu.memory_space<vmem>>, vector<16xf32>,
    %swap3A_569 = vector.shape_cast %swap3A_568 : vector<16xf32> to vector<16xf32>
    %swap3A_570 = vector.shape_cast %sub3A_566 : vector<16xf32> to vector<16xf32>
    tpu.vector_store %arg11[%swap3A_567], %swap3A_570 {strides = array<i32>} : memref<768xf32, #tpu.memory_space<vmem>>, vector<16xf32>,
    %get3A_571 = arith.constant 1 : i32
    %get3A_572 = arith.index_cast %get3A_571 : i32 to index
    %get3A_573 = arith.constant 592 : index
    %get3A_574 = tpu.vector_load %arg10[%get3A_572, %get3A_573] {strides = array<i32>} : memref<2x768xf32, #tpu.memory_space<vmem>>, vector<1x16xf32>,
    %get3A_575 = vector.shape_cast %get3A_574 : vector<1x16xf32> to vector<16xf32>
    %get3A_576 = arith.constant 0 : i32
    %get3A_577 = arith.index_cast %get3A_576 : i32 to index
    %get3A_578 = arith.constant 592 : index
    %get3A_579 = tpu.vector_load %arg10[%get3A_577, %get3A_578] {strides = array<i32>} : memref<2x768xf32, #tpu.memory_space<vmem>>, vector<1x16xf32>,
    %get3A_580 = vector.shape_cast %get3A_579 : vector<1x16xf32> to vector<16xf32>
    %sub3A_581 = arith.subf %get3A_575, %get3A_580 : vector<16xf32>
    %swap3A_582 = arith.constant 592 : index
    %swap3A_583 = tpu.vector_load %arg11[%swap3A_582] {strides = array<i32>} : memref<768xf32, #tpu.memory_space<vmem>>, vector<16xf32>,
    %swap3A_584 = vector.shape_cast %swap3A_583 : vector<16xf32> to vector<16xf32>
    %swap3A_585 = vector.shape_cast %sub3A_581 : vector<16xf32> to vector<16xf32>
    tpu.vector_store %arg11[%swap3A_582], %swap3A_585 {strides = array<i32>} : memref<768xf32, #tpu.memory_space<vmem>>, vector<16xf32>,
    %get3A_586 = arith.constant 1 : i32
    %get3A_587 = arith.index_cast %get3A_586 : i32 to index
    %get3A_588 = arith.constant 608 : index
    %get3A_589 = tpu.vector_load %arg10[%get3A_587, %get3A_588] {strides = array<i32>} : memref<2x768xf32, #tpu.memory_space<vmem>>, vector<1x16xf32>,
    %get3A_590 = vector.shape_cast %get3A_589 : vector<1x16xf32> to vector<16xf32>
    %get3A_591 = arith.constant 0 : i32
    %get3A_592 = arith.index_cast %get3A_591 : i32 to index
    %get3A_593 = arith.constant 608 : index
    %get3A_594 = tpu.vector_load %arg10[%get3A_592, %get3A_593] {strides = array<i32>} : memref<2x768xf32, #tpu.memory_space<vmem>>, vector<1x16xf32>,
    %get3A_595 = vector.shape_cast %get3A_594 : vector<1x16xf32> to vector<16xf32>
    %sub3A_596 = arith.subf %get3A_590, %get3A_595 : vector<16xf32>
    %swap3A_597 = arith.constant 608 : index
    %swap3A_598 = tpu.vector_load %arg11[%swap3A_597] {strides = array<i32>} : memref<768xf32, #tpu.memory_space<vmem>>, vector<16xf32>,
    %swap3A_599 = vector.shape_cast %swap3A_598 : vector<16xf32> to vector<16xf32>
    %swap3A_600 = vector.shape_cast %sub3A_596 : vector<16xf32> to vector<16xf32>
    tpu.vector_store %arg11[%swap3A_597], %swap3A_600 {strides = array<i32>} : memref<768xf32, #tpu.memory_space<vmem>>, vector<16xf32>,
    %get3A_601 = arith.constant 1 : i32
    %get3A_602 = arith.index_cast %get3A_601 : i32 to index
    %get3A_603 = arith.constant 624 : index
    %get3A_604 = tpu.vector_load %arg10[%get3A_602, %get3A_603] {strides = array<i32>} : memref<2x768xf32, #tpu.memory_space<vmem>>, vector<1x16xf32>,
    %get3A_605 = vector.shape_cast %get3A_604 : vector<1x16xf32> to vector<16xf32>
    %get3A_606 = arith.constant 0 : i32
    %get3A_607 = arith.index_cast %get3A_606 : i32 to index
    %get3A_608 = arith.constant 624 : index
    %get3A_609 = tpu.vector_load %arg10[%get3A_607, %get3A_608] {strides = array<i32>} : memref<2x768xf32, #tpu.memory_space<vmem>>, vector<1x16xf32>,
    %get3A_610 = vector.shape_cast %get3A_609 : vector<1x16xf32> to vector<16xf32>
    %sub3A_611 = arith.subf %get3A_605, %get3A_610 : vector<16xf32>
    %swap3A_612 = arith.constant 624 : index
    %swap3A_613 = tpu.vector_load %arg11[%swap3A_612] {strides = array<i32>} : memref<768xf32, #tpu.memory_space<vmem>>, vector<16xf32>,
    %swap3A_614 = vector.shape_cast %swap3A_613 : vector<16xf32> to vector<16xf32>
    %swap3A_615 = vector.shape_cast %sub3A_611 : vector<16xf32> to vector<16xf32>
    tpu.vector_store %arg11[%swap3A_612], %swap3A_615 {strides = array<i32>} : memref<768xf32, #tpu.memory_space<vmem>>, vector<16xf32>,
    %get3A_616 = arith.constant 1 : i32
    %get3A_617 = arith.index_cast %get3A_616 : i32 to index
    %get3A_618 = arith.constant 640 : index
    %get3A_619 = tpu.vector_load %arg10[%get3A_617, %get3A_618] {strides = array<i32>} : memref<2x768xf32, #tpu.memory_space<vmem>>, vector<1x16xf32>,
    %get3A_620 = vector.shape_cast %get3A_619 : vector<1x16xf32> to vector<16xf32>
    %get3A_621 = arith.constant 0 : i32
    %get3A_622 = arith.index_cast %get3A_621 : i32 to index
    %get3A_623 = arith.constant 640 : index
    %get3A_624 = tpu.vector_load %arg10[%get3A_622, %get3A_623] {strides = array<i32>} : memref<2x768xf32, #tpu.memory_space<vmem>>, vector<1x16xf32>,
    %get3A_625 = vector.shape_cast %get3A_624 : vector<1x16xf32> to vector<16xf32>
    %sub3A_626 = arith.subf %get3A_620, %get3A_625 : vector<16xf32>
    %swap3A_627 = arith.constant 640 : index
    %swap3A_628 = tpu.vector_load %arg11[%swap3A_627] {strides = array<i32>} : memref<768xf32, #tpu.memory_space<vmem>>, vector<16xf32>,
    %swap3A_629 = vector.shape_cast %swap3A_628 : vector<16xf32> to vector<16xf32>
    %swap3A_630 = vector.shape_cast %sub3A_626 : vector<16xf32> to vector<16xf32>
    tpu.vector_store %arg11[%swap3A_627], %swap3A_630 {strides = array<i32>} : memref<768xf32, #tpu.memory_space<vmem>>, vector<16xf32>,
    %get3A_631 = arith.constant 1 : i32
    %get3A_632 = arith.index_cast %get3A_631 : i32 to index
    %get3A_633 = arith.constant 656 : index
    %get3A_634 = tpu.vector_load %arg10[%get3A_632, %get3A_633] {strides = array<i32>} : memref<2x768xf32, #tpu.memory_space<vmem>>, vector<1x16xf32>,
    %get3A_635 = vector.shape_cast %get3A_634 : vector<1x16xf32> to vector<16xf32>
    %get3A_636 = arith.constant 0 : i32
    %get3A_637 = arith.index_cast %get3A_636 : i32 to index
    %get3A_638 = arith.constant 656 : index
    %get3A_639 = tpu.vector_load %arg10[%get3A_637, %get3A_638] {strides = array<i32>} : memref<2x768xf32, #tpu.memory_space<vmem>>, vector<1x16xf32>,
    %get3A_640 = vector.shape_cast %get3A_639 : vector<1x16xf32> to vector<16xf32>
    %sub3A_641 = arith.subf %get3A_635, %get3A_640 : vector<16xf32>
    %swap3A_642 = arith.constant 656 : index
    %swap3A_643 = tpu.vector_load %arg11[%swap3A_642] {strides = array<i32>} : memref<768xf32, #tpu.memory_space<vmem>>, vector<16xf32>,
    %swap3A_644 = vector.shape_cast %swap3A_643 : vector<16xf32> to vector<16xf32>
    %swap3A_645 = vector.shape_cast %sub3A_641 : vector<16xf32> to vector<16xf32>
    tpu.vector_store %arg11[%swap3A_642], %swap3A_645 {strides = array<i32>} : memref<768xf32, #tpu.memory_space<vmem>>, vector<16xf32>,
    %get3A_646 = arith.constant 1 : i32
    %get3A_647 = arith.index_cast %get3A_646 : i32 to index
    %get3A_648 = arith.constant 672 : index
    %get3A_649 = tpu.vector_load %arg10[%get3A_647, %get3A_648] {strides = array<i32>} : memref<2x768xf32, #tpu.memory_space<vmem>>, vector<1x16xf32>,
    %get3A_650 = vector.shape_cast %get3A_649 : vector<1x16xf32> to vector<16xf32>
    %get3A_651 = arith.constant 0 : i32
    %get3A_652 = arith.index_cast %get3A_651 : i32 to index
    %get3A_653 = arith.constant 672 : index
    %get3A_654 = tpu.vector_load %arg10[%get3A_652, %get3A_653] {strides = array<i32>} : memref<2x768xf32, #tpu.memory_space<vmem>>, vector<1x16xf32>,
    %get3A_655 = vector.shape_cast %get3A_654 : vector<1x16xf32> to vector<16xf32>
    %sub3A_656 = arith.subf %get3A_650, %get3A_655 : vector<16xf32>
    %swap3A_657 = arith.constant 672 : index
    %swap3A_658 = tpu.vector_load %arg11[%swap3A_657] {strides = array<i32>} : memref<768xf32, #tpu.memory_space<vmem>>, vector<16xf32>,
    %swap3A_659 = vector.shape_cast %swap3A_658 : vector<16xf32> to vector<16xf32>
    %swap3A_660 = vector.shape_cast %sub3A_656 : vector<16xf32> to vector<16xf32>
    tpu.vector_store %arg11[%swap3A_657], %swap3A_660 {strides = array<i32>} : memref<768xf32, #tpu.memory_space<vmem>>, vector<16xf32>,
    %get3A_661 = arith.constant 1 : i32
    %get3A_662 = arith.index_cast %get3A_661 : i32 to index
    %get3A_663 = arith.constant 688 : index
    %get3A_664 = tpu.vector_load %arg10[%get3A_662, %get3A_663] {strides = array<i32>} : memref<2x768xf32, #tpu.memory_space<vmem>>, vector<1x16xf32>,
    %get3A_665 = vector.shape_cast %get3A_664 : vector<1x16xf32> to vector<16xf32>
    %get3A_666 = arith.constant 0 : i32
    %get3A_667 = arith.index_cast %get3A_666 : i32 to index
    %get3A_668 = arith.constant 688 : index
    %get3A_669 = tpu.vector_load %arg10[%get3A_667, %get3A_668] {strides = array<i32>} : memref<2x768xf32, #tpu.memory_space<vmem>>, vector<1x16xf32>,
    %get3A_670 = vector.shape_cast %get3A_669 : vector<1x16xf32> to vector<16xf32>
    %sub3A_671 = arith.subf %get3A_665, %get3A_670 : vector<16xf32>
    %swap3A_672 = arith.constant 688 : index
    %swap3A_673 = tpu.vector_load %arg11[%swap3A_672] {strides = array<i32>} : memref<768xf32, #tpu.memory_space<vmem>>, vector<16xf32>,
    %swap3A_674 = vector.shape_cast %swap3A_673 : vector<16xf32> to vector<16xf32>
    %swap3A_675 = vector.shape_cast %sub3A_671 : vector<16xf32> to vector<16xf32>
    tpu.vector_store %arg11[%swap3A_672], %swap3A_675 {strides = array<i32>} : memref<768xf32, #tpu.memory_space<vmem>>, vector<16xf32>,
    %get3A_676 = arith.constant 1 : i32
    %get3A_677 = arith.index_cast %get3A_676 : i32 to index
    %get3A_678 = arith.constant 704 : index
    %get3A_679 = tpu.vector_load %arg10[%get3A_677, %get3A_678] {strides = array<i32>} : memref<2x768xf32, #tpu.memory_space<vmem>>, vector<1x16xf32>,
    %get3A_680 = vector.shape_cast %get3A_679 : vector<1x16xf32> to vector<16xf32>
    %get3A_681 = arith.constant 0 : i32
    %get3A_682 = arith.index_cast %get3A_681 : i32 to index
    %get3A_683 = arith.constant 704 : index
    %get3A_684 = tpu.vector_load %arg10[%get3A_682, %get3A_683] {strides = array<i32>} : memref<2x768xf32, #tpu.memory_space<vmem>>, vector<1x16xf32>,
    %get3A_685 = vector.shape_cast %get3A_684 : vector<1x16xf32> to vector<16xf32>
    %sub3A_686 = arith.subf %get3A_680, %get3A_685 : vector<16xf32>
    %swap3A_687 = arith.constant 704 : index
    %swap3A_688 = tpu.vector_load %arg11[%swap3A_687] {strides = array<i32>} : memref<768xf32, #tpu.memory_space<vmem>>, vector<16xf32>,
    %swap3A_689 = vector.shape_cast %swap3A_688 : vector<16xf32> to vector<16xf32>
    %swap3A_690 = vector.shape_cast %sub3A_686 : vector<16xf32> to vector<16xf32>
    tpu.vector_store %arg11[%swap3A_687], %swap3A_690 {strides = array<i32>} : memref<768xf32, #tpu.memory_space<vmem>>, vector<16xf32>,
    %get3A_691 = arith.constant 1 : i32
    %get3A_692 = arith.index_cast %get3A_691 : i32 to index
    %get3A_693 = arith.constant 720 : index
    %get3A_694 = tpu.vector_load %arg10[%get3A_692, %get3A_693] {strides = array<i32>} : memref<2x768xf32, #tpu.memory_space<vmem>>, vector<1x16xf32>,
    %get3A_695 = vector.shape_cast %get3A_694 : vector<1x16xf32> to vector<16xf32>
    %get3A_696 = arith.constant 0 : i32
    %get3A_697 = arith.index_cast %get3A_696 : i32 to index
    %get3A_698 = arith.constant 720 : index
    %get3A_699 = tpu.vector_load %arg10[%get3A_697, %get3A_698] {strides = array<i32>} : memref<2x768xf32, #tpu.memory_space<vmem>>, vector<1x16xf32>,
    %get3A_700 = vector.shape_cast %get3A_699 : vector<1x16xf32> to vector<16xf32>
    %sub3A_701 = arith.subf %get3A_695, %get3A_700 : vector<16xf32>
    %swap3A_702 = arith.constant 720 : index
    %swap3A_703 = tpu.vector_load %arg11[%swap3A_702] {strides = array<i32>} : memref<768xf32, #tpu.memory_space<vmem>>, vector<16xf32>,
    %swap3A_704 = vector.shape_cast %swap3A_703 : vector<16xf32> to vector<16xf32>
    %swap3A_705 = vector.shape_cast %sub3A_701 : vector<16xf32> to vector<16xf32>
    tpu.vector_store %arg11[%swap3A_702], %swap3A_705 {strides = array<i32>} : memref<768xf32, #tpu.memory_space<vmem>>, vector<16xf32>,
    %get3A_706 = arith.constant 1 : i32
    %get3A_707 = arith.index_cast %get3A_706 : i32 to index
    %get3A_708 = arith.constant 736 : index
    %get3A_709 = tpu.vector_load %arg10[%get3A_707, %get3A_708] {strides = array<i32>} : memref<2x768xf32, #tpu.memory_space<vmem>>, vector<1x16xf32>,
    %get3A_710 = vector.shape_cast %get3A_709 : vector<1x16xf32> to vector<16xf32>
    %get3A_711 = arith.constant 0 : i32
    %get3A_712 = arith.index_cast %get3A_711 : i32 to index
    %get3A_713 = arith.constant 736 : index
    %get3A_714 = tpu.vector_load %arg10[%get3A_712, %get3A_713] {strides = array<i32>} : memref<2x768xf32, #tpu.memory_space<vmem>>, vector<1x16xf32>,
    %get3A_715 = vector.shape_cast %get3A_714 : vector<1x16xf32> to vector<16xf32>
    %sub3A_716 = arith.subf %get3A_710, %get3A_715 : vector<16xf32>
    %swap3A_717 = arith.constant 736 : index
    %swap3A_718 = tpu.vector_load %arg11[%swap3A_717] {strides = array<i32>} : memref<768xf32, #tpu.memory_space<vmem>>, vector<16xf32>,
    %swap3A_719 = vector.shape_cast %swap3A_718 : vector<16xf32> to vector<16xf32>
    %swap3A_720 = vector.shape_cast %sub3A_716 : vector<16xf32> to vector<16xf32>
    tpu.vector_store %arg11[%swap3A_717], %swap3A_720 {strides = array<i32>} : memref<768xf32, #tpu.memory_space<vmem>>, vector<16xf32>,
    %get3A_721 = arith.constant 1 : i32
    %get3A_722 = arith.index_cast %get3A_721 : i32 to index
    %get3A_723 = arith.constant 752 : index
    %get3A_724 = tpu.vector_load %arg10[%get3A_722, %get3A_723] {strides = array<i32>} : memref<2x768xf32, #tpu.memory_space<vmem>>, vector<1x16xf32>,
    %get3A_725 = vector.shape_cast %get3A_724 : vector<1x16xf32> to vector<16xf32>
    %get3A_726 = arith.constant 0 : i32
    %get3A_727 = arith.index_cast %get3A_726 : i32 to index
    %get3A_728 = arith.constant 752 : index
    %get3A_729 = tpu.vector_load %arg10[%get3A_727, %get3A_728] {strides = array<i32>} : memref<2x768xf32, #tpu.memory_space<vmem>>, vector<1x16xf32>,
    %get3A_730 = vector.shape_cast %get3A_729 : vector<1x16xf32> to vector<16xf32>
    %sub3A_731 = arith.subf %get3A_725, %get3A_730 : vector<16xf32>
    %swap3A_732 = arith.constant 752 : index
    %swap3A_733 = tpu.vector_load %arg11[%swap3A_732] {strides = array<i32>} : memref<768xf32, #tpu.memory_space<vmem>>, vector<16xf32>,
    %swap3A_734 = vector.shape_cast %swap3A_733 : vector<16xf32> to vector<16xf32>
    %swap3A_735 = vector.shape_cast %sub3A_731 : vector<16xf32> to vector<16xf32>
    tpu.vector_store %arg11[%swap3A_732], %swap3A_735 {strides = array<i32>} : memref<768xf32, #tpu.memory_space<vmem>>, vector<16xf32>,
    %add3A_736 = arith.constant 0 : i32
    %add3A_737 = arith.addi %mul3A_2, %add3A_736 : i32
    %dma_start3A = arith.constant 0 : i32
    %dma_start3A_738 = tpu.memref_slice %arg6[%add3A_737, %dma_start3A] : memref<2048x768xf32, #tpu.memory_space<hbm>> -> memref<16x768xf32, #tpu.memory_space<hbm>>
    %dma_start3A_739 = arith.constant 0 : i32
    %dma_start3A_740 = tpu.memref_slice %arg6[%add3A_737, %dma_start3A_739] : memref<2048x768xf32, #tpu.memory_space<hbm>> -> memref<16x768xf32, #tpu.memory_space<hbm>>
    tpu.enqueue_dma source(%dma_start3A_740 : memref<16x768xf32, #tpu.memory_space<hbm>>) target(%arg18 : memref<16x768xf32, #tpu.memory_space<vmem>>) target_semaphore(%arg26 : memref<!tpu.dma_semaphore, #tpu.memory_space<semaphore_mem>>)
    %add3A_741 = arith.constant 16 : i32
    %add3A_742 = arith.addi %mul3A_2, %add3A_741 : i32
    %dma_start3A_743 = arith.constant 0 : i32
    %dma_start3A_744 = tpu.memref_slice %arg6[%add3A_742, %dma_start3A_743] : memref<2048x768xf32, #tpu.memory_space<hbm>> -> memref<16x768xf32, #tpu.memory_space<hbm>>
    %dma_start3A_745 = arith.constant 0 : i32
    %dma_start3A_746 = tpu.memref_slice %arg6[%add3A_742, %dma_start3A_745] : memref<2048x768xf32, #tpu.memory_space<hbm>> -> memref<16x768xf32, #tpu.memory_space<hbm>>
    tpu.enqueue_dma source(%dma_start3A_746 : memref<16x768xf32, #tpu.memory_space<hbm>>) target(%arg19 : memref<16x768xf32, #tpu.memory_space<vmem>>) target_semaphore(%arg27 : memref<!tpu.dma_semaphore, #tpu.memory_space<semaphore_mem>>)
    %dma_start3A_747 = arith.constant 0 : i32
    %dma_start3A_748 = tpu.memref_slice %arg8[%dma_start3A_747] : memref<256xi32, #tpu.memory_space<vmem>> -> memref<16xi32, #tpu.memory_space<vmem>>
    %dma_start3A_749 = arith.constant 0 : i32
    %dma_start3A_750 = arith.constant 0 : i32
    %dma_start3A_751 = tpu.memref_slice %arg4[%dma_start3A_749, %dma_start3A_750] : memref<100000x768xf32, #tpu.memory_space<hbm>> -> memref<100000x768xf32, #tpu.memory_space<hbm>>
    tpu.enqueue_indirect_dma source(%dma_start3A_751 : memref<100000x768xf32, #tpu.memory_space<hbm>>) target(%arg12 : memref<16x768xf32, #tpu.memory_space<vmem>>) offsets(%dma_start3A_748 : memref<16xi32, #tpu.memory_space<vmem>>) semaphore(%arg20 : memref<!tpu.dma_semaphore, #tpu.memory_space<semaphore_mem>>)
    %dma_start3A_752 = arith.constant 64 : i32
    %dma_start3A_753 = tpu.memref_slice %arg8[%dma_start3A_752] : memref<256xi32, #tpu.memory_space<vmem>> -> memref<16xi32, #tpu.memory_space<vmem>>
    %dma_start3A_754 = arith.constant 0 : i32
    %dma_start3A_755 = arith.constant 0 : i32
    %dma_start3A_756 = tpu.memref_slice %arg4[%dma_start3A_754, %dma_start3A_755] : memref<100000x768xf32, #tpu.memory_space<hbm>> -> memref<100000x768xf32, #tpu.memory_space<hbm>>
    tpu.enqueue_indirect_dma source(%dma_start3A_756 : memref<100000x768xf32, #tpu.memory_space<hbm>>) target(%arg13 : memref<16x768xf32, #tpu.memory_space<vmem>>) offsets(%dma_start3A_753 : memref<16xi32, #tpu.memory_space<vmem>>) semaphore(%arg21 : memref<!tpu.dma_semaphore, #tpu.memory_space<semaphore_mem>>)
    %dma_start3A_757 = arith.constant 128 : i32
    %dma_start3A_758 = tpu.memref_slice %arg8[%dma_start3A_757] : memref<256xi32, #tpu.memory_space<vmem>> -> memref<16xi32, #tpu.memory_space<vmem>>
    %dma_start3A_759 = arith.constant 0 : i32
    %dma_start3A_760 = arith.constant 0 : i32
    %dma_start3A_761 = tpu.memref_slice %arg4[%dma_start3A_759, %dma_start3A_760] : memref<100000x768xf32, #tpu.memory_space<hbm>> -> memref<100000x768xf32, #tpu.memory_space<hbm>>
    tpu.enqueue_indirect_dma source(%dma_start3A_761 : memref<100000x768xf32, #tpu.memory_space<hbm>>) target(%arg14 : memref<16x768xf32, #tpu.memory_space<vmem>>) offsets(%dma_start3A_758 : memref<16xi32, #tpu.memory_space<vmem>>) semaphore(%arg22 : memref<!tpu.dma_semaphore, #tpu.memory_space<semaphore_mem>>)
    %dma_start3A_762 = arith.constant 192 : i32
    %dma_start3A_763 = tpu.memref_slice %arg8[%dma_start3A_762] : memref<256xi32, #tpu.memory_space<vmem>> -> memref<16xi32, #tpu.memory_space<vmem>>
    %dma_start3A_764 = arith.constant 0 : i32
    %dma_start3A_765 = arith.constant 0 : i32
    %dma_start3A_766 = tpu.memref_slice %arg4[%dma_start3A_764, %dma_start3A_765] : memref<100000x768xf32, #tpu.memory_space<hbm>> -> memref<100000x768xf32, #tpu.memory_space<hbm>>
    tpu.enqueue_indirect_dma source(%dma_start3A_766 : memref<100000x768xf32, #tpu.memory_space<hbm>>) target(%arg15 : memref<16x768xf32, #tpu.memory_space<vmem>>) offsets(%dma_start3A_763 : memref<16xi32, #tpu.memory_space<vmem>>) semaphore(%arg23 : memref<!tpu.dma_semaphore, #tpu.memory_space<semaphore_mem>>)
    %dma_start3A_767 = arith.constant 16 : i32
    %dma_start3A_768 = tpu.memref_slice %arg8[%dma_start3A_767] : memref<256xi32, #tpu.memory_space<vmem>> -> memref<16xi32, #tpu.memory_space<vmem>>
    %dma_start3A_769 = arith.constant 0 : i32
    %dma_start3A_770 = arith.constant 0 : i32
    %dma_start3A_771 = tpu.memref_slice %arg4[%dma_start3A_769, %dma_start3A_770] : memref<100000x768xf32, #tpu.memory_space<hbm>> -> memref<100000x768xf32, #tpu.memory_space<hbm>>
    tpu.enqueue_indirect_dma source(%dma_start3A_771 : memref<100000x768xf32, #tpu.memory_space<hbm>>) target(%arg16 : memref<16x768xf32, #tpu.memory_space<vmem>>) offsets(%dma_start3A_768 : memref<16xi32, #tpu.memory_space<vmem>>) semaphore(%arg24 : memref<!tpu.dma_semaphore, #tpu.memory_space<semaphore_mem>>)
    %dma_start3A_772 = arith.constant 80 : i32
    %dma_start3A_773 = tpu.memref_slice %arg8[%dma_start3A_772] : memref<256xi32, #tpu.memory_space<vmem>> -> memref<16xi32, #tpu.memory_space<vmem>>
    %dma_start3A_774 = arith.constant 0 : i32
    %dma_start3A_775 = arith.constant 0 : i32
    %dma_start3A_776 = tpu.memref_slice %arg4[%dma_start3A_774, %dma_start3A_775] : memref<100000x768xf32, #tpu.memory_space<hbm>> -> memref<100000x768xf32, #tpu.memory_space<hbm>>
    tpu.enqueue_indirect_dma source(%dma_start3A_776 : memref<100000x768xf32, #tpu.memory_space<hbm>>) target(%arg17 : memref<16x768xf32, #tpu.memory_space<vmem>>) offsets(%dma_start3A_773 : memref<16xi32, #tpu.memory_space<vmem>>) semaphore(%arg25 : memref<!tpu.dma_semaphore, #tpu.memory_space<semaphore_mem>>)
    %dma_wait3A = arith.constant 0 : i32
    %dma_wait3A_777 = tpu.memref_slice %arg6[%add3A_737, %dma_wait3A] : memref<2048x768xf32, #tpu.memory_space<hbm>> -> memref<16x768xf32, #tpu.memory_space<hbm>>
    %dma_wait3A_778 = arith.constant 0 : i32
    %dma_wait3A_779 = tpu.memref_slice %arg6[%add3A_737, %dma_wait3A_778] : memref<2048x768xf32, #tpu.memory_space<hbm>> -> memref<16x768xf32, #tpu.memory_space<hbm>>
    tpu.wait_dma2 semaphore(%arg26 : memref<!tpu.dma_semaphore, #tpu.memory_space<semaphore_mem>>) src(%dma_wait3A_779 : memref<16x768xf32, #tpu.memory_space<hbm>>) dst(%arg18 : memref<16x768xf32, #tpu.memory_space<vmem>>)
    %parallel_loop3A = arith.constant 0 : i32
    %parallel_loop3A_780 = arith.constant 16 : i32
    %parallel_loop3A_781 = arith.constant 1 : i32
    scf.for %parallel_loop3A_1248 = %parallel_loop3A to %parallel_loop3A_780 step %parallel_loop3A_781  : i32 {
      %parallel_loop3A_1249 = arith.constant 0 : i32
      %parallel_loop3A_1250 = arith.constant 48 : i32
      %parallel_loop3A_1251 = arith.constant 1 : i32
      scf.for %parallel_loop3A_1252 = %parallel_loop3A_1249 to %parallel_loop3A_1250 step %parallel_loop3A_1251  : i32 {
        %parallel_loop3A_1253 = arith.constant 16 : i32
        %parallel_loop3A_1254 = arith.muli %parallel_loop3A_1252, %parallel_loop3A_1253 : i32
        %parallel_loop3A_1255 = arith.index_cast %parallel_loop3A_1248 : i32 to index
        %parallel_loop3A_1256 = arith.index_cast %parallel_loop3A_1254 : i32 to index
        %parallel_loop3A_1257 = tpu.vector_load %arg18[%parallel_loop3A_1255, %parallel_loop3A_1256] {strides = array<i32>} : memref<16x768xf32, #tpu.memory_space<vmem>>, vector<1x16xf32>,
        %parallel_loop3A_1258 = vector.shape_cast %parallel_loop3A_1257 : vector<1x16xf32> to vector<16xf32>
        %parallel_loop3A_1259 = arith.constant 0 : i32
        %parallel_loop3A_1260 = arith.index_cast %parallel_loop3A_1259 : i32 to index
        %parallel_loop3A_1261 = arith.index_cast %parallel_loop3A_1254 : i32 to index
        %parallel_loop3A_1262 = tpu.vector_load %arg10[%parallel_loop3A_1260, %parallel_loop3A_1261] {strides = array<i32>} : memref<2x768xf32, #tpu.memory_space<vmem>>, vector<1x16xf32>,
        %parallel_loop3A_1263 = vector.shape_cast %parallel_loop3A_1262 : vector<1x16xf32> to vector<16xf32>
        %parallel_loop3A_1264 = arith.addf %parallel_loop3A_1258, %parallel_loop3A_1263 : vector<16xf32>
        %parallel_loop3A_1265 = arith.index_cast %parallel_loop3A_1248 : i32 to index
        %parallel_loop3A_1266 = arith.index_cast %parallel_loop3A_1254 : i32 to index
        %parallel_loop3A_1267 = tpu.vector_load %arg18[%parallel_loop3A_1265, %parallel_loop3A_1266] {strides = array<i32>} : memref<16x768xf32, #tpu.memory_space<vmem>>, vector<1x16xf32>,
        %parallel_loop3A_1268 = vector.shape_cast %parallel_loop3A_1267 : vector<1x16xf32> to vector<16xf32>
        %parallel_loop3A_1269 = vector.shape_cast %parallel_loop3A_1264 : vector<16xf32> to vector<1x16xf32>
        tpu.vector_store %arg18[%parallel_loop3A_1265, %parallel_loop3A_1266], %parallel_loop3A_1269 {strides = array<i32>} : memref<16x768xf32, #tpu.memory_space<vmem>>, vector<1x16xf32>,
      } {sc.loop_unroll_factor = 8 : i64, sc.parallel_access}
    } {sc.loop_unroll_factor = 1 : i64, sc.parallel_access}
    %dma_wait3A_782 = arith.constant 0 : i32
    %dma_wait3A_783 = tpu.memref_slice %arg8[%dma_wait3A_782] : memref<256xi32, #tpu.memory_space<vmem>> -> memref<16xi32, #tpu.memory_space<vmem>>
    %dma_wait3A_784 = arith.constant 0 : i32
    %dma_wait3A_785 = arith.constant 0 : i32
    %dma_wait3A_786 = tpu.memref_slice %arg4[%dma_wait3A_784, %dma_wait3A_785] : memref<100000x768xf32, #tpu.memory_space<hbm>> -> memref<100000x768xf32, #tpu.memory_space<hbm>>
    tpu.wait_indirect_dma semaphore(%arg20 : memref<!tpu.dma_semaphore, #tpu.memory_space<semaphore_mem>>) src(%dma_wait3A_786 : memref<100000x768xf32, #tpu.memory_space<hbm>>) dst(%arg12 : memref<16x768xf32, #tpu.memory_space<vmem>>)
    %get3A_787 = arith.constant 0 : index
    %get3A_788 = tpu.vector_load %arg9[%get3A_787] {strides = array<i32>} : memref<256xi32, #tpu.memory_space<vmem>>, vector<16xi32>,
    %get3A_789 = vector.shape_cast %get3A_788 : vector<16xi32> to vector<16xi32>
    %convert_element_type3A = arith.sitofp %get3A_789 : vector<16xi32> to vector<16xf32>
    %parallel_loop3A_790 = arith.constant 0 : i32
    %parallel_loop3A_791 = arith.constant 16 : i32
    %parallel_loop3A_792 = arith.constant 1 : i32
    scf.for %parallel_loop3A_1248 = %parallel_loop3A_790 to %parallel_loop3A_791 step %parallel_loop3A_792  : i32 {
      %parallel_loop3A_1249 = vector.broadcast %parallel_loop3A_1248 : i32 to vector<16x1xi32>
      %parallel_loop3A_1250 = vector.shape_cast %parallel_loop3A_1249 : vector<16x1xi32> to vector<16xi32>
      %parallel_loop3A_1251 = tpu.dynamic_gather %convert_element_type3A[%parallel_loop3A_1250] in [0] : vector<16xf32>, vector<16xi32> -> vector<16xf32>
      %parallel_loop3A_1252 = arith.constant 0 : i32
      %parallel_loop3A_1253 = arith.constant 48 : i32
      %parallel_loop3A_1254 = arith.constant 1 : i32
      scf.for %parallel_loop3A_1255 = %parallel_loop3A_1252 to %parallel_loop3A_1253 step %parallel_loop3A_1254  : i32 {
        %parallel_loop3A_1256 = arith.constant 16 : i32
        %parallel_loop3A_1257 = arith.muli %parallel_loop3A_1255, %parallel_loop3A_1256 : i32
        %parallel_loop3A_1258 = arith.index_cast %parallel_loop3A_1248 : i32 to index
        %parallel_loop3A_1259 = arith.index_cast %parallel_loop3A_1257 : i32 to index
        %parallel_loop3A_1260 = tpu.vector_load %arg18[%parallel_loop3A_1258, %parallel_loop3A_1259] {strides = array<i32>} : memref<16x768xf32, #tpu.memory_space<vmem>>, vector<1x16xf32>,
        %parallel_loop3A_1261 = vector.shape_cast %parallel_loop3A_1260 : vector<1x16xf32> to vector<16xf32>
        %parallel_loop3A_1262 = arith.index_cast %parallel_loop3A_1257 : i32 to index
        %parallel_loop3A_1263 = tpu.vector_load %arg11[%parallel_loop3A_1262] {strides = array<i32>} : memref<768xf32, #tpu.memory_space<vmem>>, vector<16xf32>,
        %parallel_loop3A_1264 = vector.shape_cast %parallel_loop3A_1263 : vector<16xf32> to vector<16xf32>
        %parallel_loop3A_1265 = arith.mulf %parallel_loop3A_1251, %parallel_loop3A_1264 : vector<16xf32>
        %parallel_loop3A_1266 = arith.addf %parallel_loop3A_1261, %parallel_loop3A_1265 : vector<16xf32>
        %parallel_loop3A_1267 = arith.index_cast %parallel_loop3A_1248 : i32 to index
        %parallel_loop3A_1268 = arith.index_cast %parallel_loop3A_1257 : i32 to index
        %parallel_loop3A_1269 = tpu.vector_load %arg12[%parallel_loop3A_1267, %parallel_loop3A_1268] {strides = array<i32>} : memref<16x768xf32, #tpu.memory_space<vmem>>, vector<1x16xf32>,
        %parallel_loop3A_1270 = vector.shape_cast %parallel_loop3A_1269 : vector<1x16xf32> to vector<16xf32>
        %parallel_loop3A_1271 = vector.shape_cast %parallel_loop3A_1266 : vector<16xf32> to vector<1x16xf32>
        tpu.vector_store %arg12[%parallel_loop3A_1267, %parallel_loop3A_1268], %parallel_loop3A_1271 {add = true, strides = array<i32>} : memref<16x768xf32, #tpu.memory_space<vmem>>, vector<1x16xf32>,
      } {sc.loop_unroll_factor = 8 : i64, sc.parallel_access}
    } {sc.loop_unroll_factor = 1 : i64, sc.parallel_access}
    %add3A_793 = arith.constant 0 : i32
    %add3A_794 = arith.addi %add3A_793, %mul3A_2 : i32
    %add3A_795 = arith.constant 0 : i32
    %add3A_796 = arith.addi %add3A_794, %add3A_795 : i32
    %dma_start3A_797 = arith.constant 0 : i32
    %dma_start3A_798 = tpu.memref_slice %arg7[%add3A_796, %dma_start3A_797] : memref<8192x768xf32, #tpu.memory_space<hbm>> -> memref<16x768xf32, #tpu.memory_space<hbm>>
    %dma_start3A_799 = arith.constant 0 : i32
    %dma_start3A_800 = tpu.memref_slice %arg7[%add3A_796, %dma_start3A_799] : memref<8192x768xf32, #tpu.memory_space<hbm>> -> memref<16x768xf32, #tpu.memory_space<hbm>>
    tpu.enqueue_dma source(%arg12 : memref<16x768xf32, #tpu.memory_space<vmem>>) target(%dma_start3A_800 : memref<16x768xf32, #tpu.memory_space<hbm>>) target_semaphore(%arg28 : memref<!tpu.dma_semaphore, #tpu.memory_space<semaphore_mem>>)
    %dma_wait3A_801 = arith.constant 0 : i32
    %dma_wait3A_802 = tpu.memref_slice %arg7[%add3A_796, %dma_wait3A_801] : memref<8192x768xf32, #tpu.memory_space<hbm>> -> memref<16x768xf32, #tpu.memory_space<hbm>>
    %dma_wait3A_803 = arith.constant 0 : i32
    %dma_wait3A_804 = tpu.memref_slice %arg7[%add3A_796, %dma_wait3A_803] : memref<8192x768xf32, #tpu.memory_space<hbm>> -> memref<16x768xf32, #tpu.memory_space<hbm>>
    tpu.wait_dma2 semaphore(%arg28 : memref<!tpu.dma_semaphore, #tpu.memory_space<semaphore_mem>>) src(%arg12 : memref<16x768xf32, #tpu.memory_space<vmem>>) dst(%dma_wait3A_804 : memref<16x768xf32, #tpu.memory_space<hbm>>)
    %dma_start3A_805 = arith.constant 144 : i32
    %dma_start3A_806 = tpu.memref_slice %arg8[%dma_start3A_805] : memref<256xi32, #tpu.memory_space<vmem>> -> memref<16xi32, #tpu.memory_space<vmem>>
    %dma_start3A_807 = arith.constant 0 : i32
    %dma_start3A_808 = arith.constant 0 : i32
    %dma_start3A_809 = tpu.memref_slice %arg4[%dma_start3A_807, %dma_start3A_808] : memref<100000x768xf32, #tpu.memory_space<hbm>> -> memref<100000x768xf32, #tpu.memory_space<hbm>>
    tpu.enqueue_indirect_dma source(%dma_start3A_809 : memref<100000x768xf32, #tpu.memory_space<hbm>>) target(%arg12 : memref<16x768xf32, #tpu.memory_space<vmem>>) offsets(%dma_start3A_806 : memref<16xi32, #tpu.memory_space<vmem>>) semaphore(%arg20 : memref<!tpu.dma_semaphore, #tpu.memory_space<semaphore_mem>>)
    %dma_wait3A_810 = arith.constant 64 : i32
    %dma_wait3A_811 = tpu.memref_slice %arg8[%dma_wait3A_810] : memref<256xi32, #tpu.memory_space<vmem>> -> memref<16xi32, #tpu.memory_space<vmem>>
    %dma_wait3A_812 = arith.constant 0 : i32
    %dma_wait3A_813 = arith.constant 0 : i32
    %dma_wait3A_814 = tpu.memref_slice %arg4[%dma_wait3A_812, %dma_wait3A_813] : memref<100000x768xf32, #tpu.memory_space<hbm>> -> memref<100000x768xf32, #tpu.memory_space<hbm>>
    tpu.wait_indirect_dma semaphore(%arg21 : memref<!tpu.dma_semaphore, #tpu.memory_space<semaphore_mem>>) src(%dma_wait3A_814 : memref<100000x768xf32, #tpu.memory_space<hbm>>) dst(%arg13 : memref<16x768xf32, #tpu.memory_space<vmem>>)
    %get3A_815 = arith.constant 64 : index
    %get3A_816 = tpu.vector_load %arg9[%get3A_815] {strides = array<i32>} : memref<256xi32, #tpu.memory_space<vmem>>, vector<16xi32>,
    %get3A_817 = vector.shape_cast %get3A_816 : vector<16xi32> to vector<16xi32>
    %convert_element_type3A_818 = arith.sitofp %get3A_817 : vector<16xi32> to vector<16xf32>
    %parallel_loop3A_819 = arith.constant 0 : i32
    %parallel_loop3A_820 = arith.constant 16 : i32
    %parallel_loop3A_821 = arith.constant 1 : i32
    scf.for %parallel_loop3A_1248 = %parallel_loop3A_819 to %parallel_loop3A_820 step %parallel_loop3A_821  : i32 {
      %parallel_loop3A_1249 = vector.broadcast %parallel_loop3A_1248 : i32 to vector<16x1xi32>
      %parallel_loop3A_1250 = vector.shape_cast %parallel_loop3A_1249 : vector<16x1xi32> to vector<16xi32>
      %parallel_loop3A_1251 = tpu.dynamic_gather %convert_element_type3A_818[%parallel_loop3A_1250] in [0] : vector<16xf32>, vector<16xi32> -> vector<16xf32>
      %parallel_loop3A_1252 = arith.constant 0 : i32
      %parallel_loop3A_1253 = arith.constant 48 : i32
      %parallel_loop3A_1254 = arith.constant 1 : i32
      scf.for %parallel_loop3A_1255 = %parallel_loop3A_1252 to %parallel_loop3A_1253 step %parallel_loop3A_1254  : i32 {
        %parallel_loop3A_1256 = arith.constant 16 : i32
        %parallel_loop3A_1257 = arith.muli %parallel_loop3A_1255, %parallel_loop3A_1256 : i32
        %parallel_loop3A_1258 = arith.index_cast %parallel_loop3A_1248 : i32 to index
        %parallel_loop3A_1259 = arith.index_cast %parallel_loop3A_1257 : i32 to index
        %parallel_loop3A_1260 = tpu.vector_load %arg18[%parallel_loop3A_1258, %parallel_loop3A_1259] {strides = array<i32>} : memref<16x768xf32, #tpu.memory_space<vmem>>, vector<1x16xf32>,
        %parallel_loop3A_1261 = vector.shape_cast %parallel_loop3A_1260 : vector<1x16xf32> to vector<16xf32>
        %parallel_loop3A_1262 = arith.index_cast %parallel_loop3A_1257 : i32 to index
        %parallel_loop3A_1263 = tpu.vector_load %arg11[%parallel_loop3A_1262] {strides = array<i32>} : memref<768xf32, #tpu.memory_space<vmem>>, vector<16xf32>,
        %parallel_loop3A_1264 = vector.shape_cast %parallel_loop3A_1263 : vector<16xf32> to vector<16xf32>
        %parallel_loop3A_1265 = arith.mulf %parallel_loop3A_1251, %parallel_loop3A_1264 : vector<16xf32>
        %parallel_loop3A_1266 = arith.addf %parallel_loop3A_1261, %parallel_loop3A_1265 : vector<16xf32>
        %parallel_loop3A_1267 = arith.index_cast %parallel_loop3A_1248 : i32 to index
        %parallel_loop3A_1268 = arith.index_cast %parallel_loop3A_1257 : i32 to index
        %parallel_loop3A_1269 = tpu.vector_load %arg13[%parallel_loop3A_1267, %parallel_loop3A_1268] {strides = array<i32>} : memref<16x768xf32, #tpu.memory_space<vmem>>, vector<1x16xf32>,
        %parallel_loop3A_1270 = vector.shape_cast %parallel_loop3A_1269 : vector<1x16xf32> to vector<16xf32>
        %parallel_loop3A_1271 = vector.shape_cast %parallel_loop3A_1266 : vector<16xf32> to vector<1x16xf32>
        tpu.vector_store %arg13[%parallel_loop3A_1267, %parallel_loop3A_1268], %parallel_loop3A_1271 {add = true, strides = array<i32>} : memref<16x768xf32, #tpu.memory_space<vmem>>, vector<1x16xf32>,
      } {sc.loop_unroll_factor = 8 : i64, sc.parallel_access}
    } {sc.loop_unroll_factor = 1 : i64, sc.parallel_access}
    %add3A_822 = arith.constant 2048 : i32
    %add3A_823 = arith.addi %add3A_822, %mul3A_2 : i32
    %add3A_824 = arith.constant 0 : i32
    %add3A_825 = arith.addi %add3A_823, %add3A_824 : i32
    %dma_start3A_826 = arith.constant 0 : i32
    %dma_start3A_827 = tpu.memref_slice %arg7[%add3A_825, %dma_start3A_826] : memref<8192x768xf32, #tpu.memory_space<hbm>> -> memref<16x768xf32, #tpu.memory_space<hbm>>
    %dma_start3A_828 = arith.constant 0 : i32
    %dma_start3A_829 = tpu.memref_slice %arg7[%add3A_825, %dma_start3A_828] : memref<8192x768xf32, #tpu.memory_space<hbm>> -> memref<16x768xf32, #tpu.memory_space<hbm>>
    tpu.enqueue_dma source(%arg13 : memref<16x768xf32, #tpu.memory_space<vmem>>) target(%dma_start3A_829 : memref<16x768xf32, #tpu.memory_space<hbm>>) target_semaphore(%arg29 : memref<!tpu.dma_semaphore, #tpu.memory_space<semaphore_mem>>)
    %dma_wait3A_830 = arith.constant 0 : i32
    %dma_wait3A_831 = tpu.memref_slice %arg7[%add3A_825, %dma_wait3A_830] : memref<8192x768xf32, #tpu.memory_space<hbm>> -> memref<16x768xf32, #tpu.memory_space<hbm>>
    %dma_wait3A_832 = arith.constant 0 : i32
    %dma_wait3A_833 = tpu.memref_slice %arg7[%add3A_825, %dma_wait3A_832] : memref<8192x768xf32, #tpu.memory_space<hbm>> -> memref<16x768xf32, #tpu.memory_space<hbm>>
    tpu.wait_dma2 semaphore(%arg29 : memref<!tpu.dma_semaphore, #tpu.memory_space<semaphore_mem>>) src(%arg13 : memref<16x768xf32, #tpu.memory_space<vmem>>) dst(%dma_wait3A_833 : memref<16x768xf32, #tpu.memory_space<hbm>>)
    %dma_start3A_834 = arith.constant 208 : i32
    %dma_start3A_835 = tpu.memref_slice %arg8[%dma_start3A_834] : memref<256xi32, #tpu.memory_space<vmem>> -> memref<16xi32, #tpu.memory_space<vmem>>
    %dma_start3A_836 = arith.constant 0 : i32
    %dma_start3A_837 = arith.constant 0 : i32
    %dma_start3A_838 = tpu.memref_slice %arg4[%dma_start3A_836, %dma_start3A_837] : memref<100000x768xf32, #tpu.memory_space<hbm>> -> memref<100000x768xf32, #tpu.memory_space<hbm>>
    tpu.enqueue_indirect_dma source(%dma_start3A_838 : memref<100000x768xf32, #tpu.memory_space<hbm>>) target(%arg13 : memref<16x768xf32, #tpu.memory_space<vmem>>) offsets(%dma_start3A_835 : memref<16xi32, #tpu.memory_space<vmem>>) semaphore(%arg21 : memref<!tpu.dma_semaphore, #tpu.memory_space<semaphore_mem>>)
    %dma_wait3A_839 = arith.constant 128 : i32
    %dma_wait3A_840 = tpu.memref_slice %arg8[%dma_wait3A_839] : memref<256xi32, #tpu.memory_space<vmem>> -> memref<16xi32, #tpu.memory_space<vmem>>
    %dma_wait3A_841 = arith.constant 0 : i32
    %dma_wait3A_842 = arith.constant 0 : i32
    %dma_wait3A_843 = tpu.memref_slice %arg4[%dma_wait3A_841, %dma_wait3A_842] : memref<100000x768xf32, #tpu.memory_space<hbm>> -> memref<100000x768xf32, #tpu.memory_space<hbm>>
    tpu.wait_indirect_dma semaphore(%arg22 : memref<!tpu.dma_semaphore, #tpu.memory_space<semaphore_mem>>) src(%dma_wait3A_843 : memref<100000x768xf32, #tpu.memory_space<hbm>>) dst(%arg14 : memref<16x768xf32, #tpu.memory_space<vmem>>)
    %get3A_844 = arith.constant 128 : index
    %get3A_845 = tpu.vector_load %arg9[%get3A_844] {strides = array<i32>} : memref<256xi32, #tpu.memory_space<vmem>>, vector<16xi32>,
    %get3A_846 = vector.shape_cast %get3A_845 : vector<16xi32> to vector<16xi32>
    %convert_element_type3A_847 = arith.sitofp %get3A_846 : vector<16xi32> to vector<16xf32>
    %parallel_loop3A_848 = arith.constant 0 : i32
    %parallel_loop3A_849 = arith.constant 16 : i32
    %parallel_loop3A_850 = arith.constant 1 : i32
    scf.for %parallel_loop3A_1248 = %parallel_loop3A_848 to %parallel_loop3A_849 step %parallel_loop3A_850  : i32 {
      %parallel_loop3A_1249 = vector.broadcast %parallel_loop3A_1248 : i32 to vector<16x1xi32>
      %parallel_loop3A_1250 = vector.shape_cast %parallel_loop3A_1249 : vector<16x1xi32> to vector<16xi32>
      %parallel_loop3A_1251 = tpu.dynamic_gather %convert_element_type3A_847[%parallel_loop3A_1250] in [0] : vector<16xf32>, vector<16xi32> -> vector<16xf32>
      %parallel_loop3A_1252 = arith.constant 0 : i32
      %parallel_loop3A_1253 = arith.constant 48 : i32
      %parallel_loop3A_1254 = arith.constant 1 : i32
      scf.for %parallel_loop3A_1255 = %parallel_loop3A_1252 to %parallel_loop3A_1253 step %parallel_loop3A_1254  : i32 {
        %parallel_loop3A_1256 = arith.constant 16 : i32
        %parallel_loop3A_1257 = arith.muli %parallel_loop3A_1255, %parallel_loop3A_1256 : i32
        %parallel_loop3A_1258 = arith.index_cast %parallel_loop3A_1248 : i32 to index
        %parallel_loop3A_1259 = arith.index_cast %parallel_loop3A_1257 : i32 to index
        %parallel_loop3A_1260 = tpu.vector_load %arg18[%parallel_loop3A_1258, %parallel_loop3A_1259] {strides = array<i32>} : memref<16x768xf32, #tpu.memory_space<vmem>>, vector<1x16xf32>,
        %parallel_loop3A_1261 = vector.shape_cast %parallel_loop3A_1260 : vector<1x16xf32> to vector<16xf32>
        %parallel_loop3A_1262 = arith.index_cast %parallel_loop3A_1257 : i32 to index
        %parallel_loop3A_1263 = tpu.vector_load %arg11[%parallel_loop3A_1262] {strides = array<i32>} : memref<768xf32, #tpu.memory_space<vmem>>, vector<16xf32>,
        %parallel_loop3A_1264 = vector.shape_cast %parallel_loop3A_1263 : vector<16xf32> to vector<16xf32>
        %parallel_loop3A_1265 = arith.mulf %parallel_loop3A_1251, %parallel_loop3A_1264 : vector<16xf32>
        %parallel_loop3A_1266 = arith.addf %parallel_loop3A_1261, %parallel_loop3A_1265 : vector<16xf32>
        %parallel_loop3A_1267 = arith.index_cast %parallel_loop3A_1248 : i32 to index
        %parallel_loop3A_1268 = arith.index_cast %parallel_loop3A_1257 : i32 to index
        %parallel_loop3A_1269 = tpu.vector_load %arg14[%parallel_loop3A_1267, %parallel_loop3A_1268] {strides = array<i32>} : memref<16x768xf32, #tpu.memory_space<vmem>>, vector<1x16xf32>,
        %parallel_loop3A_1270 = vector.shape_cast %parallel_loop3A_1269 : vector<1x16xf32> to vector<16xf32>
        %parallel_loop3A_1271 = vector.shape_cast %parallel_loop3A_1266 : vector<16xf32> to vector<1x16xf32>
        tpu.vector_store %arg14[%parallel_loop3A_1267, %parallel_loop3A_1268], %parallel_loop3A_1271 {add = true, strides = array<i32>} : memref<16x768xf32, #tpu.memory_space<vmem>>, vector<1x16xf32>,
      } {sc.loop_unroll_factor = 8 : i64, sc.parallel_access}
    } {sc.loop_unroll_factor = 1 : i64, sc.parallel_access}
    %add3A_851 = arith.constant 4096 : i32
    %add3A_852 = arith.addi %add3A_851, %mul3A_2 : i32
    %add3A_853 = arith.constant 0 : i32
    %add3A_854 = arith.addi %add3A_852, %add3A_853 : i32
    %dma_start3A_855 = arith.constant 0 : i32
    %dma_start3A_856 = tpu.memref_slice %arg7[%add3A_854, %dma_start3A_855] : memref<8192x768xf32, #tpu.memory_space<hbm>> -> memref<16x768xf32, #tpu.memory_space<hbm>>
    %dma_start3A_857 = arith.constant 0 : i32
    %dma_start3A_858 = tpu.memref_slice %arg7[%add3A_854, %dma_start3A_857] : memref<8192x768xf32, #tpu.memory_space<hbm>> -> memref<16x768xf32, #tpu.memory_space<hbm>>
    tpu.enqueue_dma source(%arg14 : memref<16x768xf32, #tpu.memory_space<vmem>>) target(%dma_start3A_858 : memref<16x768xf32, #tpu.memory_space<hbm>>) target_semaphore(%arg30 : memref<!tpu.dma_semaphore, #tpu.memory_space<semaphore_mem>>)
    %dma_wait3A_859 = arith.constant 0 : i32
    %dma_wait3A_860 = tpu.memref_slice %arg7[%add3A_854, %dma_wait3A_859] : memref<8192x768xf32, #tpu.memory_space<hbm>> -> memref<16x768xf32, #tpu.memory_space<hbm>>
    %dma_wait3A_861 = arith.constant 0 : i32
    %dma_wait3A_862 = tpu.memref_slice %arg7[%add3A_854, %dma_wait3A_861] : memref<8192x768xf32, #tpu.memory_space<hbm>> -> memref<16x768xf32, #tpu.memory_space<hbm>>
    tpu.wait_dma2 semaphore(%arg30 : memref<!tpu.dma_semaphore, #tpu.memory_space<semaphore_mem>>) src(%arg14 : memref<16x768xf32, #tpu.memory_space<vmem>>) dst(%dma_wait3A_862 : memref<16x768xf32, #tpu.memory_space<hbm>>)
    %dma_start3A_863 = arith.constant 32 : i32
    %dma_start3A_864 = tpu.memref_slice %arg8[%dma_start3A_863] : memref<256xi32, #tpu.memory_space<vmem>> -> memref<16xi32, #tpu.memory_space<vmem>>
    %dma_start3A_865 = arith.constant 0 : i32
    %dma_start3A_866 = arith.constant 0 : i32
    %dma_start3A_867 = tpu.memref_slice %arg4[%dma_start3A_865, %dma_start3A_866] : memref<100000x768xf32, #tpu.memory_space<hbm>> -> memref<100000x768xf32, #tpu.memory_space<hbm>>
    tpu.enqueue_indirect_dma source(%dma_start3A_867 : memref<100000x768xf32, #tpu.memory_space<hbm>>) target(%arg14 : memref<16x768xf32, #tpu.memory_space<vmem>>) offsets(%dma_start3A_864 : memref<16xi32, #tpu.memory_space<vmem>>) semaphore(%arg22 : memref<!tpu.dma_semaphore, #tpu.memory_space<semaphore_mem>>)
    %dma_wait3A_868 = arith.constant 192 : i32
    %dma_wait3A_869 = tpu.memref_slice %arg8[%dma_wait3A_868] : memref<256xi32, #tpu.memory_space<vmem>> -> memref<16xi32, #tpu.memory_space<vmem>>
    %dma_wait3A_870 = arith.constant 0 : i32
    %dma_wait3A_871 = arith.constant 0 : i32
    %dma_wait3A_872 = tpu.memref_slice %arg4[%dma_wait3A_870, %dma_wait3A_871] : memref<100000x768xf32, #tpu.memory_space<hbm>> -> memref<100000x768xf32, #tpu.memory_space<hbm>>
    tpu.wait_indirect_dma semaphore(%arg23 : memref<!tpu.dma_semaphore, #tpu.memory_space<semaphore_mem>>) src(%dma_wait3A_872 : memref<100000x768xf32, #tpu.memory_space<hbm>>) dst(%arg15 : memref<16x768xf32, #tpu.memory_space<vmem>>)
    %get3A_873 = arith.constant 192 : index
    %get3A_874 = tpu.vector_load %arg9[%get3A_873] {strides = array<i32>} : memref<256xi32, #tpu.memory_space<vmem>>, vector<16xi32>,
    %get3A_875 = vector.shape_cast %get3A_874 : vector<16xi32> to vector<16xi32>
    %convert_element_type3A_876 = arith.sitofp %get3A_875 : vector<16xi32> to vector<16xf32>
    %parallel_loop3A_877 = arith.constant 0 : i32
    %parallel_loop3A_878 = arith.constant 16 : i32
    %parallel_loop3A_879 = arith.constant 1 : i32
    scf.for %parallel_loop3A_1248 = %parallel_loop3A_877 to %parallel_loop3A_878 step %parallel_loop3A_879  : i32 {
      %parallel_loop3A_1249 = vector.broadcast %parallel_loop3A_1248 : i32 to vector<16x1xi32>
      %parallel_loop3A_1250 = vector.shape_cast %parallel_loop3A_1249 : vector<16x1xi32> to vector<16xi32>
      %parallel_loop3A_1251 = tpu.dynamic_gather %convert_element_type3A_876[%parallel_loop3A_1250] in [0] : vector<16xf32>, vector<16xi32> -> vector<16xf32>
      %parallel_loop3A_1252 = arith.constant 0 : i32
      %parallel_loop3A_1253 = arith.constant 48 : i32
      %parallel_loop3A_1254 = arith.constant 1 : i32
      scf.for %parallel_loop3A_1255 = %parallel_loop3A_1252 to %parallel_loop3A_1253 step %parallel_loop3A_1254  : i32 {
        %parallel_loop3A_1256 = arith.constant 16 : i32
        %parallel_loop3A_1257 = arith.muli %parallel_loop3A_1255, %parallel_loop3A_1256 : i32
        %parallel_loop3A_1258 = arith.index_cast %parallel_loop3A_1248 : i32 to index
        %parallel_loop3A_1259 = arith.index_cast %parallel_loop3A_1257 : i32 to index
        %parallel_loop3A_1260 = tpu.vector_load %arg18[%parallel_loop3A_1258, %parallel_loop3A_1259] {strides = array<i32>} : memref<16x768xf32, #tpu.memory_space<vmem>>, vector<1x16xf32>,
        %parallel_loop3A_1261 = vector.shape_cast %parallel_loop3A_1260 : vector<1x16xf32> to vector<16xf32>
        %parallel_loop3A_1262 = arith.index_cast %parallel_loop3A_1257 : i32 to index
        %parallel_loop3A_1263 = tpu.vector_load %arg11[%parallel_loop3A_1262] {strides = array<i32>} : memref<768xf32, #tpu.memory_space<vmem>>, vector<16xf32>,
        %parallel_loop3A_1264 = vector.shape_cast %parallel_loop3A_1263 : vector<16xf32> to vector<16xf32>
        %parallel_loop3A_1265 = arith.mulf %parallel_loop3A_1251, %parallel_loop3A_1264 : vector<16xf32>
        %parallel_loop3A_1266 = arith.addf %parallel_loop3A_1261, %parallel_loop3A_1265 : vector<16xf32>
        %parallel_loop3A_1267 = arith.index_cast %parallel_loop3A_1248 : i32 to index
        %parallel_loop3A_1268 = arith.index_cast %parallel_loop3A_1257 : i32 to index
        %parallel_loop3A_1269 = tpu.vector_load %arg15[%parallel_loop3A_1267, %parallel_loop3A_1268] {strides = array<i32>} : memref<16x768xf32, #tpu.memory_space<vmem>>, vector<1x16xf32>,
        %parallel_loop3A_1270 = vector.shape_cast %parallel_loop3A_1269 : vector<1x16xf32> to vector<16xf32>
        %parallel_loop3A_1271 = vector.shape_cast %parallel_loop3A_1266 : vector<16xf32> to vector<1x16xf32>
        tpu.vector_store %arg15[%parallel_loop3A_1267, %parallel_loop3A_1268], %parallel_loop3A_1271 {add = true, strides = array<i32>} : memref<16x768xf32, #tpu.memory_space<vmem>>, vector<1x16xf32>,
      } {sc.loop_unroll_factor = 8 : i64, sc.parallel_access}
    } {sc.loop_unroll_factor = 1 : i64, sc.parallel_access}
    %add3A_880 = arith.constant 32 : i32
    %add3A_881 = arith.addi %mul3A_2, %add3A_880 : i32
    %dma_start3A_882 = arith.constant 0 : i32
    %dma_start3A_883 = tpu.memref_slice %arg6[%add3A_881, %dma_start3A_882] : memref<2048x768xf32, #tpu.memory_space<hbm>> -> memref<16x768xf32, #tpu.memory_space<hbm>>
    %dma_start3A_884 = arith.constant 0 : i32
    %dma_start3A_885 = tpu.memref_slice %arg6[%add3A_881, %dma_start3A_884] : memref<2048x768xf32, #tpu.memory_space<hbm>> -> memref<16x768xf32, #tpu.memory_space<hbm>>
    tpu.enqueue_dma source(%dma_start3A_885 : memref<16x768xf32, #tpu.memory_space<hbm>>) target(%arg18 : memref<16x768xf32, #tpu.memory_space<vmem>>) target_semaphore(%arg26 : memref<!tpu.dma_semaphore, #tpu.memory_space<semaphore_mem>>)
    %add3A_886 = arith.constant 6144 : i32
    %add3A_887 = arith.addi %add3A_886, %mul3A_2 : i32
    %add3A_888 = arith.constant 0 : i32
    %add3A_889 = arith.addi %add3A_887, %add3A_888 : i32
    %dma_start3A_890 = arith.constant 0 : i32
    %dma_start3A_891 = tpu.memref_slice %arg7[%add3A_889, %dma_start3A_890] : memref<8192x768xf32, #tpu.memory_space<hbm>> -> memref<16x768xf32, #tpu.memory_space<hbm>>
    %dma_start3A_892 = arith.constant 0 : i32
    %dma_start3A_893 = tpu.memref_slice %arg7[%add3A_889, %dma_start3A_892] : memref<8192x768xf32, #tpu.memory_space<hbm>> -> memref<16x768xf32, #tpu.memory_space<hbm>>
    tpu.enqueue_dma source(%arg15 : memref<16x768xf32, #tpu.memory_space<vmem>>) target(%dma_start3A_893 : memref<16x768xf32, #tpu.memory_space<hbm>>) target_semaphore(%arg31 : memref<!tpu.dma_semaphore, #tpu.memory_space<semaphore_mem>>)
    %dma_wait3A_894 = arith.constant 0 : i32
    %dma_wait3A_895 = tpu.memref_slice %arg7[%add3A_889, %dma_wait3A_894] : memref<8192x768xf32, #tpu.memory_space<hbm>> -> memref<16x768xf32, #tpu.memory_space<hbm>>
    %dma_wait3A_896 = arith.constant 0 : i32
    %dma_wait3A_897 = tpu.memref_slice %arg7[%add3A_889, %dma_wait3A_896] : memref<8192x768xf32, #tpu.memory_space<hbm>> -> memref<16x768xf32, #tpu.memory_space<hbm>>
    tpu.wait_dma2 semaphore(%arg31 : memref<!tpu.dma_semaphore, #tpu.memory_space<semaphore_mem>>) src(%arg15 : memref<16x768xf32, #tpu.memory_space<vmem>>) dst(%dma_wait3A_897 : memref<16x768xf32, #tpu.memory_space<hbm>>)
    %dma_start3A_898 = arith.constant 96 : i32
    %dma_start3A_899 = tpu.memref_slice %arg8[%dma_start3A_898] : memref<256xi32, #tpu.memory_space<vmem>> -> memref<16xi32, #tpu.memory_space<vmem>>
    %dma_start3A_900 = arith.constant 0 : i32
    %dma_start3A_901 = arith.constant 0 : i32
    %dma_start3A_902 = tpu.memref_slice %arg4[%dma_start3A_900, %dma_start3A_901] : memref<100000x768xf32, #tpu.memory_space<hbm>> -> memref<100000x768xf32, #tpu.memory_space<hbm>>
    tpu.enqueue_indirect_dma source(%dma_start3A_902 : memref<100000x768xf32, #tpu.memory_space<hbm>>) target(%arg15 : memref<16x768xf32, #tpu.memory_space<vmem>>) offsets(%dma_start3A_899 : memref<16xi32, #tpu.memory_space<vmem>>) semaphore(%arg23 : memref<!tpu.dma_semaphore, #tpu.memory_space<semaphore_mem>>)
    %dma_wait3A_903 = arith.constant 0 : i32
    %dma_wait3A_904 = tpu.memref_slice %arg6[%add3A_742, %dma_wait3A_903] : memref<2048x768xf32, #tpu.memory_space<hbm>> -> memref<16x768xf32, #tpu.memory_space<hbm>>
    %dma_wait3A_905 = arith.constant 0 : i32
    %dma_wait3A_906 = tpu.memref_slice %arg6[%add3A_742, %dma_wait3A_905] : memref<2048x768xf32, #tpu.memory_space<hbm>> -> memref<16x768xf32, #tpu.memory_space<hbm>>
    tpu.wait_dma2 semaphore(%arg27 : memref<!tpu.dma_semaphore, #tpu.memory_space<semaphore_mem>>) src(%dma_wait3A_906 : memref<16x768xf32, #tpu.memory_space<hbm>>) dst(%arg19 : memref<16x768xf32, #tpu.memory_space<vmem>>)
    %parallel_loop3A_907 = arith.constant 0 : i32
    %parallel_loop3A_908 = arith.constant 16 : i32
    %parallel_loop3A_909 = arith.constant 1 : i32
    scf.for %parallel_loop3A_1248 = %parallel_loop3A_907 to %parallel_loop3A_908 step %parallel_loop3A_909  : i32 {
      %parallel_loop3A_1249 = arith.constant 0 : i32
      %parallel_loop3A_1250 = arith.constant 48 : i32
      %parallel_loop3A_1251 = arith.constant 1 : i32
      scf.for %parallel_loop3A_1252 = %parallel_loop3A_1249 to %parallel_loop3A_1250 step %parallel_loop3A_1251  : i32 {
        %parallel_loop3A_1253 = arith.constant 16 : i32
        %parallel_loop3A_1254 = arith.muli %parallel_loop3A_1252, %parallel_loop3A_1253 : i32
        %parallel_loop3A_1255 = arith.index_cast %parallel_loop3A_1248 : i32 to index
        %parallel_loop3A_1256 = arith.index_cast %parallel_loop3A_1254 : i32 to index
        %parallel_loop3A_1257 = tpu.vector_load %arg19[%parallel_loop3A_1255, %parallel_loop3A_1256] {strides = array<i32>} : memref<16x768xf32, #tpu.memory_space<vmem>>, vector<1x16xf32>,
        %parallel_loop3A_1258 = vector.shape_cast %parallel_loop3A_1257 : vector<1x16xf32> to vector<16xf32>
        %parallel_loop3A_1259 = arith.constant 0 : i32
        %parallel_loop3A_1260 = arith.index_cast %parallel_loop3A_1259 : i32 to index
        %parallel_loop3A_1261 = arith.index_cast %parallel_loop3A_1254 : i32 to index
        %parallel_loop3A_1262 = tpu.vector_load %arg10[%parallel_loop3A_1260, %parallel_loop3A_1261] {strides = array<i32>} : memref<2x768xf32, #tpu.memory_space<vmem>>, vector<1x16xf32>,
        %parallel_loop3A_1263 = vector.shape_cast %parallel_loop3A_1262 : vector<1x16xf32> to vector<16xf32>
        %parallel_loop3A_1264 = arith.addf %parallel_loop3A_1258, %parallel_loop3A_1263 : vector<16xf32>
        %parallel_loop3A_1265 = arith.index_cast %parallel_loop3A_1248 : i32 to index
        %parallel_loop3A_1266 = arith.index_cast %parallel_loop3A_1254 : i32 to index
        %parallel_loop3A_1267 = tpu.vector_load %arg19[%parallel_loop3A_1265, %parallel_loop3A_1266] {strides = array<i32>} : memref<16x768xf32, #tpu.memory_space<vmem>>, vector<1x16xf32>,
        %parallel_loop3A_1268 = vector.shape_cast %parallel_loop3A_1267 : vector<1x16xf32> to vector<16xf32>
        %parallel_loop3A_1269 = vector.shape_cast %parallel_loop3A_1264 : vector<16xf32> to vector<1x16xf32>
        tpu.vector_store %arg19[%parallel_loop3A_1265, %parallel_loop3A_1266], %parallel_loop3A_1269 {strides = array<i32>} : memref<16x768xf32, #tpu.memory_space<vmem>>, vector<1x16xf32>,
      } {sc.loop_unroll_factor = 8 : i64, sc.parallel_access}
    } {sc.loop_unroll_factor = 1 : i64, sc.parallel_access}
    %dma_wait3A_910 = arith.constant 16 : i32
    %dma_wait3A_911 = tpu.memref_slice %arg8[%dma_wait3A_910] : memref<256xi32, #tpu.memory_space<vmem>> -> memref<16xi32, #tpu.memory_space<vmem>>
    %dma_wait3A_912 = arith.constant 0 : i32
    %dma_wait3A_913 = arith.constant 0 : i32
    %dma_wait3A_914 = tpu.memref_slice %arg4[%dma_wait3A_912, %dma_wait3A_913] : memref<100000x768xf32, #tpu.memory_space<hbm>> -> memref<100000x768xf32, #tpu.memory_space<hbm>>
    tpu.wait_indirect_dma semaphore(%arg24 : memref<!tpu.dma_semaphore, #tpu.memory_space<semaphore_mem>>) src(%dma_wait3A_914 : memref<100000x768xf32, #tpu.memory_space<hbm>>) dst(%arg16 : memref<16x768xf32, #tpu.memory_space<vmem>>)
    %get3A_915 = arith.constant 16 : index
    %get3A_916 = tpu.vector_load %arg9[%get3A_915] {strides = array<i32>} : memref<256xi32, #tpu.memory_space<vmem>>, vector<16xi32>,
    %get3A_917 = vector.shape_cast %get3A_916 : vector<16xi32> to vector<16xi32>
    %convert_element_type3A_918 = arith.sitofp %get3A_917 : vector<16xi32> to vector<16xf32>
    %parallel_loop3A_919 = arith.constant 0 : i32
    %parallel_loop3A_920 = arith.constant 16 : i32
    %parallel_loop3A_921 = arith.constant 1 : i32
    scf.for %parallel_loop3A_1248 = %parallel_loop3A_919 to %parallel_loop3A_920 step %parallel_loop3A_921  : i32 {
      %parallel_loop3A_1249 = vector.broadcast %parallel_loop3A_1248 : i32 to vector<16x1xi32>
      %parallel_loop3A_1250 = vector.shape_cast %parallel_loop3A_1249 : vector<16x1xi32> to vector<16xi32>
      %parallel_loop3A_1251 = tpu.dynamic_gather %convert_element_type3A_918[%parallel_loop3A_1250] in [0] : vector<16xf32>, vector<16xi32> -> vector<16xf32>
      %parallel_loop3A_1252 = arith.constant 0 : i32
      %parallel_loop3A_1253 = arith.constant 48 : i32
      %parallel_loop3A_1254 = arith.constant 1 : i32
      scf.for %parallel_loop3A_1255 = %parallel_loop3A_1252 to %parallel_loop3A_1253 step %parallel_loop3A_1254  : i32 {
        %parallel_loop3A_1256 = arith.constant 16 : i32
        %parallel_loop3A_1257 = arith.muli %parallel_loop3A_1255, %parallel_loop3A_1256 : i32
        %parallel_loop3A_1258 = arith.index_cast %parallel_loop3A_1248 : i32 to index
        %parallel_loop3A_1259 = arith.index_cast %parallel_loop3A_1257 : i32 to index
        %parallel_loop3A_1260 = tpu.vector_load %arg19[%parallel_loop3A_1258, %parallel_loop3A_1259] {strides = array<i32>} : memref<16x768xf32, #tpu.memory_space<vmem>>, vector<1x16xf32>,
        %parallel_loop3A_1261 = vector.shape_cast %parallel_loop3A_1260 : vector<1x16xf32> to vector<16xf32>
        %parallel_loop3A_1262 = arith.index_cast %parallel_loop3A_1257 : i32 to index
        %parallel_loop3A_1263 = tpu.vector_load %arg11[%parallel_loop3A_1262] {strides = array<i32>} : memref<768xf32, #tpu.memory_space<vmem>>, vector<16xf32>,
        %parallel_loop3A_1264 = vector.shape_cast %parallel_loop3A_1263 : vector<16xf32> to vector<16xf32>
        %parallel_loop3A_1265 = arith.mulf %parallel_loop3A_1251, %parallel_loop3A_1264 : vector<16xf32>
        %parallel_loop3A_1266 = arith.addf %parallel_loop3A_1261, %parallel_loop3A_1265 : vector<16xf32>
        %parallel_loop3A_1267 = arith.index_cast %parallel_loop3A_1248 : i32 to index
        %parallel_loop3A_1268 = arith.index_cast %parallel_loop3A_1257 : i32 to index
        %parallel_loop3A_1269 = tpu.vector_load %arg16[%parallel_loop3A_1267, %parallel_loop3A_1268] {strides = array<i32>} : memref<16x768xf32, #tpu.memory_space<vmem>>, vector<1x16xf32>,
        %parallel_loop3A_1270 = vector.shape_cast %parallel_loop3A_1269 : vector<1x16xf32> to vector<16xf32>
        %parallel_loop3A_1271 = vector.shape_cast %parallel_loop3A_1266 : vector<16xf32> to vector<1x16xf32>
        tpu.vector_store %arg16[%parallel_loop3A_1267, %parallel_loop3A_1268], %parallel_loop3A_1271 {add = true, strides = array<i32>} : memref<16x768xf32, #tpu.memory_space<vmem>>, vector<1x16xf32>,
      } {sc.loop_unroll_factor = 8 : i64, sc.parallel_access}
    } {sc.loop_unroll_factor = 1 : i64, sc.parallel_access}
    %add3A_922 = arith.constant 0 : i32
    %add3A_923 = arith.addi %add3A_922, %mul3A_2 : i32
    %add3A_924 = arith.constant 16 : i32
    %add3A_925 = arith.addi %add3A_923, %add3A_924 : i32
    %dma_start3A_926 = arith.constant 0 : i32
    %dma_start3A_927 = tpu.memref_slice %arg7[%add3A_925, %dma_start3A_926] : memref<8192x768xf32, #tpu.memory_space<hbm>> -> memref<16x768xf32, #tpu.memory_space<hbm>>
    %dma_start3A_928 = arith.constant 0 : i32
    %dma_start3A_929 = tpu.memref_slice %arg7[%add3A_925, %dma_start3A_928] : memref<8192x768xf32, #tpu.memory_space<hbm>> -> memref<16x768xf32, #tpu.memory_space<hbm>>
    tpu.enqueue_dma source(%arg16 : memref<16x768xf32, #tpu.memory_space<vmem>>) target(%dma_start3A_929 : memref<16x768xf32, #tpu.memory_space<hbm>>) target_semaphore(%arg32 : memref<!tpu.dma_semaphore, #tpu.memory_space<semaphore_mem>>)
    %dma_wait3A_930 = arith.constant 0 : i32
    %dma_wait3A_931 = tpu.memref_slice %arg7[%add3A_925, %dma_wait3A_930] : memref<8192x768xf32, #tpu.memory_space<hbm>> -> memref<16x768xf32, #tpu.memory_space<hbm>>
    %dma_wait3A_932 = arith.constant 0 : i32
    %dma_wait3A_933 = tpu.memref_slice %arg7[%add3A_925, %dma_wait3A_932] : memref<8192x768xf32, #tpu.memory_space<hbm>> -> memref<16x768xf32, #tpu.memory_space<hbm>>
    tpu.wait_dma2 semaphore(%arg32 : memref<!tpu.dma_semaphore, #tpu.memory_space<semaphore_mem>>) src(%arg16 : memref<16x768xf32, #tpu.memory_space<vmem>>) dst(%dma_wait3A_933 : memref<16x768xf32, #tpu.memory_space<hbm>>)
    %dma_start3A_934 = arith.constant 160 : i32
    %dma_start3A_935 = tpu.memref_slice %arg8[%dma_start3A_934] : memref<256xi32, #tpu.memory_space<vmem>> -> memref<16xi32, #tpu.memory_space<vmem>>
    %dma_start3A_936 = arith.constant 0 : i32
    %dma_start3A_937 = arith.constant 0 : i32
    %dma_start3A_938 = tpu.memref_slice %arg4[%dma_start3A_936, %dma_start3A_937] : memref<100000x768xf32, #tpu.memory_space<hbm>> -> memref<100000x768xf32, #tpu.memory_space<hbm>>
    tpu.enqueue_indirect_dma source(%dma_start3A_938 : memref<100000x768xf32, #tpu.memory_space<hbm>>) target(%arg16 : memref<16x768xf32, #tpu.memory_space<vmem>>) offsets(%dma_start3A_935 : memref<16xi32, #tpu.memory_space<vmem>>) semaphore(%arg24 : memref<!tpu.dma_semaphore, #tpu.memory_space<semaphore_mem>>)
    %dma_wait3A_939 = arith.constant 80 : i32
    %dma_wait3A_940 = tpu.memref_slice %arg8[%dma_wait3A_939] : memref<256xi32, #tpu.memory_space<vmem>> -> memref<16xi32, #tpu.memory_space<vmem>>
    %dma_wait3A_941 = arith.constant 0 : i32
    %dma_wait3A_942 = arith.constant 0 : i32
    %dma_wait3A_943 = tpu.memref_slice %arg4[%dma_wait3A_941, %dma_wait3A_942] : memref<100000x768xf32, #tpu.memory_space<hbm>> -> memref<100000x768xf32, #tpu.memory_space<hbm>>
    tpu.wait_indirect_dma semaphore(%arg25 : memref<!tpu.dma_semaphore, #tpu.memory_space<semaphore_mem>>) src(%dma_wait3A_943 : memref<100000x768xf32, #tpu.memory_space<hbm>>) dst(%arg17 : memref<16x768xf32, #tpu.memory_space<vmem>>)
    %get3A_944 = arith.constant 80 : index
    %get3A_945 = tpu.vector_load %arg9[%get3A_944] {strides = array<i32>} : memref<256xi32, #tpu.memory_space<vmem>>, vector<16xi32>,
    %get3A_946 = vector.shape_cast %get3A_945 : vector<16xi32> to vector<16xi32>
    %convert_element_type3A_947 = arith.sitofp %get3A_946 : vector<16xi32> to vector<16xf32>
    %parallel_loop3A_948 = arith.constant 0 : i32
    %parallel_loop3A_949 = arith.constant 16 : i32
    %parallel_loop3A_950 = arith.constant 1 : i32
    scf.for %parallel_loop3A_1248 = %parallel_loop3A_948 to %parallel_loop3A_949 step %parallel_loop3A_950  : i32 {
      %parallel_loop3A_1249 = vector.broadcast %parallel_loop3A_1248 : i32 to vector<16x1xi32>
      %parallel_loop3A_1250 = vector.shape_cast %parallel_loop3A_1249 : vector<16x1xi32> to vector<16xi32>
      %parallel_loop3A_1251 = tpu.dynamic_gather %convert_element_type3A_947[%parallel_loop3A_1250] in [0] : vector<16xf32>, vector<16xi32> -> vector<16xf32>
      %parallel_loop3A_1252 = arith.constant 0 : i32
      %parallel_loop3A_1253 = arith.constant 48 : i32
      %parallel_loop3A_1254 = arith.constant 1 : i32
      scf.for %parallel_loop3A_1255 = %parallel_loop3A_1252 to %parallel_loop3A_1253 step %parallel_loop3A_1254  : i32 {
        %parallel_loop3A_1256 = arith.constant 16 : i32
        %parallel_loop3A_1257 = arith.muli %parallel_loop3A_1255, %parallel_loop3A_1256 : i32
        %parallel_loop3A_1258 = arith.index_cast %parallel_loop3A_1248 : i32 to index
        %parallel_loop3A_1259 = arith.index_cast %parallel_loop3A_1257 : i32 to index
        %parallel_loop3A_1260 = tpu.vector_load %arg19[%parallel_loop3A_1258, %parallel_loop3A_1259] {strides = array<i32>} : memref<16x768xf32, #tpu.memory_space<vmem>>, vector<1x16xf32>,
        %parallel_loop3A_1261 = vector.shape_cast %parallel_loop3A_1260 : vector<1x16xf32> to vector<16xf32>
        %parallel_loop3A_1262 = arith.index_cast %parallel_loop3A_1257 : i32 to index
        %parallel_loop3A_1263 = tpu.vector_load %arg11[%parallel_loop3A_1262] {strides = array<i32>} : memref<768xf32, #tpu.memory_space<vmem>>, vector<16xf32>,
        %parallel_loop3A_1264 = vector.shape_cast %parallel_loop3A_1263 : vector<16xf32> to vector<16xf32>
        %parallel_loop3A_1265 = arith.mulf %parallel_loop3A_1251, %parallel_loop3A_1264 : vector<16xf32>
        %parallel_loop3A_1266 = arith.addf %parallel_loop3A_1261, %parallel_loop3A_1265 : vector<16xf32>
        %parallel_loop3A_1267 = arith.index_cast %parallel_loop3A_1248 : i32 to index
        %parallel_loop3A_1268 = arith.index_cast %parallel_loop3A_1257 : i32 to index
        %parallel_loop3A_1269 = tpu.vector_load %arg17[%parallel_loop3A_1267, %parallel_loop3A_1268] {strides = array<i32>} : memref<16x768xf32, #tpu.memory_space<vmem>>, vector<1x16xf32>,
        %parallel_loop3A_1270 = vector.shape_cast %parallel_loop3A_1269 : vector<1x16xf32> to vector<16xf32>
        %parallel_loop3A_1271 = vector.shape_cast %parallel_loop3A_1266 : vector<16xf32> to vector<1x16xf32>
        tpu.vector_store %arg17[%parallel_loop3A_1267, %parallel_loop3A_1268], %parallel_loop3A_1271 {add = true, strides = array<i32>} : memref<16x768xf32, #tpu.memory_space<vmem>>, vector<1x16xf32>,
      } {sc.loop_unroll_factor = 8 : i64, sc.parallel_access}
    } {sc.loop_unroll_factor = 1 : i64, sc.parallel_access}
    %add3A_951 = arith.constant 2048 : i32
    %add3A_952 = arith.addi %add3A_951, %mul3A_2 : i32
    %add3A_953 = arith.constant 16 : i32
    %add3A_954 = arith.addi %add3A_952, %add3A_953 : i32
    %dma_start3A_955 = arith.constant 0 : i32
    %dma_start3A_956 = tpu.memref_slice %arg7[%add3A_954, %dma_start3A_955] : memref<8192x768xf32, #tpu.memory_space<hbm>> -> memref<16x768xf32, #tpu.memory_space<hbm>>
    %dma_start3A_957 = arith.constant 0 : i32
    %dma_start3A_958 = tpu.memref_slice %arg7[%add3A_954, %dma_start3A_957] : memref<8192x768xf32, #tpu.memory_space<hbm>> -> memref<16x768xf32, #tpu.memory_space<hbm>>
    tpu.enqueue_dma source(%arg17 : memref<16x768xf32, #tpu.memory_space<vmem>>) target(%dma_start3A_958 : memref<16x768xf32, #tpu.memory_space<hbm>>) target_semaphore(%arg33 : memref<!tpu.dma_semaphore, #tpu.memory_space<semaphore_mem>>)
    %dma_wait3A_959 = arith.constant 0 : i32
    %dma_wait3A_960 = tpu.memref_slice %arg7[%add3A_954, %dma_wait3A_959] : memref<8192x768xf32, #tpu.memory_space<hbm>> -> memref<16x768xf32, #tpu.memory_space<hbm>>
    %dma_wait3A_961 = arith.constant 0 : i32
    %dma_wait3A_962 = tpu.memref_slice %arg7[%add3A_954, %dma_wait3A_961] : memref<8192x768xf32, #tpu.memory_space<hbm>> -> memref<16x768xf32, #tpu.memory_space<hbm>>
    tpu.wait_dma2 semaphore(%arg33 : memref<!tpu.dma_semaphore, #tpu.memory_space<semaphore_mem>>) src(%arg17 : memref<16x768xf32, #tpu.memory_space<vmem>>) dst(%dma_wait3A_962 : memref<16x768xf32, #tpu.memory_space<hbm>>)
    %dma_start3A_963 = arith.constant 224 : i32
    %dma_start3A_964 = tpu.memref_slice %arg8[%dma_start3A_963] : memref<256xi32, #tpu.memory_space<vmem>> -> memref<16xi32, #tpu.memory_space<vmem>>
    %dma_start3A_965 = arith.constant 0 : i32
    %dma_start3A_966 = arith.constant 0 : i32
    %dma_start3A_967 = tpu.memref_slice %arg4[%dma_start3A_965, %dma_start3A_966] : memref<100000x768xf32, #tpu.memory_space<hbm>> -> memref<100000x768xf32, #tpu.memory_space<hbm>>
    tpu.enqueue_indirect_dma source(%dma_start3A_967 : memref<100000x768xf32, #tpu.memory_space<hbm>>) target(%arg17 : memref<16x768xf32, #tpu.memory_space<vmem>>) offsets(%dma_start3A_964 : memref<16xi32, #tpu.memory_space<vmem>>) semaphore(%arg25 : memref<!tpu.dma_semaphore, #tpu.memory_space<semaphore_mem>>)
    %dma_wait3A_968 = arith.constant 144 : i32
    %dma_wait3A_969 = tpu.memref_slice %arg8[%dma_wait3A_968] : memref<256xi32, #tpu.memory_space<vmem>> -> memref<16xi32, #tpu.memory_space<vmem>>
    %dma_wait3A_970 = arith.constant 0 : i32
    %dma_wait3A_971 = arith.constant 0 : i32
    %dma_wait3A_972 = tpu.memref_slice %arg4[%dma_wait3A_970, %dma_wait3A_971] : memref<100000x768xf32, #tpu.memory_space<hbm>> -> memref<100000x768xf32, #tpu.memory_space<hbm>>
    tpu.wait_indirect_dma semaphore(%arg20 : memref<!tpu.dma_semaphore, #tpu.memory_space<semaphore_mem>>) src(%dma_wait3A_972 : memref<100000x768xf32, #tpu.memory_space<hbm>>) dst(%arg12 : memref<16x768xf32, #tpu.memory_space<vmem>>)
    %get3A_973 = arith.constant 144 : index
    %get3A_974 = tpu.vector_load %arg9[%get3A_973] {strides = array<i32>} : memref<256xi32, #tpu.memory_space<vmem>>, vector<16xi32>,
    %get3A_975 = vector.shape_cast %get3A_974 : vector<16xi32> to vector<16xi32>
    %convert_element_type3A_976 = arith.sitofp %get3A_975 : vector<16xi32> to vector<16xf32>
    %parallel_loop3A_977 = arith.constant 0 : i32
    %parallel_loop3A_978 = arith.constant 16 : i32
    %parallel_loop3A_979 = arith.constant 1 : i32
    scf.for %parallel_loop3A_1248 = %parallel_loop3A_977 to %parallel_loop3A_978 step %parallel_loop3A_979  : i32 {
      %parallel_loop3A_1249 = vector.broadcast %parallel_loop3A_1248 : i32 to vector<16x1xi32>
      %parallel_loop3A_1250 = vector.shape_cast %parallel_loop3A_1249 : vector<16x1xi32> to vector<16xi32>
      %parallel_loop3A_1251 = tpu.dynamic_gather %convert_element_type3A_976[%parallel_loop3A_1250] in [0] : vector<16xf32>, vector<16xi32> -> vector<16xf32>
      %parallel_loop3A_1252 = arith.constant 0 : i32
      %parallel_loop3A_1253 = arith.constant 48 : i32
      %parallel_loop3A_1254 = arith.constant 1 : i32
      scf.for %parallel_loop3A_1255 = %parallel_loop3A_1252 to %parallel_loop3A_1253 step %parallel_loop3A_1254  : i32 {
        %parallel_loop3A_1256 = arith.constant 16 : i32
        %parallel_loop3A_1257 = arith.muli %parallel_loop3A_1255, %parallel_loop3A_1256 : i32
        %parallel_loop3A_1258 = arith.index_cast %parallel_loop3A_1248 : i32 to index
        %parallel_loop3A_1259 = arith.index_cast %parallel_loop3A_1257 : i32 to index
        %parallel_loop3A_1260 = tpu.vector_load %arg19[%parallel_loop3A_1258, %parallel_loop3A_1259] {strides = array<i32>} : memref<16x768xf32, #tpu.memory_space<vmem>>, vector<1x16xf32>,
        %parallel_loop3A_1261 = vector.shape_cast %parallel_loop3A_1260 : vector<1x16xf32> to vector<16xf32>
        %parallel_loop3A_1262 = arith.index_cast %parallel_loop3A_1257 : i32 to index
        %parallel_loop3A_1263 = tpu.vector_load %arg11[%parallel_loop3A_1262] {strides = array<i32>} : memref<768xf32, #tpu.memory_space<vmem>>, vector<16xf32>,
        %parallel_loop3A_1264 = vector.shape_cast %parallel_loop3A_1263 : vector<16xf32> to vector<16xf32>
        %parallel_loop3A_1265 = arith.mulf %parallel_loop3A_1251, %parallel_loop3A_1264 : vector<16xf32>
        %parallel_loop3A_1266 = arith.addf %parallel_loop3A_1261, %parallel_loop3A_1265 : vector<16xf32>
        %parallel_loop3A_1267 = arith.index_cast %parallel_loop3A_1248 : i32 to index
        %parallel_loop3A_1268 = arith.index_cast %parallel_loop3A_1257 : i32 to index
        %parallel_loop3A_1269 = tpu.vector_load %arg12[%parallel_loop3A_1267, %parallel_loop3A_1268] {strides = array<i32>} : memref<16x768xf32, #tpu.memory_space<vmem>>, vector<1x16xf32>,
        %parallel_loop3A_1270 = vector.shape_cast %parallel_loop3A_1269 : vector<1x16xf32> to vector<16xf32>
        %parallel_loop3A_1271 = vector.shape_cast %parallel_loop3A_1266 : vector<16xf32> to vector<1x16xf32>
        tpu.vector_store %arg12[%parallel_loop3A_1267, %parallel_loop3A_1268], %parallel_loop3A_1271 {add = true, strides = array<i32>} : memref<16x768xf32, #tpu.memory_space<vmem>>, vector<1x16xf32>,
      } {sc.loop_unroll_factor = 8 : i64, sc.parallel_access}
    } {sc.loop_unroll_factor = 1 : i64, sc.parallel_access}
    %add3A_980 = arith.constant 4096 : i32
    %add3A_981 = arith.addi %add3A_980, %mul3A_2 : i32
    %add3A_982 = arith.constant 16 : i32
    %add3A_983 = arith.addi %add3A_981, %add3A_982 : i32
    %dma_start3A_984 = arith.constant 0 : i32
    %dma_start3A_985 = tpu.memref_slice %arg7[%add3A_983, %dma_start3A_984] : memref<8192x768xf32, #tpu.memory_space<hbm>> -> memref<16x768xf32, #tpu.memory_space<hbm>>
    %dma_start3A_986 = arith.constant 0 : i32
    %dma_start3A_987 = tpu.memref_slice %arg7[%add3A_983, %dma_start3A_986] : memref<8192x768xf32, #tpu.memory_space<hbm>> -> memref<16x768xf32, #tpu.memory_space<hbm>>
    tpu.enqueue_dma source(%arg12 : memref<16x768xf32, #tpu.memory_space<vmem>>) target(%dma_start3A_987 : memref<16x768xf32, #tpu.memory_space<hbm>>) target_semaphore(%arg28 : memref<!tpu.dma_semaphore, #tpu.memory_space<semaphore_mem>>)
    %dma_wait3A_988 = arith.constant 0 : i32
    %dma_wait3A_989 = tpu.memref_slice %arg7[%add3A_983, %dma_wait3A_988] : memref<8192x768xf32, #tpu.memory_space<hbm>> -> memref<16x768xf32, #tpu.memory_space<hbm>>
    %dma_wait3A_990 = arith.constant 0 : i32
    %dma_wait3A_991 = tpu.memref_slice %arg7[%add3A_983, %dma_wait3A_990] : memref<8192x768xf32, #tpu.memory_space<hbm>> -> memref<16x768xf32, #tpu.memory_space<hbm>>
    tpu.wait_dma2 semaphore(%arg28 : memref<!tpu.dma_semaphore, #tpu.memory_space<semaphore_mem>>) src(%arg12 : memref<16x768xf32, #tpu.memory_space<vmem>>) dst(%dma_wait3A_991 : memref<16x768xf32, #tpu.memory_space<hbm>>)
    %dma_start3A_992 = arith.constant 48 : i32
    %dma_start3A_993 = tpu.memref_slice %arg8[%dma_start3A_992] : memref<256xi32, #tpu.memory_space<vmem>> -> memref<16xi32, #tpu.memory_space<vmem>>
    %dma_start3A_994 = arith.constant 0 : i32
    %dma_start3A_995 = arith.constant 0 : i32
    %dma_start3A_996 = tpu.memref_slice %arg4[%dma_start3A_994, %dma_start3A_995] : memref<100000x768xf32, #tpu.memory_space<hbm>> -> memref<100000x768xf32, #tpu.memory_space<hbm>>
    tpu.enqueue_indirect_dma source(%dma_start3A_996 : memref<100000x768xf32, #tpu.memory_space<hbm>>) target(%arg12 : memref<16x768xf32, #tpu.memory_space<vmem>>) offsets(%dma_start3A_993 : memref<16xi32, #tpu.memory_space<vmem>>) semaphore(%arg20 : memref<!tpu.dma_semaphore, #tpu.memory_space<semaphore_mem>>)
    %dma_wait3A_997 = arith.constant 208 : i32
    %dma_wait3A_998 = tpu.memref_slice %arg8[%dma_wait3A_997] : memref<256xi32, #tpu.memory_space<vmem>> -> memref<16xi32, #tpu.memory_space<vmem>>
    %dma_wait3A_999 = arith.constant 0 : i32
    %dma_wait3A_1000 = arith.constant 0 : i32
    %dma_wait3A_1001 = tpu.memref_slice %arg4[%dma_wait3A_999, %dma_wait3A_1000] : memref<100000x768xf32, #tpu.memory_space<hbm>> -> memref<100000x768xf32, #tpu.memory_space<hbm>>
    tpu.wait_indirect_dma semaphore(%arg21 : memref<!tpu.dma_semaphore, #tpu.memory_space<semaphore_mem>>) src(%dma_wait3A_1001 : memref<100000x768xf32, #tpu.memory_space<hbm>>) dst(%arg13 : memref<16x768xf32, #tpu.memory_space<vmem>>)
    %get3A_1002 = arith.constant 208 : index
    %get3A_1003 = tpu.vector_load %arg9[%get3A_1002] {strides = array<i32>} : memref<256xi32, #tpu.memory_space<vmem>>, vector<16xi32>,
    %get3A_1004 = vector.shape_cast %get3A_1003 : vector<16xi32> to vector<16xi32>
    %convert_element_type3A_1005 = arith.sitofp %get3A_1004 : vector<16xi32> to vector<16xf32>
    %parallel_loop3A_1006 = arith.constant 0 : i32
    %parallel_loop3A_1007 = arith.constant 16 : i32
    %parallel_loop3A_1008 = arith.constant 1 : i32
    scf.for %parallel_loop3A_1248 = %parallel_loop3A_1006 to %parallel_loop3A_1007 step %parallel_loop3A_1008  : i32 {
      %parallel_loop3A_1249 = vector.broadcast %parallel_loop3A_1248 : i32 to vector<16x1xi32>
      %parallel_loop3A_1250 = vector.shape_cast %parallel_loop3A_1249 : vector<16x1xi32> to vector<16xi32>
      %parallel_loop3A_1251 = tpu.dynamic_gather %convert_element_type3A_1005[%parallel_loop3A_1250] in [0] : vector<16xf32>, vector<16xi32> -> vector<16xf32>
      %parallel_loop3A_1252 = arith.constant 0 : i32
      %parallel_loop3A_1253 = arith.constant 48 : i32
      %parallel_loop3A_1254 = arith.constant 1 : i32
      scf.for %parallel_loop3A_1255 = %parallel_loop3A_1252 to %parallel_loop3A_1253 step %parallel_loop3A_1254  : i32 {
        %parallel_loop3A_1256 = arith.constant 16 : i32
        %parallel_loop3A_1257 = arith.muli %parallel_loop3A_1255, %parallel_loop3A_1256 : i32
        %parallel_loop3A_1258 = arith.index_cast %parallel_loop3A_1248 : i32 to index
        %parallel_loop3A_1259 = arith.index_cast %parallel_loop3A_1257 : i32 to index
        %parallel_loop3A_1260 = tpu.vector_load %arg19[%parallel_loop3A_1258, %parallel_loop3A_1259] {strides = array<i32>} : memref<16x768xf32, #tpu.memory_space<vmem>>, vector<1x16xf32>,
        %parallel_loop3A_1261 = vector.shape_cast %parallel_loop3A_1260 : vector<1x16xf32> to vector<16xf32>
        %parallel_loop3A_1262 = arith.index_cast %parallel_loop3A_1257 : i32 to index
        %parallel_loop3A_1263 = tpu.vector_load %arg11[%parallel_loop3A_1262] {strides = array<i32>} : memref<768xf32, #tpu.memory_space<vmem>>, vector<16xf32>,
        %parallel_loop3A_1264 = vector.shape_cast %parallel_loop3A_1263 : vector<16xf32> to vector<16xf32>
        %parallel_loop3A_1265 = arith.mulf %parallel_loop3A_1251, %parallel_loop3A_1264 : vector<16xf32>
        %parallel_loop3A_1266 = arith.addf %parallel_loop3A_1261, %parallel_loop3A_1265 : vector<16xf32>
        %parallel_loop3A_1267 = arith.index_cast %parallel_loop3A_1248 : i32 to index
        %parallel_loop3A_1268 = arith.index_cast %parallel_loop3A_1257 : i32 to index
        %parallel_loop3A_1269 = tpu.vector_load %arg13[%parallel_loop3A_1267, %parallel_loop3A_1268] {strides = array<i32>} : memref<16x768xf32, #tpu.memory_space<vmem>>, vector<1x16xf32>,
        %parallel_loop3A_1270 = vector.shape_cast %parallel_loop3A_1269 : vector<1x16xf32> to vector<16xf32>
        %parallel_loop3A_1271 = vector.shape_cast %parallel_loop3A_1266 : vector<16xf32> to vector<1x16xf32>
        tpu.vector_store %arg13[%parallel_loop3A_1267, %parallel_loop3A_1268], %parallel_loop3A_1271 {add = true, strides = array<i32>} : memref<16x768xf32, #tpu.memory_space<vmem>>, vector<1x16xf32>,
      } {sc.loop_unroll_factor = 8 : i64, sc.parallel_access}
    } {sc.loop_unroll_factor = 1 : i64, sc.parallel_access}
    %add3A_1009 = arith.constant 48 : i32
    %add3A_1010 = arith.addi %mul3A_2, %add3A_1009 : i32
    %dma_start3A_1011 = arith.constant 0 : i32
    %dma_start3A_1012 = tpu.memref_slice %arg6[%add3A_1010, %dma_start3A_1011] : memref<2048x768xf32, #tpu.memory_space<hbm>> -> memref<16x768xf32, #tpu.memory_space<hbm>>
    %dma_start3A_1013 = arith.constant 0 : i32
    %dma_start3A_1014 = tpu.memref_slice %arg6[%add3A_1010, %dma_start3A_1013] : memref<2048x768xf32, #tpu.memory_space<hbm>> -> memref<16x768xf32, #tpu.memory_space<hbm>>
    tpu.enqueue_dma source(%dma_start3A_1014 : memref<16x768xf32, #tpu.memory_space<hbm>>) target(%arg19 : memref<16x768xf32, #tpu.memory_space<vmem>>) target_semaphore(%arg27 : memref<!tpu.dma_semaphore, #tpu.memory_space<semaphore_mem>>)
    %add3A_1015 = arith.constant 6144 : i32
    %add3A_1016 = arith.addi %add3A_1015, %mul3A_2 : i32
    %add3A_1017 = arith.constant 16 : i32
    %add3A_1018 = arith.addi %add3A_1016, %add3A_1017 : i32
    %dma_start3A_1019 = arith.constant 0 : i32
    %dma_start3A_1020 = tpu.memref_slice %arg7[%add3A_1018, %dma_start3A_1019] : memref<8192x768xf32, #tpu.memory_space<hbm>> -> memref<16x768xf32, #tpu.memory_space<hbm>>
    %dma_start3A_1021 = arith.constant 0 : i32
    %dma_start3A_1022 = tpu.memref_slice %arg7[%add3A_1018, %dma_start3A_1021] : memref<8192x768xf32, #tpu.memory_space<hbm>> -> memref<16x768xf32, #tpu.memory_space<hbm>>
    tpu.enqueue_dma source(%arg13 : memref<16x768xf32, #tpu.memory_space<vmem>>) target(%dma_start3A_1022 : memref<16x768xf32, #tpu.memory_space<hbm>>) target_semaphore(%arg29 : memref<!tpu.dma_semaphore, #tpu.memory_space<semaphore_mem>>)
    %dma_wait3A_1023 = arith.constant 0 : i32
    %dma_wait3A_1024 = tpu.memref_slice %arg7[%add3A_1018, %dma_wait3A_1023] : memref<8192x768xf32, #tpu.memory_space<hbm>> -> memref<16x768xf32, #tpu.memory_space<hbm>>
    %dma_wait3A_1025 = arith.constant 0 : i32
    %dma_wait3A_1026 = tpu.memref_slice %arg7[%add3A_1018, %dma_wait3A_1025] : memref<8192x768xf32, #tpu.memory_space<hbm>> -> memref<16x768xf32, #tpu.memory_space<hbm>>
    tpu.wait_dma2 semaphore(%arg29 : memref<!tpu.dma_semaphore, #tpu.memory_space<semaphore_mem>>) src(%arg13 : memref<16x768xf32, #tpu.memory_space<vmem>>) dst(%dma_wait3A_1026 : memref<16x768xf32, #tpu.memory_space<hbm>>)
    %dma_start3A_1027 = arith.constant 112 : i32
    %dma_start3A_1028 = tpu.memref_slice %arg8[%dma_start3A_1027] : memref<256xi32, #tpu.memory_space<vmem>> -> memref<16xi32, #tpu.memory_space<vmem>>
    %dma_start3A_1029 = arith.constant 0 : i32
    %dma_start3A_1030 = arith.constant 0 : i32
    %dma_start3A_1031 = tpu.memref_slice %arg4[%dma_start3A_1029, %dma_start3A_1030] : memref<100000x768xf32, #tpu.memory_space<hbm>> -> memref<100000x768xf32, #tpu.memory_space<hbm>>
    tpu.enqueue_indirect_dma source(%dma_start3A_1031 : memref<100000x768xf32, #tpu.memory_space<hbm>>) target(%arg13 : memref<16x768xf32, #tpu.memory_space<vmem>>) offsets(%dma_start3A_1028 : memref<16xi32, #tpu.memory_space<vmem>>) semaphore(%arg21 : memref<!tpu.dma_semaphore, #tpu.memory_space<semaphore_mem>>)
    %dma_wait3A_1032 = arith.constant 0 : i32
    %dma_wait3A_1033 = tpu.memref_slice %arg6[%add3A_881, %dma_wait3A_1032] : memref<2048x768xf32, #tpu.memory_space<hbm>> -> memref<16x768xf32, #tpu.memory_space<hbm>>
    %dma_wait3A_1034 = arith.constant 0 : i32
    %dma_wait3A_1035 = tpu.memref_slice %arg6[%add3A_881, %dma_wait3A_1034] : memref<2048x768xf32, #tpu.memory_space<hbm>> -> memref<16x768xf32, #tpu.memory_space<hbm>>
    tpu.wait_dma2 semaphore(%arg26 : memref<!tpu.dma_semaphore, #tpu.memory_space<semaphore_mem>>) src(%dma_wait3A_1035 : memref<16x768xf32, #tpu.memory_space<hbm>>) dst(%arg18 : memref<16x768xf32, #tpu.memory_space<vmem>>)
    %parallel_loop3A_1036 = arith.constant 0 : i32
    %parallel_loop3A_1037 = arith.constant 16 : i32
    %parallel_loop3A_1038 = arith.constant 1 : i32
    scf.for %parallel_loop3A_1248 = %parallel_loop3A_1036 to %parallel_loop3A_1037 step %parallel_loop3A_1038  : i32 {
      %parallel_loop3A_1249 = arith.constant 0 : i32
      %parallel_loop3A_1250 = arith.constant 48 : i32
      %parallel_loop3A_1251 = arith.constant 1 : i32
      scf.for %parallel_loop3A_1252 = %parallel_loop3A_1249 to %parallel_loop3A_1250 step %parallel_loop3A_1251  : i32 {
        %parallel_loop3A_1253 = arith.constant 16 : i32
        %parallel_loop3A_1254 = arith.muli %parallel_loop3A_1252, %parallel_loop3A_1253 : i32
        %parallel_loop3A_1255 = arith.index_cast %parallel_loop3A_1248 : i32 to index
        %parallel_loop3A_1256 = arith.index_cast %parallel_loop3A_1254 : i32 to index
        %parallel_loop3A_1257 = tpu.vector_load %arg18[%parallel_loop3A_1255, %parallel_loop3A_1256] {strides = array<i32>} : memref<16x768xf32, #tpu.memory_space<vmem>>, vector<1x16xf32>,
        %parallel_loop3A_1258 = vector.shape_cast %parallel_loop3A_1257 : vector<1x16xf32> to vector<16xf32>
        %parallel_loop3A_1259 = arith.constant 0 : i32
        %parallel_loop3A_1260 = arith.index_cast %parallel_loop3A_1259 : i32 to index
        %parallel_loop3A_1261 = arith.index_cast %parallel_loop3A_1254 : i32 to index
        %parallel_loop3A_1262 = tpu.vector_load %arg10[%parallel_loop3A_1260, %parallel_loop3A_1261] {strides = array<i32>} : memref<2x768xf32, #tpu.memory_space<vmem>>, vector<1x16xf32>,
        %parallel_loop3A_1263 = vector.shape_cast %parallel_loop3A_1262 : vector<1x16xf32> to vector<16xf32>
        %parallel_loop3A_1264 = arith.addf %parallel_loop3A_1258, %parallel_loop3A_1263 : vector<16xf32>
        %parallel_loop3A_1265 = arith.index_cast %parallel_loop3A_1248 : i32 to index
        %parallel_loop3A_1266 = arith.index_cast %parallel_loop3A_1254 : i32 to index
        %parallel_loop3A_1267 = tpu.vector_load %arg18[%parallel_loop3A_1265, %parallel_loop3A_1266] {strides = array<i32>} : memref<16x768xf32, #tpu.memory_space<vmem>>, vector<1x16xf32>,
        %parallel_loop3A_1268 = vector.shape_cast %parallel_loop3A_1267 : vector<1x16xf32> to vector<16xf32>
        %parallel_loop3A_1269 = vector.shape_cast %parallel_loop3A_1264 : vector<16xf32> to vector<1x16xf32>
        tpu.vector_store %arg18[%parallel_loop3A_1265, %parallel_loop3A_1266], %parallel_loop3A_1269 {strides = array<i32>} : memref<16x768xf32, #tpu.memory_space<vmem>>, vector<1x16xf32>,
      } {sc.loop_unroll_factor = 8 : i64, sc.parallel_access}
    } {sc.loop_unroll_factor = 1 : i64, sc.parallel_access}
    %dma_wait3A_1039 = arith.constant 32 : i32
    %dma_wait3A_1040 = tpu.memref_slice %arg8[%dma_wait3A_1039] : memref<256xi32, #tpu.memory_space<vmem>> -> memref<16xi32, #tpu.memory_space<vmem>>
    %dma_wait3A_1041 = arith.constant 0 : i32
    %dma_wait3A_1042 = arith.constant 0 : i32
    %dma_wait3A_1043 = tpu.memref_slice %arg4[%dma_wait3A_1041, %dma_wait3A_1042] : memref<100000x768xf32, #tpu.memory_space<hbm>> -> memref<100000x768xf32, #tpu.memory_space<hbm>>
    tpu.wait_indirect_dma semaphore(%arg22 : memref<!tpu.dma_semaphore, #tpu.memory_space<semaphore_mem>>) src(%dma_wait3A_1043 : memref<100000x768xf32, #tpu.memory_space<hbm>>) dst(%arg14 : memref<16x768xf32, #tpu.memory_space<vmem>>)
    %get3A_1044 = arith.constant 32 : index
    %get3A_1045 = tpu.vector_load %arg9[%get3A_1044] {strides = array<i32>} : memref<256xi32, #tpu.memory_space<vmem>>, vector<16xi32>,
    %get3A_1046 = vector.shape_cast %get3A_1045 : vector<16xi32> to vector<16xi32>
    %convert_element_type3A_1047 = arith.sitofp %get3A_1046 : vector<16xi32> to vector<16xf32>
    %parallel_loop3A_1048 = arith.constant 0 : i32
    %parallel_loop3A_1049 = arith.constant 16 : i32
    %parallel_loop3A_1050 = arith.constant 1 : i32
    scf.for %parallel_loop3A_1248 = %parallel_loop3A_1048 to %parallel_loop3A_1049 step %parallel_loop3A_1050  : i32 {
      %parallel_loop3A_1249 = vector.broadcast %parallel_loop3A_1248 : i32 to vector<16x1xi32>
      %parallel_loop3A_1250 = vector.shape_cast %parallel_loop3A_1249 : vector<16x1xi32> to vector<16xi32>
      %parallel_loop3A_1251 = tpu.dynamic_gather %convert_element_type3A_1047[%parallel_loop3A_1250] in [0] : vector<16xf32>, vector<16xi32> -> vector<16xf32>
      %parallel_loop3A_1252 = arith.constant 0 : i32
      %parallel_loop3A_1253 = arith.constant 48 : i32
      %parallel_loop3A_1254 = arith.constant 1 : i32
      scf.for %parallel_loop3A_1255 = %parallel_loop3A_1252 to %parallel_loop3A_1253 step %parallel_loop3A_1254  : i32 {
        %parallel_loop3A_1256 = arith.constant 16 : i32
        %parallel_loop3A_1257 = arith.muli %parallel_loop3A_1255, %parallel_loop3A_1256 : i32
        %parallel_loop3A_1258 = arith.index_cast %parallel_loop3A_1248 : i32 to index
        %parallel_loop3A_1259 = arith.index_cast %parallel_loop3A_1257 : i32 to index
        %parallel_loop3A_1260 = tpu.vector_load %arg18[%parallel_loop3A_1258, %parallel_loop3A_1259] {strides = array<i32>} : memref<16x768xf32, #tpu.memory_space<vmem>>, vector<1x16xf32>,
        %parallel_loop3A_1261 = vector.shape_cast %parallel_loop3A_1260 : vector<1x16xf32> to vector<16xf32>
        %parallel_loop3A_1262 = arith.index_cast %parallel_loop3A_1257 : i32 to index
        %parallel_loop3A_1263 = tpu.vector_load %arg11[%parallel_loop3A_1262] {strides = array<i32>} : memref<768xf32, #tpu.memory_space<vmem>>, vector<16xf32>,
        %parallel_loop3A_1264 = vector.shape_cast %parallel_loop3A_1263 : vector<16xf32> to vector<16xf32>
        %parallel_loop3A_1265 = arith.mulf %parallel_loop3A_1251, %parallel_loop3A_1264 : vector<16xf32>
        %parallel_loop3A_1266 = arith.addf %parallel_loop3A_1261, %parallel_loop3A_1265 : vector<16xf32>
        %parallel_loop3A_1267 = arith.index_cast %parallel_loop3A_1248 : i32 to index
        %parallel_loop3A_1268 = arith.index_cast %parallel_loop3A_1257 : i32 to index
        %parallel_loop3A_1269 = tpu.vector_load %arg14[%parallel_loop3A_1267, %parallel_loop3A_1268] {strides = array<i32>} : memref<16x768xf32, #tpu.memory_space<vmem>>, vector<1x16xf32>,
        %parallel_loop3A_1270 = vector.shape_cast %parallel_loop3A_1269 : vector<1x16xf32> to vector<16xf32>
        %parallel_loop3A_1271 = vector.shape_cast %parallel_loop3A_1266 : vector<16xf32> to vector<1x16xf32>
        tpu.vector_store %arg14[%parallel_loop3A_1267, %parallel_loop3A_1268], %parallel_loop3A_1271 {add = true, strides = array<i32>} : memref<16x768xf32, #tpu.memory_space<vmem>>, vector<1x16xf32>,
      } {sc.loop_unroll_factor = 8 : i64, sc.parallel_access}
    } {sc.loop_unroll_factor = 1 : i64, sc.parallel_access}
    %add3A_1051 = arith.constant 0 : i32
    %add3A_1052 = arith.addi %add3A_1051, %mul3A_2 : i32
    %add3A_1053 = arith.constant 32 : i32
    %add3A_1054 = arith.addi %add3A_1052, %add3A_1053 : i32
    %dma_start3A_1055 = arith.constant 0 : i32
    %dma_start3A_1056 = tpu.memref_slice %arg7[%add3A_1054, %dma_start3A_1055] : memref<8192x768xf32, #tpu.memory_space<hbm>> -> memref<16x768xf32, #tpu.memory_space<hbm>>
    %dma_start3A_1057 = arith.constant 0 : i32
    %dma_start3A_1058 = tpu.memref_slice %arg7[%add3A_1054, %dma_start3A_1057] : memref<8192x768xf32, #tpu.memory_space<hbm>> -> memref<16x768xf32, #tpu.memory_space<hbm>>
    tpu.enqueue_dma source(%arg14 : memref<16x768xf32, #tpu.memory_space<vmem>>) target(%dma_start3A_1058 : memref<16x768xf32, #tpu.memory_space<hbm>>) target_semaphore(%arg30 : memref<!tpu.dma_semaphore, #tpu.memory_space<semaphore_mem>>)
    %dma_wait3A_1059 = arith.constant 0 : i32
    %dma_wait3A_1060 = tpu.memref_slice %arg7[%add3A_1054, %dma_wait3A_1059] : memref<8192x768xf32, #tpu.memory_space<hbm>> -> memref<16x768xf32, #tpu.memory_space<hbm>>
    %dma_wait3A_1061 = arith.constant 0 : i32
    %dma_wait3A_1062 = tpu.memref_slice %arg7[%add3A_1054, %dma_wait3A_1061] : memref<8192x768xf32, #tpu.memory_space<hbm>> -> memref<16x768xf32, #tpu.memory_space<hbm>>
    tpu.wait_dma2 semaphore(%arg30 : memref<!tpu.dma_semaphore, #tpu.memory_space<semaphore_mem>>) src(%arg14 : memref<16x768xf32, #tpu.memory_space<vmem>>) dst(%dma_wait3A_1062 : memref<16x768xf32, #tpu.memory_space<hbm>>)
    %dma_start3A_1063 = arith.constant 176 : i32
    %dma_start3A_1064 = tpu.memref_slice %arg8[%dma_start3A_1063] : memref<256xi32, #tpu.memory_space<vmem>> -> memref<16xi32, #tpu.memory_space<vmem>>
    %dma_start3A_1065 = arith.constant 0 : i32
    %dma_start3A_1066 = arith.constant 0 : i32
    %dma_start3A_1067 = tpu.memref_slice %arg4[%dma_start3A_1065, %dma_start3A_1066] : memref<100000x768xf32, #tpu.memory_space<hbm>> -> memref<100000x768xf32, #tpu.memory_space<hbm>>
    tpu.enqueue_indirect_dma source(%dma_start3A_1067 : memref<100000x768xf32, #tpu.memory_space<hbm>>) target(%arg14 : memref<16x768xf32, #tpu.memory_space<vmem>>) offsets(%dma_start3A_1064 : memref<16xi32, #tpu.memory_space<vmem>>) semaphore(%arg22 : memref<!tpu.dma_semaphore, #tpu.memory_space<semaphore_mem>>)
    %dma_wait3A_1068 = arith.constant 96 : i32
    %dma_wait3A_1069 = tpu.memref_slice %arg8[%dma_wait3A_1068] : memref<256xi32, #tpu.memory_space<vmem>> -> memref<16xi32, #tpu.memory_space<vmem>>
    %dma_wait3A_1070 = arith.constant 0 : i32
    %dma_wait3A_1071 = arith.constant 0 : i32
    %dma_wait3A_1072 = tpu.memref_slice %arg4[%dma_wait3A_1070, %dma_wait3A_1071] : memref<100000x768xf32, #tpu.memory_space<hbm>> -> memref<100000x768xf32, #tpu.memory_space<hbm>>
    tpu.wait_indirect_dma semaphore(%arg23 : memref<!tpu.dma_semaphore, #tpu.memory_space<semaphore_mem>>) src(%dma_wait3A_1072 : memref<100000x768xf32, #tpu.memory_space<hbm>>) dst(%arg15 : memref<16x768xf32, #tpu.memory_space<vmem>>)
    %get3A_1073 = arith.constant 96 : index
    %get3A_1074 = tpu.vector_load %arg9[%get3A_1073] {strides = array<i32>} : memref<256xi32, #tpu.memory_space<vmem>>, vector<16xi32>,
    %get3A_1075 = vector.shape_cast %get3A_1074 : vector<16xi32> to vector<16xi32>
    %convert_element_type3A_1076 = arith.sitofp %get3A_1075 : vector<16xi32> to vector<16xf32>
    %parallel_loop3A_1077 = arith.constant 0 : i32
    %parallel_loop3A_1078 = arith.constant 16 : i32
    %parallel_loop3A_1079 = arith.constant 1 : i32
    scf.for %parallel_loop3A_1248 = %parallel_loop3A_1077 to %parallel_loop3A_1078 step %parallel_loop3A_1079  : i32 {
      %parallel_loop3A_1249 = vector.broadcast %parallel_loop3A_1248 : i32 to vector<16x1xi32>
      %parallel_loop3A_1250 = vector.shape_cast %parallel_loop3A_1249 : vector<16x1xi32> to vector<16xi32>
      %parallel_loop3A_1251 = tpu.dynamic_gather %convert_element_type3A_1076[%parallel_loop3A_1250] in [0] : vector<16xf32>, vector<16xi32> -> vector<16xf32>
      %parallel_loop3A_1252 = arith.constant 0 : i32
      %parallel_loop3A_1253 = arith.constant 48 : i32
      %parallel_loop3A_1254 = arith.constant 1 : i32
      scf.for %parallel_loop3A_1255 = %parallel_loop3A_1252 to %parallel_loop3A_1253 step %parallel_loop3A_1254  : i32 {
        %parallel_loop3A_1256 = arith.constant 16 : i32
        %parallel_loop3A_1257 = arith.muli %parallel_loop3A_1255, %parallel_loop3A_1256 : i32
        %parallel_loop3A_1258 = arith.index_cast %parallel_loop3A_1248 : i32 to index
        %parallel_loop3A_1259 = arith.index_cast %parallel_loop3A_1257 : i32 to index
        %parallel_loop3A_1260 = tpu.vector_load %arg18[%parallel_loop3A_1258, %parallel_loop3A_1259] {strides = array<i32>} : memref<16x768xf32, #tpu.memory_space<vmem>>, vector<1x16xf32>,
        %parallel_loop3A_1261 = vector.shape_cast %parallel_loop3A_1260 : vector<1x16xf32> to vector<16xf32>
        %parallel_loop3A_1262 = arith.index_cast %parallel_loop3A_1257 : i32 to index
        %parallel_loop3A_1263 = tpu.vector_load %arg11[%parallel_loop3A_1262] {strides = array<i32>} : memref<768xf32, #tpu.memory_space<vmem>>, vector<16xf32>,
        %parallel_loop3A_1264 = vector.shape_cast %parallel_loop3A_1263 : vector<16xf32> to vector<16xf32>
        %parallel_loop3A_1265 = arith.mulf %parallel_loop3A_1251, %parallel_loop3A_1264 : vector<16xf32>
        %parallel_loop3A_1266 = arith.addf %parallel_loop3A_1261, %parallel_loop3A_1265 : vector<16xf32>
        %parallel_loop3A_1267 = arith.index_cast %parallel_loop3A_1248 : i32 to index
        %parallel_loop3A_1268 = arith.index_cast %parallel_loop3A_1257 : i32 to index
        %parallel_loop3A_1269 = tpu.vector_load %arg15[%parallel_loop3A_1267, %parallel_loop3A_1268] {strides = array<i32>} : memref<16x768xf32, #tpu.memory_space<vmem>>, vector<1x16xf32>,
        %parallel_loop3A_1270 = vector.shape_cast %parallel_loop3A_1269 : vector<1x16xf32> to vector<16xf32>
        %parallel_loop3A_1271 = vector.shape_cast %parallel_loop3A_1266 : vector<16xf32> to vector<1x16xf32>
        tpu.vector_store %arg15[%parallel_loop3A_1267, %parallel_loop3A_1268], %parallel_loop3A_1271 {add = true, strides = array<i32>} : memref<16x768xf32, #tpu.memory_space<vmem>>, vector<1x16xf32>,
      } {sc.loop_unroll_factor = 8 : i64, sc.parallel_access}
    } {sc.loop_unroll_factor = 1 : i64, sc.parallel_access}
    %add3A_1080 = arith.constant 2048 : i32
    %add3A_1081 = arith.addi %add3A_1080, %mul3A_2 : i32
    %add3A_1082 = arith.constant 32 : i32
    %add3A_1083 = arith.addi %add3A_1081, %add3A_1082 : i32
    %dma_start3A_1084 = arith.constant 0 : i32
    %dma_start3A_1085 = tpu.memref_slice %arg7[%add3A_1083, %dma_start3A_1084] : memref<8192x768xf32, #tpu.memory_space<hbm>> -> memref<16x768xf32, #tpu.memory_space<hbm>>
    %dma_start3A_1086 = arith.constant 0 : i32
    %dma_start3A_1087 = tpu.memref_slice %arg7[%add3A_1083, %dma_start3A_1086] : memref<8192x768xf32, #tpu.memory_space<hbm>> -> memref<16x768xf32, #tpu.memory_space<hbm>>
    tpu.enqueue_dma source(%arg15 : memref<16x768xf32, #tpu.memory_space<vmem>>) target(%dma_start3A_1087 : memref<16x768xf32, #tpu.memory_space<hbm>>) target_semaphore(%arg31 : memref<!tpu.dma_semaphore, #tpu.memory_space<semaphore_mem>>)
    %dma_wait3A_1088 = arith.constant 0 : i32
    %dma_wait3A_1089 = tpu.memref_slice %arg7[%add3A_1083, %dma_wait3A_1088] : memref<8192x768xf32, #tpu.memory_space<hbm>> -> memref<16x768xf32, #tpu.memory_space<hbm>>
    %dma_wait3A_1090 = arith.constant 0 : i32
    %dma_wait3A_1091 = tpu.memref_slice %arg7[%add3A_1083, %dma_wait3A_1090] : memref<8192x768xf32, #tpu.memory_space<hbm>> -> memref<16x768xf32, #tpu.memory_space<hbm>>
    tpu.wait_dma2 semaphore(%arg31 : memref<!tpu.dma_semaphore, #tpu.memory_space<semaphore_mem>>) src(%arg15 : memref<16x768xf32, #tpu.memory_space<vmem>>) dst(%dma_wait3A_1091 : memref<16x768xf32, #tpu.memory_space<hbm>>)
    %dma_start3A_1092 = arith.constant 240 : i32
    %dma_start3A_1093 = tpu.memref_slice %arg8[%dma_start3A_1092] : memref<256xi32, #tpu.memory_space<vmem>> -> memref<16xi32, #tpu.memory_space<vmem>>
    %dma_start3A_1094 = arith.constant 0 : i32
    %dma_start3A_1095 = arith.constant 0 : i32
    %dma_start3A_1096 = tpu.memref_slice %arg4[%dma_start3A_1094, %dma_start3A_1095] : memref<100000x768xf32, #tpu.memory_space<hbm>> -> memref<100000x768xf32, #tpu.memory_space<hbm>>
    tpu.enqueue_indirect_dma source(%dma_start3A_1096 : memref<100000x768xf32, #tpu.memory_space<hbm>>) target(%arg15 : memref<16x768xf32, #tpu.memory_space<vmem>>) offsets(%dma_start3A_1093 : memref<16xi32, #tpu.memory_space<vmem>>) semaphore(%arg23 : memref<!tpu.dma_semaphore, #tpu.memory_space<semaphore_mem>>)
    %dma_wait3A_1097 = arith.constant 160 : i32
    %dma_wait3A_1098 = tpu.memref_slice %arg8[%dma_wait3A_1097] : memref<256xi32, #tpu.memory_space<vmem>> -> memref<16xi32, #tpu.memory_space<vmem>>
    %dma_wait3A_1099 = arith.constant 0 : i32
    %dma_wait3A_1100 = arith.constant 0 : i32
    %dma_wait3A_1101 = tpu.memref_slice %arg4[%dma_wait3A_1099, %dma_wait3A_1100] : memref<100000x768xf32, #tpu.memory_space<hbm>> -> memref<100000x768xf32, #tpu.memory_space<hbm>>
    tpu.wait_indirect_dma semaphore(%arg24 : memref<!tpu.dma_semaphore, #tpu.memory_space<semaphore_mem>>) src(%dma_wait3A_1101 : memref<100000x768xf32, #tpu.memory_space<hbm>>) dst(%arg16 : memref<16x768xf32, #tpu.memory_space<vmem>>)
    %get3A_1102 = arith.constant 160 : index
    %get3A_1103 = tpu.vector_load %arg9[%get3A_1102] {strides = array<i32>} : memref<256xi32, #tpu.memory_space<vmem>>, vector<16xi32>,
    %get3A_1104 = vector.shape_cast %get3A_1103 : vector<16xi32> to vector<16xi32>
    %convert_element_type3A_1105 = arith.sitofp %get3A_1104 : vector<16xi32> to vector<16xf32>
    %parallel_loop3A_1106 = arith.constant 0 : i32
    %parallel_loop3A_1107 = arith.constant 16 : i32
    %parallel_loop3A_1108 = arith.constant 1 : i32
    scf.for %parallel_loop3A_1248 = %parallel_loop3A_1106 to %parallel_loop3A_1107 step %parallel_loop3A_1108  : i32 {
      %parallel_loop3A_1249 = vector.broadcast %parallel_loop3A_1248 : i32 to vector<16x1xi32>
      %parallel_loop3A_1250 = vector.shape_cast %parallel_loop3A_1249 : vector<16x1xi32> to vector<16xi32>
      %parallel_loop3A_1251 = tpu.dynamic_gather %convert_element_type3A_1105[%parallel_loop3A_1250] in [0] : vector<16xf32>, vector<16xi32> -> vector<16xf32>
      %parallel_loop3A_1252 = arith.constant 0 : i32
      %parallel_loop3A_1253 = arith.constant 48 : i32
      %parallel_loop3A_1254 = arith.constant 1 : i32
      scf.for %parallel_loop3A_1255 = %parallel_loop3A_1252 to %parallel_loop3A_1253 step %parallel_loop3A_1254  : i32 {
        %parallel_loop3A_1256 = arith.constant 16 : i32
        %parallel_loop3A_1257 = arith.muli %parallel_loop3A_1255, %parallel_loop3A_1256 : i32
        %parallel_loop3A_1258 = arith.index_cast %parallel_loop3A_1248 : i32 to index
        %parallel_loop3A_1259 = arith.index_cast %parallel_loop3A_1257 : i32 to index
        %parallel_loop3A_1260 = tpu.vector_load %arg18[%parallel_loop3A_1258, %parallel_loop3A_1259] {strides = array<i32>} : memref<16x768xf32, #tpu.memory_space<vmem>>, vector<1x16xf32>,
        %parallel_loop3A_1261 = vector.shape_cast %parallel_loop3A_1260 : vector<1x16xf32> to vector<16xf32>
        %parallel_loop3A_1262 = arith.index_cast %parallel_loop3A_1257 : i32 to index
        %parallel_loop3A_1263 = tpu.vector_load %arg11[%parallel_loop3A_1262] {strides = array<i32>} : memref<768xf32, #tpu.memory_space<vmem>>, vector<16xf32>,
        %parallel_loop3A_1264 = vector.shape_cast %parallel_loop3A_1263 : vector<16xf32> to vector<16xf32>
        %parallel_loop3A_1265 = arith.mulf %parallel_loop3A_1251, %parallel_loop3A_1264 : vector<16xf32>
        %parallel_loop3A_1266 = arith.addf %parallel_loop3A_1261, %parallel_loop3A_1265 : vector<16xf32>
        %parallel_loop3A_1267 = arith.index_cast %parallel_loop3A_1248 : i32 to index
        %parallel_loop3A_1268 = arith.index_cast %parallel_loop3A_1257 : i32 to index
        %parallel_loop3A_1269 = tpu.vector_load %arg16[%parallel_loop3A_1267, %parallel_loop3A_1268] {strides = array<i32>} : memref<16x768xf32, #tpu.memory_space<vmem>>, vector<1x16xf32>,
        %parallel_loop3A_1270 = vector.shape_cast %parallel_loop3A_1269 : vector<1x16xf32> to vector<16xf32>
        %parallel_loop3A_1271 = vector.shape_cast %parallel_loop3A_1266 : vector<16xf32> to vector<1x16xf32>
        tpu.vector_store %arg16[%parallel_loop3A_1267, %parallel_loop3A_1268], %parallel_loop3A_1271 {add = true, strides = array<i32>} : memref<16x768xf32, #tpu.memory_space<vmem>>, vector<1x16xf32>,
      } {sc.loop_unroll_factor = 8 : i64, sc.parallel_access}
    } {sc.loop_unroll_factor = 1 : i64, sc.parallel_access}
    %add3A_1109 = arith.constant 4096 : i32
    %add3A_1110 = arith.addi %add3A_1109, %mul3A_2 : i32
    %add3A_1111 = arith.constant 32 : i32
    %add3A_1112 = arith.addi %add3A_1110, %add3A_1111 : i32
    %dma_start3A_1113 = arith.constant 0 : i32
    %dma_start3A_1114 = tpu.memref_slice %arg7[%add3A_1112, %dma_start3A_1113] : memref<8192x768xf32, #tpu.memory_space<hbm>> -> memref<16x768xf32, #tpu.memory_space<hbm>>
    %dma_start3A_1115 = arith.constant 0 : i32
    %dma_start3A_1116 = tpu.memref_slice %arg7[%add3A_1112, %dma_start3A_1115] : memref<8192x768xf32, #tpu.memory_space<hbm>> -> memref<16x768xf32, #tpu.memory_space<hbm>>
    tpu.enqueue_dma source(%arg16 : memref<16x768xf32, #tpu.memory_space<vmem>>) target(%dma_start3A_1116 : memref<16x768xf32, #tpu.memory_space<hbm>>) target_semaphore(%arg32 : memref<!tpu.dma_semaphore, #tpu.memory_space<semaphore_mem>>)
    %dma_wait3A_1117 = arith.constant 224 : i32
    %dma_wait3A_1118 = tpu.memref_slice %arg8[%dma_wait3A_1117] : memref<256xi32, #tpu.memory_space<vmem>> -> memref<16xi32, #tpu.memory_space<vmem>>
    %dma_wait3A_1119 = arith.constant 0 : i32
    %dma_wait3A_1120 = arith.constant 0 : i32
    %dma_wait3A_1121 = tpu.memref_slice %arg4[%dma_wait3A_1119, %dma_wait3A_1120] : memref<100000x768xf32, #tpu.memory_space<hbm>> -> memref<100000x768xf32, #tpu.memory_space<hbm>>
    tpu.wait_indirect_dma semaphore(%arg25 : memref<!tpu.dma_semaphore, #tpu.memory_space<semaphore_mem>>) src(%dma_wait3A_1121 : memref<100000x768xf32, #tpu.memory_space<hbm>>) dst(%arg17 : memref<16x768xf32, #tpu.memory_space<vmem>>)
    %get3A_1122 = arith.constant 224 : index
    %get3A_1123 = tpu.vector_load %arg9[%get3A_1122] {strides = array<i32>} : memref<256xi32, #tpu.memory_space<vmem>>, vector<16xi32>,
    %get3A_1124 = vector.shape_cast %get3A_1123 : vector<16xi32> to vector<16xi32>
    %convert_element_type3A_1125 = arith.sitofp %get3A_1124 : vector<16xi32> to vector<16xf32>
    %parallel_loop3A_1126 = arith.constant 0 : i32
    %parallel_loop3A_1127 = arith.constant 16 : i32
    %parallel_loop3A_1128 = arith.constant 1 : i32
    scf.for %parallel_loop3A_1248 = %parallel_loop3A_1126 to %parallel_loop3A_1127 step %parallel_loop3A_1128  : i32 {
      %parallel_loop3A_1249 = vector.broadcast %parallel_loop3A_1248 : i32 to vector<16x1xi32>
      %parallel_loop3A_1250 = vector.shape_cast %parallel_loop3A_1249 : vector<16x1xi32> to vector<16xi32>
      %parallel_loop3A_1251 = tpu.dynamic_gather %convert_element_type3A_1125[%parallel_loop3A_1250] in [0] : vector<16xf32>, vector<16xi32> -> vector<16xf32>
      %parallel_loop3A_1252 = arith.constant 0 : i32
      %parallel_loop3A_1253 = arith.constant 48 : i32
      %parallel_loop3A_1254 = arith.constant 1 : i32
      scf.for %parallel_loop3A_1255 = %parallel_loop3A_1252 to %parallel_loop3A_1253 step %parallel_loop3A_1254  : i32 {
        %parallel_loop3A_1256 = arith.constant 16 : i32
        %parallel_loop3A_1257 = arith.muli %parallel_loop3A_1255, %parallel_loop3A_1256 : i32
        %parallel_loop3A_1258 = arith.index_cast %parallel_loop3A_1248 : i32 to index
        %parallel_loop3A_1259 = arith.index_cast %parallel_loop3A_1257 : i32 to index
        %parallel_loop3A_1260 = tpu.vector_load %arg18[%parallel_loop3A_1258, %parallel_loop3A_1259] {strides = array<i32>} : memref<16x768xf32, #tpu.memory_space<vmem>>, vector<1x16xf32>,
        %parallel_loop3A_1261 = vector.shape_cast %parallel_loop3A_1260 : vector<1x16xf32> to vector<16xf32>
        %parallel_loop3A_1262 = arith.index_cast %parallel_loop3A_1257 : i32 to index
        %parallel_loop3A_1263 = tpu.vector_load %arg11[%parallel_loop3A_1262] {strides = array<i32>} : memref<768xf32, #tpu.memory_space<vmem>>, vector<16xf32>,
        %parallel_loop3A_1264 = vector.shape_cast %parallel_loop3A_1263 : vector<16xf32> to vector<16xf32>
        %parallel_loop3A_1265 = arith.mulf %parallel_loop3A_1251, %parallel_loop3A_1264 : vector<16xf32>
        %parallel_loop3A_1266 = arith.addf %parallel_loop3A_1261, %parallel_loop3A_1265 : vector<16xf32>
        %parallel_loop3A_1267 = arith.index_cast %parallel_loop3A_1248 : i32 to index
        %parallel_loop3A_1268 = arith.index_cast %parallel_loop3A_1257 : i32 to index
        %parallel_loop3A_1269 = tpu.vector_load %arg17[%parallel_loop3A_1267, %parallel_loop3A_1268] {strides = array<i32>} : memref<16x768xf32, #tpu.memory_space<vmem>>, vector<1x16xf32>,
        %parallel_loop3A_1270 = vector.shape_cast %parallel_loop3A_1269 : vector<1x16xf32> to vector<16xf32>
        %parallel_loop3A_1271 = vector.shape_cast %parallel_loop3A_1266 : vector<16xf32> to vector<1x16xf32>
        tpu.vector_store %arg17[%parallel_loop3A_1267, %parallel_loop3A_1268], %parallel_loop3A_1271 {add = true, strides = array<i32>} : memref<16x768xf32, #tpu.memory_space<vmem>>, vector<1x16xf32>,
      } {sc.loop_unroll_factor = 8 : i64, sc.parallel_access}
    } {sc.loop_unroll_factor = 1 : i64, sc.parallel_access}
    %add3A_1129 = arith.constant 6144 : i32
    %add3A_1130 = arith.addi %add3A_1129, %mul3A_2 : i32
    %add3A_1131 = arith.constant 32 : i32
    %add3A_1132 = arith.addi %add3A_1130, %add3A_1131 : i32
    %dma_start3A_1133 = arith.constant 0 : i32
    %dma_start3A_1134 = tpu.memref_slice %arg7[%add3A_1132, %dma_start3A_1133] : memref<8192x768xf32, #tpu.memory_space<hbm>> -> memref<16x768xf32, #tpu.memory_space<hbm>>
    %dma_start3A_1135 = arith.constant 0 : i32
    %dma_start3A_1136 = tpu.memref_slice %arg7[%add3A_1132, %dma_start3A_1135] : memref<8192x768xf32, #tpu.memory_space<hbm>> -> memref<16x768xf32, #tpu.memory_space<hbm>>
    tpu.enqueue_dma source(%arg17 : memref<16x768xf32, #tpu.memory_space<vmem>>) target(%dma_start3A_1136 : memref<16x768xf32, #tpu.memory_space<hbm>>) target_semaphore(%arg33 : memref<!tpu.dma_semaphore, #tpu.memory_space<semaphore_mem>>)
    %dma_wait3A_1137 = arith.constant 0 : i32
    %dma_wait3A_1138 = tpu.memref_slice %arg6[%add3A_1010, %dma_wait3A_1137] : memref<2048x768xf32, #tpu.memory_space<hbm>> -> memref<16x768xf32, #tpu.memory_space<hbm>>
    %dma_wait3A_1139 = arith.constant 0 : i32
    %dma_wait3A_1140 = tpu.memref_slice %arg6[%add3A_1010, %dma_wait3A_1139] : memref<2048x768xf32, #tpu.memory_space<hbm>> -> memref<16x768xf32, #tpu.memory_space<hbm>>
    tpu.wait_dma2 semaphore(%arg27 : memref<!tpu.dma_semaphore, #tpu.memory_space<semaphore_mem>>) src(%dma_wait3A_1140 : memref<16x768xf32, #tpu.memory_space<hbm>>) dst(%arg19 : memref<16x768xf32, #tpu.memory_space<vmem>>)
    %parallel_loop3A_1141 = arith.constant 0 : i32
    %parallel_loop3A_1142 = arith.constant 16 : i32
    %parallel_loop3A_1143 = arith.constant 1 : i32
    scf.for %parallel_loop3A_1248 = %parallel_loop3A_1141 to %parallel_loop3A_1142 step %parallel_loop3A_1143  : i32 {
      %parallel_loop3A_1249 = arith.constant 0 : i32
      %parallel_loop3A_1250 = arith.constant 48 : i32
      %parallel_loop3A_1251 = arith.constant 1 : i32
      scf.for %parallel_loop3A_1252 = %parallel_loop3A_1249 to %parallel_loop3A_1250 step %parallel_loop3A_1251  : i32 {
        %parallel_loop3A_1253 = arith.constant 16 : i32
        %parallel_loop3A_1254 = arith.muli %parallel_loop3A_1252, %parallel_loop3A_1253 : i32
        %parallel_loop3A_1255 = arith.index_cast %parallel_loop3A_1248 : i32 to index
        %parallel_loop3A_1256 = arith.index_cast %parallel_loop3A_1254 : i32 to index
        %parallel_loop3A_1257 = tpu.vector_load %arg19[%parallel_loop3A_1255, %parallel_loop3A_1256] {strides = array<i32>} : memref<16x768xf32, #tpu.memory_space<vmem>>, vector<1x16xf32>,
        %parallel_loop3A_1258 = vector.shape_cast %parallel_loop3A_1257 : vector<1x16xf32> to vector<16xf32>
        %parallel_loop3A_1259 = arith.constant 0 : i32
        %parallel_loop3A_1260 = arith.index_cast %parallel_loop3A_1259 : i32 to index
        %parallel_loop3A_1261 = arith.index_cast %parallel_loop3A_1254 : i32 to index
        %parallel_loop3A_1262 = tpu.vector_load %arg10[%parallel_loop3A_1260, %parallel_loop3A_1261] {strides = array<i32>} : memref<2x768xf32, #tpu.memory_space<vmem>>, vector<1x16xf32>,
        %parallel_loop3A_1263 = vector.shape_cast %parallel_loop3A_1262 : vector<1x16xf32> to vector<16xf32>
        %parallel_loop3A_1264 = arith.addf %parallel_loop3A_1258, %parallel_loop3A_1263 : vector<16xf32>
        %parallel_loop3A_1265 = arith.index_cast %parallel_loop3A_1248 : i32 to index
        %parallel_loop3A_1266 = arith.index_cast %parallel_loop3A_1254 : i32 to index
        %parallel_loop3A_1267 = tpu.vector_load %arg19[%parallel_loop3A_1265, %parallel_loop3A_1266] {strides = array<i32>} : memref<16x768xf32, #tpu.memory_space<vmem>>, vector<1x16xf32>,
        %parallel_loop3A_1268 = vector.shape_cast %parallel_loop3A_1267 : vector<1x16xf32> to vector<16xf32>
        %parallel_loop3A_1269 = vector.shape_cast %parallel_loop3A_1264 : vector<16xf32> to vector<1x16xf32>
        tpu.vector_store %arg19[%parallel_loop3A_1265, %parallel_loop3A_1266], %parallel_loop3A_1269 {strides = array<i32>} : memref<16x768xf32, #tpu.memory_space<vmem>>, vector<1x16xf32>,
      } {sc.loop_unroll_factor = 8 : i64, sc.parallel_access}
    } {sc.loop_unroll_factor = 1 : i64, sc.parallel_access}
    %dma_wait3A_1144 = arith.constant 48 : i32
    %dma_wait3A_1145 = tpu.memref_slice %arg8[%dma_wait3A_1144] : memref<256xi32, #tpu.memory_space<vmem>> -> memref<16xi32, #tpu.memory_space<vmem>>
    %dma_wait3A_1146 = arith.constant 0 : i32
    %dma_wait3A_1147 = arith.constant 0 : i32
    %dma_wait3A_1148 = tpu.memref_slice %arg4[%dma_wait3A_1146, %dma_wait3A_1147] : memref<100000x768xf32, #tpu.memory_space<hbm>> -> memref<100000x768xf32, #tpu.memory_space<hbm>>
    tpu.wait_indirect_dma semaphore(%arg20 : memref<!tpu.dma_semaphore, #tpu.memory_space<semaphore_mem>>) src(%dma_wait3A_1148 : memref<100000x768xf32, #tpu.memory_space<hbm>>) dst(%arg12 : memref<16x768xf32, #tpu.memory_space<vmem>>)
    %get3A_1149 = arith.constant 48 : index
    %get3A_1150 = tpu.vector_load %arg9[%get3A_1149] {strides = array<i32>} : memref<256xi32, #tpu.memory_space<vmem>>, vector<16xi32>,
    %get3A_1151 = vector.shape_cast %get3A_1150 : vector<16xi32> to vector<16xi32>
    %convert_element_type3A_1152 = arith.sitofp %get3A_1151 : vector<16xi32> to vector<16xf32>
    %parallel_loop3A_1153 = arith.constant 0 : i32
    %parallel_loop3A_1154 = arith.constant 16 : i32
    %parallel_loop3A_1155 = arith.constant 1 : i32
    scf.for %parallel_loop3A_1248 = %parallel_loop3A_1153 to %parallel_loop3A_1154 step %parallel_loop3A_1155  : i32 {
      %parallel_loop3A_1249 = vector.broadcast %parallel_loop3A_1248 : i32 to vector<16x1xi32>
      %parallel_loop3A_1250 = vector.shape_cast %parallel_loop3A_1249 : vector<16x1xi32> to vector<16xi32>
      %parallel_loop3A_1251 = tpu.dynamic_gather %convert_element_type3A_1152[%parallel_loop3A_1250] in [0] : vector<16xf32>, vector<16xi32> -> vector<16xf32>
      %parallel_loop3A_1252 = arith.constant 0 : i32
      %parallel_loop3A_1253 = arith.constant 48 : i32
      %parallel_loop3A_1254 = arith.constant 1 : i32
      scf.for %parallel_loop3A_1255 = %parallel_loop3A_1252 to %parallel_loop3A_1253 step %parallel_loop3A_1254  : i32 {
        %parallel_loop3A_1256 = arith.constant 16 : i32
        %parallel_loop3A_1257 = arith.muli %parallel_loop3A_1255, %parallel_loop3A_1256 : i32
        %parallel_loop3A_1258 = arith.index_cast %parallel_loop3A_1248 : i32 to index
        %parallel_loop3A_1259 = arith.index_cast %parallel_loop3A_1257 : i32 to index
        %parallel_loop3A_1260 = tpu.vector_load %arg19[%parallel_loop3A_1258, %parallel_loop3A_1259] {strides = array<i32>} : memref<16x768xf32, #tpu.memory_space<vmem>>, vector<1x16xf32>,
        %parallel_loop3A_1261 = vector.shape_cast %parallel_loop3A_1260 : vector<1x16xf32> to vector<16xf32>
        %parallel_loop3A_1262 = arith.index_cast %parallel_loop3A_1257 : i32 to index
        %parallel_loop3A_1263 = tpu.vector_load %arg11[%parallel_loop3A_1262] {strides = array<i32>} : memref<768xf32, #tpu.memory_space<vmem>>, vector<16xf32>,
        %parallel_loop3A_1264 = vector.shape_cast %parallel_loop3A_1263 : vector<16xf32> to vector<16xf32>
        %parallel_loop3A_1265 = arith.mulf %parallel_loop3A_1251, %parallel_loop3A_1264 : vector<16xf32>
        %parallel_loop3A_1266 = arith.addf %parallel_loop3A_1261, %parallel_loop3A_1265 : vector<16xf32>
        %parallel_loop3A_1267 = arith.index_cast %parallel_loop3A_1248 : i32 to index
        %parallel_loop3A_1268 = arith.index_cast %parallel_loop3A_1257 : i32 to index
        %parallel_loop3A_1269 = tpu.vector_load %arg12[%parallel_loop3A_1267, %parallel_loop3A_1268] {strides = array<i32>} : memref<16x768xf32, #tpu.memory_space<vmem>>, vector<1x16xf32>,
        %parallel_loop3A_1270 = vector.shape_cast %parallel_loop3A_1269 : vector<1x16xf32> to vector<16xf32>
        %parallel_loop3A_1271 = vector.shape_cast %parallel_loop3A_1266 : vector<16xf32> to vector<1x16xf32>
        tpu.vector_store %arg12[%parallel_loop3A_1267, %parallel_loop3A_1268], %parallel_loop3A_1271 {add = true, strides = array<i32>} : memref<16x768xf32, #tpu.memory_space<vmem>>, vector<1x16xf32>,
      } {sc.loop_unroll_factor = 8 : i64, sc.parallel_access}
    } {sc.loop_unroll_factor = 1 : i64, sc.parallel_access}
    %add3A_1156 = arith.constant 0 : i32
    %add3A_1157 = arith.addi %add3A_1156, %mul3A_2 : i32
    %add3A_1158 = arith.constant 48 : i32
    %add3A_1159 = arith.addi %add3A_1157, %add3A_1158 : i32
    %dma_start3A_1160 = arith.constant 0 : i32
    %dma_start3A_1161 = tpu.memref_slice %arg7[%add3A_1159, %dma_start3A_1160] : memref<8192x768xf32, #tpu.memory_space<hbm>> -> memref<16x768xf32, #tpu.memory_space<hbm>>
    %dma_start3A_1162 = arith.constant 0 : i32
    %dma_start3A_1163 = tpu.memref_slice %arg7[%add3A_1159, %dma_start3A_1162] : memref<8192x768xf32, #tpu.memory_space<hbm>> -> memref<16x768xf32, #tpu.memory_space<hbm>>
    tpu.enqueue_dma source(%arg12 : memref<16x768xf32, #tpu.memory_space<vmem>>) target(%dma_start3A_1163 : memref<16x768xf32, #tpu.memory_space<hbm>>) target_semaphore(%arg28 : memref<!tpu.dma_semaphore, #tpu.memory_space<semaphore_mem>>)
    %dma_wait3A_1164 = arith.constant 112 : i32
    %dma_wait3A_1165 = tpu.memref_slice %arg8[%dma_wait3A_1164] : memref<256xi32, #tpu.memory_space<vmem>> -> memref<16xi32, #tpu.memory_space<vmem>>
    %dma_wait3A_1166 = arith.constant 0 : i32
    %dma_wait3A_1167 = arith.constant 0 : i32
    %dma_wait3A_1168 = tpu.memref_slice %arg4[%dma_wait3A_1166, %dma_wait3A_1167] : memref<100000x768xf32, #tpu.memory_space<hbm>> -> memref<100000x768xf32, #tpu.memory_space<hbm>>
    tpu.wait_indirect_dma semaphore(%arg21 : memref<!tpu.dma_semaphore, #tpu.memory_space<semaphore_mem>>) src(%dma_wait3A_1168 : memref<100000x768xf32, #tpu.memory_space<hbm>>) dst(%arg13 : memref<16x768xf32, #tpu.memory_space<vmem>>)
    %get3A_1169 = arith.constant 112 : index
    %get3A_1170 = tpu.vector_load %arg9[%get3A_1169] {strides = array<i32>} : memref<256xi32, #tpu.memory_space<vmem>>, vector<16xi32>,
    %get3A_1171 = vector.shape_cast %get3A_1170 : vector<16xi32> to vector<16xi32>
    %convert_element_type3A_1172 = arith.sitofp %get3A_1171 : vector<16xi32> to vector<16xf32>
    %parallel_loop3A_1173 = arith.constant 0 : i32
    %parallel_loop3A_1174 = arith.constant 16 : i32
    %parallel_loop3A_1175 = arith.constant 1 : i32
    scf.for %parallel_loop3A_1248 = %parallel_loop3A_1173 to %parallel_loop3A_1174 step %parallel_loop3A_1175  : i32 {
      %parallel_loop3A_1249 = vector.broadcast %parallel_loop3A_1248 : i32 to vector<16x1xi32>
      %parallel_loop3A_1250 = vector.shape_cast %parallel_loop3A_1249 : vector<16x1xi32> to vector<16xi32>
      %parallel_loop3A_1251 = tpu.dynamic_gather %convert_element_type3A_1172[%parallel_loop3A_1250] in [0] : vector<16xf32>, vector<16xi32> -> vector<16xf32>
      %parallel_loop3A_1252 = arith.constant 0 : i32
      %parallel_loop3A_1253 = arith.constant 48 : i32
      %parallel_loop3A_1254 = arith.constant 1 : i32
      scf.for %parallel_loop3A_1255 = %parallel_loop3A_1252 to %parallel_loop3A_1253 step %parallel_loop3A_1254  : i32 {
        %parallel_loop3A_1256 = arith.constant 16 : i32
        %parallel_loop3A_1257 = arith.muli %parallel_loop3A_1255, %parallel_loop3A_1256 : i32
        %parallel_loop3A_1258 = arith.index_cast %parallel_loop3A_1248 : i32 to index
        %parallel_loop3A_1259 = arith.index_cast %parallel_loop3A_1257 : i32 to index
        %parallel_loop3A_1260 = tpu.vector_load %arg19[%parallel_loop3A_1258, %parallel_loop3A_1259] {strides = array<i32>} : memref<16x768xf32, #tpu.memory_space<vmem>>, vector<1x16xf32>,
        %parallel_loop3A_1261 = vector.shape_cast %parallel_loop3A_1260 : vector<1x16xf32> to vector<16xf32>
        %parallel_loop3A_1262 = arith.index_cast %parallel_loop3A_1257 : i32 to index
        %parallel_loop3A_1263 = tpu.vector_load %arg11[%parallel_loop3A_1262] {strides = array<i32>} : memref<768xf32, #tpu.memory_space<vmem>>, vector<16xf32>,
        %parallel_loop3A_1264 = vector.shape_cast %parallel_loop3A_1263 : vector<16xf32> to vector<16xf32>
        %parallel_loop3A_1265 = arith.mulf %parallel_loop3A_1251, %parallel_loop3A_1264 : vector<16xf32>
        %parallel_loop3A_1266 = arith.addf %parallel_loop3A_1261, %parallel_loop3A_1265 : vector<16xf32>
        %parallel_loop3A_1267 = arith.index_cast %parallel_loop3A_1248 : i32 to index
        %parallel_loop3A_1268 = arith.index_cast %parallel_loop3A_1257 : i32 to index
        %parallel_loop3A_1269 = tpu.vector_load %arg13[%parallel_loop3A_1267, %parallel_loop3A_1268] {strides = array<i32>} : memref<16x768xf32, #tpu.memory_space<vmem>>, vector<1x16xf32>,
        %parallel_loop3A_1270 = vector.shape_cast %parallel_loop3A_1269 : vector<1x16xf32> to vector<16xf32>
        %parallel_loop3A_1271 = vector.shape_cast %parallel_loop3A_1266 : vector<16xf32> to vector<1x16xf32>
        tpu.vector_store %arg13[%parallel_loop3A_1267, %parallel_loop3A_1268], %parallel_loop3A_1271 {add = true, strides = array<i32>} : memref<16x768xf32, #tpu.memory_space<vmem>>, vector<1x16xf32>,
      } {sc.loop_unroll_factor = 8 : i64, sc.parallel_access}
    } {sc.loop_unroll_factor = 1 : i64, sc.parallel_access}
    %add3A_1176 = arith.constant 2048 : i32
    %add3A_1177 = arith.addi %add3A_1176, %mul3A_2 : i32
    %add3A_1178 = arith.constant 48 : i32
    %add3A_1179 = arith.addi %add3A_1177, %add3A_1178 : i32
    %dma_start3A_1180 = arith.constant 0 : i32
    %dma_start3A_1181 = tpu.memref_slice %arg7[%add3A_1179, %dma_start3A_1180] : memref<8192x768xf32, #tpu.memory_space<hbm>> -> memref<16x768xf32, #tpu.memory_space<hbm>>
    %dma_start3A_1182 = arith.constant 0 : i32
    %dma_start3A_1183 = tpu.memref_slice %arg7[%add3A_1179, %dma_start3A_1182] : memref<8192x768xf32, #tpu.memory_space<hbm>> -> memref<16x768xf32, #tpu.memory_space<hbm>>
    tpu.enqueue_dma source(%arg13 : memref<16x768xf32, #tpu.memory_space<vmem>>) target(%dma_start3A_1183 : memref<16x768xf32, #tpu.memory_space<hbm>>) target_semaphore(%arg29 : memref<!tpu.dma_semaphore, #tpu.memory_space<semaphore_mem>>)
    %dma_wait3A_1184 = arith.constant 176 : i32
    %dma_wait3A_1185 = tpu.memref_slice %arg8[%dma_wait3A_1184] : memref<256xi32, #tpu.memory_space<vmem>> -> memref<16xi32, #tpu.memory_space<vmem>>
    %dma_wait3A_1186 = arith.constant 0 : i32
    %dma_wait3A_1187 = arith.constant 0 : i32
    %dma_wait3A_1188 = tpu.memref_slice %arg4[%dma_wait3A_1186, %dma_wait3A_1187] : memref<100000x768xf32, #tpu.memory_space<hbm>> -> memref<100000x768xf32, #tpu.memory_space<hbm>>
    tpu.wait_indirect_dma semaphore(%arg22 : memref<!tpu.dma_semaphore, #tpu.memory_space<semaphore_mem>>) src(%dma_wait3A_1188 : memref<100000x768xf32, #tpu.memory_space<hbm>>) dst(%arg14 : memref<16x768xf32, #tpu.memory_space<vmem>>)
    %get3A_1189 = arith.constant 176 : index
    %get3A_1190 = tpu.vector_load %arg9[%get3A_1189] {strides = array<i32>} : memref<256xi32, #tpu.memory_space<vmem>>, vector<16xi32>,
    %get3A_1191 = vector.shape_cast %get3A_1190 : vector<16xi32> to vector<16xi32>
    %convert_element_type3A_1192 = arith.sitofp %get3A_1191 : vector<16xi32> to vector<16xf32>
    %parallel_loop3A_1193 = arith.constant 0 : i32
    %parallel_loop3A_1194 = arith.constant 16 : i32
    %parallel_loop3A_1195 = arith.constant 1 : i32
    scf.for %parallel_loop3A_1248 = %parallel_loop3A_1193 to %parallel_loop3A_1194 step %parallel_loop3A_1195  : i32 {
      %parallel_loop3A_1249 = vector.broadcast %parallel_loop3A_1248 : i32 to vector<16x1xi32>
      %parallel_loop3A_1250 = vector.shape_cast %parallel_loop3A_1249 : vector<16x1xi32> to vector<16xi32>
      %parallel_loop3A_1251 = tpu.dynamic_gather %convert_element_type3A_1192[%parallel_loop3A_1250] in [0] : vector<16xf32>, vector<16xi32> -> vector<16xf32>
      %parallel_loop3A_1252 = arith.constant 0 : i32
      %parallel_loop3A_1253 = arith.constant 48 : i32
      %parallel_loop3A_1254 = arith.constant 1 : i32
      scf.for %parallel_loop3A_1255 = %parallel_loop3A_1252 to %parallel_loop3A_1253 step %parallel_loop3A_1254  : i32 {
        %parallel_loop3A_1256 = arith.constant 16 : i32
        %parallel_loop3A_1257 = arith.muli %parallel_loop3A_1255, %parallel_loop3A_1256 : i32
        %parallel_loop3A_1258 = arith.index_cast %parallel_loop3A_1248 : i32 to index
        %parallel_loop3A_1259 = arith.index_cast %parallel_loop3A_1257 : i32 to index
        %parallel_loop3A_1260 = tpu.vector_load %arg19[%parallel_loop3A_1258, %parallel_loop3A_1259] {strides = array<i32>} : memref<16x768xf32, #tpu.memory_space<vmem>>, vector<1x16xf32>,
        %parallel_loop3A_1261 = vector.shape_cast %parallel_loop3A_1260 : vector<1x16xf32> to vector<16xf32>
        %parallel_loop3A_1262 = arith.index_cast %parallel_loop3A_1257 : i32 to index
        %parallel_loop3A_1263 = tpu.vector_load %arg11[%parallel_loop3A_1262] {strides = array<i32>} : memref<768xf32, #tpu.memory_space<vmem>>, vector<16xf32>,
        %parallel_loop3A_1264 = vector.shape_cast %parallel_loop3A_1263 : vector<16xf32> to vector<16xf32>
        %parallel_loop3A_1265 = arith.mulf %parallel_loop3A_1251, %parallel_loop3A_1264 : vector<16xf32>
        %parallel_loop3A_1266 = arith.addf %parallel_loop3A_1261, %parallel_loop3A_1265 : vector<16xf32>
        %parallel_loop3A_1267 = arith.index_cast %parallel_loop3A_1248 : i32 to index
        %parallel_loop3A_1268 = arith.index_cast %parallel_loop3A_1257 : i32 to index
        %parallel_loop3A_1269 = tpu.vector_load %arg14[%parallel_loop3A_1267, %parallel_loop3A_1268] {strides = array<i32>} : memref<16x768xf32, #tpu.memory_space<vmem>>, vector<1x16xf32>,
        %parallel_loop3A_1270 = vector.shape_cast %parallel_loop3A_1269 : vector<1x16xf32> to vector<16xf32>
        %parallel_loop3A_1271 = vector.shape_cast %parallel_loop3A_1266 : vector<16xf32> to vector<1x16xf32>
        tpu.vector_store %arg14[%parallel_loop3A_1267, %parallel_loop3A_1268], %parallel_loop3A_1271 {add = true, strides = array<i32>} : memref<16x768xf32, #tpu.memory_space<vmem>>, vector<1x16xf32>,
      } {sc.loop_unroll_factor = 8 : i64, sc.parallel_access}
    } {sc.loop_unroll_factor = 1 : i64, sc.parallel_access}
    %add3A_1196 = arith.constant 4096 : i32
    %add3A_1197 = arith.addi %add3A_1196, %mul3A_2 : i32
    %add3A_1198 = arith.constant 48 : i32
    %add3A_1199 = arith.addi %add3A_1197, %add3A_1198 : i32
    %dma_start3A_1200 = arith.constant 0 : i32
    %dma_start3A_1201 = tpu.memref_slice %arg7[%add3A_1199, %dma_start3A_1200] : memref<8192x768xf32, #tpu.memory_space<hbm>> -> memref<16x768xf32, #tpu.memory_space<hbm>>
    %dma_start3A_1202 = arith.constant 0 : i32
    %dma_start3A_1203 = tpu.memref_slice %arg7[%add3A_1199, %dma_start3A_1202] : memref<8192x768xf32, #tpu.memory_space<hbm>> -> memref<16x768xf32, #tpu.memory_space<hbm>>
    tpu.enqueue_dma source(%arg14 : memref<16x768xf32, #tpu.memory_space<vmem>>) target(%dma_start3A_1203 : memref<16x768xf32, #tpu.memory_space<hbm>>) target_semaphore(%arg30 : memref<!tpu.dma_semaphore, #tpu.memory_space<semaphore_mem>>)
    %dma_wait3A_1204 = arith.constant 240 : i32
    %dma_wait3A_1205 = tpu.memref_slice %arg8[%dma_wait3A_1204] : memref<256xi32, #tpu.memory_space<vmem>> -> memref<16xi32, #tpu.memory_space<vmem>>
    %dma_wait3A_1206 = arith.constant 0 : i32
    %dma_wait3A_1207 = arith.constant 0 : i32
    %dma_wait3A_1208 = tpu.memref_slice %arg4[%dma_wait3A_1206, %dma_wait3A_1207] : memref<100000x768xf32, #tpu.memory_space<hbm>> -> memref<100000x768xf32, #tpu.memory_space<hbm>>
    tpu.wait_indirect_dma semaphore(%arg23 : memref<!tpu.dma_semaphore, #tpu.memory_space<semaphore_mem>>) src(%dma_wait3A_1208 : memref<100000x768xf32, #tpu.memory_space<hbm>>) dst(%arg15 : memref<16x768xf32, #tpu.memory_space<vmem>>)
    %get3A_1209 = arith.constant 240 : index
    %get3A_1210 = tpu.vector_load %arg9[%get3A_1209] {strides = array<i32>} : memref<256xi32, #tpu.memory_space<vmem>>, vector<16xi32>,
    %get3A_1211 = vector.shape_cast %get3A_1210 : vector<16xi32> to vector<16xi32>
    %convert_element_type3A_1212 = arith.sitofp %get3A_1211 : vector<16xi32> to vector<16xf32>
    %parallel_loop3A_1213 = arith.constant 0 : i32
    %parallel_loop3A_1214 = arith.constant 16 : i32
    %parallel_loop3A_1215 = arith.constant 1 : i32
    scf.for %parallel_loop3A_1248 = %parallel_loop3A_1213 to %parallel_loop3A_1214 step %parallel_loop3A_1215  : i32 {
      %parallel_loop3A_1249 = vector.broadcast %parallel_loop3A_1248 : i32 to vector<16x1xi32>
      %parallel_loop3A_1250 = vector.shape_cast %parallel_loop3A_1249 : vector<16x1xi32> to vector<16xi32>
      %parallel_loop3A_1251 = tpu.dynamic_gather %convert_element_type3A_1212[%parallel_loop3A_1250] in [0] : vector<16xf32>, vector<16xi32> -> vector<16xf32>
      %parallel_loop3A_1252 = arith.constant 0 : i32
      %parallel_loop3A_1253 = arith.constant 48 : i32
      %parallel_loop3A_1254 = arith.constant 1 : i32
      scf.for %parallel_loop3A_1255 = %parallel_loop3A_1252 to %parallel_loop3A_1253 step %parallel_loop3A_1254  : i32 {
        %parallel_loop3A_1256 = arith.constant 16 : i32
        %parallel_loop3A_1257 = arith.muli %parallel_loop3A_1255, %parallel_loop3A_1256 : i32
        %parallel_loop3A_1258 = arith.index_cast %parallel_loop3A_1248 : i32 to index
        %parallel_loop3A_1259 = arith.index_cast %parallel_loop3A_1257 : i32 to index
        %parallel_loop3A_1260 = tpu.vector_load %arg19[%parallel_loop3A_1258, %parallel_loop3A_1259] {strides = array<i32>} : memref<16x768xf32, #tpu.memory_space<vmem>>, vector<1x16xf32>,
        %parallel_loop3A_1261 = vector.shape_cast %parallel_loop3A_1260 : vector<1x16xf32> to vector<16xf32>
        %parallel_loop3A_1262 = arith.index_cast %parallel_loop3A_1257 : i32 to index
        %parallel_loop3A_1263 = tpu.vector_load %arg11[%parallel_loop3A_1262] {strides = array<i32>} : memref<768xf32, #tpu.memory_space<vmem>>, vector<16xf32>,
        %parallel_loop3A_1264 = vector.shape_cast %parallel_loop3A_1263 : vector<16xf32> to vector<16xf32>
        %parallel_loop3A_1265 = arith.mulf %parallel_loop3A_1251, %parallel_loop3A_1264 : vector<16xf32>
        %parallel_loop3A_1266 = arith.addf %parallel_loop3A_1261, %parallel_loop3A_1265 : vector<16xf32>
        %parallel_loop3A_1267 = arith.index_cast %parallel_loop3A_1248 : i32 to index
        %parallel_loop3A_1268 = arith.index_cast %parallel_loop3A_1257 : i32 to index
        %parallel_loop3A_1269 = tpu.vector_load %arg15[%parallel_loop3A_1267, %parallel_loop3A_1268] {strides = array<i32>} : memref<16x768xf32, #tpu.memory_space<vmem>>, vector<1x16xf32>,
        %parallel_loop3A_1270 = vector.shape_cast %parallel_loop3A_1269 : vector<1x16xf32> to vector<16xf32>
        %parallel_loop3A_1271 = vector.shape_cast %parallel_loop3A_1266 : vector<16xf32> to vector<1x16xf32>
        tpu.vector_store %arg15[%parallel_loop3A_1267, %parallel_loop3A_1268], %parallel_loop3A_1271 {add = true, strides = array<i32>} : memref<16x768xf32, #tpu.memory_space<vmem>>, vector<1x16xf32>,
      } {sc.loop_unroll_factor = 8 : i64, sc.parallel_access}
    } {sc.loop_unroll_factor = 1 : i64, sc.parallel_access}
    %add3A_1216 = arith.constant 6144 : i32
    %add3A_1217 = arith.addi %add3A_1216, %mul3A_2 : i32
    %add3A_1218 = arith.constant 48 : i32
    %add3A_1219 = arith.addi %add3A_1217, %add3A_1218 : i32
    %dma_start3A_1220 = arith.constant 0 : i32
    %dma_start3A_1221 = tpu.memref_slice %arg7[%add3A_1219, %dma_start3A_1220] : memref<8192x768xf32, #tpu.memory_space<hbm>> -> memref<16x768xf32, #tpu.memory_space<hbm>>
    %dma_start3A_1222 = arith.constant 0 : i32
    %dma_start3A_1223 = tpu.memref_slice %arg7[%add3A_1219, %dma_start3A_1222] : memref<8192x768xf32, #tpu.memory_space<hbm>> -> memref<16x768xf32, #tpu.memory_space<hbm>>
    tpu.enqueue_dma source(%arg15 : memref<16x768xf32, #tpu.memory_space<vmem>>) target(%dma_start3A_1223 : memref<16x768xf32, #tpu.memory_space<hbm>>) target_semaphore(%arg31 : memref<!tpu.dma_semaphore, #tpu.memory_space<semaphore_mem>>)
    %dma_wait3A_1224 = arith.constant 0 : i32
    %dma_wait3A_1225 = tpu.memref_slice %arg7[%add3A_1159, %dma_wait3A_1224] : memref<8192x768xf32, #tpu.memory_space<hbm>> -> memref<16x768xf32, #tpu.memory_space<hbm>>
    %dma_wait3A_1226 = arith.constant 0 : i32
    %dma_wait3A_1227 = tpu.memref_slice %arg7[%add3A_1159, %dma_wait3A_1226] : memref<8192x768xf32, #tpu.memory_space<hbm>> -> memref<16x768xf32, #tpu.memory_space<hbm>>
    tpu.wait_dma2 semaphore(%arg28 : memref<!tpu.dma_semaphore, #tpu.memory_space<semaphore_mem>>) src(%arg12 : memref<16x768xf32, #tpu.memory_space<vmem>>) dst(%dma_wait3A_1227 : memref<16x768xf32, #tpu.memory_space<hbm>>)
    %dma_wait3A_1228 = arith.constant 0 : i32
    %dma_wait3A_1229 = tpu.memref_slice %arg7[%add3A_1179, %dma_wait3A_1228] : memref<8192x768xf32, #tpu.memory_space<hbm>> -> memref<16x768xf32, #tpu.memory_space<hbm>>
    %dma_wait3A_1230 = arith.constant 0 : i32
    %dma_wait3A_1231 = tpu.memref_slice %arg7[%add3A_1179, %dma_wait3A_1230] : memref<8192x768xf32, #tpu.memory_space<hbm>> -> memref<16x768xf32, #tpu.memory_space<hbm>>
    tpu.wait_dma2 semaphore(%arg29 : memref<!tpu.dma_semaphore, #tpu.memory_space<semaphore_mem>>) src(%arg13 : memref<16x768xf32, #tpu.memory_space<vmem>>) dst(%dma_wait3A_1231 : memref<16x768xf32, #tpu.memory_space<hbm>>)
    %dma_wait3A_1232 = arith.constant 0 : i32
    %dma_wait3A_1233 = tpu.memref_slice %arg7[%add3A_1199, %dma_wait3A_1232] : memref<8192x768xf32, #tpu.memory_space<hbm>> -> memref<16x768xf32, #tpu.memory_space<hbm>>
    %dma_wait3A_1234 = arith.constant 0 : i32
    %dma_wait3A_1235 = tpu.memref_slice %arg7[%add3A_1199, %dma_wait3A_1234] : memref<8192x768xf32, #tpu.memory_space<hbm>> -> memref<16x768xf32, #tpu.memory_space<hbm>>
    tpu.wait_dma2 semaphore(%arg30 : memref<!tpu.dma_semaphore, #tpu.memory_space<semaphore_mem>>) src(%arg14 : memref<16x768xf32, #tpu.memory_space<vmem>>) dst(%dma_wait3A_1235 : memref<16x768xf32, #tpu.memory_space<hbm>>)
    %dma_wait3A_1236 = arith.constant 0 : i32
    %dma_wait3A_1237 = tpu.memref_slice %arg7[%add3A_1219, %dma_wait3A_1236] : memref<8192x768xf32, #tpu.memory_space<hbm>> -> memref<16x768xf32, #tpu.memory_space<hbm>>
    %dma_wait3A_1238 = arith.constant 0 : i32
    %dma_wait3A_1239 = tpu.memref_slice %arg7[%add3A_1219, %dma_wait3A_1238] : memref<8192x768xf32, #tpu.memory_space<hbm>> -> memref<16x768xf32, #tpu.memory_space<hbm>>
    tpu.wait_dma2 semaphore(%arg31 : memref<!tpu.dma_semaphore, #tpu.memory_space<semaphore_mem>>) src(%arg15 : memref<16x768xf32, #tpu.memory_space<vmem>>) dst(%dma_wait3A_1239 : memref<16x768xf32, #tpu.memory_space<hbm>>)
    %dma_wait3A_1240 = arith.constant 0 : i32
    %dma_wait3A_1241 = tpu.memref_slice %arg7[%add3A_1112, %dma_wait3A_1240] : memref<8192x768xf32, #tpu.memory_space<hbm>> -> memref<16x768xf32, #tpu.memory_space<hbm>>
    %dma_wait3A_1242 = arith.constant 0 : i32
    %dma_wait3A_1243 = tpu.memref_slice %arg7[%add3A_1112, %dma_wait3A_1242] : memref<8192x768xf32, #tpu.memory_space<hbm>> -> memref<16x768xf32, #tpu.memory_space<hbm>>
    tpu.wait_dma2 semaphore(%arg32 : memref<!tpu.dma_semaphore, #tpu.memory_space<semaphore_mem>>) src(%arg16 : memref<16x768xf32, #tpu.memory_space<vmem>>) dst(%dma_wait3A_1243 : memref<16x768xf32, #tpu.memory_space<hbm>>)
    %dma_wait3A_1244 = arith.constant 0 : i32
    %dma_wait3A_1245 = tpu.memref_slice %arg7[%add3A_1132, %dma_wait3A_1244] : memref<8192x768xf32, #tpu.memory_space<hbm>> -> memref<16x768xf32, #tpu.memory_space<hbm>>
    %dma_wait3A_1246 = arith.constant 0 : i32
    %dma_wait3A_1247 = tpu.memref_slice %arg7[%add3A_1132, %dma_wait3A_1246] : memref<8192x768xf32, #tpu.memory_space<hbm>> -> memref<16x768xf32, #tpu.memory_space<hbm>>
    tpu.wait_dma2 semaphore(%arg33 : memref<!tpu.dma_semaphore, #tpu.memory_space<semaphore_mem>>) src(%arg17 : memref<16x768xf32, #tpu.memory_space<vmem>>) dst(%dma_wait3A_1247 : memref<16x768xf32, #tpu.memory_space<hbm>>)
    return
  }
}

</mosaic_0001>

<sc_bundles>
// kernel: _embed.3.cloned.1.call-start
scs
__scs_entry_jumppad:
0x0: {  	(pc) =	sbr.rel $0x88, $3  }
0x1: {  	(tag) =	ssettag $0x0;
	lr =	simm.s32 $0x1  }
0x2: {  	[smem:$0x3F9C] =	sst lr;
	_ =	strace $0xD0000000  }
0x3: {  	_ = 	snop  }
0x4: {  	_ = 	snop  }
0x5: {  	_ = 	snop  }
0x6: {  	_ = 	snop  }
0x7: {  	_ = 	snop  }
__scs_overlays_trampoline_lowered:
0x8: {  	[smem:$0x3FAB] =	sst s0  }
0x9: {  	[smem:$0x3FAC] =	sst s1  }
0xa: {  	[smem:$0x3FAD] =	sst s2  }
0xb: {  	[smem:$0x3FAE] =	sst s3  }
0xc: {  	[smem:$0x3FAF] =	sst s4  }
0xd: {  	[smem:$0x3FB0] =	sst s5  }
0xe: {  	[smem:$0x3FB1] =	sst s6  }
0xf: {  	[smem:$0x3FB2] =	sst s7  }
0x10: {  	[smem:$0x3FB3] =	sst s8  }
0x11: {  	[smem:$0x3FB4] =	sst s9;
	s0 =	simm.s32 @!p0 $0x0  }
0x12: {  	s1 =	sld [smem:$0x3F9A];
	s0 =	simm.s32 @p0 $0x1  }
0x13: {  	[smem:$0x3FB5] =	sst s0;
	s0 =	simm.s32 @!p1 $0x0  }
0x14: {  	s2 =	sld [smem:$0x3F99];
	s0 =	simm.s32 @p1 $0x1  }
0x15: {  	[smem:$0x3FB6] =	sst s0;
	s0 =	simm.s32 @!p2 $0x0  }
0x16: {  	s3 =	sld [smem:$0x3FDB];
	s0 =	simm.s32 @p2 $0x1  }
0x17: {  	s4 =	simm.s32 $0x1BF5;
	[smem:$0x3FB8] =	sst s0  }
0x18: {  	s0 =	sld [smem:$0x3F9B];
	_ =	swait.ge [sflag:s4], $0x0  }
0x19: {  	s7 =	sld [smem:$0x3F9C]  }
0x1a: {  	s8 =	sadd.s32 $0xFFFFE003, lr  }
0x1b: {  	s9 =	sadd.s32 $0xFFFFFEF7, lr;
	s5 =	simm.s32 $0xFFFFFFFF;
	p2 =	slt.u32 s8, $0xFFFFF086  }
0x1c: {  	p1 =	slt.u32 s9, $0xF7A;
	s5 =	simm.s32 @!p2 $0x0  }
0x1d: {  	s5 =	simm.s32 @p1 $0x1;
	p0 =	seq.s32 s7, s2  }
0x1e: {  	s7 =	smul.u32 @!p0 $0xF7A, s2;
	p2 =	seq.s32 @!p0 s5, $0x0  }
0x1f: {  	s9 =	smul.u32 $0xF7A, s1;
	s8 =	simm.s32 @!p0 $0x1BF5;
	p2 =	por !p2, p0  }
0x20: {  	[sflag:s8] =	ssyncset.s32 @!p0 $0xFFFFF086;
	s6 =	sadd.s32 @!p0 s3, s7;
	s7 =	simm.s32 @!p0 $0x108  }
0x21: {  	s3 =	sadd.s32 s3, s9;
	s6 =	sadd.s32 @!p0 $0x88, s6;
	s7 =	simm.s32 @p2 $0x1082  }
0x22: {  	[simem:s7], [sflag:s8] =	dma.local @!p0 [hbm:s6], $0xF7A  }
0x23: {  	s9 =	sor.u32 $0xD0000000, s2;
	s6 =	simm.s32 $0x108;
	_ =	swait.ge @!p0 [sflag:s8], $0x0  }
0x24: {  	s3 =	sadd.s32 $0x88, s3;
	s6 =	simm.s32 @!p1 $0x1082;
	[sflag:s4] =	ssyncset.s32 $0xFFFFF086  }
0x25: {  	[simem:s6], [sflag:s4] =	dma.local [hbm:s3], $0xF7A  }
0x26: {  	[smem:$0x3F9C] =	sst s1;
	(tag) =	ssettag s2;
	_ =	strace s9  }
0x27: {  	s1 =	sld [smem:$0x3FAC]  }
0x28: {  	s2 =	sld [smem:$0x3FAD]  }
0x29: {  	s4 =	sld [smem:$0x3FAF]  }
0x2a: {  	p0 =	seq.s32 s5, $0x0;
	s5 =	sld [smem:$0x3FB0]  }
0x2b: {  	s6 =	sld [smem:$0x3FB1]  }
0x2c: {  	s7 =	sld [smem:$0x3FB2]  }
0x2d: {  	s3 =	simm.s32 $0x108;
	s8 =	sld [smem:$0x3FB3]  }
0x2e: {  	s3 =	simm.s32 @!p0 $0x1082;
	s9 =	sld [smem:$0x3FB4]  }
0x2f: {  	lr =	sadd.s32 s0, s3;
	s0 =	sld [smem:$0x3FAB]  }
0x30: {  	s3 =	sld [smem:$0x3FAE]  }
0x31: {  	[smem:$0x3FB7] =	sst s10  }
0x32: {  	s10 =	sld [smem:$0x3FB5];
	_ =	sdelay $0x3  }
0x33: {  	p0 =	seq.s32 s10, $0x1;
	s10 =	sld [smem:$0x3FB7];
	_ =	sdelay $0x3  }
0x34: {  	[smem:$0x3FB7] =	sst s10  }
0x35: {  	s10 =	sld [smem:$0x3FB6];
	_ =	sdelay $0x3  }
0x36: {  	p1 =	seq.s32 s10, $0x1;
	s10 =	sld [smem:$0x3FB7];
	_ =	sdelay $0x3  }
0x37: {  	[smem:$0x3FB7] =	sst s10  }
0x38: {  	s10 =	sld [smem:$0x3FB8]  }
0x39: {  	_ = 	snop;
	(pc) =	sbr.ind lr, $3  }
0x3a: {  	_ = 	snop  }
0x3b: {  	_ = 	snop  }
0x3c: {  	p2 =	seq.s32 s10, $0x1;
	s10 =	sld [smem:$0x3FB7]  }
0x3d: {  	_ =	shalt  }
0x3e: {  	_ =	shalt  }
0x3f: {  	_ =	shalt  }
0x40: {  	_ =	shalt  }
0x41: {  	_ =	shalt  }
0x42: {  	_ =	shalt  }
0x43: {  	_ =	shalt  }
0x44: {  	_ =	shalt  }
0x45: {  	_ =	shalt  }
0x46: {  	_ =	shalt  }
0x47: {  	_ =	shalt  }
0x48: {  	_ =	shalt  }
0x49: {  	_ =	shalt  }
0x4a: {  	_ =	shalt  }
0x4b: {  	_ =	shalt  }
0x4c: {  	_ =	shalt  }
0x4d: {  	_ =	shalt  }
0x4e: {  	_ =	shalt  }
0x4f: {  	_ =	shalt  }
0x50: {  	_ =	shalt  }
0x51: {  	_ =	shalt  }
0x52: {  	_ =	shalt  }
0x53: {  	_ =	shalt  }
0x54: {  	_ =	shalt  }
0x55: {  	_ =	shalt  }
0x56: {  	_ =	shalt  }
0x57: {  	_ =	shalt  }
0x58: {  	_ =	shalt  }
0x59: {  	_ =	shalt  }
0x5a: {  	_ =	shalt  }
0x5b: {  	_ =	shalt  }
0x5c: {  	_ =	shalt  }
0x5d: {  	_ =	shalt  }
0x5e: {  	_ =	shalt  }
0x5f: {  	_ =	shalt  }
0x60: {  	_ =	shalt  }
0x61: {  	_ =	shalt  }
0x62: {  	_ =	shalt  }
0x63: {  	_ =	shalt  }
0x64: {  	_ =	shalt  }
0x65: {  	_ =	shalt  }
0x66: {  	_ =	shalt  }
0x67: {  	_ =	shalt  }
0x68: {  	_ =	shalt  }
0x69: {  	_ =	shalt  }
0x6a: {  	_ =	shalt  }
0x6b: {  	_ =	shalt  }
0x6c: {  	_ =	shalt  }
0x6d: {  	_ =	shalt  }
0x6e: {  	_ =	shalt  }
0x6f: {  	_ =	shalt  }
0x70: {  	_ =	shalt  }
0x71: {  	_ =	shalt  }
0x72: {  	_ =	shalt  }
0x73: {  	_ =	shalt  }
0x74: {  	_ =	shalt  }
0x75: {  	_ =	shalt  }
0x76: {  	_ =	shalt  }
0x77: {  	_ =	shalt  }
0x78: {  	_ =	shalt  }
0x79: {  	_ =	shalt  }
0x7a: {  	_ =	shalt  }
0x7b: {  	_ =	shalt  }
0x7c: {  	_ =	shalt  }
0x7d: {  	_ =	shalt  }
0x7e: {  	_ =	shalt  }
0x7f: {  	_ =	shalt  }
0x80: {  	_ =	shalt  }
0x81: {  	_ =	shalt  }
0x82: {  	_ =	shalt  }
0x83: {  	_ =	shalt  }
0x84: {  	_ =	shalt  }
0x85: {  	_ =	shalt  }
0x86: {  	_ =	shalt  }
0x87: {  	_ =	shalt  }
.Lfunc_end0:
.L_simem_size_0:
called_computation_lowered:
.L_overlay_start_0:
0x88: {  	s2 =	sld [smem:$0x3FD9]  }
0x89: {  	s3 =	sld [smem:$0x3FFE];
	_ =	sdelay $0x1  }
0x8a: {  	s1 =	srdreg.scid  }
0x8b: {  	s0 =	sand.u32 $0x1, s1  }
0x8c: {  	s18 =	sshll.u32 s0, $0xA;
	s2 =	sadd.s32 s3, s2  }
0x8d: {  	s2 =	sadd.s32 s2, s18  }
0x8e: {  	[smem:$0x3FC3] =	sst s2  }
0x8f: {  	_ = 	snop  }
0x90: {  	s2 =	sld [smem:$0x3FC9]  }
0x91: {  	s19 =	sld [smem:$0x3FC8]  }
0x92: {  	s4 =	sld [smem:$0x3FC7]  }
0x93: {  	s5 =	sld [smem:$0x3FC6]  }
0x94: {  	s6 =	sld [smem:$0x3FC5]  }
0x95: {  	s7 =	sld [smem:$0x3FD0];
	(tm) =	ssettm $0x1  }
0x96: {  	s8 =	sld [smem:$0x3FFB];
	_ =	sdelay $0x3  }
0x97: {  	_ =	strace s8  }
0x98: {  	s8 =	sld [smem:$0x3FFC];
	_ =	sdelay $0x3  }
0x99: {  	_ =	strace s8  }
0x9a: {  	s8 =	sld [smem:$0x3FFD];
	_ =	sdelay $0x3  }
0x9b: {  	_ =	strace s8  }
0x9c: {  	_ =	strace $0x8FFFFFFF  }
0x9d: {  	s20 =	sld [smem:$0x3FDB];
	_ =	sdelay $0x1  }
0x9e: {  	s9 =	simm.s32 $_scs_section_size  }
0x9f: {  	s10 =	simm.s32 $_size__tile_overlayer_lowered;
	s11 =	simm.s32 $_tile_overlayer_lowered  }
0xa0: {  	s23 =	simm.s32 $0x1BFF;
	s22 =	sshll.u32 s11, $0x1;
	s8 =	sadd.s32 s9, s20  }
0xa1: {  	s12 =	simm.s32 $0x0;
	s21 =	sshll.u32 s10, $0x1;
	s10 =	sadd.s32 s22, s8  }
0xa2: {  	[timem:s12], [sflag:s23] =	dma.local [hbm:s10], s21  }
0xa3: {  	_ =	swait.ge [sflag:s23], s21  }
0xa4: {  	s9 =	ssub.s32 $0x0, s21;
	[sflag:s23] =	ssyncset.done $0x0  }
0xa5: {  	[sflag:s23] =	ssyncadd.s32 s9;
	_ =	sdelay $0x1  }
0xa6: {  	s24 =	simm.s32 $0x1B8B  }
0xa7: {  	_ =	swait.ge [sflag:s24], $0x1  }
0xa8: {  	[sflag:s24] =	ssyncset.done $0x0  }
0xa9: {  	s25 =	simm.s32 $0x1B8E;
	[sflag:s24] =	ssyncadd.s32 $0xFFFFFFFF  }
0xaa: {  	s26 =	simm.s32 $execute0_lowered;
	[smem:$0x3FD2] =	sst s25  }
0xab: {  	s9 =	sshll.u32 s26, $0x1;
	_ =	strace $0x80000046;
	[dreg:$0x1] =	wrdreg $0xFFFFFFFF  }
0xac: {  	s28 =	simm.s32 $_size_execute0_lowered;
	s8 =	sadd.s32 s8, s9;
	[dreg:$0x0] =	wrdreg $0x0  }
0xad: {  	s9 =	sshll.u32 s28, $0x1;
	[dreg:$0x2] =	wrdreg s8  }
0xae: {  	[dreg:$0x3] =	wrdreg s9  }
0xaf: {  	[dreg:$0x4] =	wrdreg $0xC0  }
0xb0: {  	_ =	task [dreg:s12], $0x5FFFF  }
0xb1: {  	[dreg:$0x1] =	wrdreg $0xFFFFFFFF  }
0xb2: {  	[dreg:$0x0] =	wrdreg $0x60  }
0xb3: {  	[dreg:$0x2] =	wrdreg s2  }
0xb4: {  	[dreg:$0x3] =	wrdreg s19  }
0xb5: {  	[dreg:$0x4] =	wrdreg s4  }
0xb6: {  	[dreg:$0x5] =	wrdreg s5  }
0xb7: {  	[dreg:$0x6] =	wrdreg s6  }
0xb8: {  	[dreg:$0x7] =	wrdreg s7  }
0xb9: {  	[dreg:$0x8] =	wrdreg $0x9  }
0xba: {  	_ =	task.clear_ibuf [dreg:s12], $0x9FFFF;
	_ =	strace $0x90000046  }
0xbb: {  	s29 =	simm.s32 $0x9;
	_ =	strace $0x80000048  }
0xbc: {  	_ =	swait.ge [sflag:s29], $0x1  }
0xbd: {  	[sflag:s29] =	ssyncadd.s32 $0xFFFFFFFF  }
0xbe: {  	_ =	strace $0x90000048  }
0xbf: {  	_ =	sfence  }
0xc0: {  	s30 =	sld [smem:$0x0];
	_ =	sdelay $0x2  }
0xc1: {  	s31 =	sshll.u32 s1, $0xD;
	s1 =	sshrl.u32 s1, $0x2  }
0xc2: {  	s3 =	sand.u32 $0x4000, s31;
	s1 =	sadd.s32 s1, s30  }
0xc3: {  	s0 =	sor.u32 s3, s0;
	s1 =	sshll.u32 s1, $0x11  }
0xc4: {  	s0 =	sor.u32 s1, s0  }
0xc5: {  	s0 =	sadd.s32 $0x8F2B, s0  }
0xc6: {  	[sflag:s0] =	ssyncadd.remote.s32 $0x1  }
0xc7: {  	_ =	sfence.sel $0xFFFF  }
0xc8: {  	[dreg:$0x0] =	wrdreg $0xFFFFFFFF;
	(pc) =	sbr.abs _section_cstart, $3  }
0xc9: {  	[dreg:$0x1] =	wrdreg $0xFFFFFFFF  }
0xca: {  	_ =	task.clear_ibuf [dreg:s12], $0x2FFFF;
	_ =	strace $0x9FFFFFFF  }
0xcb: {  	(tm) =	ssettm $0x7FFFFFFF  }
tec
execute0_lowered:
.L_overlay_start_1:
0x0: {  	(tag) =	ssettag $0x1  }
0x1: {  	s0 =	rddreg [dreg:$0x0]  }
0x2: {  	s2 =	rddreg [dreg:$0x1]  }
0x3: {  	s1 =	rddreg [dreg:$0x2]  }
0x4: {  	s3 =	rddreg [dreg:$0x4]  }
0x5: {  	s5 =	rddreg [dreg:$0x5];
	s6 =	srdreg.scid  }
0x6: {  	s4 =	simm.s32 $0x0;
	s9 =	stileid.u32;
	s6 =	sand.u32 $0x1, s6  }
0x7: {  	s9 =	sshll.u32 s9, $0x4;
	s7 =	ssub.s32 $0x2, s6;
	s6 =	sshll.u32 s6, $0x3  }
0x8: {  	s30 =	simm.s32 $0x3B00;
	[smem:$0x7FF] =	sst s4;
	s6 =	sor.u32 s6, s9  }
0x9: {  	s28 =	simm.s32 $0xE;
	_ =	strace $0x80000047;
	s15 =	sadd.s32 s0, s6  }
0xa: {  	s16 =	sadd.s32 s2, s6;
	s17 =	sor.u32 $0x100, s6;
	[dreg:$0x7] =	wrdreg s15  }
0xb: {  	s29 =	simm.s32 $0x0;
	[dreg:$0x8] =	wrdreg s16;
	s18 =	sadd.s32 s0, s17  }
0xc: {  	s20 =	sor.u32 $0x200, s6;
	s19 =	sadd.s32 s2, s17;
	[dreg:$0x9] =	wrdreg s18  }
0xd: {  	s8 =	sshrl.u32 s7, $0x1;
	s10 =	sadd.s32 s0, s20;
	[dreg:$0xa] =	wrdreg s19  }
0xe: {  	s21 =	sor.u32 $0x300, s6;
	s12 =	sadd.s32 s2, s20;
	[dreg:$0xb] =	wrdreg s10  }
0xf: {  	s7 =	ssub.s32 s7, s8;
	s0 =	sadd.s32 s0, s21;
	[dreg:$0xc] =	wrdreg s12  }
0x10: {  	s11 =	smul.u32 $0x300, s6;
	s2 =	sadd.s32 s2, s21;
	[dreg:$0xd] =	wrdreg s0  }
0x11: {  	s9 =	simm.s32 $0x6B00;
	s16 =	smax.u32 s7, $0x1;
	[dreg:$0xe] =	wrdreg s2  }
0x12: {  	s22 =	smul.u32 $0x300, s17;
	s24 =	sadd.s32 s3, s11;
	[dreg:$0x1a] =	wrdreg s16  }
0x13: {  	s23 =	sor.u32 $0x600, s11;
	s11 =	sadd.s32 s5, s11;
	[dreg:$0xf] =	wrdreg s24  }
0x14: {  	s26 =	smul.u32 $0x300, s20;
	s25 =	sadd.s32 s3, s23;
	[dreg:$0x11] =	wrdreg s11  }
0x15: {  	s31 =	smul.u32 $0x300, s21;
	s0 =	sadd.s32 s5, s22;
	[dreg:$0x10] =	wrdreg s25  }
0x16: {  	s6 =	smul.u32 $0x1800, s6;
	s8 =	sadd.s32 s5, s26;
	[dreg:$0x12] =	wrdreg s0  }
0x17: {  	s7 =	simm.s32 $0xF;
	s13 =	sadd.s32 s5, s31;
	[dreg:$0x13] =	wrdreg s8  }
0x18: {  	s6 =	sshrl.u32 s6, $0x3;
	s2 =	sadd.s32 s5, s23;
	[dreg:$0x15] =	wrdreg s13  }
0x19: {  	s16 =	simm.s32 $0x3;
	s17 =	sadd.s32 $0x30600, s11;
	[dreg:$0x16] =	wrdreg s2  }
0x1a: {  	s10 =	sadd.s32 $0xC00, s6;
	s18 =	sadd.s32 $0x60600, s11;
	[dreg:$0x1b] =	wrdreg s17  }
0x1b: {  	s6 =	sadd.s32 $0x1200, s6;
	s19 =	sadd.s32 $0x90600, s11;
	[dreg:$0x1c] =	wrdreg s18  }
0x1c: {  	s24 =	sadd.s32 $0x100, s1;
	s20 =	sadd.s32 $0x30C00, s11;
	[dreg:$0x1d] =	wrdreg s19  }
0x1d: {  	s26 =	sadd.s32 $0x200, s1;
	s21 =	sadd.s32 $0x60C00, s11;
	[dreg:$0x1e] =	wrdreg s20  }
0x1e: {  	s22 =	sadd.s32 $0x90C00, s11;
	s23 =	sadd.s32 $0x31200, s11;
	[dreg:$0x1f] =	wrdreg s21  }
0x1f: {  	s31 =	sadd.s32 $0x91200, s11;
	s12 =	sadd.s32 s3, s10;
	[smem:$0x7FA] =	sst s22  }
0x20: {  	s14 =	sadd.s32 s3, s6;
	s0 =	sadd.s32 s5, s10;
	[smem:$0x7FB] =	sst s23  }
0x21: {  	s15 =	sadd.s32 s5, s6;
	s25 =	sadd.s32 $0x61200, s11;
	[smem:$0x7FD] =	sst s31  }
0x22: {  	s21 =	simm.s32 $0xB00;
	s3 =	simm.s32 $0x9B00;
	s20 =	simm.s32 $0xCB00  }
0x23: {  	s22 =	simm.s32 $0xFB00;
	s10 =	simm.s32 $0x1;
	[dreg:$0x14] =	wrdreg s12  }
0x24: {  	s11 =	simm.s32 $0x9;
	s13 =	simm.s32 $0xA;
	[dreg:$0x17] =	wrdreg s14  }
0x25: {  	v2 =	vlaneseq.u32;
	s17 =	simm.s32 $0xB;
	s18 =	simm.s32 $0x4;
	[dreg:$0x18] =	wrdreg s0  }
0x26: {  	vm0 =	vmmov $0xffff;
	v1 =	vshrl.u32 v2, $0x3;
	s19 =	simm.s32 $0xC;
	s23 =	simm.s32 $0xD;
	[dreg:$0x19] =	wrdreg s15  }
0x27: {  	v0 =	vand.u32 $0x7, v2;
	v2 =	vor.u32 $0x8, v2;
	v1 =	vmul.u32 $0x8, v1;
	[smem:$0x7FC] =	sst s25;
	s12 =	simm.s32 $0x2;
	s25 =	simm.s32 $0x6  }
.LBB2_1:
0x28: {  	s0 =	rddreg [dreg:$0x7]  }
0x29: {  	[tilespmem:s4], [sflag:$0xF] =	stream.linear.gather [hbm4b:s0+s4], $0x40, $0x38;
	[tilespmem:$0x18B00] =	vst v63  }
0x2a: {  	_ =	swait.ge [sflag:s7], $0x40  }
0x2b: {  	[sflag:s7] =	ssyncset.done $0x0  }
0x2c: {  	s2 =	simm.s32 $0x100;
	s31 =	rddreg [dreg:$0x8];
	[sflag:s7] =	ssyncadd.s32 $0xFFFFFFC0  }
0x2d: {  	[tilespmem:s2], [sflag:$0xF] =	stream.linear.gather [hbm4b:s31+s4], $0x40, $0x38;
	[tilespmem:$0x18B00] =	vst v63  }
0x2e: {  	_ =	swait.ge [sflag:s7], $0x40  }
0x2f: {  	[sflag:s7] =	ssyncset.done $0x0  }
0x30: {  	s6 =	simm.s32 $0x40;
	s5 =	rddreg [dreg:$0x9];
	[sflag:s7] =	ssyncadd.s32 $0xFFFFFFC0  }
0x31: {  	[tilespmem:s6], [sflag:$0xF] =	stream.linear.gather [hbm4b:s5+s4], $0x40, $0x38;
	[tilespmem:$0x18B00] =	vst v63  }
0x32: {  	_ =	swait.ge [sflag:s7], $0x40  }
0x33: {  	[sflag:s7] =	ssyncset.done $0x0  }
0x34: {  	s14 =	simm.s32 $0x140;
	s8 =	rddreg [dreg:$0xa];
	[sflag:s7] =	ssyncadd.s32 $0xFFFFFFC0  }
0x35: {  	[tilespmem:s14], [sflag:$0xF] =	stream.linear.gather [hbm4b:s8+s4], $0x40, $0x38;
	[tilespmem:$0x18B00] =	vst v63  }
0x36: {  	_ =	swait.ge [sflag:s7], $0x40  }
0x37: {  	[sflag:s7] =	ssyncset.done $0x0  }
0x38: {  	s31 =	simm.s32 $0x80;
	s15 =	rddreg [dreg:$0xb];
	[sflag:s7] =	ssyncadd.s32 $0xFFFFFFC0  }
0x39: {  	[tilespmem:s31], [sflag:$0xF] =	stream.linear.gather [hbm4b:s15+s4], $0x40, $0x38;
	[tilespmem:$0x18B00] =	vst v63  }
0x3a: {  	_ =	swait.ge [sflag:s7], $0x40  }
0x3b: {  	[sflag:s7] =	ssyncset.done $0x0  }
0x3c: {  	s6 =	simm.s32 $0x180;
	s5 =	rddreg [dreg:$0xc];
	[sflag:s7] =	ssyncadd.s32 $0xFFFFFFC0  }
0x3d: {  	[tilespmem:s6], [sflag:$0xF] =	stream.linear.gather [hbm4b:s5+s4], $0x40, $0x38;
	[tilespmem:$0x18B00] =	vst v63  }
0x3e: {  	_ =	swait.ge [sflag:s7], $0x40  }
0x3f: {  	[sflag:s7] =	ssyncset.done $0x0  }
0x40: {  	s14 =	simm.s32 $0xC0;
	s8 =	rddreg [dreg:$0xd];
	[sflag:s7] =	ssyncadd.s32 $0xFFFFFFC0  }
0x41: {  	[tilespmem:s14], [sflag:$0xF] =	stream.linear.gather [hbm4b:s8+s4], $0x40, $0x38;
	[tilespmem:$0x18B00] =	vst v63  }
0x42: {  	_ =	swait.ge [sflag:s7], $0x40  }
0x43: {  	[sflag:s7] =	ssyncset.done $0x0  }
0x44: {  	s31 =	simm.s32 $0x1C0;
	s15 =	rddreg [dreg:$0xe];
	[sflag:s7] =	ssyncadd.s32 $0xFFFFFFC0  }
0x45: {  	[tilespmem:s31], [sflag:$0xF] =	stream.linear.gather [hbm4b:s15+s4], $0x40, $0x38;
	[tilespmem:$0x18B00] =	vst v63  }
0x46: {  	_ =	swait.ge [sflag:s7], $0x40  }
0x47: {  	[sflag:s7] =	ssyncset.done $0x0  }
0x48: {  	[sflag:s7] =	ssyncadd.s32 $0xFFFFFFC0  }
0x49: {  	s6 =	simm.s32 $0x200;
	s5 =	rddreg [dreg:$0x3]  }
0x4a: {  	[tilespmem:s6], [sflag:$0xF] =	stream.linear.gather [hbm4b:s5+s4], $0x600, $0x38;
	[tilespmem:$0x18B00] =	vst v63  }
0x4b: {  	_ =	swait.ge [sflag:s7], $0x600  }
0x4c: {  	[sflag:s7] =	ssyncset.done $0x0  }
0x4d: {  	[sflag:s7] =	ssyncadd.s32 $0xFFFFFA00  }
0x4e: {  	v3 =	vld [tilespmem:$0x280]  }
0x4f: {  	v4 =	vld [tilespmem:$0x200]  }
0x50: {  	v5 =	vld [tilespmem:$0x290]  }
0x51: {  	v6 =	vld [tilespmem:$0x210]  }
0x52: {  	v7 =	vld [tilespmem:$0x2A0]  }
0x53: {  	v8 =	vld [tilespmem:$0x220]  }
0x54: {  	v9 =	vld [tilespmem:$0x2B0]  }
0x55: {  	v10 =	vld [tilespmem:$0x230]  }
0x56: {  	v11 =	vld [tilespmem:$0x2C0]  }
0x57: {  	v12 =	vld [tilespmem:$0x240]  }
0x58: {  	v13 =	vld [tilespmem:$0x2D0]  }
0x59: {  	v14 =	vld [tilespmem:$0x250]  }
0x5a: {  	v15 =	vld [tilespmem:$0x2E0]  }
0x5b: {  	v16 =	vld [tilespmem:$0x260]  }
0x5c: {  	v17 =	vld [tilespmem:$0x2F0]  }
0x5d: {  	v18 =	vld [tilespmem:$0x270]  }
0x5e: {  	v19 =	vld [tilespmem:$0x380]  }
0x5f: {  	v20 =	vld [tilespmem:$0x300]  }
0x60: {  	v21 =	vld [tilespmem:$0x390]  }
0x61: {  	v22 =	vld [tilespmem:$0x310]  }
0x62: {  	v23 =	vld [tilespmem:$0x3A0]  }
0x63: {  	v24 =	vld [tilespmem:$0x320]  }
0x64: {  	v25 =	vld [tilespmem:$0x3B0]  }
0x65: {  	v26 =	vld [tilespmem:$0x330]  }
0x66: {  	v27 =	vld [tilespmem:$0x3C0]  }
0x67: {  	v28 =	vld [tilespmem:$0x340]  }
0x68: {  	v29 =	vld [tilespmem:$0x3D0]  }
0x69: {  	v30 =	vld [tilespmem:$0x350]  }
0x6a: {  	v31 =	vld [tilespmem:$0x3E0]  }
0x6b: {  	v32 =	vld [tilespmem:$0x360]  }
0x6c: {  	v33 =	vld [tilespmem:$0x3F0]  }
0x6d: {  	v34 =	vld [tilespmem:$0x370]  }
0x6e: {  	v35 =	vld [tilespmem:$0x480]  }
0x6f: {  	v36 =	vld [tilespmem:$0x400]  }
0x70: {  	v37 =	vld [tilespmem:$0x490]  }
0x71: {  	v38 =	vld [tilespmem:$0x410]  }
0x72: {  	v39 =	vld [tilespmem:$0x4A0]  }
0x73: {  	v40 =	vld [tilespmem:$0x420]  }
0x74: {  	v41 =	vld [tilespmem:$0x4B0]  }
0x75: {  	v42 =	vld [tilespmem:$0x430]  }
0x76: {  	v43 =	vld [tilespmem:$0x4C0]  }
0x77: {  	v44 =	vld [tilespmem:$0x440]  }
0x78: {  	v45 =	vld [tilespmem:$0x4D0]  }
0x79: {  	v46 =	vld [tilespmem:$0x450]  }
0x7a: {  	v47 =	vld [tilespmem:$0x4E0]  }
0x7b: {  	v48 =	vld [tilespmem:$0x460]  }
0x7c: {  	v49 =	vld [tilespmem:$0x4F0]  }
0x7d: {  	v50 =	vld [tilespmem:$0x470]  }
0x7e: {  	v51 =	vld [tilespmem:$0x580]  }
0x7f: {  	v52 =	vld [tilespmem:$0x500]  }
0x80: {  	v53 =	vld [tilespmem:$0x590]  }
0x81: {  	v54 =	vld [tilespmem:$0x510]  }
0x82: {  	v55 =	vld [tilespmem:$0x5A0]  }
0x83: {  	v57 =	vld [tilespmem:$0x6D0];
	v3 =	vsub.f32 v3, v4  }
0x84: {  	v58 =	vld [tilespmem:$0x650];
	v5 =	vsub.f32 v5, v6  }
0x85: {  	v60 =	vld [tilespmem:$0x6E0];
	v63 =	vsub.f32 v9, v10;
	[tilespmem:$0x800] =	vst v3  }
0x86: {  	v61 =	vld [tilespmem:$0x660];
	v3 =	vsub.f32 v7, v8;
	[tilespmem:$0x810] =	vst v5  }
0x87: {  	v4 =	vld [tilespmem:$0x520];
	v14 =	vsub.f32 v13, v14;
	[tilespmem:$0x830] =	vst v63  }
0x88: {  	v6 =	vld [tilespmem:$0x5B0];
	[tilespmem:$0x820] =	vst v3;
	v3 =	vsub.f32 v11, v12  }
0x89: {  	v9 =	vld [tilespmem:$0x540];
	v18 =	vsub.f32 v17, v18;
	[tilespmem:$0x850] =	vst v14  }
0x8a: {  	v10 =	vld [tilespmem:$0x5D0];
	[tilespmem:$0x840] =	vst v3;
	v3 =	vsub.f32 v15, v16  }
0x8b: {  	v13 =	vld [tilespmem:$0x560];
	v22 =	vsub.f32 v21, v22;
	[tilespmem:$0x870] =	vst v18  }
0x8c: {  	v17 =	vld [tilespmem:$0x600];
	[tilespmem:$0x860] =	vst v3;
	v3 =	vsub.f32 v19, v20  }
0x8d: {  	v26 =	vsub.f32 v25, v26;
	v21 =	vld [tilespmem:$0x620];
	[tilespmem:$0x890] =	vst v22  }
0x8e: {  	v25 =	vld [tilespmem:$0x640];
	[tilespmem:$0x880] =	vst v3;
	v3 =	vsub.f32 v23, v24  }
0x8f: {  	v30 =	vsub.f32 v29, v30;
	v34 =	vsub.f32 v33, v34;
	v33 =	vld [tilespmem:$0x780];
	[tilespmem:$0x8B0] =	vst v26  }
0x90: {  	v38 =	vsub.f32 v37, v38;
	v37 =	vld [tilespmem:$0x710];
	[tilespmem:$0x8A0] =	vst v3;
	v3 =	vsub.f32 v27, v28  }
0x91: {  	v56 =	vsub.f32 v45, v46;
	v45 =	vld [tilespmem:$0x7C0];
	[tilespmem:$0x8D0] =	vst v30  }
0x92: {  	v46 =	vld [tilespmem:$0x740];
	[tilespmem:$0x8C0] =	vst v3;
	v3 =	vsub.f32 v31, v32  }
0x93: {  	v59 =	vsub.f32 v49, v50;
	v49 =	vld [tilespmem:$0x750];
	[tilespmem:$0x8F0] =	vst v34  }
0x94: {  	v62 =	vsub.f32 v53, v54;
	v53 =	vld [tilespmem:$0x7F0];
	[tilespmem:$0x8E0] =	vst v3;
	v3 =	vsub.f32 v35, v36  }
0x95: {  	v42 =	vsub.f32 v41, v42;
	v54 =	vld [tilespmem:$0x770];
	[tilespmem:$0x910] =	vst v38  }
0x96: {  	v7 =	vld [tilespmem:$0x530];
	[tilespmem:$0x900] =	vst v3;
	v3 =	vsub.f32 v39, v40  }
0x97: {  	v14 =	vld [tilespmem:$0x5F0];
	[tilespmem:$0x930] =	vst v42  }
0x98: {  	v15 =	vld [tilespmem:$0x570];
	[tilespmem:$0x920] =	vst v3;
	v3 =	vsub.f32 v43, v44  }
0x99: {  	v18 =	vld [tilespmem:$0x690];
	[tilespmem:$0x950] =	vst v56  }
0x9a: {  	v19 =	vld [tilespmem:$0x610];
	[tilespmem:$0x940] =	vst v3;
	v3 =	vsub.f32 v47, v48  }
0x9b: {  	v8 =	vld [tilespmem:$0x5C0];
	[tilespmem:$0x970] =	vst v59  }
0x9c: {  	v22 =	vld [tilespmem:$0x6B0];
	[tilespmem:$0x960] =	vst v3;
	v3 =	vsub.f32 v51, v52  }
0x9d: {  	[tilespmem:$0x990] =	vst v62;
	v12 =	vld [tilespmem:$0x5E0];
	v38 =	vsub.f32 v14, v15  }
0x9e: {  	v11 =	vld [tilespmem:$0x550];
	[tilespmem:$0x980] =	vst v3;
	v3 =	vsub.f32 v55, v4  }
0x9f: {  	v16 =	vld [tilespmem:$0x680];
	[tilespmem:$0x9F0] =	vst v38;
	v41 =	vsub.f32 v18, v19  }
0xa0: {  	v23 =	vld [tilespmem:$0x630];
	[tilespmem:$0x9A0] =	vst v3;
	v3 =	vsub.f32 v8, v9  }
0xa1: {  	v20 =	vld [tilespmem:$0x6A0];
	v32 =	vsub.f32 v6, v7;
	[tilespmem:$0xA10] =	vst v41  }
0xa2: {  	v63 =	vld [tilespmem:$0x6F0];
	[tilespmem:$0x9C0] =	vst v3;
	v3 =	vsub.f32 v12, v13  }
0xa3: {  	v24 =	vld [tilespmem:$0x6C0];
	[tilespmem:$0x9B0] =	vst v32;
	v35 =	vsub.f32 v10, v11  }
0xa4: {  	v34 =	vld [tilespmem:$0x700];
	[tilespmem:$0x9E0] =	vst v3;
	v3 =	vsub.f32 v16, v17  }
0xa5: {  	v42 =	vld [tilespmem:$0x7B0];
	[tilespmem:$0x9D0] =	vst v35;
	v44 =	vsub.f32 v22, v23  }
0xa6: {  	v36 =	vld [tilespmem:$0x790];
	[tilespmem:$0xA00] =	vst v3;
	v3 =	vsub.f32 v20, v21  }
0xa7: {  	v31 =	vld [tilespmem:$0x670];
	[tilespmem:$0xA30] =	vst v44;
	v47 =	vsub.f32 v57, v58  }
0xa8: {  	v39 =	vld [tilespmem:$0x7A0];
	[tilespmem:$0xA20] =	vst v3;
	v3 =	vsub.f32 v24, v25  }
0xa9: {  	v40 =	vld [tilespmem:$0x720];
	v57 =	vsub.f32 v53, v54;
	[tilespmem:$0xA50] =	vst v47  }
0xaa: {  	v43 =	vld [tilespmem:$0x730];
	[tilespmem:$0xA40] =	vst v3;
	v3 =	vsub.f32 v60, v61  }
0xab: {  	v50 =	vld [tilespmem:$0x7E0];
	v52 =	vsub.f32 v36, v37;
	[tilespmem:$0xAF0] =	vst v57  }
0xac: {  	v48 =	vld [tilespmem:$0x7D0];
	[tilespmem:$0xA60] =	vst v3;
	v3 =	vsub.f32 v33, v34  }
0xad: {  	v51 =	vld [tilespmem:$0x760];
	v4 =	vsub.f32 v63, v31;
	[tilespmem:$0xA90] =	vst v52  }
0xae: {  	[tilespmem:$0xA80] =	vst v3;
	v3 =	vsub.f32 v39, v40  }
0xaf: {  	v55 =	vsub.f32 v42, v43;
	[tilespmem:$0xA70] =	vst v4  }
0xb0: {  	[tilespmem:$0xAA0] =	vst v3;
	v3 =	vsub.f32 v45, v46  }
0xb1: {  	v56 =	vsub.f32 v48, v49;
	[tilespmem:$0xAB0] =	vst v55  }
0xb2: {  	[tilespmem:$0xAC0] =	vst v3;
	v3 =	vsub.f32 v50, v51  }
0xb3: {  	[tilespmem:$0xAD0] =	vst v56  }
0xb4: {  	s14 =	simm.s32 $0x12B00;
	s8 =	rddreg [dreg:$0xf];
	[tilespmem:$0xAE0] =	vst v3  }
0xb5: {  	[tilespmem:s14], [sflag:$0x7] =	stream.linear.gather [hbm4b:s8+s4], $0x3000, $0x38;
	[tilespmem:$0x18B00] =	vst v63  }
0xb6: {  	s31 =	simm.s32 $0x15B00;
	s15 =	rddreg [dreg:$0x10]  }
0xb7: {  	[tilespmem:s31], [sflag:$0x8] =	stream.linear.gather [hbm4b:s15+s4], $0x3000, $0x38;
	[tilespmem:$0x18B00] =	vst v63  }
0xb8: {  	v3 =	vld [tilespmem:$0x0];
	_ =	sdelay $0x4  }
0xb9: {  	v58 =	vshrl.u32 v3, $0x3  }
0xba: {  	v4 =	vmul.u32 $0x30, v58  }
0xbb: {  	v3 =	vand.u32 $0x7, v3  }
0xbc: {  	v3 =	vor.u32 v3, v4  }
0xbd: {  	v4 =	vperm.xlane v3, v0;
	_ =	sdelay $0x1  }
0xbe: {  	v4 =	vadd.s32 v1, v4;
	_ =	sdelay $0x3  }
0xbf: {  	v3 =	vperm.xlane v3, v2  }
0xc0: {  	[tilespmem:s21], [sflag:$0x1] =	stream.indirect_vreg.gather [hbm4b:s1+s4], $0x80, v4, vm0, $0xb8;
	[tilespmem:$0x18B00] =	vst v63  }
0xc1: {  	s5 =	simm.s32 $0x1300;
	v3 =	vadd.s32 v1, v3  }
0xc2: {  	[tilespmem:s5], [sflag:$0x1] =	stream.indirect_vreg.gather [hbm4b:s24+s4], $0x80, v4, vm0, $0xb8;
	[tilespmem:$0x18B00] =	vst v63  }
0xc3: {  	s6 =	simm.s32 $0x1B00  }
0xc4: {  	[tilespmem:s6], [sflag:$0x1] =	stream.indirect_vreg.gather [hbm4b:s26+s4], $0x80, v4, vm0, $0xb8;
	[tilespmem:$0x18B00] =	vst v63  }
0xc5: {  	s8 =	simm.s32 $0x2300  }
0xc6: {  	[tilespmem:s8], [sflag:$0x1] =	stream.indirect_vreg.gather [hbm4b:s1+s4], $0x80, v3, vm0, $0xb8;
	[tilespmem:$0x18B00] =	vst v63  }
0xc7: {  	s14 =	simm.s32 $0x2B00  }
0xc8: {  	[tilespmem:s14], [sflag:$0x1] =	stream.indirect_vreg.gather [hbm4b:s24+s4], $0x80, v3, vm0, $0xb8;
	[tilespmem:$0x18B00] =	vst v63  }
0xc9: {  	s15 =	simm.s32 $0x3300  }
0xca: {  	[tilespmem:s15], [sflag:$0x1] =	stream.indirect_vreg.gather [hbm4b:s26+s4], $0x80, v3, vm0, $0xb8;
	[tilespmem:$0x18B00] =	vst v63  }
0xcb: {  	v3 =	vld [tilespmem:$0x40];
	_ =	sdelay $0x4  }
0xcc: {  	v59 =	vshrl.u32 v3, $0x3  }
0xcd: {  	v4 =	vmul.u32 $0x30, v59  }
0xce: {  	v3 =	vand.u32 $0x7, v3  }
0xcf: {  	v3 =	vor.u32 v3, v4  }
0xd0: {  	v4 =	vperm.xlane v3, v0;
	_ =	sdelay $0x1  }
0xd1: {  	v4 =	vadd.s32 v1, v4;
	_ =	sdelay $0x3  }
0xd2: {  	v3 =	vperm.xlane v3, v2  }
0xd3: {  	[tilespmem:s30], [sflag:$0x2] =	stream.indirect_vreg.gather [hbm4b:s1+s4], $0x80, v4, vm0, $0xb8;
	[tilespmem:$0x18B00] =	vst v63  }
0xd4: {  	s21 =	simm.s32 $0x4300;
	v3 =	vadd.s32 v1, v3  }
0xd5: {  	[tilespmem:s21], [sflag:$0x2] =	stream.indirect_vreg.gather [hbm4b:s24+s4], $0x80, v4, vm0, $0xb8;
	[tilespmem:$0x18B00] =	vst v63  }
0xd6: {  	s30 =	simm.s32 $0x4B00  }
0xd7: {  	[tilespmem:s30], [sflag:$0x2] =	stream.indirect_vreg.gather [hbm4b:s26+s4], $0x80, v4, vm0, $0xb8;
	[tilespmem:$0x18B00] =	vst v63  }
0xd8: {  	s31 =	simm.s32 $0x5300  }
0xd9: {  	[tilespmem:s31], [sflag:$0x2] =	stream.indirect_vreg.gather [hbm4b:s1+s4], $0x80, v3, vm0, $0xb8;
	[tilespmem:$0x18B00] =	vst v63  }
0xda: {  	s2 =	simm.s32 $0x5B00  }
0xdb: {  	[tilespmem:s2], [sflag:$0x2] =	stream.indirect_vreg.gather [hbm4b:s24+s4], $0x80, v3, vm0, $0xb8;
	[tilespmem:$0x18B00] =	vst v63  }
0xdc: {  	s5 =	simm.s32 $0x6300  }
0xdd: {  	[tilespmem:s5], [sflag:$0x2] =	stream.indirect_vreg.gather [hbm4b:s26+s4], $0x80, v3, vm0, $0xb8;
	[tilespmem:$0x18B00] =	vst v63  }
0xde: {  	v3 =	vld [tilespmem:$0x80];
	_ =	sdelay $0x4  }
0xdf: {  	v60 =	vshrl.u32 v3, $0x3  }
0xe0: {  	v4 =	vmul.u32 $0x30, v60  }
0xe1: {  	v3 =	vand.u32 $0x7, v3  }
0xe2: {  	v3 =	vor.u32 v3, v4  }
0xe3: {  	v4 =	vperm.xlane v3, v0;
	_ =	sdelay $0x1  }
0xe4: {  	v4 =	vadd.s32 v1, v4;
	_ =	sdelay $0x3  }
0xe5: {  	v3 =	vperm.xlane v3, v2  }
0xe6: {  	[tilespmem:s9], [sflag:$0x3] =	stream.indirect_vreg.gather [hbm4b:s1+s4], $0x80, v4, vm0, $0xb8;
	[tilespmem:$0x18B00] =	vst v63  }
0xe7: {  	s6 =	simm.s32 $0x7300;
	v3 =	vadd.s32 v1, v3  }
0xe8: {  	[tilespmem:s6], [sflag:$0x3] =	stream.indirect_vreg.gather [hbm4b:s24+s4], $0x80, v4, vm0, $0xb8;
	[tilespmem:$0x18B00] =	vst v63  }
0xe9: {  	s8 =	simm.s32 $0x7B00  }
0xea: {  	[tilespmem:s8], [sflag:$0x3] =	stream.indirect_vreg.gather [hbm4b:s26+s4], $0x80, v4, vm0, $0xb8;
	[tilespmem:$0x18B00] =	vst v63  }
0xeb: {  	s9 =	simm.s32 $0x8300  }
0xec: {  	[tilespmem:s9], [sflag:$0x3] =	stream.indirect_vreg.gather [hbm4b:s1+s4], $0x80, v3, vm0, $0xb8;
	[tilespmem:$0x18B00] =	vst v63  }
0xed: {  	s14 =	simm.s32 $0x8B00  }
0xee: {  	[tilespmem:s14], [sflag:$0x3] =	stream.indirect_vreg.gather [hbm4b:s24+s4], $0x80, v3, vm0, $0xb8;
	[tilespmem:$0x18B00] =	vst v63  }
0xef: {  	s15 =	simm.s32 $0x9300  }
0xf0: {  	[tilespmem:s15], [sflag:$0x3] =	stream.indirect_vreg.gather [hbm4b:s26+s4], $0x80, v3, vm0, $0xb8;
	[tilespmem:$0x18B00] =	vst v63  }
0xf1: {  	v3 =	vld [tilespmem:$0xC0];
	_ =	sdelay $0x4  }
0xf2: {  	v61 =	vshrl.u32 v3, $0x3  }
0xf3: {  	v4 =	vmul.u32 $0x30, v61  }
0xf4: {  	v3 =	vand.u32 $0x7, v3  }
0xf5: {  	v3 =	vor.u32 v3, v4  }
0xf6: {  	v4 =	vperm.xlane v3, v0;
	_ =	sdelay $0x1  }
0xf7: {  	v4 =	vadd.s32 v1, v4;
	_ =	sdelay $0x3  }
0xf8: {  	v3 =	vperm.xlane v3, v2  }
0xf9: {  	[tilespmem:s3], [sflag:$0x4] =	stream.indirect_vreg.gather [hbm4b:s1+s4], $0x80, v4, vm0, $0xb8;
	[tilespmem:$0x18B00] =	vst v63  }
0xfa: {  	s21 =	simm.s32 $0xA300;
	v3 =	vadd.s32 v1, v3  }
0xfb: {  	[tilespmem:s21], [sflag:$0x4] =	stream.indirect_vreg.gather [hbm4b:s24+s4], $0x80, v4, vm0, $0xb8;
	[tilespmem:$0x18B00] =	vst v63  }
0xfc: {  	s30 =	simm.s32 $0xAB00  }
0xfd: {  	[tilespmem:s30], [sflag:$0x4] =	stream.indirect_vreg.gather [hbm4b:s26+s4], $0x80, v4, vm0, $0xb8;
	[tilespmem:$0x18B00] =	vst v63  }
0xfe: {  	s31 =	simm.s32 $0xB300  }
0xff: {  	[tilespmem:s31], [sflag:$0x4] =	stream.indirect_vreg.gather [hbm4b:s1+s4], $0x80, v3, vm0, $0xb8;
	[tilespmem:$0x18B00] =	vst v63  }
0x100: {  	s2 =	simm.s32 $0xBB00  }
0x101: {  	[tilespmem:s2], [sflag:$0x4] =	stream.indirect_vreg.gather [hbm4b:s24+s4], $0x80, v3, vm0, $0xb8;
	[tilespmem:$0x18B00] =	vst v63  }
0x102: {  	s3 =	simm.s32 $0xC300  }
0x103: {  	[tilespmem:s3], [sflag:$0x4] =	stream.indirect_vreg.gather [hbm4b:s26+s4], $0x80, v3, vm0, $0xb8;
	[tilespmem:$0x18B00] =	vst v63  }
0x104: {  	v3 =	vld [tilespmem:$0x10];
	_ =	sdelay $0x4  }
0x105: {  	v62 =	vshrl.u32 v3, $0x3  }
0x106: {  	v4 =	vmul.u32 $0x30, v62  }
0x107: {  	v3 =	vand.u32 $0x7, v3  }
0x108: {  	v3 =	vor.u32 v3, v4  }
0x109: {  	v4 =	vperm.xlane v3, v0;
	_ =	sdelay $0x1  }
0x10a: {  	v4 =	vadd.s32 v1, v4;
	_ =	sdelay $0x3  }
0x10b: {  	v3 =	vperm.xlane v3, v2  }
0x10c: {  	[tilespmem:s20], [sflag:$0x5] =	stream.indirect_vreg.gather [hbm4b:s1+s4], $0x80, v4, vm0, $0xb8;
	[tilespmem:$0x18B00] =	vst v63  }
0x10d: {  	s5 =	simm.s32 $0xD300;
	v3 =	vadd.s32 v1, v3  }
0x10e: {  	[tilespmem:s5], [sflag:$0x5] =	stream.indirect_vreg.gather [hbm4b:s24+s4], $0x80, v4, vm0, $0xb8;
	[tilespmem:$0x18B00] =	vst v63  }
0x10f: {  	s6 =	simm.s32 $0xDB00  }
0x110: {  	[tilespmem:s6], [sflag:$0x5] =	stream.indirect_vreg.gather [hbm4b:s26+s4], $0x80, v4, vm0, $0xb8;
	[tilespmem:$0x18B00] =	vst v63  }
0x111: {  	s8 =	simm.s32 $0xE300  }
0x112: {  	[tilespmem:s8], [sflag:$0x5] =	stream.indirect_vreg.gather [hbm4b:s1+s4], $0x80, v3, vm0, $0xb8;
	[tilespmem:$0x18B00] =	vst v63  }
0x113: {  	s9 =	simm.s32 $0xEB00  }
0x114: {  	[tilespmem:s9], [sflag:$0x5] =	stream.indirect_vreg.gather [hbm4b:s24+s4], $0x80, v3, vm0, $0xb8;
	[tilespmem:$0x18B00] =	vst v63  }
0x115: {  	s14 =	simm.s32 $0xF300  }
0x116: {  	[tilespmem:s14], [sflag:$0x5] =	stream.indirect_vreg.gather [hbm4b:s26+s4], $0x80, v3, vm0, $0xb8;
	[tilespmem:$0x18B00] =	vst v63  }
0x117: {  	v3 =	vld [tilespmem:$0x50];
	_ =	sdelay $0x4  }
0x118: {  	v63 =	vshrl.u32 v3, $0x3  }
0x119: {  	v4 =	vmul.u32 $0x30, v63  }
0x11a: {  	v3 =	vand.u32 $0x7, v3  }
0x11b: {  	v3 =	vor.u32 v3, v4  }
0x11c: {  	v4 =	vperm.xlane v3, v0;
	_ =	sdelay $0x1  }
0x11d: {  	v4 =	vadd.s32 v1, v4;
	_ =	sdelay $0x3  }
0x11e: {  	v3 =	vperm.xlane v3, v2  }
0x11f: {  	[tilespmem:s22], [sflag:$0x6] =	stream.indirect_vreg.gather [hbm4b:s1+s4], $0x80, v4, vm0, $0xb8;
	[tilespmem:$0x18B00] =	vst v63  }
0x120: {  	s15 =	simm.s32 $0x10300;
	v3 =	vadd.s32 v1, v3  }
0x121: {  	[tilespmem:s15], [sflag:$0x6] =	stream.indirect_vreg.gather [hbm4b:s24+s4], $0x80, v4, vm0, $0xb8;
	[tilespmem:$0x18B00] =	vst v63  }
0x122: {  	s20 =	simm.s32 $0x10B00  }
0x123: {  	[tilespmem:s20], [sflag:$0x6] =	stream.indirect_vreg.gather [hbm4b:s26+s4], $0x80, v4, vm0, $0xb8;
	[tilespmem:$0x18B00] =	vst v63  }
0x124: {  	s21 =	simm.s32 $0x11300  }
0x125: {  	[tilespmem:s21], [sflag:$0x6] =	stream.indirect_vreg.gather [hbm4b:s1+s4], $0x80, v3, vm0, $0xb8;
	[tilespmem:$0x18B00] =	vst v63  }
0x126: {  	s22 =	simm.s32 $0x11B00  }
0x127: {  	[tilespmem:s22], [sflag:$0x6] =	stream.indirect_vreg.gather [hbm4b:s24+s4], $0x80, v3, vm0, $0xb8;
	[tilespmem:$0x18B00] =	vst v63  }
0x128: {  	s30 =	simm.s32 $0x12300;
	s31 =	simm.s32 $0x7  }
0x129: {  	[tilespmem:s30], [sflag:$0x6] =	stream.indirect_vreg.gather [hbm4b:s26+s4], $0x80, v3, vm0, $0xb8;
	[tilespmem:$0x18B00] =	vst v63  }
0x12a: {  	_ =	swait.ge [sflag:s31], $0x3000  }
0x12b: {  	[sflag:s31] =	ssyncset.done $0x0  }
0x12c: {  	s0 =	simm.s32 $0x0;
	s2 =	simm.s32 $0x0;
	[sflag:s31] =	ssyncadd.s32 $0xFFFFD000  }
.LBB2_2:
0x12d: {  	s3 =	sshrl.u32 s2, $0x3  }
0x12e: {  	s5 =	sand.u32 $0x7, s0;
	s3 =	smul.u32 $0x6000, s3  }
0x12f: {  	s5 =	sshll.u32 s5, $0x9  }
0x130: {  	s3 =	sor.u32 s5, s3;
	s5 =	simm.s32 $0x240  }
0x131: {  	v5 =	vld [tilespmem:s5+$0x30]  }
0x132: {  	v3 =	vld [tilespmem:s5+$0xFFFFFFC0]  }
0x133: {  	v7 =	vld [tilespmem:s5+$0xFFFFFFD0]  }
0x134: {  	s3 =	sshra.s32 s3, $0x2;
	v9 =	vld [tilespmem:s5+$0xFFFFFFE0]  }
0x135: {  	v11 =	vld [tilespmem:s5+$0xFFFFFFF0];
	s3 =	sadd.s32 $0x12B40, s3  }
0x136: {  	v4 =	vld [tilespmem:s3+$0x30]  }
0x137: {  	v6 =	vld [tilespmem:s3+$0xFFFFFFD0]  }
0x138: {  	v8 =	vld [tilespmem:s3+$0xFFFFFFE0]  }
0x139: {  	v10 =	vld [tilespmem:s3+$0xFFFFFFF0]  }
0x13a: {  	v13 =	vld [tilespmem:s5+$0x0]  }
0x13b: {  	v12 =	vld [tilespmem:s3+$0x0];
	v5 =	vadd.f32 v5, v4  }
0x13c: {  	v7 =	vadd.f32 v7, v6;
	v4 =	vld [tilespmem:s3+$0x10]  }
0x13d: {  	v8 =	vadd.f32 v9, v8;
	v6 =	vld [tilespmem:s5+$0x10];
	[tilespmem:s3+$0x30] =	vst v5  }
0x13e: {  	v9 =	vadd.f32 v11, v10;
	[tilespmem:s3+$0xFFFFFFD0] =	vst v7;
	v5 =	vld [tilespmem:s3+$0x20]  }
0x13f: {  	[tilespmem:s3+$0xFFFFFFE0] =	vst v8;
	v8 =	vld [tilespmem:s5+$0x20]  }
0x140: {  	s6 =	simm.s32 $0x0;
	s8 =	sadd.s32 $0x400, s3;
	v7 =	vld [tilespmem:s3+$0xFFFFFFC0];
	[tilespmem:s3+$0xFFFFFFF0] =	vst v9;
	v9 =	vadd.f32 v13, v12  }
.LBB2_3:
0x141: {  	v10 =	vld [tilespmem:s8+$0x30];
	s5 =	sadd.s32 $0x100, s5  }
0x142: {  	s6 =	sadd.s32 $0x8, s6;
	v11 =	vld [tilespmem:s5+$0x30];
	[tilespmem:s3+$0x0] =	vst v9;
	v4 =	vadd.f32 v6, v4  }
0x143: {  	p0 =	slt.u32 s6, $0x28;
	v6 =	vld [tilespmem:s5+$0xFFFFFFC0]  }
0x144: {  	v9 =	vld [tilespmem:s8+$0xFFFFFFD0];
	[tilespmem:s3+$0x10] =	vst v4;
	v4 =	vadd.f32 v8, v5  }
0x145: {  	v5 =	vld [tilespmem:s5+$0xFFFFFFD0];
	v12 =	vadd.f32 v3, v7  }
0x146: {  	v7 =	vld [tilespmem:s8+$0xFFFFFFE0];
	[tilespmem:s3+$0x20] =	vst v4  }
0x147: {  	v4 =	vld [tilespmem:s5+$0xFFFFFFE0];
	v8 =	vadd.f32 v11, v10;
	[tilespmem:s3+$0xFFFFFFC0] =	vst v12;
	s3 =	smov.u32 s8  }
0x148: {  	v10 =	vld [tilespmem:s8+$0xFFFFFFF0];
	v3 =	vmov v6  }
0x149: {  	v11 =	vld [tilespmem:s5+$0xFFFFFFF0];
	[tilespmem:s8+$0x30] =	vst v8  }
0x14a: {  	v5 =	vadd.f32 v5, v9;
	v9 =	vld [tilespmem:s8+$0x0]  }
0x14b: {  	v12 =	vld [tilespmem:s5+$0x0]  }
.Ltmp0:
0x14c: {  	[tilespmem:s8+$0xFFFFFFD0] =	vst v5;
	v5 =	vadd.f32 v4, v7;
	v4 =	vld [tilespmem:s8+$0x10];
	(pc) =	sbr.rel @p0 .LBB2_3-.Ltmp0, $4  }
0x14d: {  	v6 =	vld [tilespmem:s5+$0x10]  }
0x14e: {  	[tilespmem:s8+$0xFFFFFFE0] =	vst v5;
	v10 =	vadd.f32 v11, v10;
	v5 =	vld [tilespmem:s8+$0x20]  }
0x14f: {  	v8 =	vld [tilespmem:s5+$0x20]  }
0x150: {  	s8 =	sadd.s32 $0x400, s8;
	v7 =	vld [tilespmem:s3+$0xFFFFFFC0];
	[tilespmem:s3+$0xFFFFFFF0] =	vst v10;
	v9 =	vadd.f32 v12, v9  }
0x151: {  	s2 =	sadd.s32 $0x1, s2  }
0x152: {  	p0 =	sne.s32 s2, $0x10  }
.Ltmp1:
0x153: {  	v4 =	vadd.f32 v6, v4;
	(pc) =	sbr.rel @p0 .LBB2_2-.Ltmp1, $4  }
0x154: {  	[tilespmem:s3+$0x0] =	vst v9;
	v5 =	vadd.f32 v8, v5  }
0x155: {  	[tilespmem:s3+$0x10] =	vst v4;
	v3 =	vadd.f32 v3, v7  }
0x156: {  	[tilespmem:s3+$0x20] =	vst v5  }
0x157: {  	s0 =	sadd.s32 $0x1, s0;
	[tilespmem:s3+$0xFFFFFFC0] =	vst v3  }
0x158: {  	_ =	swait.ge [sflag:s10], $0x3000  }
0x159: {  	[sflag:s10] =	ssyncset.done $0x0  }
0x15a: {  	[sflag:s10] =	ssyncadd.s32 $0xFFFFD000  }
0x15b: {  	v3 =	vld [tilespmem:$0x100];
	_ =	sdelay $0x4  }
0x15c: {  	s31 =	simm.s32 $0x0;
	s0 =	simm.s32 $0x0;
	v3 =	vcvt.s32.f32 v3  }
.LBB2_6:
0x15d: {  	s2 =	sand.u32 $0x7, s31  }
0x15e: {  	s2 =	sshll.u32 s2, $0x9  }
0x15f: {  	s3 =	sshrl.u32 s2, $0x2  }
0x160: {  	s30 =	sshrl.u32 s0, $0x3;
	v4 =	vmov s3  }
0x161: {  	s8 =	simm.s32 $0x840;
	s2 =	smul.u32 $0x6000, s30  }
0x162: {  	v6 =	vld [tilespmem:s8+$0x30]  }
0x163: {  	v8 =	vld [tilespmem:s8+$0xFFFFFFC0];
	s5 =	sshra.s32 s2, $0x2  }
0x164: {  	v9 =	vld [tilespmem:s8+$0xFFFFFFD0];
	s2 =	sadd.s32 $0x12B40, s5  }
0x165: {  	v5 =	vmov s0;
	v7 =	vld.idx.msk [tilespmem:v4+s2+$0x30 ss:$0x1], $0xffff  }
0x166: {  	v5 =	vperm.xlane v3, v5;
	v10 =	vld [tilespmem:s8+$0xFFFFFFE0]  }
0x167: {  	v11 =	vld [tilespmem:s8+$0xFFFFFFF0]  }
0x168: {  	v12 =	vld [tilespmem:s8+$0x0];
	v6 =	vmul.f32 v6, v5  }
0x169: {  	v13 =	vld [tilespmem:s8+$0x10]  }
0x16a: {  	s5 =	sadd.s32 $0xB00, s5;
	v14 =	vld.idx.msk [tilespmem:v4+s2+$0xFFFFFFE0 ss:$0x1], $0xffff;
	v6 =	vadd.f32 v6, v7  }
0x16b: {  	s6 =	sadd.s32 s3, s5;
	v16 =	vld.idx.msk [tilespmem:v4+s2+$0x0 ss:$0x1], $0xffff  }
0x16c: {  	[tilespmem:s6+$0x70] =	vst.add.f32.msk $0xffff, v6  }
0x16d: {  	v6 =	vld.idx.msk [tilespmem:v4+s2+$0xFFFFFFD0 ss:$0x1], $0xffff  }
0x16e: {  	v7 =	vld [tilespmem:s8+$0x20]  }
0x16f: {  	v10 =	vmul.f32 v10, v5;
	v15 =	vld.idx.msk [tilespmem:v4+s2+$0xFFFFFFF0 ss:$0x1], $0xffff  }
0x170: {  	v9 =	vmul.f32 v9, v5;
	v18 =	vld.idx.msk [tilespmem:v4+s2+$0x20 ss:$0x1], $0xffff  }
0x171: {  	v62 =	vmul.f32 v12, v5;
	v17 =	vld.idx.msk [tilespmem:v4+s2+$0x10 ss:$0x1], $0xffff;
	v10 =	vadd.f32 v10, v14  }
0x172: {  	v11 =	vmul.f32 v11, v5;
	v63 =	vld.idx.msk [tilespmem:v4+s2+$0xFFFFFFC0 ss:$0x1], $0xffff;
	v6 =	vadd.f32 v9, v6  }
0x173: {  	[tilespmem:s6+$0x20] =	vst.add.f32.msk $0xffff, v10;
	v7 =	vmul.f32 v7, v5;
	v9 =	vadd.f32 v62, v16  }
0x174: {  	v13 =	vmul.f32 v13, v5;
	[tilespmem:s6+$0x10] =	vst.add.f32.msk $0xffff, v6;
	v6 =	vadd.f32 v11, v15  }
0x175: {  	v7 =	vadd.f32 v7, v18;
	[tilespmem:s6+$0x40] =	vst.add.f32.msk $0xffff, v9  }
0x176: {  	v8 =	vmul.f32 v8, v5;
	[tilespmem:s6+$0x30] =	vst.add.f32.msk $0xffff, v6;
	v6 =	vadd.f32 v13, v17  }
0x177: {  	[tilespmem:s6+$0x60] =	vst.add.f32.msk $0xffff, v7  }
0x178: {  	s15 =	simm.s32 $0x0;
	s8 =	simm.s32 $0x8C0;
	[tilespmem:s6+$0x50] =	vst.add.f32.msk $0xffff, v6;
	v6 =	vadd.f32 v8, v63  }
.LBB2_7:
0x179: {  	v7 =	vld [tilespmem:s8+$0x30];
	s15 =	sadd.s32 $0x8, s15;
	s2 =	sadd.s32 $0x400, s2  }
0x17a: {  	v8 =	vld.idx.msk [tilespmem:v4+s2+$0x30 ss:$0x1], $0xffff;
	p0 =	slt.u32 s15, $0x28  }
0x17b: {  	v9 =	vld [tilespmem:s8+$0xFFFFFFC0]  }
0x17c: {  	v10 =	vld [tilespmem:s8+$0xFFFFFFD0]  }
0x17d: {  	v11 =	vld [tilespmem:s8+$0xFFFFFFE0]  }
0x17e: {  	v12 =	vld [tilespmem:s8+$0xFFFFFFF0];
	v7 =	vmul.f32 v7, v5  }
0x17f: {  	v13 =	vld [tilespmem:s8+$0x0]  }
0x180: {  	s5 =	sadd.s32 $0x400, s5;
	v9 =	vmul.f32 v9, v5;
	v14 =	vld [tilespmem:s8+$0x10];
	v7 =	vadd.f32 v7, v8  }
0x181: {  	s14 =	sadd.s32 s3, s5;
	v8 =	vmul.f32 v10, v5;
	v10 =	vld [tilespmem:s8+$0x20]  }
0x182: {  	v11 =	vmul.f32 v11, v5;
	[tilespmem:s14+$0x70] =	vst.add.f32.msk $0xffff, v7  }
0x183: {  	v7 =	vld.idx.msk [tilespmem:v4+s2+$0xFFFFFFD0 ss:$0x1], $0xffff;
	v12 =	vmul.f32 v12, v5  }
0x184: {  	v15 =	vld.idx.msk [tilespmem:v4+s2+$0xFFFFFFE0 ss:$0x1], $0xffff;
	v13 =	vmul.f32 v13, v5  }
0x185: {  	v16 =	vld.idx.msk [tilespmem:v4+s2+$0xFFFFFFF0 ss:$0x1], $0xffff;
	v14 =	vmul.f32 v14, v5  }
0x186: {  	v17 =	vld.idx.msk [tilespmem:v4+s2+$0x0 ss:$0x1], $0xffff;
	v10 =	vmul.f32 v10, v5  }
0x187: {  	v18 =	vld.idx.msk [tilespmem:v4+s2+$0x10 ss:$0x1], $0xffff  }
0x188: {  	v19 =	vld.idx.msk [tilespmem:v4+s2+$0x20 ss:$0x1], $0xffff  }
0x189: {  	v7 =	vadd.f32 v8, v7;
	v20 =	vld.idx.msk [tilespmem:v4+s2+$0xFFFFFFC0 ss:$0x1], $0xffff  }
0x18a: {  	v8 =	vadd.f32 v11, v15;
	[tilespmem:s6+$0x0] =	vst.add.f32.msk $0xffff, v6;
	s6 =	smov.u32 s14  }
0x18b: {  	v6 =	vadd.f32 v12, v16;
	[tilespmem:s6+$0x10] =	vst.add.f32.msk $0xffff, v7  }
.Ltmp2:
0x18c: {  	v7 =	vadd.f32 v13, v17;
	[tilespmem:s6+$0x20] =	vst.add.f32.msk $0xffff, v8;
	(pc) =	sbr.rel @p0 .LBB2_7-.Ltmp2, $4  }
0x18d: {  	v8 =	vadd.f32 v14, v18;
	[tilespmem:s6+$0x30] =	vst.add.f32.msk $0xffff, v6  }
0x18e: {  	[tilespmem:s6+$0x40] =	vst.add.f32.msk $0xffff, v7;
	v7 =	vadd.f32 v10, v19  }
0x18f: {  	v6 =	vadd.f32 v9, v20;
	[tilespmem:s6+$0x50] =	vst.add.f32.msk $0xffff, v8  }
0x190: {  	s8 =	sadd.s32 $0x80, s8;
	[tilespmem:s6+$0x60] =	vst.add.f32.msk $0xffff, v7  }
0x191: {  	s0 =	sadd.s32 $0x1, s0  }
0x192: {  	p0 =	sne.s32 s0, $0x10  }
.Ltmp3:
0x193: {  	_ = 	snop;
	(pc) =	sbr.rel @p0 .LBB2_6-.Ltmp3, $2  }
0x194: {  	_ =	sdelay $0x2  }
0x195: {  	[tilespmem:s6+$0x0] =	vst.add.f32.msk $0xffff, v6;
	s31 =	sadd.s32 $0x1, s31  }
0x196: {  	s31 =	simm.s32 $0x0;
	s0 =	rddreg [dreg:$0x11];
	s2 =	simm.s32 $0xB00  }
0x197: {  	[hbm4b:s0+s31] =	stream.linear.scatter [tilespmem:s2], [sflag:$0x9], $0x3000, $0x38;
	[tilespmem:$0x18B00] =	vst v63  }
0x198: {  	_ =	swait.ge [sflag:s11], $0x3000  }
0x199: {  	[sflag:s11] =	ssyncset.done $0x0  }
0x19a: {  	[sflag:s11] =	ssyncadd.s32 $0xFFFFD000  }
0x19b: {  	v3 =	vld [tilespmem:$0x90];
	_ =	sdelay $0x4  }
0x19c: {  	v4 =	vshrl.u32 v3, $0x3  }
0x19d: {  	v4 =	vmul.u32 $0x30, v4  }
0x19e: {  	v3 =	vand.u32 $0x7, v3  }
0x19f: {  	v3 =	vor.u32 v3, v4  }
0x1a0: {  	v4 =	vperm.xlane v3, v0;
	_ =	sdelay $0x1  }
0x1a1: {  	v4 =	vadd.s32 v1, v4;
	_ =	sdelay $0x3  }
0x1a2: {  	v3 =	vperm.xlane v3, v2  }
0x1a3: {  	[tilespmem:s2], [sflag:$0x1] =	stream.indirect_vreg.gather [hbm4b:s1+s31], $0x80, v4, vm0, $0xb8;
	[tilespmem:$0x18B00] =	vst v63  }
0x1a4: {  	s15 =	simm.s32 $0x1300;
	v3 =	vadd.s32 v1, v3  }
0x1a5: {  	[tilespmem:s15], [sflag:$0x1] =	stream.indirect_vreg.gather [hbm4b:s24+s31], $0x80, v4, vm0, $0xb8;
	[tilespmem:$0x18B00] =	vst v63  }
0x1a6: {  	s20 =	simm.s32 $0x1B00  }
0x1a7: {  	[tilespmem:s20], [sflag:$0x1] =	stream.indirect_vreg.gather [hbm4b:s26+s31], $0x80, v4, vm0, $0xb8;
	[tilespmem:$0x18B00] =	vst v63  }
0x1a8: {  	s21 =	simm.s32 $0x2300  }
0x1a9: {  	[tilespmem:s21], [sflag:$0x1] =	stream.indirect_vreg.gather [hbm4b:s1+s31], $0x80, v3, vm0, $0xb8;
	[tilespmem:$0x18B00] =	vst v63  }
0x1aa: {  	s22 =	simm.s32 $0x2B00  }
0x1ab: {  	[tilespmem:s22], [sflag:$0x1] =	stream.indirect_vreg.gather [hbm4b:s24+s31], $0x80, v3, vm0, $0xb8;
	[tilespmem:$0x18B00] =	vst v63  }
0x1ac: {  	s30 =	simm.s32 $0x3300  }
0x1ad: {  	[tilespmem:s30], [sflag:$0x1] =	stream.indirect_vreg.gather [hbm4b:s26+s31], $0x80, v3, vm0, $0xb8;
	[tilespmem:$0x18B00] =	vst v63  }
0x1ae: {  	_ =	swait.ge [sflag:s12], $0x3000  }
0x1af: {  	[sflag:s12] =	ssyncset.done $0x0  }
0x1b0: {  	[sflag:s12] =	ssyncadd.s32 $0xFFFFD000  }
0x1b1: {  	v3 =	vld [tilespmem:$0x140];
	_ =	sdelay $0x4  }
0x1b2: {  	s0 =	simm.s32 $0x0;
	v3 =	vcvt.s32.f32 v3  }
.LBB2_10:
0x1b3: {  	s2 =	sand.u32 $0x7, s31  }
0x1b4: {  	s2 =	sshll.u32 s2, $0x9  }
0x1b5: {  	s3 =	sshrl.u32 s2, $0x2  }
0x1b6: {  	s30 =	sshrl.u32 s0, $0x3;
	v4 =	vmov s3  }
0x1b7: {  	s8 =	simm.s32 $0x840;
	s2 =	smul.u32 $0x6000, s30  }
0x1b8: {  	v6 =	vld [tilespmem:s8+$0x30]  }
0x1b9: {  	v8 =	vld [tilespmem:s8+$0xFFFFFFC0];
	s5 =	sshra.s32 s2, $0x2  }
0x1ba: {  	v9 =	vld [tilespmem:s8+$0xFFFFFFD0];
	s2 =	sadd.s32 $0x12B40, s5  }
0x1bb: {  	v5 =	vmov s0;
	v7 =	vld.idx.msk [tilespmem:v4+s2+$0x30 ss:$0x1], $0xffff  }
0x1bc: {  	v5 =	vperm.xlane v3, v5;
	v10 =	vld [tilespmem:s8+$0xFFFFFFE0]  }
0x1bd: {  	v11 =	vld [tilespmem:s8+$0xFFFFFFF0]  }
0x1be: {  	v12 =	vld [tilespmem:s8+$0x0];
	v6 =	vmul.f32 v6, v5  }
0x1bf: {  	v13 =	vld [tilespmem:s8+$0x10]  }
0x1c0: {  	s5 =	sadd.s32 $0x3B00, s5;
	v14 =	vld.idx.msk [tilespmem:v4+s2+$0xFFFFFFE0 ss:$0x1], $0xffff;
	v6 =	vadd.f32 v6, v7  }
0x1c1: {  	s6 =	sadd.s32 s3, s5;
	v16 =	vld.idx.msk [tilespmem:v4+s2+$0x0 ss:$0x1], $0xffff  }
0x1c2: {  	[tilespmem:s6+$0x70] =	vst.add.f32.msk $0xffff, v6  }
0x1c3: {  	v6 =	vld.idx.msk [tilespmem:v4+s2+$0xFFFFFFD0 ss:$0x1], $0xffff  }
0x1c4: {  	v7 =	vld [tilespmem:s8+$0x20]  }
0x1c5: {  	v10 =	vmul.f32 v10, v5;
	v15 =	vld.idx.msk [tilespmem:v4+s2+$0xFFFFFFF0 ss:$0x1], $0xffff  }
0x1c6: {  	v9 =	vmul.f32 v9, v5;
	v18 =	vld.idx.msk [tilespmem:v4+s2+$0x20 ss:$0x1], $0xffff  }
0x1c7: {  	v62 =	vmul.f32 v12, v5;
	v17 =	vld.idx.msk [tilespmem:v4+s2+$0x10 ss:$0x1], $0xffff;
	v10 =	vadd.f32 v10, v14  }
0x1c8: {  	v11 =	vmul.f32 v11, v5;
	v63 =	vld.idx.msk [tilespmem:v4+s2+$0xFFFFFFC0 ss:$0x1], $0xffff;
	v6 =	vadd.f32 v9, v6  }
0x1c9: {  	[tilespmem:s6+$0x20] =	vst.add.f32.msk $0xffff, v10;
	v7 =	vmul.f32 v7, v5;
	v9 =	vadd.f32 v62, v16  }
0x1ca: {  	v13 =	vmul.f32 v13, v5;
	[tilespmem:s6+$0x10] =	vst.add.f32.msk $0xffff, v6;
	v6 =	vadd.f32 v11, v15  }
0x1cb: {  	v7 =	vadd.f32 v7, v18;
	[tilespmem:s6+$0x40] =	vst.add.f32.msk $0xffff, v9  }
0x1cc: {  	v8 =	vmul.f32 v8, v5;
	[tilespmem:s6+$0x30] =	vst.add.f32.msk $0xffff, v6;
	v6 =	vadd.f32 v13, v17  }
0x1cd: {  	[tilespmem:s6+$0x60] =	vst.add.f32.msk $0xffff, v7  }
0x1ce: {  	s15 =	simm.s32 $0x0;
	s8 =	simm.s32 $0x8C0;
	[tilespmem:s6+$0x50] =	vst.add.f32.msk $0xffff, v6;
	v6 =	vadd.f32 v8, v63  }
.LBB2_11:
0x1cf: {  	v7 =	vld [tilespmem:s8+$0x30];
	s15 =	sadd.s32 $0x8, s15;
	s2 =	sadd.s32 $0x400, s2  }
0x1d0: {  	v8 =	vld.idx.msk [tilespmem:v4+s2+$0x30 ss:$0x1], $0xffff;
	p0 =	slt.u32 s15, $0x28  }
0x1d1: {  	v9 =	vld [tilespmem:s8+$0xFFFFFFC0]  }
0x1d2: {  	v10 =	vld [tilespmem:s8+$0xFFFFFFD0]  }
0x1d3: {  	v11 =	vld [tilespmem:s8+$0xFFFFFFE0]  }
0x1d4: {  	v12 =	vld [tilespmem:s8+$0xFFFFFFF0];
	v7 =	vmul.f32 v7, v5  }
0x1d5: {  	v13 =	vld [tilespmem:s8+$0x0]  }
0x1d6: {  	s5 =	sadd.s32 $0x400, s5;
	v9 =	vmul.f32 v9, v5;
	v14 =	vld [tilespmem:s8+$0x10];
	v7 =	vadd.f32 v7, v8  }
0x1d7: {  	s14 =	sadd.s32 s3, s5;
	v8 =	vmul.f32 v10, v5;
	v10 =	vld [tilespmem:s8+$0x20]  }
0x1d8: {  	v11 =	vmul.f32 v11, v5;
	[tilespmem:s14+$0x70] =	vst.add.f32.msk $0xffff, v7  }
0x1d9: {  	v7 =	vld.idx.msk [tilespmem:v4+s2+$0xFFFFFFD0 ss:$0x1], $0xffff;
	v12 =	vmul.f32 v12, v5  }
0x1da: {  	v15 =	vld.idx.msk [tilespmem:v4+s2+$0xFFFFFFE0 ss:$0x1], $0xffff;
	v13 =	vmul.f32 v13, v5  }
0x1db: {  	v16 =	vld.idx.msk [tilespmem:v4+s2+$0xFFFFFFF0 ss:$0x1], $0xffff;
	v14 =	vmul.f32 v14, v5  }
0x1dc: {  	v17 =	vld.idx.msk [tilespmem:v4+s2+$0x0 ss:$0x1], $0xffff;
	v10 =	vmul.f32 v10, v5  }
0x1dd: {  	v18 =	vld.idx.msk [tilespmem:v4+s2+$0x10 ss:$0x1], $0xffff  }
0x1de: {  	v19 =	vld.idx.msk [tilespmem:v4+s2+$0x20 ss:$0x1], $0xffff  }
0x1df: {  	v7 =	vadd.f32 v8, v7;
	v20 =	vld.idx.msk [tilespmem:v4+s2+$0xFFFFFFC0 ss:$0x1], $0xffff  }
0x1e0: {  	v8 =	vadd.f32 v11, v15;
	[tilespmem:s6+$0x0] =	vst.add.f32.msk $0xffff, v6;
	s6 =	smov.u32 s14  }
0x1e1: {  	v6 =	vadd.f32 v12, v16;
	[tilespmem:s6+$0x10] =	vst.add.f32.msk $0xffff, v7  }
.Ltmp4:
0x1e2: {  	v7 =	vadd.f32 v13, v17;
	[tilespmem:s6+$0x20] =	vst.add.f32.msk $0xffff, v8;
	(pc) =	sbr.rel @p0 .LBB2_11-.Ltmp4, $4  }
0x1e3: {  	v8 =	vadd.f32 v14, v18;
	[tilespmem:s6+$0x30] =	vst.add.f32.msk $0xffff, v6  }
0x1e4: {  	[tilespmem:s6+$0x40] =	vst.add.f32.msk $0xffff, v7;
	v7 =	vadd.f32 v10, v19  }
0x1e5: {  	v6 =	vadd.f32 v9, v20;
	[tilespmem:s6+$0x50] =	vst.add.f32.msk $0xffff, v8  }
0x1e6: {  	s8 =	sadd.s32 $0x80, s8;
	[tilespmem:s6+$0x60] =	vst.add.f32.msk $0xffff, v7  }
0x1e7: {  	s0 =	sadd.s32 $0x1, s0  }
0x1e8: {  	p0 =	sne.s32 s0, $0x10  }
.Ltmp5:
0x1e9: {  	_ = 	snop;
	(pc) =	sbr.rel @p0 .LBB2_10-.Ltmp5, $2  }
0x1ea: {  	_ =	sdelay $0x2  }
0x1eb: {  	[tilespmem:s6+$0x0] =	vst.add.f32.msk $0xffff, v6;
	s31 =	sadd.s32 $0x1, s31  }
0x1ec: {  	s31 =	simm.s32 $0x0;
	s0 =	rddreg [dreg:$0x12];
	s2 =	simm.s32 $0x3B00  }
0x1ed: {  	[hbm4b:s0+s31] =	stream.linear.scatter [tilespmem:s2], [sflag:$0xA], $0x3000, $0x38;
	[tilespmem:$0x18B00] =	vst v63  }
0x1ee: {  	_ =	swait.ge [sflag:s13], $0x3000  }
0x1ef: {  	[sflag:s13] =	ssyncset.done $0x0  }
0x1f0: {  	[sflag:s13] =	ssyncadd.s32 $0xFFFFD000  }
0x1f1: {  	v3 =	vld [tilespmem:$0xD0];
	_ =	sdelay $0x4  }
0x1f2: {  	v4 =	vshrl.u32 v3, $0x3  }
0x1f3: {  	v4 =	vmul.u32 $0x30, v4  }
0x1f4: {  	v3 =	vand.u32 $0x7, v3  }
0x1f5: {  	v3 =	vor.u32 v3, v4  }
0x1f6: {  	v4 =	vperm.xlane v3, v0;
	_ =	sdelay $0x1  }
0x1f7: {  	v4 =	vadd.s32 v1, v4;
	_ =	sdelay $0x3  }
0x1f8: {  	v3 =	vperm.xlane v3, v2  }
0x1f9: {  	[tilespmem:s2], [sflag:$0x2] =	stream.indirect_vreg.gather [hbm4b:s1+s31], $0x80, v4, vm0, $0xb8;
	[tilespmem:$0x18B00] =	vst v63  }
0x1fa: {  	s15 =	simm.s32 $0x4300;
	v3 =	vadd.s32 v1, v3  }
0x1fb: {  	[tilespmem:s15], [sflag:$0x2] =	stream.indirect_vreg.gather [hbm4b:s24+s31], $0x80, v4, vm0, $0xb8;
	[tilespmem:$0x18B00] =	vst v63  }
0x1fc: {  	s20 =	simm.s32 $0x4B00  }
0x1fd: {  	[tilespmem:s20], [sflag:$0x2] =	stream.indirect_vreg.gather [hbm4b:s26+s31], $0x80, v4, vm0, $0xb8;
	[tilespmem:$0x18B00] =	vst v63  }
0x1fe: {  	s21 =	simm.s32 $0x5300  }
0x1ff: {  	[tilespmem:s21], [sflag:$0x2] =	stream.indirect_vreg.gather [hbm4b:s1+s31], $0x80, v3, vm0, $0xb8;
	[tilespmem:$0x18B00] =	vst v63  }
0x200: {  	s22 =	simm.s32 $0x5B00  }
0x201: {  	[tilespmem:s22], [sflag:$0x2] =	stream.indirect_vreg.gather [hbm4b:s24+s31], $0x80, v3, vm0, $0xb8;
	[tilespmem:$0x18B00] =	vst v63  }
0x202: {  	s30 =	simm.s32 $0x6300  }
0x203: {  	[tilespmem:s30], [sflag:$0x2] =	stream.indirect_vreg.gather [hbm4b:s26+s31], $0x80, v3, vm0, $0xb8;
	[tilespmem:$0x18B00] =	vst v63  }
0x204: {  	_ =	swait.ge [sflag:s16], $0x3000  }
0x205: {  	[sflag:s16] =	ssyncset.done $0x0  }
0x206: {  	[sflag:s16] =	ssyncadd.s32 $0xFFFFD000  }
0x207: {  	v3 =	vld [tilespmem:$0x180];
	_ =	sdelay $0x4  }
0x208: {  	s0 =	simm.s32 $0x0;
	v3 =	vcvt.s32.f32 v3  }
.LBB2_14:
0x209: {  	s2 =	sand.u32 $0x7, s31  }
0x20a: {  	s2 =	sshll.u32 s2, $0x9  }
0x20b: {  	s3 =	sshrl.u32 s2, $0x2  }
0x20c: {  	s30 =	sshrl.u32 s0, $0x3;
	v4 =	vmov s3  }
0x20d: {  	s8 =	simm.s32 $0x840;
	s2 =	smul.u32 $0x6000, s30  }
0x20e: {  	v6 =	vld [tilespmem:s8+$0x30]  }
0x20f: {  	v8 =	vld [tilespmem:s8+$0xFFFFFFC0];
	s5 =	sshra.s32 s2, $0x2  }
0x210: {  	v9 =	vld [tilespmem:s8+$0xFFFFFFD0];
	s2 =	sadd.s32 $0x12B40, s5  }
0x211: {  	v5 =	vmov s0;
	v7 =	vld.idx.msk [tilespmem:v4+s2+$0x30 ss:$0x1], $0xffff  }
0x212: {  	v5 =	vperm.xlane v3, v5;
	v10 =	vld [tilespmem:s8+$0xFFFFFFE0]  }
0x213: {  	v11 =	vld [tilespmem:s8+$0xFFFFFFF0]  }
0x214: {  	v12 =	vld [tilespmem:s8+$0x0];
	v6 =	vmul.f32 v6, v5  }
0x215: {  	v13 =	vld [tilespmem:s8+$0x10]  }
0x216: {  	s5 =	sadd.s32 $0x6B00, s5;
	v14 =	vld.idx.msk [tilespmem:v4+s2+$0xFFFFFFE0 ss:$0x1], $0xffff;
	v6 =	vadd.f32 v6, v7  }
0x217: {  	s6 =	sadd.s32 s3, s5;
	v16 =	vld.idx.msk [tilespmem:v4+s2+$0x0 ss:$0x1], $0xffff  }
0x218: {  	[tilespmem:s6+$0x70] =	vst.add.f32.msk $0xffff, v6  }
0x219: {  	v6 =	vld.idx.msk [tilespmem:v4+s2+$0xFFFFFFD0 ss:$0x1], $0xffff  }
0x21a: {  	v7 =	vld [tilespmem:s8+$0x20]  }
0x21b: {  	v10 =	vmul.f32 v10, v5;
	v15 =	vld.idx.msk [tilespmem:v4+s2+$0xFFFFFFF0 ss:$0x1], $0xffff  }
0x21c: {  	v9 =	vmul.f32 v9, v5;
	v18 =	vld.idx.msk [tilespmem:v4+s2+$0x20 ss:$0x1], $0xffff  }
0x21d: {  	v62 =	vmul.f32 v12, v5;
	v17 =	vld.idx.msk [tilespmem:v4+s2+$0x10 ss:$0x1], $0xffff;
	v10 =	vadd.f32 v10, v14  }
0x21e: {  	v11 =	vmul.f32 v11, v5;
	v63 =	vld.idx.msk [tilespmem:v4+s2+$0xFFFFFFC0 ss:$0x1], $0xffff;
	v6 =	vadd.f32 v9, v6  }
0x21f: {  	[tilespmem:s6+$0x20] =	vst.add.f32.msk $0xffff, v10;
	v7 =	vmul.f32 v7, v5;
	v9 =	vadd.f32 v62, v16  }
0x220: {  	v13 =	vmul.f32 v13, v5;
	[tilespmem:s6+$0x10] =	vst.add.f32.msk $0xffff, v6;
	v6 =	vadd.f32 v11, v15  }
0x221: {  	v7 =	vadd.f32 v7, v18;
	[tilespmem:s6+$0x40] =	vst.add.f32.msk $0xffff, v9  }
0x222: {  	v8 =	vmul.f32 v8, v5;
	[tilespmem:s6+$0x30] =	vst.add.f32.msk $0xffff, v6;
	v6 =	vadd.f32 v13, v17  }
0x223: {  	[tilespmem:s6+$0x60] =	vst.add.f32.msk $0xffff, v7  }
0x224: {  	s15 =	simm.s32 $0x0;
	s8 =	simm.s32 $0x8C0;
	[tilespmem:s6+$0x50] =	vst.add.f32.msk $0xffff, v6;
	v6 =	vadd.f32 v8, v63  }
.LBB2_15:
0x225: {  	v7 =	vld [tilespmem:s8+$0x30];
	s15 =	sadd.s32 $0x8, s15;
	s2 =	sadd.s32 $0x400, s2  }
0x226: {  	v8 =	vld.idx.msk [tilespmem:v4+s2+$0x30 ss:$0x1], $0xffff;
	p0 =	slt.u32 s15, $0x28  }
0x227: {  	v9 =	vld [tilespmem:s8+$0xFFFFFFC0]  }
0x228: {  	v10 =	vld [tilespmem:s8+$0xFFFFFFD0]  }
0x229: {  	v11 =	vld [tilespmem:s8+$0xFFFFFFE0]  }
0x22a: {  	v12 =	vld [tilespmem:s8+$0xFFFFFFF0];
	v7 =	vmul.f32 v7, v5  }
0x22b: {  	v13 =	vld [tilespmem:s8+$0x0]  }
0x22c: {  	s5 =	sadd.s32 $0x400, s5;
	v9 =	vmul.f32 v9, v5;
	v14 =	vld [tilespmem:s8+$0x10];
	v7 =	vadd.f32 v7, v8  }
0x22d: {  	s14 =	sadd.s32 s3, s5;
	v8 =	vmul.f32 v10, v5;
	v10 =	vld [tilespmem:s8+$0x20]  }
0x22e: {  	v11 =	vmul.f32 v11, v5;
	[tilespmem:s14+$0x70] =	vst.add.f32.msk $0xffff, v7  }
0x22f: {  	v7 =	vld.idx.msk [tilespmem:v4+s2+$0xFFFFFFD0 ss:$0x1], $0xffff;
	v12 =	vmul.f32 v12, v5  }
0x230: {  	v15 =	vld.idx.msk [tilespmem:v4+s2+$0xFFFFFFE0 ss:$0x1], $0xffff;
	v13 =	vmul.f32 v13, v5  }
0x231: {  	v16 =	vld.idx.msk [tilespmem:v4+s2+$0xFFFFFFF0 ss:$0x1], $0xffff;
	v14 =	vmul.f32 v14, v5  }
0x232: {  	v17 =	vld.idx.msk [tilespmem:v4+s2+$0x0 ss:$0x1], $0xffff;
	v10 =	vmul.f32 v10, v5  }
0x233: {  	v18 =	vld.idx.msk [tilespmem:v4+s2+$0x10 ss:$0x1], $0xffff  }
0x234: {  	v19 =	vld.idx.msk [tilespmem:v4+s2+$0x20 ss:$0x1], $0xffff  }
0x235: {  	v7 =	vadd.f32 v8, v7;
	v20 =	vld.idx.msk [tilespmem:v4+s2+$0xFFFFFFC0 ss:$0x1], $0xffff  }
0x236: {  	v8 =	vadd.f32 v11, v15;
	[tilespmem:s6+$0x0] =	vst.add.f32.msk $0xffff, v6;
	s6 =	smov.u32 s14  }
0x237: {  	v6 =	vadd.f32 v12, v16;
	[tilespmem:s6+$0x10] =	vst.add.f32.msk $0xffff, v7  }
.Ltmp6:
0x238: {  	v7 =	vadd.f32 v13, v17;
	[tilespmem:s6+$0x20] =	vst.add.f32.msk $0xffff, v8;
	(pc) =	sbr.rel @p0 .LBB2_15-.Ltmp6, $4  }
0x239: {  	v8 =	vadd.f32 v14, v18;
	[tilespmem:s6+$0x30] =	vst.add.f32.msk $0xffff, v6  }
0x23a: {  	[tilespmem:s6+$0x40] =	vst.add.f32.msk $0xffff, v7;
	v7 =	vadd.f32 v10, v19  }
0x23b: {  	v6 =	vadd.f32 v9, v20;
	[tilespmem:s6+$0x50] =	vst.add.f32.msk $0xffff, v8  }
0x23c: {  	s8 =	sadd.s32 $0x80, s8;
	[tilespmem:s6+$0x60] =	vst.add.f32.msk $0xffff, v7  }
0x23d: {  	s0 =	sadd.s32 $0x1, s0  }
0x23e: {  	p0 =	sne.s32 s0, $0x10  }
.Ltmp7:
0x23f: {  	_ = 	snop;
	(pc) =	sbr.rel @p0 .LBB2_14-.Ltmp7, $2  }
0x240: {  	_ =	sdelay $0x2  }
0x241: {  	[tilespmem:s6+$0x0] =	vst.add.f32.msk $0xffff, v6;
	s31 =	sadd.s32 $0x1, s31  }
0x242: {  	s31 =	simm.s32 $0x0;
	s0 =	rddreg [dreg:$0x13];
	s2 =	simm.s32 $0x6B00  }
0x243: {  	[hbm4b:s0+s31] =	stream.linear.scatter [tilespmem:s2], [sflag:$0xB], $0x3000, $0x38;
	[tilespmem:$0x18B00] =	vst v63  }
0x244: {  	_ =	swait.ge [sflag:s17], $0x3000  }
0x245: {  	[sflag:s17] =	ssyncset.done $0x0  }
0x246: {  	[sflag:s17] =	ssyncadd.s32 $0xFFFFD000  }
0x247: {  	v3 =	vld [tilespmem:$0x20];
	_ =	sdelay $0x4  }
0x248: {  	v4 =	vshrl.u32 v3, $0x3  }
0x249: {  	v4 =	vmul.u32 $0x30, v4  }
0x24a: {  	v3 =	vand.u32 $0x7, v3  }
0x24b: {  	v3 =	vor.u32 v3, v4  }
0x24c: {  	v4 =	vperm.xlane v3, v0;
	_ =	sdelay $0x1  }
0x24d: {  	v4 =	vadd.s32 v1, v4;
	_ =	sdelay $0x3  }
0x24e: {  	v3 =	vperm.xlane v3, v2  }
0x24f: {  	[tilespmem:s2], [sflag:$0x3] =	stream.indirect_vreg.gather [hbm4b:s1+s31], $0x80, v4, vm0, $0xb8;
	[tilespmem:$0x18B00] =	vst v63  }
0x250: {  	s15 =	simm.s32 $0x7300;
	v3 =	vadd.s32 v1, v3  }
0x251: {  	[tilespmem:s15], [sflag:$0x3] =	stream.indirect_vreg.gather [hbm4b:s24+s31], $0x80, v4, vm0, $0xb8;
	[tilespmem:$0x18B00] =	vst v63  }
0x252: {  	s20 =	simm.s32 $0x7B00  }
0x253: {  	[tilespmem:s20], [sflag:$0x3] =	stream.indirect_vreg.gather [hbm4b:s26+s31], $0x80, v4, vm0, $0xb8;
	[tilespmem:$0x18B00] =	vst v63  }
0x254: {  	s21 =	simm.s32 $0x8300  }
0x255: {  	[tilespmem:s21], [sflag:$0x3] =	stream.indirect_vreg.gather [hbm4b:s1+s31], $0x80, v3, vm0, $0xb8;
	[tilespmem:$0x18B00] =	vst v63  }
0x256: {  	s22 =	simm.s32 $0x8B00  }
0x257: {  	[tilespmem:s22], [sflag:$0x3] =	stream.indirect_vreg.gather [hbm4b:s24+s31], $0x80, v3, vm0, $0xb8;
	[tilespmem:$0x18B00] =	vst v63  }
0x258: {  	s30 =	simm.s32 $0x9300  }
0x259: {  	[tilespmem:s30], [sflag:$0x3] =	stream.indirect_vreg.gather [hbm4b:s26+s31], $0x80, v3, vm0, $0xb8;
	[tilespmem:$0x18B00] =	vst v63  }
0x25a: {  	_ =	swait.ge [sflag:s18], $0x3000  }
0x25b: {  	[sflag:s18] =	ssyncset.done $0x0  }
0x25c: {  	[sflag:s18] =	ssyncadd.s32 $0xFFFFD000  }
0x25d: {  	v3 =	vld [tilespmem:$0x1C0];
	_ =	sdelay $0x4  }
0x25e: {  	s0 =	simm.s32 $0x0;
	v3 =	vcvt.s32.f32 v3  }
.LBB2_18:
0x25f: {  	s2 =	sand.u32 $0x7, s31  }
0x260: {  	s2 =	sshll.u32 s2, $0x9  }
0x261: {  	s3 =	sshrl.u32 s2, $0x2  }
0x262: {  	s30 =	sshrl.u32 s0, $0x3;
	v4 =	vmov s3  }
0x263: {  	s8 =	simm.s32 $0x840;
	s2 =	smul.u32 $0x6000, s30  }
0x264: {  	v6 =	vld [tilespmem:s8+$0x30]  }
0x265: {  	v8 =	vld [tilespmem:s8+$0xFFFFFFC0];
	s5 =	sshra.s32 s2, $0x2  }
0x266: {  	v9 =	vld [tilespmem:s8+$0xFFFFFFD0];
	s2 =	sadd.s32 $0x12B40, s5  }
0x267: {  	v5 =	vmov s0;
	v7 =	vld.idx.msk [tilespmem:v4+s2+$0x30 ss:$0x1], $0xffff  }
0x268: {  	v5 =	vperm.xlane v3, v5;
	v10 =	vld [tilespmem:s8+$0xFFFFFFE0]  }
0x269: {  	v11 =	vld [tilespmem:s8+$0xFFFFFFF0]  }
0x26a: {  	v12 =	vld [tilespmem:s8+$0x0];
	v6 =	vmul.f32 v6, v5  }
0x26b: {  	v13 =	vld [tilespmem:s8+$0x10]  }
0x26c: {  	s5 =	sadd.s32 $0x9B00, s5;
	v14 =	vld.idx.msk [tilespmem:v4+s2+$0xFFFFFFE0 ss:$0x1], $0xffff;
	v6 =	vadd.f32 v6, v7  }
0x26d: {  	s6 =	sadd.s32 s3, s5;
	v16 =	vld.idx.msk [tilespmem:v4+s2+$0x0 ss:$0x1], $0xffff  }
0x26e: {  	[tilespmem:s6+$0x70] =	vst.add.f32.msk $0xffff, v6  }
0x26f: {  	v6 =	vld.idx.msk [tilespmem:v4+s2+$0xFFFFFFD0 ss:$0x1], $0xffff  }
0x270: {  	v7 =	vld [tilespmem:s8+$0x20]  }
0x271: {  	v10 =	vmul.f32 v10, v5;
	v15 =	vld.idx.msk [tilespmem:v4+s2+$0xFFFFFFF0 ss:$0x1], $0xffff  }
0x272: {  	v9 =	vmul.f32 v9, v5;
	v18 =	vld.idx.msk [tilespmem:v4+s2+$0x20 ss:$0x1], $0xffff  }
0x273: {  	v62 =	vmul.f32 v12, v5;
	v17 =	vld.idx.msk [tilespmem:v4+s2+$0x10 ss:$0x1], $0xffff;
	v10 =	vadd.f32 v10, v14  }
0x274: {  	v11 =	vmul.f32 v11, v5;
	v63 =	vld.idx.msk [tilespmem:v4+s2+$0xFFFFFFC0 ss:$0x1], $0xffff;
	v6 =	vadd.f32 v9, v6  }
0x275: {  	[tilespmem:s6+$0x20] =	vst.add.f32.msk $0xffff, v10;
	v7 =	vmul.f32 v7, v5;
	v9 =	vadd.f32 v62, v16  }
0x276: {  	v13 =	vmul.f32 v13, v5;
	[tilespmem:s6+$0x10] =	vst.add.f32.msk $0xffff, v6;
	v6 =	vadd.f32 v11, v15  }
0x277: {  	v7 =	vadd.f32 v7, v18;
	[tilespmem:s6+$0x40] =	vst.add.f32.msk $0xffff, v9  }
0x278: {  	v8 =	vmul.f32 v8, v5;
	[tilespmem:s6+$0x30] =	vst.add.f32.msk $0xffff, v6;
	v6 =	vadd.f32 v13, v17  }
0x279: {  	[tilespmem:s6+$0x60] =	vst.add.f32.msk $0xffff, v7  }
0x27a: {  	s15 =	simm.s32 $0x0;
	s8 =	simm.s32 $0x8C0;
	[tilespmem:s6+$0x50] =	vst.add.f32.msk $0xffff, v6;
	v6 =	vadd.f32 v8, v63  }
.LBB2_19:
0x27b: {  	v7 =	vld [tilespmem:s8+$0x30];
	s15 =	sadd.s32 $0x8, s15;
	s2 =	sadd.s32 $0x400, s2  }
0x27c: {  	v8 =	vld.idx.msk [tilespmem:v4+s2+$0x30 ss:$0x1], $0xffff;
	p0 =	slt.u32 s15, $0x28  }
0x27d: {  	v9 =	vld [tilespmem:s8+$0xFFFFFFC0]  }
0x27e: {  	v10 =	vld [tilespmem:s8+$0xFFFFFFD0]  }
0x27f: {  	v11 =	vld [tilespmem:s8+$0xFFFFFFE0]  }
0x280: {  	v12 =	vld [tilespmem:s8+$0xFFFFFFF0];
	v7 =	vmul.f32 v7, v5  }
0x281: {  	v13 =	vld [tilespmem:s8+$0x0]  }
0x282: {  	s5 =	sadd.s32 $0x400, s5;
	v9 =	vmul.f32 v9, v5;
	v14 =	vld [tilespmem:s8+$0x10];
	v7 =	vadd.f32 v7, v8  }
0x283: {  	s14 =	sadd.s32 s3, s5;
	v8 =	vmul.f32 v10, v5;
	v10 =	vld [tilespmem:s8+$0x20]  }
0x284: {  	v11 =	vmul.f32 v11, v5;
	[tilespmem:s14+$0x70] =	vst.add.f32.msk $0xffff, v7  }
0x285: {  	v7 =	vld.idx.msk [tilespmem:v4+s2+$0xFFFFFFD0 ss:$0x1], $0xffff;
	v12 =	vmul.f32 v12, v5  }
0x286: {  	v15 =	vld.idx.msk [tilespmem:v4+s2+$0xFFFFFFE0 ss:$0x1], $0xffff;
	v13 =	vmul.f32 v13, v5  }
0x287: {  	v16 =	vld.idx.msk [tilespmem:v4+s2+$0xFFFFFFF0 ss:$0x1], $0xffff;
	v14 =	vmul.f32 v14, v5  }
0x288: {  	v17 =	vld.idx.msk [tilespmem:v4+s2+$0x0 ss:$0x1], $0xffff;
	v10 =	vmul.f32 v10, v5  }
0x289: {  	v18 =	vld.idx.msk [tilespmem:v4+s2+$0x10 ss:$0x1], $0xffff  }
0x28a: {  	v19 =	vld.idx.msk [tilespmem:v4+s2+$0x20 ss:$0x1], $0xffff  }
0x28b: {  	v7 =	vadd.f32 v8, v7;
	v20 =	vld.idx.msk [tilespmem:v4+s2+$0xFFFFFFC0 ss:$0x1], $0xffff  }
0x28c: {  	v8 =	vadd.f32 v11, v15;
	[tilespmem:s6+$0x0] =	vst.add.f32.msk $0xffff, v6;
	s6 =	smov.u32 s14  }
0x28d: {  	v6 =	vadd.f32 v12, v16;
	[tilespmem:s6+$0x10] =	vst.add.f32.msk $0xffff, v7  }
.Ltmp8:
0x28e: {  	v7 =	vadd.f32 v13, v17;
	[tilespmem:s6+$0x20] =	vst.add.f32.msk $0xffff, v8;
	(pc) =	sbr.rel @p0 .LBB2_19-.Ltmp8, $4  }
0x28f: {  	v8 =	vadd.f32 v14, v18;
	[tilespmem:s6+$0x30] =	vst.add.f32.msk $0xffff, v6  }
0x290: {  	[tilespmem:s6+$0x40] =	vst.add.f32.msk $0xffff, v7;
	v7 =	vadd.f32 v10, v19  }
0x291: {  	v6 =	vadd.f32 v9, v20;
	[tilespmem:s6+$0x50] =	vst.add.f32.msk $0xffff, v8  }
0x292: {  	s8 =	sadd.s32 $0x80, s8;
	[tilespmem:s6+$0x60] =	vst.add.f32.msk $0xffff, v7  }
0x293: {  	s0 =	sadd.s32 $0x1, s0  }
0x294: {  	p0 =	sne.s32 s0, $0x10  }
.Ltmp9:
0x295: {  	_ = 	snop;
	(pc) =	sbr.rel @p0 .LBB2_18-.Ltmp9, $2  }
0x296: {  	_ =	sdelay $0x2  }
0x297: {  	[tilespmem:s6+$0x0] =	vst.add.f32.msk $0xffff, v6;
	s31 =	sadd.s32 $0x1, s31  }
0x298: {  	s0 =	simm.s32 $0x0;
	s2 =	rddreg [dreg:$0x14];
	s3 =	simm.s32 $0x12B00  }
0x299: {  	[tilespmem:s3], [sflag:$0x7] =	stream.linear.gather [hbm4b:s2+s0], $0x3000, $0x38;
	[tilespmem:$0x18B00] =	vst v63  }
0x29a: {  	s9 =	rddreg [dreg:$0x15];
	s14 =	simm.s32 $0x9B00  }
0x29b: {  	[hbm4b:s9+s0] =	stream.linear.scatter [tilespmem:s14], [sflag:$0xC], $0x3000, $0x38;
	[tilespmem:$0x18B00] =	vst v63  }
0x29c: {  	_ =	swait.ge [sflag:s19], $0x3000  }
0x29d: {  	[sflag:s19] =	ssyncset.done $0x0  }
0x29e: {  	[sflag:s19] =	ssyncadd.s32 $0xFFFFD000  }
0x29f: {  	v3 =	vld [tilespmem:$0x60];
	_ =	sdelay $0x4  }
0x2a0: {  	v4 =	vshrl.u32 v3, $0x3  }
0x2a1: {  	v4 =	vmul.u32 $0x30, v4  }
0x2a2: {  	v3 =	vand.u32 $0x7, v3  }
0x2a3: {  	v3 =	vor.u32 v3, v4  }
0x2a4: {  	v4 =	vperm.xlane v3, v0;
	_ =	sdelay $0x1  }
0x2a5: {  	v4 =	vadd.s32 v1, v4;
	_ =	sdelay $0x3  }
0x2a6: {  	v3 =	vperm.xlane v3, v2  }
0x2a7: {  	[tilespmem:s14], [sflag:$0x4] =	stream.indirect_vreg.gather [hbm4b:s1+s0], $0x80, v4, vm0, $0xb8;
	[tilespmem:$0x18B00] =	vst v63  }
0x2a8: {  	s15 =	simm.s32 $0xA300;
	v3 =	vadd.s32 v1, v3  }
0x2a9: {  	[tilespmem:s15], [sflag:$0x4] =	stream.indirect_vreg.gather [hbm4b:s24+s0], $0x80, v4, vm0, $0xb8;
	[tilespmem:$0x18B00] =	vst v63  }
0x2aa: {  	s20 =	simm.s32 $0xAB00  }
0x2ab: {  	[tilespmem:s20], [sflag:$0x4] =	stream.indirect_vreg.gather [hbm4b:s26+s0], $0x80, v4, vm0, $0xb8;
	[tilespmem:$0x18B00] =	vst v63  }
0x2ac: {  	s21 =	simm.s32 $0xB300  }
0x2ad: {  	[tilespmem:s21], [sflag:$0x4] =	stream.indirect_vreg.gather [hbm4b:s1+s0], $0x80, v3, vm0, $0xb8;
	[tilespmem:$0x18B00] =	vst v63  }
0x2ae: {  	s22 =	simm.s32 $0xBB00  }
0x2af: {  	[tilespmem:s22], [sflag:$0x4] =	stream.indirect_vreg.gather [hbm4b:s24+s0], $0x80, v3, vm0, $0xb8;
	[tilespmem:$0x18B00] =	vst v63  }
0x2b0: {  	s30 =	simm.s32 $0xC300;
	s31 =	simm.s32 $0x8  }
0x2b1: {  	[tilespmem:s30], [sflag:$0x4] =	stream.indirect_vreg.gather [hbm4b:s26+s0], $0x80, v3, vm0, $0xb8;
	[tilespmem:$0x18B00] =	vst v63  }
0x2b2: {  	_ =	swait.ge [sflag:s31], $0x3000  }
0x2b3: {  	[sflag:s31] =	ssyncset.done $0x0  }
0x2b4: {  	s2 =	simm.s32 $0x0;
	[sflag:s31] =	ssyncadd.s32 $0xFFFFD000  }
.LBB2_22:
0x2b5: {  	s3 =	sshrl.u32 s2, $0x3  }
0x2b6: {  	s5 =	sand.u32 $0x7, s0;
	s3 =	smul.u32 $0x6000, s3  }
0x2b7: {  	s5 =	sshll.u32 s5, $0x9  }
0x2b8: {  	s3 =	sor.u32 s5, s3;
	s5 =	simm.s32 $0x240  }
0x2b9: {  	v5 =	vld [tilespmem:s5+$0x30]  }
0x2ba: {  	v3 =	vld [tilespmem:s5+$0xFFFFFFC0]  }
0x2bb: {  	v7 =	vld [tilespmem:s5+$0xFFFFFFD0]  }
0x2bc: {  	s3 =	sshra.s32 s3, $0x2;
	v9 =	vld [tilespmem:s5+$0xFFFFFFE0]  }
0x2bd: {  	v11 =	vld [tilespmem:s5+$0xFFFFFFF0];
	s3 =	sadd.s32 $0x15B40, s3  }
0x2be: {  	v4 =	vld [tilespmem:s3+$0x30]  }
0x2bf: {  	v6 =	vld [tilespmem:s3+$0xFFFFFFD0]  }
0x2c0: {  	v8 =	vld [tilespmem:s3+$0xFFFFFFE0]  }
0x2c1: {  	v10 =	vld [tilespmem:s3+$0xFFFFFFF0]  }
0x2c2: {  	v13 =	vld [tilespmem:s5+$0x0]  }
0x2c3: {  	v12 =	vld [tilespmem:s3+$0x0];
	v5 =	vadd.f32 v5, v4  }
0x2c4: {  	v7 =	vadd.f32 v7, v6;
	v4 =	vld [tilespmem:s3+$0x10]  }
0x2c5: {  	v8 =	vadd.f32 v9, v8;
	v6 =	vld [tilespmem:s5+$0x10];
	[tilespmem:s3+$0x30] =	vst v5  }
0x2c6: {  	v9 =	vadd.f32 v11, v10;
	[tilespmem:s3+$0xFFFFFFD0] =	vst v7;
	v5 =	vld [tilespmem:s3+$0x20]  }
0x2c7: {  	[tilespmem:s3+$0xFFFFFFE0] =	vst v8;
	v8 =	vld [tilespmem:s5+$0x20]  }
0x2c8: {  	s6 =	simm.s32 $0x0;
	s8 =	sadd.s32 $0x400, s3;
	v7 =	vld [tilespmem:s3+$0xFFFFFFC0];
	[tilespmem:s3+$0xFFFFFFF0] =	vst v9;
	v9 =	vadd.f32 v13, v12  }
.LBB2_23:
0x2c9: {  	v10 =	vld [tilespmem:s8+$0x30];
	s5 =	sadd.s32 $0x100, s5  }
0x2ca: {  	s6 =	sadd.s32 $0x8, s6;
	v11 =	vld [tilespmem:s5+$0x30];
	[tilespmem:s3+$0x0] =	vst v9;
	v4 =	vadd.f32 v6, v4  }
0x2cb: {  	p0 =	slt.u32 s6, $0x28;
	v6 =	vld [tilespmem:s5+$0xFFFFFFC0]  }
0x2cc: {  	v9 =	vld [tilespmem:s8+$0xFFFFFFD0];
	[tilespmem:s3+$0x10] =	vst v4;
	v4 =	vadd.f32 v8, v5  }
0x2cd: {  	v5 =	vld [tilespmem:s5+$0xFFFFFFD0];
	v12 =	vadd.f32 v3, v7  }
0x2ce: {  	v7 =	vld [tilespmem:s8+$0xFFFFFFE0];
	[tilespmem:s3+$0x20] =	vst v4  }
0x2cf: {  	v4 =	vld [tilespmem:s5+$0xFFFFFFE0];
	v8 =	vadd.f32 v11, v10;
	[tilespmem:s3+$0xFFFFFFC0] =	vst v12;
	s3 =	smov.u32 s8  }
0x2d0: {  	v10 =	vld [tilespmem:s8+$0xFFFFFFF0];
	v3 =	vmov v6  }
0x2d1: {  	v11 =	vld [tilespmem:s5+$0xFFFFFFF0];
	[tilespmem:s8+$0x30] =	vst v8  }
0x2d2: {  	v5 =	vadd.f32 v5, v9;
	v9 =	vld [tilespmem:s8+$0x0]  }
0x2d3: {  	v12 =	vld [tilespmem:s5+$0x0]  }
.Ltmp10:
0x2d4: {  	[tilespmem:s8+$0xFFFFFFD0] =	vst v5;
	v5 =	vadd.f32 v4, v7;
	v4 =	vld [tilespmem:s8+$0x10];
	(pc) =	sbr.rel @p0 .LBB2_23-.Ltmp10, $4  }
0x2d5: {  	v6 =	vld [tilespmem:s5+$0x10]  }
0x2d6: {  	[tilespmem:s8+$0xFFFFFFE0] =	vst v5;
	v10 =	vadd.f32 v11, v10;
	v5 =	vld [tilespmem:s8+$0x20]  }
0x2d7: {  	v8 =	vld [tilespmem:s5+$0x20]  }
0x2d8: {  	s8 =	sadd.s32 $0x400, s8;
	v7 =	vld [tilespmem:s3+$0xFFFFFFC0];
	[tilespmem:s3+$0xFFFFFFF0] =	vst v10;
	v9 =	vadd.f32 v12, v9  }
0x2d9: {  	s2 =	sadd.s32 $0x1, s2  }
0x2da: {  	p0 =	sne.s32 s2, $0x10  }
.Ltmp11:
0x2db: {  	v4 =	vadd.f32 v6, v4;
	(pc) =	sbr.rel @p0 .LBB2_22-.Ltmp11, $4  }
0x2dc: {  	[tilespmem:s3+$0x0] =	vst v9;
	v5 =	vadd.f32 v8, v5  }
0x2dd: {  	[tilespmem:s3+$0x10] =	vst v4;
	v3 =	vadd.f32 v3, v7  }
0x2de: {  	[tilespmem:s3+$0x20] =	vst v5  }
0x2df: {  	s0 =	sadd.s32 $0x1, s0;
	[tilespmem:s3+$0xFFFFFFC0] =	vst v3  }
0x2e0: {  	s0 =	simm.s32 $0x5  }
0x2e1: {  	_ =	swait.ge [sflag:s0], $0x3000  }
0x2e2: {  	[sflag:s0] =	ssyncset.done $0x0  }
0x2e3: {  	[sflag:s0] =	ssyncadd.s32 $0xFFFFD000  }
0x2e4: {  	v3 =	vld [tilespmem:$0x110];
	_ =	sdelay $0x4  }
0x2e5: {  	s31 =	simm.s32 $0x0;
	s0 =	simm.s32 $0x0;
	v3 =	vcvt.s32.f32 v3  }
.LBB2_26:
0x2e6: {  	s2 =	sand.u32 $0x7, s31  }
0x2e7: {  	s2 =	sshll.u32 s2, $0x9  }
0x2e8: {  	s3 =	sshrl.u32 s2, $0x2  }
0x2e9: {  	s30 =	sshrl.u32 s0, $0x3;
	v4 =	vmov s3  }
0x2ea: {  	s8 =	simm.s32 $0x840;
	s2 =	smul.u32 $0x6000, s30  }
0x2eb: {  	v6 =	vld [tilespmem:s8+$0x30]  }
0x2ec: {  	v8 =	vld [tilespmem:s8+$0xFFFFFFC0];
	s5 =	sshra.s32 s2, $0x2  }
0x2ed: {  	v9 =	vld [tilespmem:s8+$0xFFFFFFD0];
	s2 =	sadd.s32 $0x15B40, s5  }
0x2ee: {  	v5 =	vmov s0;
	v7 =	vld.idx.msk [tilespmem:v4+s2+$0x30 ss:$0x1], $0xffff  }
0x2ef: {  	v5 =	vperm.xlane v3, v5;
	v10 =	vld [tilespmem:s8+$0xFFFFFFE0]  }
0x2f0: {  	v11 =	vld [tilespmem:s8+$0xFFFFFFF0]  }
0x2f1: {  	v12 =	vld [tilespmem:s8+$0x0];
	v6 =	vmul.f32 v6, v5  }
0x2f2: {  	v13 =	vld [tilespmem:s8+$0x10]  }
0x2f3: {  	s5 =	sadd.s32 $0xCB00, s5;
	v14 =	vld.idx.msk [tilespmem:v4+s2+$0xFFFFFFE0 ss:$0x1], $0xffff;
	v6 =	vadd.f32 v6, v7  }
0x2f4: {  	s6 =	sadd.s32 s3, s5;
	v16 =	vld.idx.msk [tilespmem:v4+s2+$0x0 ss:$0x1], $0xffff  }
0x2f5: {  	[tilespmem:s6+$0x70] =	vst.add.f32.msk $0xffff, v6  }
0x2f6: {  	v6 =	vld.idx.msk [tilespmem:v4+s2+$0xFFFFFFD0 ss:$0x1], $0xffff  }
0x2f7: {  	v7 =	vld [tilespmem:s8+$0x20]  }
0x2f8: {  	v10 =	vmul.f32 v10, v5;
	v15 =	vld.idx.msk [tilespmem:v4+s2+$0xFFFFFFF0 ss:$0x1], $0xffff  }
0x2f9: {  	v9 =	vmul.f32 v9, v5;
	v18 =	vld.idx.msk [tilespmem:v4+s2+$0x20 ss:$0x1], $0xffff  }
0x2fa: {  	v62 =	vmul.f32 v12, v5;
	v17 =	vld.idx.msk [tilespmem:v4+s2+$0x10 ss:$0x1], $0xffff;
	v10 =	vadd.f32 v10, v14  }
0x2fb: {  	v11 =	vmul.f32 v11, v5;
	v63 =	vld.idx.msk [tilespmem:v4+s2+$0xFFFFFFC0 ss:$0x1], $0xffff;
	v6 =	vadd.f32 v9, v6  }
0x2fc: {  	[tilespmem:s6+$0x20] =	vst.add.f32.msk $0xffff, v10;
	v7 =	vmul.f32 v7, v5;
	v9 =	vadd.f32 v62, v16  }
0x2fd: {  	v13 =	vmul.f32 v13, v5;
	[tilespmem:s6+$0x10] =	vst.add.f32.msk $0xffff, v6;
	v6 =	vadd.f32 v11, v15  }
0x2fe: {  	v7 =	vadd.f32 v7, v18;
	[tilespmem:s6+$0x40] =	vst.add.f32.msk $0xffff, v9  }
0x2ff: {  	v8 =	vmul.f32 v8, v5;
	[tilespmem:s6+$0x30] =	vst.add.f32.msk $0xffff, v6;
	v6 =	vadd.f32 v13, v17  }
0x300: {  	[tilespmem:s6+$0x60] =	vst.add.f32.msk $0xffff, v7  }
0x301: {  	s15 =	simm.s32 $0x0;
	s8 =	simm.s32 $0x8C0;
	[tilespmem:s6+$0x50] =	vst.add.f32.msk $0xffff, v6;
	v6 =	vadd.f32 v8, v63  }
.LBB2_27:
0x302: {  	v7 =	vld [tilespmem:s8+$0x30];
	s15 =	sadd.s32 $0x8, s15;
	s2 =	sadd.s32 $0x400, s2  }
0x303: {  	v8 =	vld.idx.msk [tilespmem:v4+s2+$0x30 ss:$0x1], $0xffff;
	p0 =	slt.u32 s15, $0x28  }
0x304: {  	v9 =	vld [tilespmem:s8+$0xFFFFFFC0]  }
0x305: {  	v10 =	vld [tilespmem:s8+$0xFFFFFFD0]  }
0x306: {  	v11 =	vld [tilespmem:s8+$0xFFFFFFE0]  }
0x307: {  	v12 =	vld [tilespmem:s8+$0xFFFFFFF0];
	v7 =	vmul.f32 v7, v5  }
0x308: {  	v13 =	vld [tilespmem:s8+$0x0]  }
0x309: {  	s5 =	sadd.s32 $0x400, s5;
	v9 =	vmul.f32 v9, v5;
	v14 =	vld [tilespmem:s8+$0x10];
	v7 =	vadd.f32 v7, v8  }
0x30a: {  	s14 =	sadd.s32 s3, s5;
	v8 =	vmul.f32 v10, v5;
	v10 =	vld [tilespmem:s8+$0x20]  }
0x30b: {  	v11 =	vmul.f32 v11, v5;
	[tilespmem:s14+$0x70] =	vst.add.f32.msk $0xffff, v7  }
0x30c: {  	v7 =	vld.idx.msk [tilespmem:v4+s2+$0xFFFFFFD0 ss:$0x1], $0xffff;
	v12 =	vmul.f32 v12, v5  }
0x30d: {  	v15 =	vld.idx.msk [tilespmem:v4+s2+$0xFFFFFFE0 ss:$0x1], $0xffff;
	v13 =	vmul.f32 v13, v5  }
0x30e: {  	v16 =	vld.idx.msk [tilespmem:v4+s2+$0xFFFFFFF0 ss:$0x1], $0xffff;
	v14 =	vmul.f32 v14, v5  }
0x30f: {  	v17 =	vld.idx.msk [tilespmem:v4+s2+$0x0 ss:$0x1], $0xffff;
	v10 =	vmul.f32 v10, v5  }
0x310: {  	v18 =	vld.idx.msk [tilespmem:v4+s2+$0x10 ss:$0x1], $0xffff  }
0x311: {  	v19 =	vld.idx.msk [tilespmem:v4+s2+$0x20 ss:$0x1], $0xffff  }
0x312: {  	v7 =	vadd.f32 v8, v7;
	v20 =	vld.idx.msk [tilespmem:v4+s2+$0xFFFFFFC0 ss:$0x1], $0xffff  }
0x313: {  	v8 =	vadd.f32 v11, v15;
	[tilespmem:s6+$0x0] =	vst.add.f32.msk $0xffff, v6;
	s6 =	smov.u32 s14  }
0x314: {  	v6 =	vadd.f32 v12, v16;
	[tilespmem:s6+$0x10] =	vst.add.f32.msk $0xffff, v7  }
.Ltmp12:
0x315: {  	v7 =	vadd.f32 v13, v17;
	[tilespmem:s6+$0x20] =	vst.add.f32.msk $0xffff, v8;
	(pc) =	sbr.rel @p0 .LBB2_27-.Ltmp12, $4  }
0x316: {  	v8 =	vadd.f32 v14, v18;
	[tilespmem:s6+$0x30] =	vst.add.f32.msk $0xffff, v6  }
0x317: {  	[tilespmem:s6+$0x40] =	vst.add.f32.msk $0xffff, v7;
	v7 =	vadd.f32 v10, v19  }
0x318: {  	v6 =	vadd.f32 v9, v20;
	[tilespmem:s6+$0x50] =	vst.add.f32.msk $0xffff, v8  }
0x319: {  	s8 =	sadd.s32 $0x80, s8;
	[tilespmem:s6+$0x60] =	vst.add.f32.msk $0xffff, v7  }
0x31a: {  	s0 =	sadd.s32 $0x1, s0  }
0x31b: {  	p0 =	sne.s32 s0, $0x10  }
.Ltmp13:
0x31c: {  	_ = 	snop;
	(pc) =	sbr.rel @p0 .LBB2_26-.Ltmp13, $2  }
0x31d: {  	_ =	sdelay $0x2  }
0x31e: {  	[tilespmem:s6+$0x0] =	vst.add.f32.msk $0xffff, v6;
	s31 =	sadd.s32 $0x1, s31  }
0x31f: {  	s31 =	simm.s32 $0x0;
	s0 =	rddreg [dreg:$0x16];
	s2 =	simm.s32 $0xCB00  }
0x320: {  	[hbm4b:s0+s31] =	stream.linear.scatter [tilespmem:s2], [sflag:$0xD], $0x3000, $0x38;
	[tilespmem:$0x18B00] =	vst v63  }
0x321: {  	_ =	swait.ge [sflag:s23], $0x3000  }
0x322: {  	[sflag:s23] =	ssyncset.done $0x0  }
0x323: {  	[sflag:s23] =	ssyncadd.s32 $0xFFFFD000  }
0x324: {  	v3 =	vld [tilespmem:$0xA0];
	_ =	sdelay $0x4  }
0x325: {  	v4 =	vshrl.u32 v3, $0x3  }
0x326: {  	v4 =	vmul.u32 $0x30, v4  }
0x327: {  	v3 =	vand.u32 $0x7, v3  }
0x328: {  	v3 =	vor.u32 v3, v4  }
0x329: {  	v4 =	vperm.xlane v3, v0;
	_ =	sdelay $0x1  }
0x32a: {  	v4 =	vadd.s32 v1, v4;
	_ =	sdelay $0x3  }
0x32b: {  	v3 =	vperm.xlane v3, v2  }
0x32c: {  	[tilespmem:s2], [sflag:$0x5] =	stream.indirect_vreg.gather [hbm4b:s1+s31], $0x80, v4, vm0, $0xb8;
	[tilespmem:$0x18B00] =	vst v63  }
0x32d: {  	s14 =	simm.s32 $0xD300;
	v3 =	vadd.s32 v1, v3  }
0x32e: {  	[tilespmem:s14], [sflag:$0x5] =	stream.indirect_vreg.gather [hbm4b:s24+s31], $0x80, v4, vm0, $0xb8;
	[tilespmem:$0x18B00] =	vst v63  }
0x32f: {  	s15 =	simm.s32 $0xDB00  }
0x330: {  	[tilespmem:s15], [sflag:$0x5] =	stream.indirect_vreg.gather [hbm4b:s26+s31], $0x80, v4, vm0, $0xb8;
	[tilespmem:$0x18B00] =	vst v63  }
0x331: {  	s21 =	simm.s32 $0xE300  }
0x332: {  	[tilespmem:s21], [sflag:$0x5] =	stream.indirect_vreg.gather [hbm4b:s1+s31], $0x80, v3, vm0, $0xb8;
	[tilespmem:$0x18B00] =	vst v63  }
0x333: {  	s22 =	simm.s32 $0xEB00  }
0x334: {  	[tilespmem:s22], [sflag:$0x5] =	stream.indirect_vreg.gather [hbm4b:s24+s31], $0x80, v3, vm0, $0xb8;
	[tilespmem:$0x18B00] =	vst v63  }
0x335: {  	s30 =	simm.s32 $0xF300  }
0x336: {  	[tilespmem:s30], [sflag:$0x5] =	stream.indirect_vreg.gather [hbm4b:s26+s31], $0x80, v3, vm0, $0xb8;
	[tilespmem:$0x18B00] =	vst v63  }
0x337: {  	_ =	swait.ge [sflag:s25], $0x3000  }
0x338: {  	[sflag:s25] =	ssyncset.done $0x0  }
0x339: {  	[sflag:s25] =	ssyncadd.s32 $0xFFFFD000  }
0x33a: {  	v3 =	vld [tilespmem:$0x150];
	_ =	sdelay $0x4  }
0x33b: {  	s20 =	simm.s32 $0xCB00;
	s0 =	simm.s32 $0x0;
	v3 =	vcvt.s32.f32 v3  }
.LBB2_30:
0x33c: {  	s2 =	sand.u32 $0x7, s31  }
0x33d: {  	s2 =	sshll.u32 s2, $0x9  }
0x33e: {  	s3 =	sshrl.u32 s2, $0x2  }
0x33f: {  	s30 =	sshrl.u32 s0, $0x3;
	v4 =	vmov s3  }
0x340: {  	s8 =	simm.s32 $0x840;
	s2 =	smul.u32 $0x6000, s30  }
0x341: {  	v6 =	vld [tilespmem:s8+$0x30]  }
0x342: {  	v8 =	vld [tilespmem:s8+$0xFFFFFFC0];
	s5 =	sshra.s32 s2, $0x2  }
0x343: {  	v9 =	vld [tilespmem:s8+$0xFFFFFFD0];
	s2 =	sadd.s32 $0x15B40, s5  }
0x344: {  	v5 =	vmov s0;
	v7 =	vld.idx.msk [tilespmem:v4+s2+$0x30 ss:$0x1], $0xffff  }
0x345: {  	v5 =	vperm.xlane v3, v5;
	v10 =	vld [tilespmem:s8+$0xFFFFFFE0]  }
0x346: {  	v11 =	vld [tilespmem:s8+$0xFFFFFFF0]  }
0x347: {  	v12 =	vld [tilespmem:s8+$0x0];
	v6 =	vmul.f32 v6, v5  }
0x348: {  	v13 =	vld [tilespmem:s8+$0x10]  }
0x349: {  	s5 =	sadd.s32 $0xFB00, s5;
	v14 =	vld.idx.msk [tilespmem:v4+s2+$0xFFFFFFE0 ss:$0x1], $0xffff;
	v6 =	vadd.f32 v6, v7  }
0x34a: {  	s6 =	sadd.s32 s3, s5;
	v16 =	vld.idx.msk [tilespmem:v4+s2+$0x0 ss:$0x1], $0xffff  }
0x34b: {  	[tilespmem:s6+$0x70] =	vst.add.f32.msk $0xffff, v6  }
0x34c: {  	v6 =	vld.idx.msk [tilespmem:v4+s2+$0xFFFFFFD0 ss:$0x1], $0xffff  }
0x34d: {  	v7 =	vld [tilespmem:s8+$0x20]  }
0x34e: {  	v10 =	vmul.f32 v10, v5;
	v15 =	vld.idx.msk [tilespmem:v4+s2+$0xFFFFFFF0 ss:$0x1], $0xffff  }
0x34f: {  	v9 =	vmul.f32 v9, v5;
	v18 =	vld.idx.msk [tilespmem:v4+s2+$0x20 ss:$0x1], $0xffff  }
0x350: {  	v62 =	vmul.f32 v12, v5;
	v17 =	vld.idx.msk [tilespmem:v4+s2+$0x10 ss:$0x1], $0xffff;
	v10 =	vadd.f32 v10, v14  }
0x351: {  	v11 =	vmul.f32 v11, v5;
	v63 =	vld.idx.msk [tilespmem:v4+s2+$0xFFFFFFC0 ss:$0x1], $0xffff;
	v6 =	vadd.f32 v9, v6  }
0x352: {  	[tilespmem:s6+$0x20] =	vst.add.f32.msk $0xffff, v10;
	v7 =	vmul.f32 v7, v5;
	v9 =	vadd.f32 v62, v16  }
0x353: {  	v13 =	vmul.f32 v13, v5;
	[tilespmem:s6+$0x10] =	vst.add.f32.msk $0xffff, v6;
	v6 =	vadd.f32 v11, v15  }
0x354: {  	v7 =	vadd.f32 v7, v18;
	[tilespmem:s6+$0x40] =	vst.add.f32.msk $0xffff, v9  }
0x355: {  	v8 =	vmul.f32 v8, v5;
	[tilespmem:s6+$0x30] =	vst.add.f32.msk $0xffff, v6;
	v6 =	vadd.f32 v13, v17  }
0x356: {  	[tilespmem:s6+$0x60] =	vst.add.f32.msk $0xffff, v7  }
0x357: {  	s15 =	simm.s32 $0x0;
	s8 =	simm.s32 $0x8C0;
	[tilespmem:s6+$0x50] =	vst.add.f32.msk $0xffff, v6;
	v6 =	vadd.f32 v8, v63  }
.LBB2_31:
0x358: {  	v7 =	vld [tilespmem:s8+$0x30];
	s15 =	sadd.s32 $0x8, s15;
	s2 =	sadd.s32 $0x400, s2  }
0x359: {  	v8 =	vld.idx.msk [tilespmem:v4+s2+$0x30 ss:$0x1], $0xffff;
	p0 =	slt.u32 s15, $0x28  }
0x35a: {  	v9 =	vld [tilespmem:s8+$0xFFFFFFC0]  }
0x35b: {  	v10 =	vld [tilespmem:s8+$0xFFFFFFD0]  }
0x35c: {  	v11 =	vld [tilespmem:s8+$0xFFFFFFE0]  }
0x35d: {  	v12 =	vld [tilespmem:s8+$0xFFFFFFF0];
	v7 =	vmul.f32 v7, v5  }
0x35e: {  	v13 =	vld [tilespmem:s8+$0x0]  }
0x35f: {  	s5 =	sadd.s32 $0x400, s5;
	v9 =	vmul.f32 v9, v5;
	v14 =	vld [tilespmem:s8+$0x10];
	v7 =	vadd.f32 v7, v8  }
0x360: {  	s14 =	sadd.s32 s3, s5;
	v8 =	vmul.f32 v10, v5;
	v10 =	vld [tilespmem:s8+$0x20]  }
0x361: {  	v11 =	vmul.f32 v11, v5;
	[tilespmem:s14+$0x70] =	vst.add.f32.msk $0xffff, v7  }
0x362: {  	v7 =	vld.idx.msk [tilespmem:v4+s2+$0xFFFFFFD0 ss:$0x1], $0xffff;
	v12 =	vmul.f32 v12, v5  }
0x363: {  	v15 =	vld.idx.msk [tilespmem:v4+s2+$0xFFFFFFE0 ss:$0x1], $0xffff;
	v13 =	vmul.f32 v13, v5  }
0x364: {  	v16 =	vld.idx.msk [tilespmem:v4+s2+$0xFFFFFFF0 ss:$0x1], $0xffff;
	v14 =	vmul.f32 v14, v5  }
0x365: {  	v17 =	vld.idx.msk [tilespmem:v4+s2+$0x0 ss:$0x1], $0xffff;
	v10 =	vmul.f32 v10, v5  }
0x366: {  	v18 =	vld.idx.msk [tilespmem:v4+s2+$0x10 ss:$0x1], $0xffff  }
0x367: {  	v19 =	vld.idx.msk [tilespmem:v4+s2+$0x20 ss:$0x1], $0xffff  }
0x368: {  	v7 =	vadd.f32 v8, v7;
	v20 =	vld.idx.msk [tilespmem:v4+s2+$0xFFFFFFC0 ss:$0x1], $0xffff  }
0x369: {  	v8 =	vadd.f32 v11, v15;
	[tilespmem:s6+$0x0] =	vst.add.f32.msk $0xffff, v6;
	s6 =	smov.u32 s14  }
0x36a: {  	v6 =	vadd.f32 v12, v16;
	[tilespmem:s6+$0x10] =	vst.add.f32.msk $0xffff, v7  }
.Ltmp14:
0x36b: {  	v7 =	vadd.f32 v13, v17;
	[tilespmem:s6+$0x20] =	vst.add.f32.msk $0xffff, v8;
	(pc) =	sbr.rel @p0 .LBB2_31-.Ltmp14, $4  }
0x36c: {  	v8 =	vadd.f32 v14, v18;
	[tilespmem:s6+$0x30] =	vst.add.f32.msk $0xffff, v6  }
0x36d: {  	[tilespmem:s6+$0x40] =	vst.add.f32.msk $0xffff, v7;
	v7 =	vadd.f32 v10, v19  }
0x36e: {  	v6 =	vadd.f32 v9, v20;
	[tilespmem:s6+$0x50] =	vst.add.f32.msk $0xffff, v8  }
0x36f: {  	s8 =	sadd.s32 $0x80, s8;
	[tilespmem:s6+$0x60] =	vst.add.f32.msk $0xffff, v7  }
0x370: {  	s0 =	sadd.s32 $0x1, s0  }
0x371: {  	p0 =	sne.s32 s0, $0x10  }
.Ltmp15:
0x372: {  	_ = 	snop;
	(pc) =	sbr.rel @p0 .LBB2_30-.Ltmp15, $2  }
0x373: {  	_ =	sdelay $0x2  }
0x374: {  	[tilespmem:s6+$0x0] =	vst.add.f32.msk $0xffff, v6;
	s31 =	sadd.s32 $0x1, s31  }
0x375: {  	s31 =	simm.s32 $0x0;
	s0 =	rddreg [dreg:$0x1b];
	s2 =	simm.s32 $0xFB00  }
0x376: {  	[hbm4b:s0+s31] =	stream.linear.scatter [tilespmem:s2], [sflag:$0xE], $0x3000, $0x38;
	[tilespmem:$0x18B00] =	vst v63  }
0x377: {  	_ =	swait.ge [sflag:s28], $0x3000  }
0x378: {  	[sflag:s28] =	ssyncset.done $0x0  }
0x379: {  	[sflag:s28] =	ssyncadd.s32 $0xFFFFD000  }
0x37a: {  	v3 =	vld [tilespmem:$0xE0];
	_ =	sdelay $0x4  }
0x37b: {  	v4 =	vshrl.u32 v3, $0x3  }
0x37c: {  	v4 =	vmul.u32 $0x30, v4  }
0x37d: {  	v3 =	vand.u32 $0x7, v3  }
0x37e: {  	v3 =	vor.u32 v3, v4  }
0x37f: {  	v4 =	vperm.xlane v3, v0;
	_ =	sdelay $0x1  }
0x380: {  	v4 =	vadd.s32 v1, v4;
	_ =	sdelay $0x3  }
0x381: {  	v3 =	vperm.xlane v3, v2  }
0x382: {  	[tilespmem:s2], [sflag:$0x6] =	stream.indirect_vreg.gather [hbm4b:s1+s31], $0x80, v4, vm0, $0xb8;
	[tilespmem:$0x18B00] =	vst v63  }
0x383: {  	s9 =	simm.s32 $0x10300;
	v3 =	vadd.s32 v1, v3  }
0x384: {  	[tilespmem:s9], [sflag:$0x6] =	stream.indirect_vreg.gather [hbm4b:s24+s31], $0x80, v4, vm0, $0xb8;
	[tilespmem:$0x18B00] =	vst v63  }
0x385: {  	s14 =	simm.s32 $0x10B00  }
0x386: {  	[tilespmem:s14], [sflag:$0x6] =	stream.indirect_vreg.gather [hbm4b:s26+s31], $0x80, v4, vm0, $0xb8;
	[tilespmem:$0x18B00] =	vst v63  }
0x387: {  	s15 =	simm.s32 $0x11300  }
0x388: {  	[tilespmem:s15], [sflag:$0x6] =	stream.indirect_vreg.gather [hbm4b:s1+s31], $0x80, v3, vm0, $0xb8;
	[tilespmem:$0x18B00] =	vst v63  }
0x389: {  	s21 =	simm.s32 $0x11B00  }
0x38a: {  	[tilespmem:s21], [sflag:$0x6] =	stream.indirect_vreg.gather [hbm4b:s24+s31], $0x80, v3, vm0, $0xb8;
	[tilespmem:$0x18B00] =	vst v63  }
0x38b: {  	s30 =	simm.s32 $0x12300  }
0x38c: {  	[tilespmem:s30], [sflag:$0x6] =	stream.indirect_vreg.gather [hbm4b:s26+s31], $0x80, v3, vm0, $0xb8;
	[tilespmem:$0x18B00] =	vst v63  }
0x38d: {  	_ =	swait.ge [sflag:s10], $0x3000  }
0x38e: {  	[sflag:s10] =	ssyncset.done $0x0  }
0x38f: {  	[sflag:s10] =	ssyncadd.s32 $0xFFFFD000  }
0x390: {  	v3 =	vld [tilespmem:$0x190];
	_ =	sdelay $0x4  }
0x391: {  	s22 =	simm.s32 $0xFB00;
	s0 =	simm.s32 $0x0;
	v3 =	vcvt.s32.f32 v3  }
.LBB2_34:
0x392: {  	s2 =	sand.u32 $0x7, s31  }
0x393: {  	s2 =	sshll.u32 s2, $0x9  }
0x394: {  	s3 =	sshrl.u32 s2, $0x2  }
0x395: {  	s30 =	sshrl.u32 s0, $0x3;
	v4 =	vmov s3  }
0x396: {  	s8 =	simm.s32 $0x840;
	s2 =	smul.u32 $0x6000, s30  }
0x397: {  	v6 =	vld [tilespmem:s8+$0x30]  }
0x398: {  	v8 =	vld [tilespmem:s8+$0xFFFFFFC0];
	s5 =	sshra.s32 s2, $0x2  }
0x399: {  	v9 =	vld [tilespmem:s8+$0xFFFFFFD0];
	s2 =	sadd.s32 $0x15B40, s5  }
0x39a: {  	v5 =	vmov s0;
	v7 =	vld.idx.msk [tilespmem:v4+s2+$0x30 ss:$0x1], $0xffff  }
0x39b: {  	v5 =	vperm.xlane v3, v5;
	v10 =	vld [tilespmem:s8+$0xFFFFFFE0]  }
0x39c: {  	v11 =	vld [tilespmem:s8+$0xFFFFFFF0]  }
0x39d: {  	v12 =	vld [tilespmem:s8+$0x0];
	v6 =	vmul.f32 v6, v5  }
0x39e: {  	v13 =	vld [tilespmem:s8+$0x10]  }
0x39f: {  	s5 =	sadd.s32 $0xB00, s5;
	v14 =	vld.idx.msk [tilespmem:v4+s2+$0xFFFFFFE0 ss:$0x1], $0xffff;
	v6 =	vadd.f32 v6, v7  }
0x3a0: {  	s6 =	sadd.s32 s3, s5;
	v16 =	vld.idx.msk [tilespmem:v4+s2+$0x0 ss:$0x1], $0xffff  }
0x3a1: {  	[tilespmem:s6+$0x70] =	vst.add.f32.msk $0xffff, v6  }
0x3a2: {  	v6 =	vld.idx.msk [tilespmem:v4+s2+$0xFFFFFFD0 ss:$0x1], $0xffff  }
0x3a3: {  	v7 =	vld [tilespmem:s8+$0x20]  }
0x3a4: {  	v10 =	vmul.f32 v10, v5;
	v15 =	vld.idx.msk [tilespmem:v4+s2+$0xFFFFFFF0 ss:$0x1], $0xffff  }
0x3a5: {  	v9 =	vmul.f32 v9, v5;
	v18 =	vld.idx.msk [tilespmem:v4+s2+$0x20 ss:$0x1], $0xffff  }
0x3a6: {  	v62 =	vmul.f32 v12, v5;
	v17 =	vld.idx.msk [tilespmem:v4+s2+$0x10 ss:$0x1], $0xffff;
	v10 =	vadd.f32 v10, v14  }
0x3a7: {  	v11 =	vmul.f32 v11, v5;
	v63 =	vld.idx.msk [tilespmem:v4+s2+$0xFFFFFFC0 ss:$0x1], $0xffff;
	v6 =	vadd.f32 v9, v6  }
0x3a8: {  	[tilespmem:s6+$0x20] =	vst.add.f32.msk $0xffff, v10;
	v7 =	vmul.f32 v7, v5;
	v9 =	vadd.f32 v62, v16  }
0x3a9: {  	v13 =	vmul.f32 v13, v5;
	[tilespmem:s6+$0x10] =	vst.add.f32.msk $0xffff, v6;
	v6 =	vadd.f32 v11, v15  }
0x3aa: {  	v7 =	vadd.f32 v7, v18;
	[tilespmem:s6+$0x40] =	vst.add.f32.msk $0xffff, v9  }
0x3ab: {  	v8 =	vmul.f32 v8, v5;
	[tilespmem:s6+$0x30] =	vst.add.f32.msk $0xffff, v6;
	v6 =	vadd.f32 v13, v17  }
0x3ac: {  	[tilespmem:s6+$0x60] =	vst.add.f32.msk $0xffff, v7  }
0x3ad: {  	s15 =	simm.s32 $0x0;
	s8 =	simm.s32 $0x8C0;
	[tilespmem:s6+$0x50] =	vst.add.f32.msk $0xffff, v6;
	v6 =	vadd.f32 v8, v63  }
.LBB2_35:
0x3ae: {  	v7 =	vld [tilespmem:s8+$0x30];
	s15 =	sadd.s32 $0x8, s15;
	s2 =	sadd.s32 $0x400, s2  }
0x3af: {  	v8 =	vld.idx.msk [tilespmem:v4+s2+$0x30 ss:$0x1], $0xffff;
	p0 =	slt.u32 s15, $0x28  }
0x3b0: {  	v9 =	vld [tilespmem:s8+$0xFFFFFFC0]  }
0x3b1: {  	v10 =	vld [tilespmem:s8+$0xFFFFFFD0]  }
0x3b2: {  	v11 =	vld [tilespmem:s8+$0xFFFFFFE0]  }
0x3b3: {  	v12 =	vld [tilespmem:s8+$0xFFFFFFF0];
	v7 =	vmul.f32 v7, v5  }
0x3b4: {  	v13 =	vld [tilespmem:s8+$0x0]  }
0x3b5: {  	s5 =	sadd.s32 $0x400, s5;
	v9 =	vmul.f32 v9, v5;
	v14 =	vld [tilespmem:s8+$0x10];
	v7 =	vadd.f32 v7, v8  }
0x3b6: {  	s14 =	sadd.s32 s3, s5;
	v8 =	vmul.f32 v10, v5;
	v10 =	vld [tilespmem:s8+$0x20]  }
0x3b7: {  	v11 =	vmul.f32 v11, v5;
	[tilespmem:s14+$0x70] =	vst.add.f32.msk $0xffff, v7  }
0x3b8: {  	v7 =	vld.idx.msk [tilespmem:v4+s2+$0xFFFFFFD0 ss:$0x1], $0xffff;
	v12 =	vmul.f32 v12, v5  }
0x3b9: {  	v15 =	vld.idx.msk [tilespmem:v4+s2+$0xFFFFFFE0 ss:$0x1], $0xffff;
	v13 =	vmul.f32 v13, v5  }
0x3ba: {  	v16 =	vld.idx.msk [tilespmem:v4+s2+$0xFFFFFFF0 ss:$0x1], $0xffff;
	v14 =	vmul.f32 v14, v5  }
0x3bb: {  	v17 =	vld.idx.msk [tilespmem:v4+s2+$0x0 ss:$0x1], $0xffff;
	v10 =	vmul.f32 v10, v5  }
0x3bc: {  	v18 =	vld.idx.msk [tilespmem:v4+s2+$0x10 ss:$0x1], $0xffff  }
0x3bd: {  	v19 =	vld.idx.msk [tilespmem:v4+s2+$0x20 ss:$0x1], $0xffff  }
0x3be: {  	v7 =	vadd.f32 v8, v7;
	v20 =	vld.idx.msk [tilespmem:v4+s2+$0xFFFFFFC0 ss:$0x1], $0xffff  }
0x3bf: {  	v8 =	vadd.f32 v11, v15;
	[tilespmem:s6+$0x0] =	vst.add.f32.msk $0xffff, v6;
	s6 =	smov.u32 s14  }
0x3c0: {  	v6 =	vadd.f32 v12, v16;
	[tilespmem:s6+$0x10] =	vst.add.f32.msk $0xffff, v7  }
.Ltmp16:
0x3c1: {  	v7 =	vadd.f32 v13, v17;
	[tilespmem:s6+$0x20] =	vst.add.f32.msk $0xffff, v8;
	(pc) =	sbr.rel @p0 .LBB2_35-.Ltmp16, $4  }
0x3c2: {  	v8 =	vadd.f32 v14, v18;
	[tilespmem:s6+$0x30] =	vst.add.f32.msk $0xffff, v6  }
0x3c3: {  	[tilespmem:s6+$0x40] =	vst.add.f32.msk $0xffff, v7;
	v7 =	vadd.f32 v10, v19  }
0x3c4: {  	v6 =	vadd.f32 v9, v20;
	[tilespmem:s6+$0x50] =	vst.add.f32.msk $0xffff, v8  }
0x3c5: {  	s8 =	sadd.s32 $0x80, s8;
	[tilespmem:s6+$0x60] =	vst.add.f32.msk $0xffff, v7  }
0x3c6: {  	s0 =	sadd.s32 $0x1, s0  }
0x3c7: {  	p0 =	sne.s32 s0, $0x10  }
.Ltmp17:
0x3c8: {  	_ = 	snop;
	(pc) =	sbr.rel @p0 .LBB2_34-.Ltmp17, $2  }
0x3c9: {  	_ =	sdelay $0x2  }
0x3ca: {  	[tilespmem:s6+$0x0] =	vst.add.f32.msk $0xffff, v6;
	s31 =	sadd.s32 $0x1, s31  }
0x3cb: {  	s31 =	simm.s32 $0x0;
	s0 =	rddreg [dreg:$0x1c];
	s2 =	simm.s32 $0xB00  }
0x3cc: {  	[hbm4b:s0+s31] =	stream.linear.scatter [tilespmem:s2], [sflag:$0x9], $0x3000, $0x38;
	[tilespmem:$0x18B00] =	vst v63  }
0x3cd: {  	_ =	swait.ge [sflag:s11], $0x3000  }
0x3ce: {  	[sflag:s11] =	ssyncset.done $0x0  }
0x3cf: {  	[sflag:s11] =	ssyncadd.s32 $0xFFFFD000  }
0x3d0: {  	v3 =	vld [tilespmem:$0x30];
	_ =	sdelay $0x4  }
0x3d1: {  	v4 =	vshrl.u32 v3, $0x3  }
0x3d2: {  	v4 =	vmul.u32 $0x30, v4  }
0x3d3: {  	v3 =	vand.u32 $0x7, v3  }
0x3d4: {  	v3 =	vor.u32 v3, v4  }
0x3d5: {  	v4 =	vperm.xlane v3, v0;
	_ =	sdelay $0x1  }
0x3d6: {  	v4 =	vadd.s32 v1, v4;
	_ =	sdelay $0x3  }
0x3d7: {  	v3 =	vperm.xlane v3, v2  }
0x3d8: {  	[tilespmem:s2], [sflag:$0x1] =	stream.indirect_vreg.gather [hbm4b:s1+s31], $0x80, v4, vm0, $0xb8;
	[tilespmem:$0x18B00] =	vst v63  }
0x3d9: {  	s8 =	simm.s32 $0x1300;
	v3 =	vadd.s32 v1, v3  }
0x3da: {  	[tilespmem:s8], [sflag:$0x1] =	stream.indirect_vreg.gather [hbm4b:s24+s31], $0x80, v4, vm0, $0xb8;
	[tilespmem:$0x18B00] =	vst v63  }
0x3db: {  	s9 =	simm.s32 $0x1B00  }
0x3dc: {  	[tilespmem:s9], [sflag:$0x1] =	stream.indirect_vreg.gather [hbm4b:s26+s31], $0x80, v4, vm0, $0xb8;
	[tilespmem:$0x18B00] =	vst v63  }
0x3dd: {  	s14 =	simm.s32 $0x2300  }
0x3de: {  	[tilespmem:s14], [sflag:$0x1] =	stream.indirect_vreg.gather [hbm4b:s1+s31], $0x80, v3, vm0, $0xb8;
	[tilespmem:$0x18B00] =	vst v63  }
0x3df: {  	s15 =	simm.s32 $0x2B00  }
0x3e0: {  	[tilespmem:s15], [sflag:$0x1] =	stream.indirect_vreg.gather [hbm4b:s24+s31], $0x80, v3, vm0, $0xb8;
	[tilespmem:$0x18B00] =	vst v63  }
0x3e1: {  	s30 =	simm.s32 $0x3300  }
0x3e2: {  	[tilespmem:s30], [sflag:$0x1] =	stream.indirect_vreg.gather [hbm4b:s26+s31], $0x80, v3, vm0, $0xb8;
	[tilespmem:$0x18B00] =	vst v63  }
0x3e3: {  	_ =	swait.ge [sflag:s12], $0x3000  }
0x3e4: {  	[sflag:s12] =	ssyncset.done $0x0  }
0x3e5: {  	[sflag:s12] =	ssyncadd.s32 $0xFFFFD000  }
0x3e6: {  	v3 =	vld [tilespmem:$0x1D0];
	_ =	sdelay $0x4  }
0x3e7: {  	s21 =	simm.s32 $0xB00;
	s0 =	simm.s32 $0x0;
	v3 =	vcvt.s32.f32 v3  }
.LBB2_38:
0x3e8: {  	s2 =	sand.u32 $0x7, s31  }
0x3e9: {  	s2 =	sshll.u32 s2, $0x9  }
0x3ea: {  	s3 =	sshrl.u32 s2, $0x2  }
0x3eb: {  	s30 =	sshrl.u32 s0, $0x3;
	v4 =	vmov s3  }
0x3ec: {  	s8 =	simm.s32 $0x840;
	s2 =	smul.u32 $0x6000, s30  }
0x3ed: {  	v6 =	vld [tilespmem:s8+$0x30]  }
0x3ee: {  	v8 =	vld [tilespmem:s8+$0xFFFFFFC0];
	s5 =	sshra.s32 s2, $0x2  }
0x3ef: {  	v9 =	vld [tilespmem:s8+$0xFFFFFFD0];
	s2 =	sadd.s32 $0x15B40, s5  }
0x3f0: {  	v5 =	vmov s0;
	v7 =	vld.idx.msk [tilespmem:v4+s2+$0x30 ss:$0x1], $0xffff  }
0x3f1: {  	v5 =	vperm.xlane v3, v5;
	v10 =	vld [tilespmem:s8+$0xFFFFFFE0]  }
0x3f2: {  	v11 =	vld [tilespmem:s8+$0xFFFFFFF0]  }
0x3f3: {  	v12 =	vld [tilespmem:s8+$0x0];
	v6 =	vmul.f32 v6, v5  }
0x3f4: {  	v13 =	vld [tilespmem:s8+$0x10]  }
0x3f5: {  	s5 =	sadd.s32 $0x3B00, s5;
	v14 =	vld.idx.msk [tilespmem:v4+s2+$0xFFFFFFE0 ss:$0x1], $0xffff;
	v6 =	vadd.f32 v6, v7  }
0x3f6: {  	s6 =	sadd.s32 s3, s5;
	v16 =	vld.idx.msk [tilespmem:v4+s2+$0x0 ss:$0x1], $0xffff  }
0x3f7: {  	[tilespmem:s6+$0x70] =	vst.add.f32.msk $0xffff, v6  }
0x3f8: {  	v6 =	vld.idx.msk [tilespmem:v4+s2+$0xFFFFFFD0 ss:$0x1], $0xffff  }
0x3f9: {  	v7 =	vld [tilespmem:s8+$0x20]  }
0x3fa: {  	v10 =	vmul.f32 v10, v5;
	v15 =	vld.idx.msk [tilespmem:v4+s2+$0xFFFFFFF0 ss:$0x1], $0xffff  }
0x3fb: {  	v9 =	vmul.f32 v9, v5;
	v18 =	vld.idx.msk [tilespmem:v4+s2+$0x20 ss:$0x1], $0xffff  }
0x3fc: {  	v62 =	vmul.f32 v12, v5;
	v17 =	vld.idx.msk [tilespmem:v4+s2+$0x10 ss:$0x1], $0xffff;
	v10 =	vadd.f32 v10, v14  }
0x3fd: {  	v11 =	vmul.f32 v11, v5;
	v63 =	vld.idx.msk [tilespmem:v4+s2+$0xFFFFFFC0 ss:$0x1], $0xffff;
	v6 =	vadd.f32 v9, v6  }
0x3fe: {  	[tilespmem:s6+$0x20] =	vst.add.f32.msk $0xffff, v10;
	v7 =	vmul.f32 v7, v5;
	v9 =	vadd.f32 v62, v16  }
0x3ff: {  	v13 =	vmul.f32 v13, v5;
	[tilespmem:s6+$0x10] =	vst.add.f32.msk $0xffff, v6;
	v6 =	vadd.f32 v11, v15  }
0x400: {  	v7 =	vadd.f32 v7, v18;
	[tilespmem:s6+$0x40] =	vst.add.f32.msk $0xffff, v9  }
0x401: {  	v8 =	vmul.f32 v8, v5;
	[tilespmem:s6+$0x30] =	vst.add.f32.msk $0xffff, v6;
	v6 =	vadd.f32 v13, v17  }
0x402: {  	[tilespmem:s6+$0x60] =	vst.add.f32.msk $0xffff, v7  }
0x403: {  	s15 =	simm.s32 $0x0;
	s8 =	simm.s32 $0x8C0;
	[tilespmem:s6+$0x50] =	vst.add.f32.msk $0xffff, v6;
	v6 =	vadd.f32 v8, v63  }
.LBB2_39:
0x404: {  	v7 =	vld [tilespmem:s8+$0x30];
	s15 =	sadd.s32 $0x8, s15;
	s2 =	sadd.s32 $0x400, s2  }
0x405: {  	v8 =	vld.idx.msk [tilespmem:v4+s2+$0x30 ss:$0x1], $0xffff;
	p0 =	slt.u32 s15, $0x28  }
0x406: {  	v9 =	vld [tilespmem:s8+$0xFFFFFFC0]  }
0x407: {  	v10 =	vld [tilespmem:s8+$0xFFFFFFD0]  }
0x408: {  	v11 =	vld [tilespmem:s8+$0xFFFFFFE0]  }
0x409: {  	v12 =	vld [tilespmem:s8+$0xFFFFFFF0];
	v7 =	vmul.f32 v7, v5  }
0x40a: {  	v13 =	vld [tilespmem:s8+$0x0]  }
0x40b: {  	s5 =	sadd.s32 $0x400, s5;
	v9 =	vmul.f32 v9, v5;
	v14 =	vld [tilespmem:s8+$0x10];
	v7 =	vadd.f32 v7, v8  }
0x40c: {  	s14 =	sadd.s32 s3, s5;
	v8 =	vmul.f32 v10, v5;
	v10 =	vld [tilespmem:s8+$0x20]  }
0x40d: {  	v11 =	vmul.f32 v11, v5;
	[tilespmem:s14+$0x70] =	vst.add.f32.msk $0xffff, v7  }
0x40e: {  	v7 =	vld.idx.msk [tilespmem:v4+s2+$0xFFFFFFD0 ss:$0x1], $0xffff;
	v12 =	vmul.f32 v12, v5  }
0x40f: {  	v15 =	vld.idx.msk [tilespmem:v4+s2+$0xFFFFFFE0 ss:$0x1], $0xffff;
	v13 =	vmul.f32 v13, v5  }
0x410: {  	v16 =	vld.idx.msk [tilespmem:v4+s2+$0xFFFFFFF0 ss:$0x1], $0xffff;
	v14 =	vmul.f32 v14, v5  }
0x411: {  	v17 =	vld.idx.msk [tilespmem:v4+s2+$0x0 ss:$0x1], $0xffff;
	v10 =	vmul.f32 v10, v5  }
0x412: {  	v18 =	vld.idx.msk [tilespmem:v4+s2+$0x10 ss:$0x1], $0xffff  }
0x413: {  	v19 =	vld.idx.msk [tilespmem:v4+s2+$0x20 ss:$0x1], $0xffff  }
0x414: {  	v7 =	vadd.f32 v8, v7;
	v20 =	vld.idx.msk [tilespmem:v4+s2+$0xFFFFFFC0 ss:$0x1], $0xffff  }
0x415: {  	v8 =	vadd.f32 v11, v15;
	[tilespmem:s6+$0x0] =	vst.add.f32.msk $0xffff, v6;
	s6 =	smov.u32 s14  }
0x416: {  	v6 =	vadd.f32 v12, v16;
	[tilespmem:s6+$0x10] =	vst.add.f32.msk $0xffff, v7  }
.Ltmp18:
0x417: {  	v7 =	vadd.f32 v13, v17;
	[tilespmem:s6+$0x20] =	vst.add.f32.msk $0xffff, v8;
	(pc) =	sbr.rel @p0 .LBB2_39-.Ltmp18, $4  }
0x418: {  	v8 =	vadd.f32 v14, v18;
	[tilespmem:s6+$0x30] =	vst.add.f32.msk $0xffff, v6  }
0x419: {  	[tilespmem:s6+$0x40] =	vst.add.f32.msk $0xffff, v7;
	v7 =	vadd.f32 v10, v19  }
0x41a: {  	v6 =	vadd.f32 v9, v20;
	[tilespmem:s6+$0x50] =	vst.add.f32.msk $0xffff, v8  }
0x41b: {  	s8 =	sadd.s32 $0x80, s8;
	[tilespmem:s6+$0x60] =	vst.add.f32.msk $0xffff, v7  }
0x41c: {  	s0 =	sadd.s32 $0x1, s0  }
0x41d: {  	p0 =	sne.s32 s0, $0x10  }
.Ltmp19:
0x41e: {  	_ = 	snop;
	(pc) =	sbr.rel @p0 .LBB2_38-.Ltmp19, $2  }
0x41f: {  	_ =	sdelay $0x2  }
0x420: {  	[tilespmem:s6+$0x0] =	vst.add.f32.msk $0xffff, v6;
	s31 =	sadd.s32 $0x1, s31  }
0x421: {  	s0 =	simm.s32 $0x0;
	s2 =	rddreg [dreg:$0x17];
	s3 =	simm.s32 $0x15B00  }
0x422: {  	[tilespmem:s3], [sflag:$0x8] =	stream.linear.gather [hbm4b:s2+s0], $0x3000, $0x38;
	[tilespmem:$0x18B00] =	vst v63  }
0x423: {  	s5 =	simm.s32 $0x3B00;
	s3 =	rddreg [dreg:$0x1d]  }
0x424: {  	[hbm4b:s3+s0] =	stream.linear.scatter [tilespmem:s5], [sflag:$0xA], $0x3000, $0x38;
	[tilespmem:$0x18B00] =	vst v63  }
0x425: {  	_ =	swait.ge [sflag:s13], $0x3000  }
0x426: {  	[sflag:s13] =	ssyncset.done $0x0  }
0x427: {  	[sflag:s13] =	ssyncadd.s32 $0xFFFFD000  }
0x428: {  	v3 =	vld [tilespmem:$0x70];
	_ =	sdelay $0x4  }
0x429: {  	v4 =	vshrl.u32 v3, $0x3  }
0x42a: {  	v4 =	vmul.u32 $0x30, v4  }
0x42b: {  	v3 =	vand.u32 $0x7, v3  }
0x42c: {  	v3 =	vor.u32 v3, v4  }
0x42d: {  	v4 =	vperm.xlane v3, v0;
	_ =	sdelay $0x1  }
0x42e: {  	v4 =	vadd.s32 v1, v4;
	_ =	sdelay $0x3  }
0x42f: {  	v3 =	vperm.xlane v3, v2  }
0x430: {  	[tilespmem:s5], [sflag:$0x2] =	stream.indirect_vreg.gather [hbm4b:s1+s0], $0x80, v4, vm0, $0xb8;
	[tilespmem:$0x18B00] =	vst v63  }
0x431: {  	s6 =	simm.s32 $0x4300;
	v3 =	vadd.s32 v1, v3  }
0x432: {  	[tilespmem:s6], [sflag:$0x2] =	stream.indirect_vreg.gather [hbm4b:s24+s0], $0x80, v4, vm0, $0xb8;
	[tilespmem:$0x18B00] =	vst v63  }
0x433: {  	s8 =	simm.s32 $0x4B00  }
0x434: {  	[tilespmem:s8], [sflag:$0x2] =	stream.indirect_vreg.gather [hbm4b:s26+s0], $0x80, v4, vm0, $0xb8;
	[tilespmem:$0x18B00] =	vst v63  }
0x435: {  	s9 =	simm.s32 $0x5300  }
0x436: {  	[tilespmem:s9], [sflag:$0x2] =	stream.indirect_vreg.gather [hbm4b:s1+s0], $0x80, v3, vm0, $0xb8;
	[tilespmem:$0x18B00] =	vst v63  }
0x437: {  	s14 =	simm.s32 $0x5B00  }
0x438: {  	[tilespmem:s14], [sflag:$0x2] =	stream.indirect_vreg.gather [hbm4b:s24+s0], $0x80, v3, vm0, $0xb8;
	[tilespmem:$0x18B00] =	vst v63  }
0x439: {  	s15 =	simm.s32 $0x6300;
	s31 =	simm.s32 $0x7  }
0x43a: {  	[tilespmem:s15], [sflag:$0x2] =	stream.indirect_vreg.gather [hbm4b:s26+s0], $0x80, v3, vm0, $0xb8;
	[tilespmem:$0x18B00] =	vst v63  }
0x43b: {  	_ =	swait.ge [sflag:s31], $0x3000  }
0x43c: {  	[sflag:s31] =	ssyncset.done $0x0  }
0x43d: {  	s30 =	simm.s32 $0x3B00;
	s2 =	simm.s32 $0x0;
	[sflag:s31] =	ssyncadd.s32 $0xFFFFD000  }
.LBB2_42:
0x43e: {  	s3 =	sshrl.u32 s2, $0x3  }
0x43f: {  	s5 =	sand.u32 $0x7, s0;
	s3 =	smul.u32 $0x6000, s3  }
0x440: {  	s5 =	sshll.u32 s5, $0x9  }
0x441: {  	s3 =	sor.u32 s5, s3;
	s5 =	simm.s32 $0x240  }
0x442: {  	v5 =	vld [tilespmem:s5+$0x30]  }
0x443: {  	v3 =	vld [tilespmem:s5+$0xFFFFFFC0]  }
0x444: {  	v7 =	vld [tilespmem:s5+$0xFFFFFFD0]  }
0x445: {  	s3 =	sshra.s32 s3, $0x2;
	v9 =	vld [tilespmem:s5+$0xFFFFFFE0]  }
0x446: {  	v11 =	vld [tilespmem:s5+$0xFFFFFFF0];
	s3 =	sadd.s32 $0x12B40, s3  }
0x447: {  	v4 =	vld [tilespmem:s3+$0x30]  }
0x448: {  	v6 =	vld [tilespmem:s3+$0xFFFFFFD0]  }
0x449: {  	v8 =	vld [tilespmem:s3+$0xFFFFFFE0]  }
0x44a: {  	v10 =	vld [tilespmem:s3+$0xFFFFFFF0]  }
0x44b: {  	v13 =	vld [tilespmem:s5+$0x0]  }
0x44c: {  	v12 =	vld [tilespmem:s3+$0x0];
	v5 =	vadd.f32 v5, v4  }
0x44d: {  	v7 =	vadd.f32 v7, v6;
	v4 =	vld [tilespmem:s3+$0x10]  }
0x44e: {  	v8 =	vadd.f32 v9, v8;
	v6 =	vld [tilespmem:s5+$0x10];
	[tilespmem:s3+$0x30] =	vst v5  }
0x44f: {  	v9 =	vadd.f32 v11, v10;
	[tilespmem:s3+$0xFFFFFFD0] =	vst v7;
	v5 =	vld [tilespmem:s3+$0x20]  }
0x450: {  	[tilespmem:s3+$0xFFFFFFE0] =	vst v8;
	v8 =	vld [tilespmem:s5+$0x20]  }
0x451: {  	s6 =	simm.s32 $0x0;
	s8 =	sadd.s32 $0x400, s3;
	v7 =	vld [tilespmem:s3+$0xFFFFFFC0];
	[tilespmem:s3+$0xFFFFFFF0] =	vst v9;
	v9 =	vadd.f32 v13, v12  }
.LBB2_43:
0x452: {  	v10 =	vld [tilespmem:s8+$0x30];
	s5 =	sadd.s32 $0x100, s5  }
0x453: {  	s6 =	sadd.s32 $0x8, s6;
	v11 =	vld [tilespmem:s5+$0x30];
	[tilespmem:s3+$0x0] =	vst v9;
	v4 =	vadd.f32 v6, v4  }
0x454: {  	p0 =	slt.u32 s6, $0x28;
	v6 =	vld [tilespmem:s5+$0xFFFFFFC0]  }
0x455: {  	v9 =	vld [tilespmem:s8+$0xFFFFFFD0];
	[tilespmem:s3+$0x10] =	vst v4;
	v4 =	vadd.f32 v8, v5  }
0x456: {  	v5 =	vld [tilespmem:s5+$0xFFFFFFD0];
	v12 =	vadd.f32 v3, v7  }
0x457: {  	v7 =	vld [tilespmem:s8+$0xFFFFFFE0];
	[tilespmem:s3+$0x20] =	vst v4  }
0x458: {  	v4 =	vld [tilespmem:s5+$0xFFFFFFE0];
	v8 =	vadd.f32 v11, v10;
	[tilespmem:s3+$0xFFFFFFC0] =	vst v12;
	s3 =	smov.u32 s8  }
0x459: {  	v10 =	vld [tilespmem:s8+$0xFFFFFFF0];
	v3 =	vmov v6  }
0x45a: {  	v11 =	vld [tilespmem:s5+$0xFFFFFFF0];
	[tilespmem:s8+$0x30] =	vst v8  }
0x45b: {  	v5 =	vadd.f32 v5, v9;
	v9 =	vld [tilespmem:s8+$0x0]  }
0x45c: {  	v12 =	vld [tilespmem:s5+$0x0]  }
.Ltmp20:
0x45d: {  	[tilespmem:s8+$0xFFFFFFD0] =	vst v5;
	v5 =	vadd.f32 v4, v7;
	v4 =	vld [tilespmem:s8+$0x10];
	(pc) =	sbr.rel @p0 .LBB2_43-.Ltmp20, $4  }
0x45e: {  	v6 =	vld [tilespmem:s5+$0x10]  }
0x45f: {  	[tilespmem:s8+$0xFFFFFFE0] =	vst v5;
	v10 =	vadd.f32 v11, v10;
	v5 =	vld [tilespmem:s8+$0x20]  }
0x460: {  	v8 =	vld [tilespmem:s5+$0x20]  }
0x461: {  	s8 =	sadd.s32 $0x400, s8;
	v7 =	vld [tilespmem:s3+$0xFFFFFFC0];
	[tilespmem:s3+$0xFFFFFFF0] =	vst v10;
	v9 =	vadd.f32 v12, v9  }
0x462: {  	s2 =	sadd.s32 $0x1, s2  }
0x463: {  	p0 =	sne.s32 s2, $0x10  }
.Ltmp21:
0x464: {  	v4 =	vadd.f32 v6, v4;
	(pc) =	sbr.rel @p0 .LBB2_42-.Ltmp21, $4  }
0x465: {  	[tilespmem:s3+$0x0] =	vst v9;
	v5 =	vadd.f32 v8, v5  }
0x466: {  	[tilespmem:s3+$0x10] =	vst v4;
	v3 =	vadd.f32 v3, v7  }
0x467: {  	[tilespmem:s3+$0x20] =	vst v5  }
0x468: {  	s0 =	sadd.s32 $0x1, s0;
	[tilespmem:s3+$0xFFFFFFC0] =	vst v3  }
0x469: {  	_ =	swait.ge [sflag:s16], $0x3000  }
0x46a: {  	[sflag:s16] =	ssyncset.done $0x0  }
0x46b: {  	[sflag:s16] =	ssyncadd.s32 $0xFFFFD000  }
0x46c: {  	v3 =	vld [tilespmem:$0x120];
	_ =	sdelay $0x4  }
0x46d: {  	s31 =	simm.s32 $0x0;
	s0 =	simm.s32 $0x0;
	v3 =	vcvt.s32.f32 v3  }
.LBB2_46:
0x46e: {  	s2 =	sand.u32 $0x7, s31  }
0x46f: {  	s2 =	sshll.u32 s2, $0x9  }
0x470: {  	s3 =	sshrl.u32 s2, $0x2  }
0x471: {  	s15 =	sshrl.u32 s0, $0x3;
	v4 =	vmov s3  }
0x472: {  	s8 =	simm.s32 $0x840;
	s2 =	smul.u32 $0x6000, s15  }
0x473: {  	v6 =	vld [tilespmem:s8+$0x30]  }
0x474: {  	v8 =	vld [tilespmem:s8+$0xFFFFFFC0];
	s5 =	sshra.s32 s2, $0x2  }
0x475: {  	v9 =	vld [tilespmem:s8+$0xFFFFFFD0];
	s2 =	sadd.s32 $0x12B40, s5  }
0x476: {  	v5 =	vmov s0;
	v7 =	vld.idx.msk [tilespmem:v4+s2+$0x30 ss:$0x1], $0xffff  }
0x477: {  	v5 =	vperm.xlane v3, v5;
	v10 =	vld [tilespmem:s8+$0xFFFFFFE0]  }
0x478: {  	v11 =	vld [tilespmem:s8+$0xFFFFFFF0]  }
0x479: {  	v12 =	vld [tilespmem:s8+$0x0];
	v6 =	vmul.f32 v6, v5  }
0x47a: {  	v13 =	vld [tilespmem:s8+$0x10]  }
0x47b: {  	s5 =	sadd.s32 $0x6B00, s5;
	v14 =	vld.idx.msk [tilespmem:v4+s2+$0xFFFFFFE0 ss:$0x1], $0xffff;
	v6 =	vadd.f32 v6, v7  }
0x47c: {  	s6 =	sadd.s32 s3, s5;
	v16 =	vld.idx.msk [tilespmem:v4+s2+$0x0 ss:$0x1], $0xffff  }
0x47d: {  	[tilespmem:s6+$0x70] =	vst.add.f32.msk $0xffff, v6  }
0x47e: {  	v6 =	vld.idx.msk [tilespmem:v4+s2+$0xFFFFFFD0 ss:$0x1], $0xffff  }
0x47f: {  	v7 =	vld [tilespmem:s8+$0x20]  }
0x480: {  	v10 =	vmul.f32 v10, v5;
	v15 =	vld.idx.msk [tilespmem:v4+s2+$0xFFFFFFF0 ss:$0x1], $0xffff  }
0x481: {  	v9 =	vmul.f32 v9, v5;
	v18 =	vld.idx.msk [tilespmem:v4+s2+$0x20 ss:$0x1], $0xffff  }
0x482: {  	v62 =	vmul.f32 v12, v5;
	v17 =	vld.idx.msk [tilespmem:v4+s2+$0x10 ss:$0x1], $0xffff;
	v10 =	vadd.f32 v10, v14  }
0x483: {  	v11 =	vmul.f32 v11, v5;
	v63 =	vld.idx.msk [tilespmem:v4+s2+$0xFFFFFFC0 ss:$0x1], $0xffff;
	v6 =	vadd.f32 v9, v6  }
0x484: {  	[tilespmem:s6+$0x20] =	vst.add.f32.msk $0xffff, v10;
	v7 =	vmul.f32 v7, v5;
	v9 =	vadd.f32 v62, v16  }
0x485: {  	v13 =	vmul.f32 v13, v5;
	[tilespmem:s6+$0x10] =	vst.add.f32.msk $0xffff, v6;
	v6 =	vadd.f32 v11, v15  }
0x486: {  	v7 =	vadd.f32 v7, v18;
	[tilespmem:s6+$0x40] =	vst.add.f32.msk $0xffff, v9  }
0x487: {  	v8 =	vmul.f32 v8, v5;
	[tilespmem:s6+$0x30] =	vst.add.f32.msk $0xffff, v6;
	v6 =	vadd.f32 v13, v17  }
0x488: {  	[tilespmem:s6+$0x60] =	vst.add.f32.msk $0xffff, v7  }
0x489: {  	s15 =	simm.s32 $0x0;
	s8 =	simm.s32 $0x8C0;
	[tilespmem:s6+$0x50] =	vst.add.f32.msk $0xffff, v6;
	v6 =	vadd.f32 v8, v63  }
.LBB2_47:
0x48a: {  	v7 =	vld [tilespmem:s8+$0x30];
	s15 =	sadd.s32 $0x8, s15;
	s2 =	sadd.s32 $0x400, s2  }
0x48b: {  	v8 =	vld.idx.msk [tilespmem:v4+s2+$0x30 ss:$0x1], $0xffff;
	p0 =	slt.u32 s15, $0x28  }
0x48c: {  	v9 =	vld [tilespmem:s8+$0xFFFFFFC0]  }
0x48d: {  	v10 =	vld [tilespmem:s8+$0xFFFFFFD0]  }
0x48e: {  	v11 =	vld [tilespmem:s8+$0xFFFFFFE0]  }
0x48f: {  	v12 =	vld [tilespmem:s8+$0xFFFFFFF0];
	v7 =	vmul.f32 v7, v5  }
0x490: {  	v13 =	vld [tilespmem:s8+$0x0]  }
0x491: {  	s5 =	sadd.s32 $0x400, s5;
	v9 =	vmul.f32 v9, v5;
	v14 =	vld [tilespmem:s8+$0x10];
	v7 =	vadd.f32 v7, v8  }
0x492: {  	s14 =	sadd.s32 s3, s5;
	v8 =	vmul.f32 v10, v5;
	v10 =	vld [tilespmem:s8+$0x20]  }
0x493: {  	v11 =	vmul.f32 v11, v5;
	[tilespmem:s14+$0x70] =	vst.add.f32.msk $0xffff, v7  }
0x494: {  	v7 =	vld.idx.msk [tilespmem:v4+s2+$0xFFFFFFD0 ss:$0x1], $0xffff;
	v12 =	vmul.f32 v12, v5  }
0x495: {  	v15 =	vld.idx.msk [tilespmem:v4+s2+$0xFFFFFFE0 ss:$0x1], $0xffff;
	v13 =	vmul.f32 v13, v5  }
0x496: {  	v16 =	vld.idx.msk [tilespmem:v4+s2+$0xFFFFFFF0 ss:$0x1], $0xffff;
	v14 =	vmul.f32 v14, v5  }
0x497: {  	v17 =	vld.idx.msk [tilespmem:v4+s2+$0x0 ss:$0x1], $0xffff;
	v10 =	vmul.f32 v10, v5  }
0x498: {  	v18 =	vld.idx.msk [tilespmem:v4+s2+$0x10 ss:$0x1], $0xffff  }
0x499: {  	v19 =	vld.idx.msk [tilespmem:v4+s2+$0x20 ss:$0x1], $0xffff  }
0x49a: {  	v7 =	vadd.f32 v8, v7;
	v20 =	vld.idx.msk [tilespmem:v4+s2+$0xFFFFFFC0 ss:$0x1], $0xffff  }
0x49b: {  	v8 =	vadd.f32 v11, v15;
	[tilespmem:s6+$0x0] =	vst.add.f32.msk $0xffff, v6;
	s6 =	smov.u32 s14  }
0x49c: {  	v6 =	vadd.f32 v12, v16;
	[tilespmem:s6+$0x10] =	vst.add.f32.msk $0xffff, v7  }
.Ltmp22:
0x49d: {  	v7 =	vadd.f32 v13, v17;
	[tilespmem:s6+$0x20] =	vst.add.f32.msk $0xffff, v8;
	(pc) =	sbr.rel @p0 .LBB2_47-.Ltmp22, $4  }
0x49e: {  	v8 =	vadd.f32 v14, v18;
	[tilespmem:s6+$0x30] =	vst.add.f32.msk $0xffff, v6  }
0x49f: {  	[tilespmem:s6+$0x40] =	vst.add.f32.msk $0xffff, v7;
	v7 =	vadd.f32 v10, v19  }
0x4a0: {  	v6 =	vadd.f32 v9, v20;
	[tilespmem:s6+$0x50] =	vst.add.f32.msk $0xffff, v8  }
0x4a1: {  	s8 =	sadd.s32 $0x80, s8;
	[tilespmem:s6+$0x60] =	vst.add.f32.msk $0xffff, v7  }
0x4a2: {  	s0 =	sadd.s32 $0x1, s0  }
0x4a3: {  	p0 =	sne.s32 s0, $0x10  }
.Ltmp23:
0x4a4: {  	_ = 	snop;
	(pc) =	sbr.rel @p0 .LBB2_46-.Ltmp23, $2  }
0x4a5: {  	_ =	sdelay $0x2  }
0x4a6: {  	[tilespmem:s6+$0x0] =	vst.add.f32.msk $0xffff, v6;
	s31 =	sadd.s32 $0x1, s31  }
0x4a7: {  	s31 =	simm.s32 $0x0;
	s0 =	rddreg [dreg:$0x18];
	s2 =	simm.s32 $0x6B00  }
0x4a8: {  	[hbm4b:s0+s31] =	stream.linear.scatter [tilespmem:s2], [sflag:$0xB], $0x3000, $0x38;
	[tilespmem:$0x18B00] =	vst v63  }
0x4a9: {  	_ =	swait.ge [sflag:s17], $0x3000  }
0x4aa: {  	[sflag:s17] =	ssyncset.done $0x0  }
0x4ab: {  	[sflag:s17] =	ssyncadd.s32 $0xFFFFD000  }
0x4ac: {  	v3 =	vld [tilespmem:$0xB0];
	_ =	sdelay $0x4  }
0x4ad: {  	v4 =	vshrl.u32 v3, $0x3  }
0x4ae: {  	v4 =	vmul.u32 $0x30, v4  }
0x4af: {  	v3 =	vand.u32 $0x7, v3  }
0x4b0: {  	v3 =	vor.u32 v3, v4  }
0x4b1: {  	v4 =	vperm.xlane v3, v0;
	_ =	sdelay $0x1  }
0x4b2: {  	v4 =	vadd.s32 v1, v4;
	_ =	sdelay $0x3  }
0x4b3: {  	v3 =	vperm.xlane v3, v2  }
0x4b4: {  	[tilespmem:s2], [sflag:$0x3] =	stream.indirect_vreg.gather [hbm4b:s1+s31], $0x80, v4, vm0, $0xb8;
	[tilespmem:$0x18B00] =	vst v63  }
0x4b5: {  	s5 =	simm.s32 $0x7300;
	v3 =	vadd.s32 v1, v3  }
0x4b6: {  	[tilespmem:s5], [sflag:$0x3] =	stream.indirect_vreg.gather [hbm4b:s24+s31], $0x80, v4, vm0, $0xb8;
	[tilespmem:$0x18B00] =	vst v63  }
0x4b7: {  	s6 =	simm.s32 $0x7B00  }
0x4b8: {  	[tilespmem:s6], [sflag:$0x3] =	stream.indirect_vreg.gather [hbm4b:s26+s31], $0x80, v4, vm0, $0xb8;
	[tilespmem:$0x18B00] =	vst v63  }
0x4b9: {  	s8 =	simm.s32 $0x8300  }
0x4ba: {  	[tilespmem:s8], [sflag:$0x3] =	stream.indirect_vreg.gather [hbm4b:s1+s31], $0x80, v3, vm0, $0xb8;
	[tilespmem:$0x18B00] =	vst v63  }
0x4bb: {  	s14 =	simm.s32 $0x8B00  }
0x4bc: {  	[tilespmem:s14], [sflag:$0x3] =	stream.indirect_vreg.gather [hbm4b:s24+s31], $0x80, v3, vm0, $0xb8;
	[tilespmem:$0x18B00] =	vst v63  }
0x4bd: {  	s15 =	simm.s32 $0x9300  }
0x4be: {  	[tilespmem:s15], [sflag:$0x3] =	stream.indirect_vreg.gather [hbm4b:s26+s31], $0x80, v3, vm0, $0xb8;
	[tilespmem:$0x18B00] =	vst v63  }
0x4bf: {  	_ =	swait.ge [sflag:s18], $0x3000  }
0x4c0: {  	[sflag:s18] =	ssyncset.done $0x0  }
0x4c1: {  	[sflag:s18] =	ssyncadd.s32 $0xFFFFD000  }
0x4c2: {  	v3 =	vld [tilespmem:$0x160];
	_ =	sdelay $0x4  }
0x4c3: {  	s9 =	simm.s32 $0x6B00;
	s0 =	simm.s32 $0x0;
	v3 =	vcvt.s32.f32 v3  }
.LBB2_50:
0x4c4: {  	s2 =	sand.u32 $0x7, s31  }
0x4c5: {  	s2 =	sshll.u32 s2, $0x9  }
0x4c6: {  	s3 =	sshrl.u32 s2, $0x2  }
0x4c7: {  	s15 =	sshrl.u32 s0, $0x3;
	v4 =	vmov s3  }
0x4c8: {  	s8 =	simm.s32 $0x840;
	s2 =	smul.u32 $0x6000, s15  }
0x4c9: {  	v6 =	vld [tilespmem:s8+$0x30]  }
0x4ca: {  	v8 =	vld [tilespmem:s8+$0xFFFFFFC0];
	s5 =	sshra.s32 s2, $0x2  }
0x4cb: {  	v9 =	vld [tilespmem:s8+$0xFFFFFFD0];
	s2 =	sadd.s32 $0x12B40, s5  }
0x4cc: {  	v5 =	vmov s0;
	v7 =	vld.idx.msk [tilespmem:v4+s2+$0x30 ss:$0x1], $0xffff  }
0x4cd: {  	v5 =	vperm.xlane v3, v5;
	v10 =	vld [tilespmem:s8+$0xFFFFFFE0]  }
0x4ce: {  	v11 =	vld [tilespmem:s8+$0xFFFFFFF0]  }
0x4cf: {  	v12 =	vld [tilespmem:s8+$0x0];
	v6 =	vmul.f32 v6, v5  }
0x4d0: {  	v13 =	vld [tilespmem:s8+$0x10]  }
0x4d1: {  	s5 =	sadd.s32 $0x9B00, s5;
	v14 =	vld.idx.msk [tilespmem:v4+s2+$0xFFFFFFE0 ss:$0x1], $0xffff;
	v6 =	vadd.f32 v6, v7  }
0x4d2: {  	s6 =	sadd.s32 s3, s5;
	v16 =	vld.idx.msk [tilespmem:v4+s2+$0x0 ss:$0x1], $0xffff  }
0x4d3: {  	[tilespmem:s6+$0x70] =	vst.add.f32.msk $0xffff, v6  }
0x4d4: {  	v6 =	vld.idx.msk [tilespmem:v4+s2+$0xFFFFFFD0 ss:$0x1], $0xffff  }
0x4d5: {  	v7 =	vld [tilespmem:s8+$0x20]  }
0x4d6: {  	v10 =	vmul.f32 v10, v5;
	v15 =	vld.idx.msk [tilespmem:v4+s2+$0xFFFFFFF0 ss:$0x1], $0xffff  }
0x4d7: {  	v9 =	vmul.f32 v9, v5;
	v18 =	vld.idx.msk [tilespmem:v4+s2+$0x20 ss:$0x1], $0xffff  }
0x4d8: {  	v62 =	vmul.f32 v12, v5;
	v17 =	vld.idx.msk [tilespmem:v4+s2+$0x10 ss:$0x1], $0xffff;
	v10 =	vadd.f32 v10, v14  }
0x4d9: {  	v11 =	vmul.f32 v11, v5;
	v63 =	vld.idx.msk [tilespmem:v4+s2+$0xFFFFFFC0 ss:$0x1], $0xffff;
	v6 =	vadd.f32 v9, v6  }
0x4da: {  	[tilespmem:s6+$0x20] =	vst.add.f32.msk $0xffff, v10;
	v7 =	vmul.f32 v7, v5;
	v9 =	vadd.f32 v62, v16  }
0x4db: {  	v13 =	vmul.f32 v13, v5;
	[tilespmem:s6+$0x10] =	vst.add.f32.msk $0xffff, v6;
	v6 =	vadd.f32 v11, v15  }
0x4dc: {  	v7 =	vadd.f32 v7, v18;
	[tilespmem:s6+$0x40] =	vst.add.f32.msk $0xffff, v9  }
0x4dd: {  	v8 =	vmul.f32 v8, v5;
	[tilespmem:s6+$0x30] =	vst.add.f32.msk $0xffff, v6;
	v6 =	vadd.f32 v13, v17  }
0x4de: {  	[tilespmem:s6+$0x60] =	vst.add.f32.msk $0xffff, v7  }
0x4df: {  	s15 =	simm.s32 $0x0;
	s8 =	simm.s32 $0x8C0;
	[tilespmem:s6+$0x50] =	vst.add.f32.msk $0xffff, v6;
	v6 =	vadd.f32 v8, v63  }
.LBB2_51:
0x4e0: {  	v7 =	vld [tilespmem:s8+$0x30];
	s15 =	sadd.s32 $0x8, s15;
	s2 =	sadd.s32 $0x400, s2  }
0x4e1: {  	v8 =	vld.idx.msk [tilespmem:v4+s2+$0x30 ss:$0x1], $0xffff;
	p0 =	slt.u32 s15, $0x28  }
0x4e2: {  	v9 =	vld [tilespmem:s8+$0xFFFFFFC0]  }
0x4e3: {  	v10 =	vld [tilespmem:s8+$0xFFFFFFD0]  }
0x4e4: {  	v11 =	vld [tilespmem:s8+$0xFFFFFFE0]  }
0x4e5: {  	v12 =	vld [tilespmem:s8+$0xFFFFFFF0];
	v7 =	vmul.f32 v7, v5  }
0x4e6: {  	v13 =	vld [tilespmem:s8+$0x0]  }
0x4e7: {  	s5 =	sadd.s32 $0x400, s5;
	v9 =	vmul.f32 v9, v5;
	v14 =	vld [tilespmem:s8+$0x10];
	v7 =	vadd.f32 v7, v8  }
0x4e8: {  	s14 =	sadd.s32 s3, s5;
	v8 =	vmul.f32 v10, v5;
	v10 =	vld [tilespmem:s8+$0x20]  }
0x4e9: {  	v11 =	vmul.f32 v11, v5;
	[tilespmem:s14+$0x70] =	vst.add.f32.msk $0xffff, v7  }
0x4ea: {  	v7 =	vld.idx.msk [tilespmem:v4+s2+$0xFFFFFFD0 ss:$0x1], $0xffff;
	v12 =	vmul.f32 v12, v5  }
0x4eb: {  	v15 =	vld.idx.msk [tilespmem:v4+s2+$0xFFFFFFE0 ss:$0x1], $0xffff;
	v13 =	vmul.f32 v13, v5  }
0x4ec: {  	v16 =	vld.idx.msk [tilespmem:v4+s2+$0xFFFFFFF0 ss:$0x1], $0xffff;
	v14 =	vmul.f32 v14, v5  }
0x4ed: {  	v17 =	vld.idx.msk [tilespmem:v4+s2+$0x0 ss:$0x1], $0xffff;
	v10 =	vmul.f32 v10, v5  }
0x4ee: {  	v18 =	vld.idx.msk [tilespmem:v4+s2+$0x10 ss:$0x1], $0xffff  }
0x4ef: {  	v19 =	vld.idx.msk [tilespmem:v4+s2+$0x20 ss:$0x1], $0xffff  }
0x4f0: {  	v7 =	vadd.f32 v8, v7;
	v20 =	vld.idx.msk [tilespmem:v4+s2+$0xFFFFFFC0 ss:$0x1], $0xffff  }
0x4f1: {  	v8 =	vadd.f32 v11, v15;
	[tilespmem:s6+$0x0] =	vst.add.f32.msk $0xffff, v6;
	s6 =	smov.u32 s14  }
0x4f2: {  	v6 =	vadd.f32 v12, v16;
	[tilespmem:s6+$0x10] =	vst.add.f32.msk $0xffff, v7  }
.Ltmp24:
0x4f3: {  	v7 =	vadd.f32 v13, v17;
	[tilespmem:s6+$0x20] =	vst.add.f32.msk $0xffff, v8;
	(pc) =	sbr.rel @p0 .LBB2_51-.Ltmp24, $4  }
0x4f4: {  	v8 =	vadd.f32 v14, v18;
	[tilespmem:s6+$0x30] =	vst.add.f32.msk $0xffff, v6  }
0x4f5: {  	[tilespmem:s6+$0x40] =	vst.add.f32.msk $0xffff, v7;
	v7 =	vadd.f32 v10, v19  }
0x4f6: {  	v6 =	vadd.f32 v9, v20;
	[tilespmem:s6+$0x50] =	vst.add.f32.msk $0xffff, v8  }
0x4f7: {  	s8 =	sadd.s32 $0x80, s8;
	[tilespmem:s6+$0x60] =	vst.add.f32.msk $0xffff, v7  }
0x4f8: {  	s0 =	sadd.s32 $0x1, s0  }
0x4f9: {  	p0 =	sne.s32 s0, $0x10  }
.Ltmp25:
0x4fa: {  	_ = 	snop;
	(pc) =	sbr.rel @p0 .LBB2_50-.Ltmp25, $2  }
0x4fb: {  	_ =	sdelay $0x2  }
0x4fc: {  	[tilespmem:s6+$0x0] =	vst.add.f32.msk $0xffff, v6;
	s31 =	sadd.s32 $0x1, s31  }
0x4fd: {  	s31 =	simm.s32 $0x0;
	s0 =	rddreg [dreg:$0x1e];
	s2 =	simm.s32 $0x9B00  }
0x4fe: {  	[hbm4b:s0+s31] =	stream.linear.scatter [tilespmem:s2], [sflag:$0xC], $0x3000, $0x38;
	[tilespmem:$0x18B00] =	vst v63  }
0x4ff: {  	_ =	swait.ge [sflag:s19], $0x3000  }
0x500: {  	[sflag:s19] =	ssyncset.done $0x0  }
0x501: {  	[sflag:s19] =	ssyncadd.s32 $0xFFFFD000  }
0x502: {  	v3 =	vld [tilespmem:$0xF0];
	_ =	sdelay $0x4  }
0x503: {  	v4 =	vshrl.u32 v3, $0x3  }
0x504: {  	v4 =	vmul.u32 $0x30, v4  }
0x505: {  	v3 =	vand.u32 $0x7, v3  }
0x506: {  	v3 =	vor.u32 v3, v4  }
0x507: {  	v4 =	vperm.xlane v3, v0;
	_ =	sdelay $0x1  }
0x508: {  	v4 =	vadd.s32 v1, v4;
	_ =	sdelay $0x3  }
0x509: {  	v3 =	vperm.xlane v3, v2  }
0x50a: {  	[tilespmem:s2], [sflag:$0x4] =	stream.indirect_vreg.gather [hbm4b:s1+s31], $0x80, v4, vm0, $0xb8;
	[tilespmem:$0x18B00] =	vst v63  }
0x50b: {  	s3 =	simm.s32 $0xA300;
	v3 =	vadd.s32 v1, v3  }
0x50c: {  	[tilespmem:s3], [sflag:$0x4] =	stream.indirect_vreg.gather [hbm4b:s24+s31], $0x80, v4, vm0, $0xb8;
	[tilespmem:$0x18B00] =	vst v63  }
0x50d: {  	s5 =	simm.s32 $0xAB00  }
0x50e: {  	[tilespmem:s5], [sflag:$0x4] =	stream.indirect_vreg.gather [hbm4b:s26+s31], $0x80, v4, vm0, $0xb8;
	[tilespmem:$0x18B00] =	vst v63  }
0x50f: {  	s6 =	simm.s32 $0xB300  }
0x510: {  	[tilespmem:s6], [sflag:$0x4] =	stream.indirect_vreg.gather [hbm4b:s1+s31], $0x80, v3, vm0, $0xb8;
	[tilespmem:$0x18B00] =	vst v63  }
0x511: {  	s8 =	simm.s32 $0xBB00  }
0x512: {  	[tilespmem:s8], [sflag:$0x4] =	stream.indirect_vreg.gather [hbm4b:s24+s31], $0x80, v3, vm0, $0xb8;
	[tilespmem:$0x18B00] =	vst v63  }
0x513: {  	s14 =	simm.s32 $0xC300;
	s15 =	simm.s32 $0x5  }
0x514: {  	[tilespmem:s14], [sflag:$0x4] =	stream.indirect_vreg.gather [hbm4b:s26+s31], $0x80, v3, vm0, $0xb8;
	[tilespmem:$0x18B00] =	vst v63  }
0x515: {  	_ =	swait.ge [sflag:s15], $0x3000  }
0x516: {  	[sflag:s15] =	ssyncset.done $0x0  }
0x517: {  	[sflag:s15] =	ssyncadd.s32 $0xFFFFD000  }
0x518: {  	v3 =	vld [tilespmem:$0x1A0];
	_ =	sdelay $0x4  }
0x519: {  	s0 =	simm.s32 $0x0;
	v3 =	vcvt.s32.f32 v3  }
.LBB2_54:
0x51a: {  	s2 =	sand.u32 $0x7, s31  }
0x51b: {  	s2 =	sshll.u32 s2, $0x9  }
0x51c: {  	s3 =	sshrl.u32 s2, $0x2  }
0x51d: {  	s15 =	sshrl.u32 s0, $0x3;
	v4 =	vmov s3  }
0x51e: {  	s8 =	simm.s32 $0x840;
	s2 =	smul.u32 $0x6000, s15  }
0x51f: {  	v6 =	vld [tilespmem:s8+$0x30]  }
0x520: {  	v8 =	vld [tilespmem:s8+$0xFFFFFFC0];
	s5 =	sshra.s32 s2, $0x2  }
0x521: {  	v9 =	vld [tilespmem:s8+$0xFFFFFFD0];
	s2 =	sadd.s32 $0x12B40, s5  }
0x522: {  	v5 =	vmov s0;
	v7 =	vld.idx.msk [tilespmem:v4+s2+$0x30 ss:$0x1], $0xffff  }
0x523: {  	v5 =	vperm.xlane v3, v5;
	v10 =	vld [tilespmem:s8+$0xFFFFFFE0]  }
0x524: {  	v11 =	vld [tilespmem:s8+$0xFFFFFFF0]  }
0x525: {  	v12 =	vld [tilespmem:s8+$0x0];
	v6 =	vmul.f32 v6, v5  }
0x526: {  	v13 =	vld [tilespmem:s8+$0x10]  }
0x527: {  	s5 =	sadd.s32 $0xCB00, s5;
	v14 =	vld.idx.msk [tilespmem:v4+s2+$0xFFFFFFE0 ss:$0x1], $0xffff;
	v6 =	vadd.f32 v6, v7  }
0x528: {  	s6 =	sadd.s32 s3, s5;
	v16 =	vld.idx.msk [tilespmem:v4+s2+$0x0 ss:$0x1], $0xffff  }
0x529: {  	[tilespmem:s6+$0x70] =	vst.add.f32.msk $0xffff, v6  }
0x52a: {  	v6 =	vld.idx.msk [tilespmem:v4+s2+$0xFFFFFFD0 ss:$0x1], $0xffff  }
0x52b: {  	v7 =	vld [tilespmem:s8+$0x20]  }
0x52c: {  	v10 =	vmul.f32 v10, v5;
	v15 =	vld.idx.msk [tilespmem:v4+s2+$0xFFFFFFF0 ss:$0x1], $0xffff  }
0x52d: {  	v9 =	vmul.f32 v9, v5;
	v18 =	vld.idx.msk [tilespmem:v4+s2+$0x20 ss:$0x1], $0xffff  }
0x52e: {  	v62 =	vmul.f32 v12, v5;
	v17 =	vld.idx.msk [tilespmem:v4+s2+$0x10 ss:$0x1], $0xffff;
	v10 =	vadd.f32 v10, v14  }
0x52f: {  	v11 =	vmul.f32 v11, v5;
	v63 =	vld.idx.msk [tilespmem:v4+s2+$0xFFFFFFC0 ss:$0x1], $0xffff;
	v6 =	vadd.f32 v9, v6  }
0x530: {  	[tilespmem:s6+$0x20] =	vst.add.f32.msk $0xffff, v10;
	v7 =	vmul.f32 v7, v5;
	v9 =	vadd.f32 v62, v16  }
0x531: {  	v13 =	vmul.f32 v13, v5;
	[tilespmem:s6+$0x10] =	vst.add.f32.msk $0xffff, v6;
	v6 =	vadd.f32 v11, v15  }
0x532: {  	v7 =	vadd.f32 v7, v18;
	[tilespmem:s6+$0x40] =	vst.add.f32.msk $0xffff, v9  }
0x533: {  	v8 =	vmul.f32 v8, v5;
	[tilespmem:s6+$0x30] =	vst.add.f32.msk $0xffff, v6;
	v6 =	vadd.f32 v13, v17  }
0x534: {  	[tilespmem:s6+$0x60] =	vst.add.f32.msk $0xffff, v7  }
0x535: {  	s15 =	simm.s32 $0x0;
	s8 =	simm.s32 $0x8C0;
	[tilespmem:s6+$0x50] =	vst.add.f32.msk $0xffff, v6;
	v6 =	vadd.f32 v8, v63  }
.LBB2_55:
0x536: {  	v7 =	vld [tilespmem:s8+$0x30];
	s15 =	sadd.s32 $0x8, s15;
	s2 =	sadd.s32 $0x400, s2  }
0x537: {  	v8 =	vld.idx.msk [tilespmem:v4+s2+$0x30 ss:$0x1], $0xffff;
	p0 =	slt.u32 s15, $0x28  }
0x538: {  	v9 =	vld [tilespmem:s8+$0xFFFFFFC0]  }
0x539: {  	v10 =	vld [tilespmem:s8+$0xFFFFFFD0]  }
0x53a: {  	v11 =	vld [tilespmem:s8+$0xFFFFFFE0]  }
0x53b: {  	v12 =	vld [tilespmem:s8+$0xFFFFFFF0];
	v7 =	vmul.f32 v7, v5  }
0x53c: {  	v13 =	vld [tilespmem:s8+$0x0]  }
0x53d: {  	s5 =	sadd.s32 $0x400, s5;
	v9 =	vmul.f32 v9, v5;
	v14 =	vld [tilespmem:s8+$0x10];
	v7 =	vadd.f32 v7, v8  }
0x53e: {  	s14 =	sadd.s32 s3, s5;
	v8 =	vmul.f32 v10, v5;
	v10 =	vld [tilespmem:s8+$0x20]  }
0x53f: {  	v11 =	vmul.f32 v11, v5;
	[tilespmem:s14+$0x70] =	vst.add.f32.msk $0xffff, v7  }
0x540: {  	v7 =	vld.idx.msk [tilespmem:v4+s2+$0xFFFFFFD0 ss:$0x1], $0xffff;
	v12 =	vmul.f32 v12, v5  }
0x541: {  	v15 =	vld.idx.msk [tilespmem:v4+s2+$0xFFFFFFE0 ss:$0x1], $0xffff;
	v13 =	vmul.f32 v13, v5  }
0x542: {  	v16 =	vld.idx.msk [tilespmem:v4+s2+$0xFFFFFFF0 ss:$0x1], $0xffff;
	v14 =	vmul.f32 v14, v5  }
0x543: {  	v17 =	vld.idx.msk [tilespmem:v4+s2+$0x0 ss:$0x1], $0xffff;
	v10 =	vmul.f32 v10, v5  }
0x544: {  	v18 =	vld.idx.msk [tilespmem:v4+s2+$0x10 ss:$0x1], $0xffff  }
0x545: {  	v19 =	vld.idx.msk [tilespmem:v4+s2+$0x20 ss:$0x1], $0xffff  }
0x546: {  	v7 =	vadd.f32 v8, v7;
	v20 =	vld.idx.msk [tilespmem:v4+s2+$0xFFFFFFC0 ss:$0x1], $0xffff  }
0x547: {  	v8 =	vadd.f32 v11, v15;
	[tilespmem:s6+$0x0] =	vst.add.f32.msk $0xffff, v6;
	s6 =	smov.u32 s14  }
0x548: {  	v6 =	vadd.f32 v12, v16;
	[tilespmem:s6+$0x10] =	vst.add.f32.msk $0xffff, v7  }
.Ltmp26:
0x549: {  	v7 =	vadd.f32 v13, v17;
	[tilespmem:s6+$0x20] =	vst.add.f32.msk $0xffff, v8;
	(pc) =	sbr.rel @p0 .LBB2_55-.Ltmp26, $4  }
0x54a: {  	v8 =	vadd.f32 v14, v18;
	[tilespmem:s6+$0x30] =	vst.add.f32.msk $0xffff, v6  }
0x54b: {  	[tilespmem:s6+$0x40] =	vst.add.f32.msk $0xffff, v7;
	v7 =	vadd.f32 v10, v19  }
0x54c: {  	v6 =	vadd.f32 v9, v20;
	[tilespmem:s6+$0x50] =	vst.add.f32.msk $0xffff, v8  }
0x54d: {  	s8 =	sadd.s32 $0x80, s8;
	[tilespmem:s6+$0x60] =	vst.add.f32.msk $0xffff, v7  }
0x54e: {  	s0 =	sadd.s32 $0x1, s0  }
0x54f: {  	p0 =	sne.s32 s0, $0x10  }
.Ltmp27:
0x550: {  	_ = 	snop;
	(pc) =	sbr.rel @p0 .LBB2_54-.Ltmp27, $2  }
0x551: {  	_ =	sdelay $0x2  }
0x552: {  	[tilespmem:s6+$0x0] =	vst.add.f32.msk $0xffff, v6;
	s31 =	sadd.s32 $0x1, s31  }
0x553: {  	s31 =	simm.s32 $0x0;
	s0 =	rddreg [dreg:$0x1f]  }
0x554: {  	[hbm4b:s0+s31] =	stream.linear.scatter [tilespmem:s20], [sflag:$0xD], $0x3000, $0x38;
	[tilespmem:$0x18B00] =	vst v63  }
0x555: {  	_ =	swait.ge [sflag:s25], $0x3000  }
0x556: {  	[sflag:s25] =	ssyncset.done $0x0  }
0x557: {  	[sflag:s25] =	ssyncadd.s32 $0xFFFFD000  }
0x558: {  	v3 =	vld [tilespmem:$0x1E0];
	_ =	sdelay $0x4  }
0x559: {  	s0 =	simm.s32 $0x0;
	v3 =	vcvt.s32.f32 v3  }
.LBB2_58:
0x55a: {  	s2 =	sand.u32 $0x7, s31  }
0x55b: {  	s2 =	sshll.u32 s2, $0x9  }
0x55c: {  	s3 =	sshrl.u32 s2, $0x2  }
0x55d: {  	s15 =	sshrl.u32 s0, $0x3;
	v4 =	vmov s3  }
0x55e: {  	s8 =	simm.s32 $0x840;
	s2 =	smul.u32 $0x6000, s15  }
0x55f: {  	v6 =	vld [tilespmem:s8+$0x30]  }
0x560: {  	v8 =	vld [tilespmem:s8+$0xFFFFFFC0];
	s5 =	sshra.s32 s2, $0x2  }
0x561: {  	v9 =	vld [tilespmem:s8+$0xFFFFFFD0];
	s2 =	sadd.s32 $0x12B40, s5  }
0x562: {  	v5 =	vmov s0;
	v7 =	vld.idx.msk [tilespmem:v4+s2+$0x30 ss:$0x1], $0xffff  }
0x563: {  	v5 =	vperm.xlane v3, v5;
	v10 =	vld [tilespmem:s8+$0xFFFFFFE0]  }
0x564: {  	v11 =	vld [tilespmem:s8+$0xFFFFFFF0]  }
0x565: {  	v12 =	vld [tilespmem:s8+$0x0];
	v6 =	vmul.f32 v6, v5  }
0x566: {  	v13 =	vld [tilespmem:s8+$0x10]  }
0x567: {  	s5 =	sadd.s32 $0xFB00, s5;
	v14 =	vld.idx.msk [tilespmem:v4+s2+$0xFFFFFFE0 ss:$0x1], $0xffff;
	v6 =	vadd.f32 v6, v7  }
0x568: {  	s6 =	sadd.s32 s3, s5;
	v16 =	vld.idx.msk [tilespmem:v4+s2+$0x0 ss:$0x1], $0xffff  }
0x569: {  	[tilespmem:s6+$0x70] =	vst.add.f32.msk $0xffff, v6  }
0x56a: {  	v6 =	vld.idx.msk [tilespmem:v4+s2+$0xFFFFFFD0 ss:$0x1], $0xffff  }
0x56b: {  	v7 =	vld [tilespmem:s8+$0x20]  }
0x56c: {  	v10 =	vmul.f32 v10, v5;
	v15 =	vld.idx.msk [tilespmem:v4+s2+$0xFFFFFFF0 ss:$0x1], $0xffff  }
0x56d: {  	v9 =	vmul.f32 v9, v5;
	v18 =	vld.idx.msk [tilespmem:v4+s2+$0x20 ss:$0x1], $0xffff  }
0x56e: {  	v62 =	vmul.f32 v12, v5;
	v17 =	vld.idx.msk [tilespmem:v4+s2+$0x10 ss:$0x1], $0xffff;
	v10 =	vadd.f32 v10, v14  }
0x56f: {  	v11 =	vmul.f32 v11, v5;
	v63 =	vld.idx.msk [tilespmem:v4+s2+$0xFFFFFFC0 ss:$0x1], $0xffff;
	v6 =	vadd.f32 v9, v6  }
0x570: {  	[tilespmem:s6+$0x20] =	vst.add.f32.msk $0xffff, v10;
	v7 =	vmul.f32 v7, v5;
	v9 =	vadd.f32 v62, v16  }
0x571: {  	v13 =	vmul.f32 v13, v5;
	[tilespmem:s6+$0x10] =	vst.add.f32.msk $0xffff, v6;
	v6 =	vadd.f32 v11, v15  }
0x572: {  	v7 =	vadd.f32 v7, v18;
	[tilespmem:s6+$0x40] =	vst.add.f32.msk $0xffff, v9  }
0x573: {  	v8 =	vmul.f32 v8, v5;
	[tilespmem:s6+$0x30] =	vst.add.f32.msk $0xffff, v6;
	v6 =	vadd.f32 v13, v17  }
0x574: {  	[tilespmem:s6+$0x60] =	vst.add.f32.msk $0xffff, v7  }
0x575: {  	s15 =	simm.s32 $0x0;
	s8 =	simm.s32 $0x8C0;
	[tilespmem:s6+$0x50] =	vst.add.f32.msk $0xffff, v6;
	v6 =	vadd.f32 v8, v63  }
.LBB2_59:
0x576: {  	v7 =	vld [tilespmem:s8+$0x30];
	s15 =	sadd.s32 $0x8, s15;
	s2 =	sadd.s32 $0x400, s2  }
0x577: {  	v8 =	vld.idx.msk [tilespmem:v4+s2+$0x30 ss:$0x1], $0xffff;
	p0 =	slt.u32 s15, $0x28  }
0x578: {  	v9 =	vld [tilespmem:s8+$0xFFFFFFC0]  }
0x579: {  	v10 =	vld [tilespmem:s8+$0xFFFFFFD0]  }
0x57a: {  	v11 =	vld [tilespmem:s8+$0xFFFFFFE0]  }
0x57b: {  	v12 =	vld [tilespmem:s8+$0xFFFFFFF0];
	v7 =	vmul.f32 v7, v5  }
0x57c: {  	v13 =	vld [tilespmem:s8+$0x0]  }
0x57d: {  	s5 =	sadd.s32 $0x400, s5;
	v9 =	vmul.f32 v9, v5;
	v14 =	vld [tilespmem:s8+$0x10];
	v7 =	vadd.f32 v7, v8  }
0x57e: {  	s14 =	sadd.s32 s3, s5;
	v8 =	vmul.f32 v10, v5;
	v10 =	vld [tilespmem:s8+$0x20]  }
0x57f: {  	v11 =	vmul.f32 v11, v5;
	[tilespmem:s14+$0x70] =	vst.add.f32.msk $0xffff, v7  }
0x580: {  	v7 =	vld.idx.msk [tilespmem:v4+s2+$0xFFFFFFD0 ss:$0x1], $0xffff;
	v12 =	vmul.f32 v12, v5  }
0x581: {  	v15 =	vld.idx.msk [tilespmem:v4+s2+$0xFFFFFFE0 ss:$0x1], $0xffff;
	v13 =	vmul.f32 v13, v5  }
0x582: {  	v16 =	vld.idx.msk [tilespmem:v4+s2+$0xFFFFFFF0 ss:$0x1], $0xffff;
	v14 =	vmul.f32 v14, v5  }
0x583: {  	v17 =	vld.idx.msk [tilespmem:v4+s2+$0x0 ss:$0x1], $0xffff;
	v10 =	vmul.f32 v10, v5  }
0x584: {  	v18 =	vld.idx.msk [tilespmem:v4+s2+$0x10 ss:$0x1], $0xffff  }
0x585: {  	v19 =	vld.idx.msk [tilespmem:v4+s2+$0x20 ss:$0x1], $0xffff  }
0x586: {  	v7 =	vadd.f32 v8, v7;
	v20 =	vld.idx.msk [tilespmem:v4+s2+$0xFFFFFFC0 ss:$0x1], $0xffff  }
0x587: {  	v8 =	vadd.f32 v11, v15;
	[tilespmem:s6+$0x0] =	vst.add.f32.msk $0xffff, v6;
	s6 =	smov.u32 s14  }
0x588: {  	v6 =	vadd.f32 v12, v16;
	[tilespmem:s6+$0x10] =	vst.add.f32.msk $0xffff, v7  }
.Ltmp28:
0x589: {  	v7 =	vadd.f32 v13, v17;
	[tilespmem:s6+$0x20] =	vst.add.f32.msk $0xffff, v8;
	(pc) =	sbr.rel @p0 .LBB2_59-.Ltmp28, $4  }
0x58a: {  	v8 =	vadd.f32 v14, v18;
	[tilespmem:s6+$0x30] =	vst.add.f32.msk $0xffff, v6  }
0x58b: {  	[tilespmem:s6+$0x40] =	vst.add.f32.msk $0xffff, v7;
	v7 =	vadd.f32 v10, v19  }
0x58c: {  	v6 =	vadd.f32 v9, v20;
	[tilespmem:s6+$0x50] =	vst.add.f32.msk $0xffff, v8  }
0x58d: {  	s8 =	sadd.s32 $0x80, s8;
	[tilespmem:s6+$0x60] =	vst.add.f32.msk $0xffff, v7  }
0x58e: {  	s0 =	sadd.s32 $0x1, s0  }
0x58f: {  	p0 =	sne.s32 s0, $0x10  }
.Ltmp29:
0x590: {  	_ = 	snop;
	(pc) =	sbr.rel @p0 .LBB2_58-.Ltmp29, $2  }
0x591: {  	_ =	sdelay $0x2  }
0x592: {  	[tilespmem:s6+$0x0] =	vst.add.f32.msk $0xffff, v6;
	s31 =	sadd.s32 $0x1, s31  }
0x593: {  	s2 =	sld [smem:$0x7FA];
	_ =	sdelay $0x1  }
0x594: {  	s0 =	simm.s32 $0x0;
	s31 =	simm.s32 $0x8  }
0x595: {  	[hbm4b:s2+s0] =	stream.linear.scatter [tilespmem:s22], [sflag:$0xE], $0x3000, $0x38;
	[tilespmem:$0x18B00] =	vst v63  }
0x596: {  	_ =	swait.ge [sflag:s31], $0x3000  }
0x597: {  	[sflag:s31] =	ssyncset.done $0x0  }
0x598: {  	s2 =	simm.s32 $0x0;
	[sflag:s31] =	ssyncadd.s32 $0xFFFFD000  }
.LBB2_62:
0x599: {  	s3 =	sshrl.u32 s2, $0x3  }
0x59a: {  	s5 =	sand.u32 $0x7, s0;
	s3 =	smul.u32 $0x6000, s3  }
0x59b: {  	s5 =	sshll.u32 s5, $0x9  }
0x59c: {  	s3 =	sor.u32 s5, s3;
	s5 =	simm.s32 $0x240  }
0x59d: {  	v5 =	vld [tilespmem:s5+$0x30]  }
0x59e: {  	v3 =	vld [tilespmem:s5+$0xFFFFFFC0]  }
0x59f: {  	v7 =	vld [tilespmem:s5+$0xFFFFFFD0]  }
0x5a0: {  	s3 =	sshra.s32 s3, $0x2;
	v9 =	vld [tilespmem:s5+$0xFFFFFFE0]  }
0x5a1: {  	v11 =	vld [tilespmem:s5+$0xFFFFFFF0];
	s3 =	sadd.s32 $0x15B40, s3  }
0x5a2: {  	v4 =	vld [tilespmem:s3+$0x30]  }
0x5a3: {  	v6 =	vld [tilespmem:s3+$0xFFFFFFD0]  }
0x5a4: {  	v8 =	vld [tilespmem:s3+$0xFFFFFFE0]  }
0x5a5: {  	v10 =	vld [tilespmem:s3+$0xFFFFFFF0]  }
0x5a6: {  	v13 =	vld [tilespmem:s5+$0x0]  }
0x5a7: {  	v12 =	vld [tilespmem:s3+$0x0];
	v5 =	vadd.f32 v5, v4  }
0x5a8: {  	v7 =	vadd.f32 v7, v6;
	v4 =	vld [tilespmem:s3+$0x10]  }
0x5a9: {  	v8 =	vadd.f32 v9, v8;
	v6 =	vld [tilespmem:s5+$0x10];
	[tilespmem:s3+$0x30] =	vst v5  }
0x5aa: {  	v9 =	vadd.f32 v11, v10;
	[tilespmem:s3+$0xFFFFFFD0] =	vst v7;
	v5 =	vld [tilespmem:s3+$0x20]  }
0x5ab: {  	[tilespmem:s3+$0xFFFFFFE0] =	vst v8;
	v8 =	vld [tilespmem:s5+$0x20]  }
0x5ac: {  	s6 =	simm.s32 $0x0;
	s8 =	sadd.s32 $0x400, s3;
	v7 =	vld [tilespmem:s3+$0xFFFFFFC0];
	[tilespmem:s3+$0xFFFFFFF0] =	vst v9;
	v9 =	vadd.f32 v13, v12  }
.LBB2_63:
0x5ad: {  	v10 =	vld [tilespmem:s8+$0x30];
	s5 =	sadd.s32 $0x100, s5  }
0x5ae: {  	s6 =	sadd.s32 $0x8, s6;
	v11 =	vld [tilespmem:s5+$0x30];
	[tilespmem:s3+$0x0] =	vst v9;
	v4 =	vadd.f32 v6, v4  }
0x5af: {  	p0 =	slt.u32 s6, $0x28;
	v6 =	vld [tilespmem:s5+$0xFFFFFFC0]  }
0x5b0: {  	v9 =	vld [tilespmem:s8+$0xFFFFFFD0];
	[tilespmem:s3+$0x10] =	vst v4;
	v4 =	vadd.f32 v8, v5  }
0x5b1: {  	v5 =	vld [tilespmem:s5+$0xFFFFFFD0];
	v12 =	vadd.f32 v3, v7  }
0x5b2: {  	v7 =	vld [tilespmem:s8+$0xFFFFFFE0];
	[tilespmem:s3+$0x20] =	vst v4  }
0x5b3: {  	v4 =	vld [tilespmem:s5+$0xFFFFFFE0];
	v8 =	vadd.f32 v11, v10;
	[tilespmem:s3+$0xFFFFFFC0] =	vst v12;
	s3 =	smov.u32 s8  }
0x5b4: {  	v10 =	vld [tilespmem:s8+$0xFFFFFFF0];
	v3 =	vmov v6  }
0x5b5: {  	v11 =	vld [tilespmem:s5+$0xFFFFFFF0];
	[tilespmem:s8+$0x30] =	vst v8  }
0x5b6: {  	v5 =	vadd.f32 v5, v9;
	v9 =	vld [tilespmem:s8+$0x0]  }
0x5b7: {  	v12 =	vld [tilespmem:s5+$0x0]  }
.Ltmp30:
0x5b8: {  	[tilespmem:s8+$0xFFFFFFD0] =	vst v5;
	v5 =	vadd.f32 v4, v7;
	v4 =	vld [tilespmem:s8+$0x10];
	(pc) =	sbr.rel @p0 .LBB2_63-.Ltmp30, $4  }
0x5b9: {  	v6 =	vld [tilespmem:s5+$0x10]  }
0x5ba: {  	[tilespmem:s8+$0xFFFFFFE0] =	vst v5;
	v10 =	vadd.f32 v11, v10;
	v5 =	vld [tilespmem:s8+$0x20]  }
0x5bb: {  	v8 =	vld [tilespmem:s5+$0x20]  }
0x5bc: {  	s8 =	sadd.s32 $0x400, s8;
	v7 =	vld [tilespmem:s3+$0xFFFFFFC0];
	[tilespmem:s3+$0xFFFFFFF0] =	vst v10;
	v9 =	vadd.f32 v12, v9  }
0x5bd: {  	s2 =	sadd.s32 $0x1, s2  }
0x5be: {  	p0 =	sne.s32 s2, $0x10  }
.Ltmp31:
0x5bf: {  	v4 =	vadd.f32 v6, v4;
	(pc) =	sbr.rel @p0 .LBB2_62-.Ltmp31, $4  }
0x5c0: {  	[tilespmem:s3+$0x0] =	vst v9;
	v5 =	vadd.f32 v8, v5  }
0x5c1: {  	[tilespmem:s3+$0x10] =	vst v4;
	v3 =	vadd.f32 v3, v7  }
0x5c2: {  	[tilespmem:s3+$0x20] =	vst v5  }
0x5c3: {  	s0 =	sadd.s32 $0x1, s0;
	[tilespmem:s3+$0xFFFFFFC0] =	vst v3  }
0x5c4: {  	_ =	swait.ge [sflag:s10], $0x3000  }
0x5c5: {  	[sflag:s10] =	ssyncset.done $0x0  }
0x5c6: {  	[sflag:s10] =	ssyncadd.s32 $0xFFFFD000  }
0x5c7: {  	v3 =	vld [tilespmem:$0x130];
	_ =	sdelay $0x4  }
0x5c8: {  	s31 =	simm.s32 $0x0;
	s0 =	simm.s32 $0x0;
	v3 =	vcvt.s32.f32 v3  }
.LBB2_66:
0x5c9: {  	s2 =	sand.u32 $0x7, s31  }
0x5ca: {  	s2 =	sshll.u32 s2, $0x9  }
0x5cb: {  	s3 =	sshrl.u32 s2, $0x2  }
0x5cc: {  	s15 =	sshrl.u32 s0, $0x3;
	v4 =	vmov s3  }
0x5cd: {  	s8 =	simm.s32 $0x840;
	s2 =	smul.u32 $0x6000, s15  }
0x5ce: {  	v6 =	vld [tilespmem:s8+$0x30]  }
0x5cf: {  	v8 =	vld [tilespmem:s8+$0xFFFFFFC0];
	s5 =	sshra.s32 s2, $0x2  }
0x5d0: {  	v9 =	vld [tilespmem:s8+$0xFFFFFFD0];
	s2 =	sadd.s32 $0x15B40, s5  }
0x5d1: {  	v5 =	vmov s0;
	v7 =	vld.idx.msk [tilespmem:v4+s2+$0x30 ss:$0x1], $0xffff  }
0x5d2: {  	v5 =	vperm.xlane v3, v5;
	v10 =	vld [tilespmem:s8+$0xFFFFFFE0]  }
0x5d3: {  	v11 =	vld [tilespmem:s8+$0xFFFFFFF0]  }
0x5d4: {  	v12 =	vld [tilespmem:s8+$0x0];
	v6 =	vmul.f32 v6, v5  }
0x5d5: {  	v13 =	vld [tilespmem:s8+$0x10]  }
0x5d6: {  	s5 =	sadd.s32 $0xB00, s5;
	v14 =	vld.idx.msk [tilespmem:v4+s2+$0xFFFFFFE0 ss:$0x1], $0xffff;
	v6 =	vadd.f32 v6, v7  }
0x5d7: {  	s6 =	sadd.s32 s3, s5;
	v16 =	vld.idx.msk [tilespmem:v4+s2+$0x0 ss:$0x1], $0xffff  }
0x5d8: {  	[tilespmem:s6+$0x70] =	vst.add.f32.msk $0xffff, v6  }
0x5d9: {  	v6 =	vld.idx.msk [tilespmem:v4+s2+$0xFFFFFFD0 ss:$0x1], $0xffff  }
0x5da: {  	v7 =	vld [tilespmem:s8+$0x20]  }
0x5db: {  	v10 =	vmul.f32 v10, v5;
	v15 =	vld.idx.msk [tilespmem:v4+s2+$0xFFFFFFF0 ss:$0x1], $0xffff  }
0x5dc: {  	v9 =	vmul.f32 v9, v5;
	v18 =	vld.idx.msk [tilespmem:v4+s2+$0x20 ss:$0x1], $0xffff  }
0x5dd: {  	v62 =	vmul.f32 v12, v5;
	v17 =	vld.idx.msk [tilespmem:v4+s2+$0x10 ss:$0x1], $0xffff;
	v10 =	vadd.f32 v10, v14  }
0x5de: {  	v11 =	vmul.f32 v11, v5;
	v63 =	vld.idx.msk [tilespmem:v4+s2+$0xFFFFFFC0 ss:$0x1], $0xffff;
	v6 =	vadd.f32 v9, v6  }
0x5df: {  	[tilespmem:s6+$0x20] =	vst.add.f32.msk $0xffff, v10;
	v7 =	vmul.f32 v7, v5;
	v9 =	vadd.f32 v62, v16  }
0x5e0: {  	v13 =	vmul.f32 v13, v5;
	[tilespmem:s6+$0x10] =	vst.add.f32.msk $0xffff, v6;
	v6 =	vadd.f32 v11, v15  }
0x5e1: {  	v7 =	vadd.f32 v7, v18;
	[tilespmem:s6+$0x40] =	vst.add.f32.msk $0xffff, v9  }
0x5e2: {  	v8 =	vmul.f32 v8, v5;
	[tilespmem:s6+$0x30] =	vst.add.f32.msk $0xffff, v6;
	v6 =	vadd.f32 v13, v17  }
0x5e3: {  	[tilespmem:s6+$0x60] =	vst.add.f32.msk $0xffff, v7  }
0x5e4: {  	s15 =	simm.s32 $0x0;
	s8 =	simm.s32 $0x8C0;
	[tilespmem:s6+$0x50] =	vst.add.f32.msk $0xffff, v6;
	v6 =	vadd.f32 v8, v63  }
.LBB2_67:
0x5e5: {  	v7 =	vld [tilespmem:s8+$0x30];
	s15 =	sadd.s32 $0x8, s15;
	s2 =	sadd.s32 $0x400, s2  }
0x5e6: {  	v8 =	vld.idx.msk [tilespmem:v4+s2+$0x30 ss:$0x1], $0xffff;
	p0 =	slt.u32 s15, $0x28  }
0x5e7: {  	v9 =	vld [tilespmem:s8+$0xFFFFFFC0]  }
0x5e8: {  	v10 =	vld [tilespmem:s8+$0xFFFFFFD0]  }
0x5e9: {  	v11 =	vld [tilespmem:s8+$0xFFFFFFE0]  }
0x5ea: {  	v12 =	vld [tilespmem:s8+$0xFFFFFFF0];
	v7 =	vmul.f32 v7, v5  }
0x5eb: {  	v13 =	vld [tilespmem:s8+$0x0]  }
0x5ec: {  	s5 =	sadd.s32 $0x400, s5;
	v9 =	vmul.f32 v9, v5;
	v14 =	vld [tilespmem:s8+$0x10];
	v7 =	vadd.f32 v7, v8  }
0x5ed: {  	s14 =	sadd.s32 s3, s5;
	v8 =	vmul.f32 v10, v5;
	v10 =	vld [tilespmem:s8+$0x20]  }
0x5ee: {  	v11 =	vmul.f32 v11, v5;
	[tilespmem:s14+$0x70] =	vst.add.f32.msk $0xffff, v7  }
0x5ef: {  	v7 =	vld.idx.msk [tilespmem:v4+s2+$0xFFFFFFD0 ss:$0x1], $0xffff;
	v12 =	vmul.f32 v12, v5  }
0x5f0: {  	v15 =	vld.idx.msk [tilespmem:v4+s2+$0xFFFFFFE0 ss:$0x1], $0xffff;
	v13 =	vmul.f32 v13, v5  }
0x5f1: {  	v16 =	vld.idx.msk [tilespmem:v4+s2+$0xFFFFFFF0 ss:$0x1], $0xffff;
	v14 =	vmul.f32 v14, v5  }
0x5f2: {  	v17 =	vld.idx.msk [tilespmem:v4+s2+$0x0 ss:$0x1], $0xffff;
	v10 =	vmul.f32 v10, v5  }
0x5f3: {  	v18 =	vld.idx.msk [tilespmem:v4+s2+$0x10 ss:$0x1], $0xffff  }
0x5f4: {  	v19 =	vld.idx.msk [tilespmem:v4+s2+$0x20 ss:$0x1], $0xffff  }
0x5f5: {  	v7 =	vadd.f32 v8, v7;
	v20 =	vld.idx.msk [tilespmem:v4+s2+$0xFFFFFFC0 ss:$0x1], $0xffff  }
0x5f6: {  	v8 =	vadd.f32 v11, v15;
	[tilespmem:s6+$0x0] =	vst.add.f32.msk $0xffff, v6;
	s6 =	smov.u32 s14  }
0x5f7: {  	v6 =	vadd.f32 v12, v16;
	[tilespmem:s6+$0x10] =	vst.add.f32.msk $0xffff, v7  }
.Ltmp32:
0x5f8: {  	v7 =	vadd.f32 v13, v17;
	[tilespmem:s6+$0x20] =	vst.add.f32.msk $0xffff, v8;
	(pc) =	sbr.rel @p0 .LBB2_67-.Ltmp32, $4  }
0x5f9: {  	v8 =	vadd.f32 v14, v18;
	[tilespmem:s6+$0x30] =	vst.add.f32.msk $0xffff, v6  }
0x5fa: {  	[tilespmem:s6+$0x40] =	vst.add.f32.msk $0xffff, v7;
	v7 =	vadd.f32 v10, v19  }
0x5fb: {  	v6 =	vadd.f32 v9, v20;
	[tilespmem:s6+$0x50] =	vst.add.f32.msk $0xffff, v8  }
0x5fc: {  	s8 =	sadd.s32 $0x80, s8;
	[tilespmem:s6+$0x60] =	vst.add.f32.msk $0xffff, v7  }
0x5fd: {  	s0 =	sadd.s32 $0x1, s0  }
0x5fe: {  	p0 =	sne.s32 s0, $0x10  }
.Ltmp33:
0x5ff: {  	_ = 	snop;
	(pc) =	sbr.rel @p0 .LBB2_66-.Ltmp33, $2  }
0x600: {  	_ =	sdelay $0x2  }
0x601: {  	[tilespmem:s6+$0x0] =	vst.add.f32.msk $0xffff, v6;
	s31 =	sadd.s32 $0x1, s31  }
0x602: {  	s31 =	simm.s32 $0x0;
	s0 =	rddreg [dreg:$0x19]  }
0x603: {  	[hbm4b:s0+s31] =	stream.linear.scatter [tilespmem:s21], [sflag:$0x9], $0x3000, $0x38;
	[tilespmem:$0x18B00] =	vst v63  }
0x604: {  	_ =	swait.ge [sflag:s12], $0x3000  }
0x605: {  	[sflag:s12] =	ssyncset.done $0x0  }
0x606: {  	[sflag:s12] =	ssyncadd.s32 $0xFFFFD000  }
0x607: {  	v3 =	vld [tilespmem:$0x170];
	_ =	sdelay $0x4  }
0x608: {  	s0 =	simm.s32 $0x0;
	v3 =	vcvt.s32.f32 v3  }
.LBB2_70:
0x609: {  	s2 =	sand.u32 $0x7, s31  }
0x60a: {  	s2 =	sshll.u32 s2, $0x9  }
0x60b: {  	s3 =	sshrl.u32 s2, $0x2  }
0x60c: {  	s15 =	sshrl.u32 s0, $0x3;
	v4 =	vmov s3  }
0x60d: {  	s8 =	simm.s32 $0x840;
	s2 =	smul.u32 $0x6000, s15  }
0x60e: {  	v6 =	vld [tilespmem:s8+$0x30]  }
0x60f: {  	v8 =	vld [tilespmem:s8+$0xFFFFFFC0];
	s5 =	sshra.s32 s2, $0x2  }
0x610: {  	v9 =	vld [tilespmem:s8+$0xFFFFFFD0];
	s2 =	sadd.s32 $0x15B40, s5  }
0x611: {  	v5 =	vmov s0;
	v7 =	vld.idx.msk [tilespmem:v4+s2+$0x30 ss:$0x1], $0xffff  }
0x612: {  	v5 =	vperm.xlane v3, v5;
	v10 =	vld [tilespmem:s8+$0xFFFFFFE0]  }
0x613: {  	v11 =	vld [tilespmem:s8+$0xFFFFFFF0]  }
0x614: {  	v12 =	vld [tilespmem:s8+$0x0];
	v6 =	vmul.f32 v6, v5  }
0x615: {  	v13 =	vld [tilespmem:s8+$0x10]  }
0x616: {  	s5 =	sadd.s32 $0x3B00, s5;
	v14 =	vld.idx.msk [tilespmem:v4+s2+$0xFFFFFFE0 ss:$0x1], $0xffff;
	v6 =	vadd.f32 v6, v7  }
0x617: {  	s6 =	sadd.s32 s3, s5;
	v16 =	vld.idx.msk [tilespmem:v4+s2+$0x0 ss:$0x1], $0xffff  }
0x618: {  	[tilespmem:s6+$0x70] =	vst.add.f32.msk $0xffff, v6  }
0x619: {  	v6 =	vld.idx.msk [tilespmem:v4+s2+$0xFFFFFFD0 ss:$0x1], $0xffff  }
0x61a: {  	v7 =	vld [tilespmem:s8+$0x20]  }
0x61b: {  	v10 =	vmul.f32 v10, v5;
	v15 =	vld.idx.msk [tilespmem:v4+s2+$0xFFFFFFF0 ss:$0x1], $0xffff  }
0x61c: {  	v9 =	vmul.f32 v9, v5;
	v18 =	vld.idx.msk [tilespmem:v4+s2+$0x20 ss:$0x1], $0xffff  }
0x61d: {  	v62 =	vmul.f32 v12, v5;
	v17 =	vld.idx.msk [tilespmem:v4+s2+$0x10 ss:$0x1], $0xffff;
	v10 =	vadd.f32 v10, v14  }
0x61e: {  	v11 =	vmul.f32 v11, v5;
	v63 =	vld.idx.msk [tilespmem:v4+s2+$0xFFFFFFC0 ss:$0x1], $0xffff;
	v6 =	vadd.f32 v9, v6  }
0x61f: {  	[tilespmem:s6+$0x20] =	vst.add.f32.msk $0xffff, v10;
	v7 =	vmul.f32 v7, v5;
	v9 =	vadd.f32 v62, v16  }
0x620: {  	v13 =	vmul.f32 v13, v5;
	[tilespmem:s6+$0x10] =	vst.add.f32.msk $0xffff, v6;
	v6 =	vadd.f32 v11, v15  }
0x621: {  	v7 =	vadd.f32 v7, v18;
	[tilespmem:s6+$0x40] =	vst.add.f32.msk $0xffff, v9  }
0x622: {  	v8 =	vmul.f32 v8, v5;
	[tilespmem:s6+$0x30] =	vst.add.f32.msk $0xffff, v6;
	v6 =	vadd.f32 v13, v17  }
0x623: {  	[tilespmem:s6+$0x60] =	vst.add.f32.msk $0xffff, v7  }
0x624: {  	s15 =	simm.s32 $0x0;
	s8 =	simm.s32 $0x8C0;
	[tilespmem:s6+$0x50] =	vst.add.f32.msk $0xffff, v6;
	v6 =	vadd.f32 v8, v63  }
.LBB2_71:
0x625: {  	v7 =	vld [tilespmem:s8+$0x30];
	s15 =	sadd.s32 $0x8, s15;
	s2 =	sadd.s32 $0x400, s2  }
0x626: {  	v8 =	vld.idx.msk [tilespmem:v4+s2+$0x30 ss:$0x1], $0xffff;
	p0 =	slt.u32 s15, $0x28  }
0x627: {  	v9 =	vld [tilespmem:s8+$0xFFFFFFC0]  }
0x628: {  	v10 =	vld [tilespmem:s8+$0xFFFFFFD0]  }
0x629: {  	v11 =	vld [tilespmem:s8+$0xFFFFFFE0]  }
0x62a: {  	v12 =	vld [tilespmem:s8+$0xFFFFFFF0];
	v7 =	vmul.f32 v7, v5  }
0x62b: {  	v13 =	vld [tilespmem:s8+$0x0]  }
0x62c: {  	s5 =	sadd.s32 $0x400, s5;
	v9 =	vmul.f32 v9, v5;
	v14 =	vld [tilespmem:s8+$0x10];
	v7 =	vadd.f32 v7, v8  }
0x62d: {  	s14 =	sadd.s32 s3, s5;
	v8 =	vmul.f32 v10, v5;
	v10 =	vld [tilespmem:s8+$0x20]  }
0x62e: {  	v11 =	vmul.f32 v11, v5;
	[tilespmem:s14+$0x70] =	vst.add.f32.msk $0xffff, v7  }
0x62f: {  	v7 =	vld.idx.msk [tilespmem:v4+s2+$0xFFFFFFD0 ss:$0x1], $0xffff;
	v12 =	vmul.f32 v12, v5  }
0x630: {  	v15 =	vld.idx.msk [tilespmem:v4+s2+$0xFFFFFFE0 ss:$0x1], $0xffff;
	v13 =	vmul.f32 v13, v5  }
0x631: {  	v16 =	vld.idx.msk [tilespmem:v4+s2+$0xFFFFFFF0 ss:$0x1], $0xffff;
	v14 =	vmul.f32 v14, v5  }
0x632: {  	v17 =	vld.idx.msk [tilespmem:v4+s2+$0x0 ss:$0x1], $0xffff;
	v10 =	vmul.f32 v10, v5  }
0x633: {  	v18 =	vld.idx.msk [tilespmem:v4+s2+$0x10 ss:$0x1], $0xffff  }
0x634: {  	v19 =	vld.idx.msk [tilespmem:v4+s2+$0x20 ss:$0x1], $0xffff  }
0x635: {  	v7 =	vadd.f32 v8, v7;
	v20 =	vld.idx.msk [tilespmem:v4+s2+$0xFFFFFFC0 ss:$0x1], $0xffff  }
0x636: {  	v8 =	vadd.f32 v11, v15;
	[tilespmem:s6+$0x0] =	vst.add.f32.msk $0xffff, v6;
	s6 =	smov.u32 s14  }
0x637: {  	v6 =	vadd.f32 v12, v16;
	[tilespmem:s6+$0x10] =	vst.add.f32.msk $0xffff, v7  }
.Ltmp34:
0x638: {  	v7 =	vadd.f32 v13, v17;
	[tilespmem:s6+$0x20] =	vst.add.f32.msk $0xffff, v8;
	(pc) =	sbr.rel @p0 .LBB2_71-.Ltmp34, $4  }
0x639: {  	v8 =	vadd.f32 v14, v18;
	[tilespmem:s6+$0x30] =	vst.add.f32.msk $0xffff, v6  }
0x63a: {  	[tilespmem:s6+$0x40] =	vst.add.f32.msk $0xffff, v7;
	v7 =	vadd.f32 v10, v19  }
0x63b: {  	v6 =	vadd.f32 v9, v20;
	[tilespmem:s6+$0x50] =	vst.add.f32.msk $0xffff, v8  }
0x63c: {  	s8 =	sadd.s32 $0x80, s8;
	[tilespmem:s6+$0x60] =	vst.add.f32.msk $0xffff, v7  }
0x63d: {  	s0 =	sadd.s32 $0x1, s0  }
0x63e: {  	p0 =	sne.s32 s0, $0x10  }
.Ltmp35:
0x63f: {  	_ = 	snop;
	(pc) =	sbr.rel @p0 .LBB2_70-.Ltmp35, $2  }
0x640: {  	_ =	sdelay $0x2  }
0x641: {  	[tilespmem:s6+$0x0] =	vst.add.f32.msk $0xffff, v6;
	s31 =	sadd.s32 $0x1, s31  }
0x642: {  	s0 =	sld [smem:$0x7FB];
	_ =	sdelay $0x1  }
0x643: {  	s31 =	simm.s32 $0x0  }
0x644: {  	[hbm4b:s0+s31] =	stream.linear.scatter [tilespmem:s30], [sflag:$0xA], $0x3000, $0x38;
	[tilespmem:$0x18B00] =	vst v63  }
0x645: {  	_ =	swait.ge [sflag:s16], $0x3000  }
0x646: {  	[sflag:s16] =	ssyncset.done $0x0  }
0x647: {  	[sflag:s16] =	ssyncadd.s32 $0xFFFFD000  }
0x648: {  	v3 =	vld [tilespmem:$0x1B0];
	_ =	sdelay $0x4  }
0x649: {  	s0 =	simm.s32 $0x0;
	v3 =	vcvt.s32.f32 v3  }
.LBB2_74:
0x64a: {  	s2 =	sand.u32 $0x7, s31  }
0x64b: {  	s2 =	sshll.u32 s2, $0x9  }
0x64c: {  	s3 =	sshrl.u32 s2, $0x2  }
0x64d: {  	s15 =	sshrl.u32 s0, $0x3;
	v4 =	vmov s3  }
0x64e: {  	s8 =	simm.s32 $0x840;
	s2 =	smul.u32 $0x6000, s15  }
0x64f: {  	v6 =	vld [tilespmem:s8+$0x30]  }
0x650: {  	v8 =	vld [tilespmem:s8+$0xFFFFFFC0];
	s5 =	sshra.s32 s2, $0x2  }
0x651: {  	v9 =	vld [tilespmem:s8+$0xFFFFFFD0];
	s2 =	sadd.s32 $0x15B40, s5  }
0x652: {  	v5 =	vmov s0;
	v7 =	vld.idx.msk [tilespmem:v4+s2+$0x30 ss:$0x1], $0xffff  }
0x653: {  	v5 =	vperm.xlane v3, v5;
	v10 =	vld [tilespmem:s8+$0xFFFFFFE0]  }
0x654: {  	v11 =	vld [tilespmem:s8+$0xFFFFFFF0]  }
0x655: {  	v12 =	vld [tilespmem:s8+$0x0];
	v6 =	vmul.f32 v6, v5  }
0x656: {  	v13 =	vld [tilespmem:s8+$0x10]  }
0x657: {  	s5 =	sadd.s32 $0x6B00, s5;
	v14 =	vld.idx.msk [tilespmem:v4+s2+$0xFFFFFFE0 ss:$0x1], $0xffff;
	v6 =	vadd.f32 v6, v7  }
0x658: {  	s6 =	sadd.s32 s3, s5;
	v16 =	vld.idx.msk [tilespmem:v4+s2+$0x0 ss:$0x1], $0xffff  }
0x659: {  	[tilespmem:s6+$0x70] =	vst.add.f32.msk $0xffff, v6  }
0x65a: {  	v6 =	vld.idx.msk [tilespmem:v4+s2+$0xFFFFFFD0 ss:$0x1], $0xffff  }
0x65b: {  	v7 =	vld [tilespmem:s8+$0x20]  }
0x65c: {  	v10 =	vmul.f32 v10, v5;
	v15 =	vld.idx.msk [tilespmem:v4+s2+$0xFFFFFFF0 ss:$0x1], $0xffff  }
0x65d: {  	v9 =	vmul.f32 v9, v5;
	v18 =	vld.idx.msk [tilespmem:v4+s2+$0x20 ss:$0x1], $0xffff  }
0x65e: {  	v62 =	vmul.f32 v12, v5;
	v17 =	vld.idx.msk [tilespmem:v4+s2+$0x10 ss:$0x1], $0xffff;
	v10 =	vadd.f32 v10, v14  }
0x65f: {  	v11 =	vmul.f32 v11, v5;
	v63 =	vld.idx.msk [tilespmem:v4+s2+$0xFFFFFFC0 ss:$0x1], $0xffff;
	v6 =	vadd.f32 v9, v6  }
0x660: {  	[tilespmem:s6+$0x20] =	vst.add.f32.msk $0xffff, v10;
	v7 =	vmul.f32 v7, v5;
	v9 =	vadd.f32 v62, v16  }
0x661: {  	v13 =	vmul.f32 v13, v5;
	[tilespmem:s6+$0x10] =	vst.add.f32.msk $0xffff, v6;
	v6 =	vadd.f32 v11, v15  }
0x662: {  	v7 =	vadd.f32 v7, v18;
	[tilespmem:s6+$0x40] =	vst.add.f32.msk $0xffff, v9  }
0x663: {  	v8 =	vmul.f32 v8, v5;
	[tilespmem:s6+$0x30] =	vst.add.f32.msk $0xffff, v6;
	v6 =	vadd.f32 v13, v17  }
0x664: {  	[tilespmem:s6+$0x60] =	vst.add.f32.msk $0xffff, v7  }
0x665: {  	s15 =	simm.s32 $0x0;
	s8 =	simm.s32 $0x8C0;
	[tilespmem:s6+$0x50] =	vst.add.f32.msk $0xffff, v6;
	v6 =	vadd.f32 v8, v63  }
.LBB2_75:
0x666: {  	v7 =	vld [tilespmem:s8+$0x30];
	s15 =	sadd.s32 $0x8, s15;
	s2 =	sadd.s32 $0x400, s2  }
0x667: {  	v8 =	vld.idx.msk [tilespmem:v4+s2+$0x30 ss:$0x1], $0xffff;
	p0 =	slt.u32 s15, $0x28  }
0x668: {  	v9 =	vld [tilespmem:s8+$0xFFFFFFC0]  }
0x669: {  	v10 =	vld [tilespmem:s8+$0xFFFFFFD0]  }
0x66a: {  	v11 =	vld [tilespmem:s8+$0xFFFFFFE0]  }
0x66b: {  	v12 =	vld [tilespmem:s8+$0xFFFFFFF0];
	v7 =	vmul.f32 v7, v5  }
0x66c: {  	v13 =	vld [tilespmem:s8+$0x0]  }
0x66d: {  	s5 =	sadd.s32 $0x400, s5;
	v9 =	vmul.f32 v9, v5;
	v14 =	vld [tilespmem:s8+$0x10];
	v7 =	vadd.f32 v7, v8  }
0x66e: {  	s14 =	sadd.s32 s3, s5;
	v8 =	vmul.f32 v10, v5;
	v10 =	vld [tilespmem:s8+$0x20]  }
0x66f: {  	v11 =	vmul.f32 v11, v5;
	[tilespmem:s14+$0x70] =	vst.add.f32.msk $0xffff, v7  }
0x670: {  	v7 =	vld.idx.msk [tilespmem:v4+s2+$0xFFFFFFD0 ss:$0x1], $0xffff;
	v12 =	vmul.f32 v12, v5  }
0x671: {  	v15 =	vld.idx.msk [tilespmem:v4+s2+$0xFFFFFFE0 ss:$0x1], $0xffff;
	v13 =	vmul.f32 v13, v5  }
0x672: {  	v16 =	vld.idx.msk [tilespmem:v4+s2+$0xFFFFFFF0 ss:$0x1], $0xffff;
	v14 =	vmul.f32 v14, v5  }
0x673: {  	v17 =	vld.idx.msk [tilespmem:v4+s2+$0x0 ss:$0x1], $0xffff;
	v10 =	vmul.f32 v10, v5  }
0x674: {  	v18 =	vld.idx.msk [tilespmem:v4+s2+$0x10 ss:$0x1], $0xffff  }
0x675: {  	v19 =	vld.idx.msk [tilespmem:v4+s2+$0x20 ss:$0x1], $0xffff  }
0x676: {  	v7 =	vadd.f32 v8, v7;
	v20 =	vld.idx.msk [tilespmem:v4+s2+$0xFFFFFFC0 ss:$0x1], $0xffff  }
0x677: {  	v8 =	vadd.f32 v11, v15;
	[tilespmem:s6+$0x0] =	vst.add.f32.msk $0xffff, v6;
	s6 =	smov.u32 s14  }
0x678: {  	v6 =	vadd.f32 v12, v16;
	[tilespmem:s6+$0x10] =	vst.add.f32.msk $0xffff, v7  }
.Ltmp36:
0x679: {  	v7 =	vadd.f32 v13, v17;
	[tilespmem:s6+$0x20] =	vst.add.f32.msk $0xffff, v8;
	(pc) =	sbr.rel @p0 .LBB2_75-.Ltmp36, $4  }
0x67a: {  	v8 =	vadd.f32 v14, v18;
	[tilespmem:s6+$0x30] =	vst.add.f32.msk $0xffff, v6  }
0x67b: {  	[tilespmem:s6+$0x40] =	vst.add.f32.msk $0xffff, v7;
	v7 =	vadd.f32 v10, v19  }
0x67c: {  	v6 =	vadd.f32 v9, v20;
	[tilespmem:s6+$0x50] =	vst.add.f32.msk $0xffff, v8  }
0x67d: {  	s8 =	sadd.s32 $0x80, s8;
	[tilespmem:s6+$0x60] =	vst.add.f32.msk $0xffff, v7  }
0x67e: {  	s0 =	sadd.s32 $0x1, s0  }
0x67f: {  	p0 =	sne.s32 s0, $0x10  }
.Ltmp37:
0x680: {  	_ = 	snop;
	(pc) =	sbr.rel @p0 .LBB2_74-.Ltmp37, $2  }
0x681: {  	_ =	sdelay $0x2  }
0x682: {  	[tilespmem:s6+$0x0] =	vst.add.f32.msk $0xffff, v6;
	s31 =	sadd.s32 $0x1, s31  }
0x683: {  	s0 =	sld [smem:$0x7FC];
	_ =	sdelay $0x1  }
0x684: {  	s31 =	simm.s32 $0x0  }
0x685: {  	[hbm4b:s0+s31] =	stream.linear.scatter [tilespmem:s9], [sflag:$0xB], $0x3000, $0x38;
	[tilespmem:$0x18B00] =	vst v63  }
0x686: {  	_ =	swait.ge [sflag:s18], $0x3000  }
0x687: {  	[sflag:s18] =	ssyncset.done $0x0  }
0x688: {  	[sflag:s18] =	ssyncadd.s32 $0xFFFFD000  }
0x689: {  	v3 =	vld [tilespmem:$0x1F0];
	_ =	sdelay $0x4  }
0x68a: {  	s0 =	simm.s32 $0x0;
	v3 =	vcvt.s32.f32 v3  }
.LBB2_78:
0x68b: {  	s2 =	sand.u32 $0x7, s31  }
0x68c: {  	s2 =	sshll.u32 s2, $0x9  }
0x68d: {  	s3 =	sshrl.u32 s2, $0x2  }
0x68e: {  	s15 =	sshrl.u32 s0, $0x3;
	v4 =	vmov s3  }
0x68f: {  	s8 =	simm.s32 $0x840;
	s2 =	smul.u32 $0x6000, s15  }
0x690: {  	v6 =	vld [tilespmem:s8+$0x30]  }
0x691: {  	v8 =	vld [tilespmem:s8+$0xFFFFFFC0];
	s5 =	sshra.s32 s2, $0x2  }
0x692: {  	v9 =	vld [tilespmem:s8+$0xFFFFFFD0];
	s2 =	sadd.s32 $0x15B40, s5  }
0x693: {  	v5 =	vmov s0;
	v7 =	vld.idx.msk [tilespmem:v4+s2+$0x30 ss:$0x1], $0xffff  }
0x694: {  	v5 =	vperm.xlane v3, v5;
	v10 =	vld [tilespmem:s8+$0xFFFFFFE0]  }
0x695: {  	v11 =	vld [tilespmem:s8+$0xFFFFFFF0]  }
0x696: {  	v12 =	vld [tilespmem:s8+$0x0];
	v6 =	vmul.f32 v6, v5  }
0x697: {  	v13 =	vld [tilespmem:s8+$0x10]  }
0x698: {  	s5 =	sadd.s32 $0x9B00, s5;
	v14 =	vld.idx.msk [tilespmem:v4+s2+$0xFFFFFFE0 ss:$0x1], $0xffff;
	v6 =	vadd.f32 v6, v7  }
0x699: {  	s6 =	sadd.s32 s3, s5;
	v16 =	vld.idx.msk [tilespmem:v4+s2+$0x0 ss:$0x1], $0xffff  }
0x69a: {  	[tilespmem:s6+$0x70] =	vst.add.f32.msk $0xffff, v6  }
0x69b: {  	v6 =	vld.idx.msk [tilespmem:v4+s2+$0xFFFFFFD0 ss:$0x1], $0xffff  }
0x69c: {  	v7 =	vld [tilespmem:s8+$0x20]  }
0x69d: {  	v10 =	vmul.f32 v10, v5;
	v15 =	vld.idx.msk [tilespmem:v4+s2+$0xFFFFFFF0 ss:$0x1], $0xffff  }
0x69e: {  	v9 =	vmul.f32 v9, v5;
	v18 =	vld.idx.msk [tilespmem:v4+s2+$0x20 ss:$0x1], $0xffff  }
0x69f: {  	v62 =	vmul.f32 v12, v5;
	v17 =	vld.idx.msk [tilespmem:v4+s2+$0x10 ss:$0x1], $0xffff;
	v10 =	vadd.f32 v10, v14  }
0x6a0: {  	v11 =	vmul.f32 v11, v5;
	v63 =	vld.idx.msk [tilespmem:v4+s2+$0xFFFFFFC0 ss:$0x1], $0xffff;
	v6 =	vadd.f32 v9, v6  }
0x6a1: {  	[tilespmem:s6+$0x20] =	vst.add.f32.msk $0xffff, v10;
	v7 =	vmul.f32 v7, v5;
	v9 =	vadd.f32 v62, v16  }
0x6a2: {  	v13 =	vmul.f32 v13, v5;
	[tilespmem:s6+$0x10] =	vst.add.f32.msk $0xffff, v6;
	v6 =	vadd.f32 v11, v15  }
0x6a3: {  	v7 =	vadd.f32 v7, v18;
	[tilespmem:s6+$0x40] =	vst.add.f32.msk $0xffff, v9  }
0x6a4: {  	v8 =	vmul.f32 v8, v5;
	[tilespmem:s6+$0x30] =	vst.add.f32.msk $0xffff, v6;
	v6 =	vadd.f32 v13, v17  }
0x6a5: {  	[tilespmem:s6+$0x60] =	vst.add.f32.msk $0xffff, v7  }
0x6a6: {  	s15 =	simm.s32 $0x0;
	s8 =	simm.s32 $0x8C0;
	[tilespmem:s6+$0x50] =	vst.add.f32.msk $0xffff, v6;
	v6 =	vadd.f32 v8, v63  }
.LBB2_79:
0x6a7: {  	v7 =	vld [tilespmem:s8+$0x30];
	s15 =	sadd.s32 $0x8, s15;
	s2 =	sadd.s32 $0x400, s2  }
0x6a8: {  	v8 =	vld.idx.msk [tilespmem:v4+s2+$0x30 ss:$0x1], $0xffff;
	p0 =	slt.u32 s15, $0x28  }
0x6a9: {  	v9 =	vld [tilespmem:s8+$0xFFFFFFC0]  }
0x6aa: {  	v10 =	vld [tilespmem:s8+$0xFFFFFFD0]  }
0x6ab: {  	v11 =	vld [tilespmem:s8+$0xFFFFFFE0]  }
0x6ac: {  	v12 =	vld [tilespmem:s8+$0xFFFFFFF0];
	v7 =	vmul.f32 v7, v5  }
0x6ad: {  	v13 =	vld [tilespmem:s8+$0x0]  }
0x6ae: {  	s5 =	sadd.s32 $0x400, s5;
	v9 =	vmul.f32 v9, v5;
	v14 =	vld [tilespmem:s8+$0x10];
	v7 =	vadd.f32 v7, v8  }
0x6af: {  	s14 =	sadd.s32 s3, s5;
	v8 =	vmul.f32 v10, v5;
	v10 =	vld [tilespmem:s8+$0x20]  }
0x6b0: {  	v11 =	vmul.f32 v11, v5;
	[tilespmem:s14+$0x70] =	vst.add.f32.msk $0xffff, v7  }
0x6b1: {  	v7 =	vld.idx.msk [tilespmem:v4+s2+$0xFFFFFFD0 ss:$0x1], $0xffff;
	v12 =	vmul.f32 v12, v5  }
0x6b2: {  	v15 =	vld.idx.msk [tilespmem:v4+s2+$0xFFFFFFE0 ss:$0x1], $0xffff;
	v13 =	vmul.f32 v13, v5  }
0x6b3: {  	v16 =	vld.idx.msk [tilespmem:v4+s2+$0xFFFFFFF0 ss:$0x1], $0xffff;
	v14 =	vmul.f32 v14, v5  }
0x6b4: {  	v17 =	vld.idx.msk [tilespmem:v4+s2+$0x0 ss:$0x1], $0xffff;
	v10 =	vmul.f32 v10, v5  }
0x6b5: {  	v18 =	vld.idx.msk [tilespmem:v4+s2+$0x10 ss:$0x1], $0xffff  }
0x6b6: {  	v19 =	vld.idx.msk [tilespmem:v4+s2+$0x20 ss:$0x1], $0xffff  }
0x6b7: {  	v7 =	vadd.f32 v8, v7;
	v20 =	vld.idx.msk [tilespmem:v4+s2+$0xFFFFFFC0 ss:$0x1], $0xffff  }
0x6b8: {  	v8 =	vadd.f32 v11, v15;
	[tilespmem:s6+$0x0] =	vst.add.f32.msk $0xffff, v6;
	s6 =	smov.u32 s14  }
0x6b9: {  	v6 =	vadd.f32 v12, v16;
	[tilespmem:s6+$0x10] =	vst.add.f32.msk $0xffff, v7  }
.Ltmp38:
0x6ba: {  	v7 =	vadd.f32 v13, v17;
	[tilespmem:s6+$0x20] =	vst.add.f32.msk $0xffff, v8;
	(pc) =	sbr.rel @p0 .LBB2_79-.Ltmp38, $4  }
0x6bb: {  	v8 =	vadd.f32 v14, v18;
	[tilespmem:s6+$0x30] =	vst.add.f32.msk $0xffff, v6  }
0x6bc: {  	[tilespmem:s6+$0x40] =	vst.add.f32.msk $0xffff, v7;
	v7 =	vadd.f32 v10, v19  }
0x6bd: {  	v6 =	vadd.f32 v9, v20;
	[tilespmem:s6+$0x50] =	vst.add.f32.msk $0xffff, v8  }
0x6be: {  	s8 =	sadd.s32 $0x80, s8;
	[tilespmem:s6+$0x60] =	vst.add.f32.msk $0xffff, v7  }
0x6bf: {  	s0 =	sadd.s32 $0x1, s0  }
0x6c0: {  	p0 =	sne.s32 s0, $0x10  }
.Ltmp39:
0x6c1: {  	_ = 	snop;
	(pc) =	sbr.rel @p0 .LBB2_78-.Ltmp39, $2  }
0x6c2: {  	_ =	sdelay $0x2  }
0x6c3: {  	[tilespmem:s6+$0x0] =	vst.add.f32.msk $0xffff, v6;
	s31 =	sadd.s32 $0x1, s31  }
0x6c4: {  	s0 =	sld [smem:$0x7FD];
	_ =	sdelay $0x1  }
0x6c5: {  	s3 =	simm.s32 $0x9B00  }
0x6c6: {  	[hbm4b:s0+s4] =	stream.linear.scatter [tilespmem:s3], [sflag:$0xC], $0x3000, $0x38;
	[tilespmem:$0x18B00] =	vst v63  }
0x6c7: {  	_ =	swait.ge [sflag:s11], $0x3000  }
0x6c8: {  	[sflag:s11] =	ssyncset.done $0x0  }
0x6c9: {  	[sflag:s11] =	ssyncadd.s32 $0xFFFFD000  }
0x6ca: {  	_ =	swait.ge [sflag:s13], $0x3000  }
0x6cb: {  	[sflag:s13] =	ssyncset.done $0x0  }
0x6cc: {  	[sflag:s13] =	ssyncadd.s32 $0xFFFFD000  }
0x6cd: {  	_ =	swait.ge [sflag:s17], $0x3000  }
0x6ce: {  	[sflag:s17] =	ssyncset.done $0x0  }
0x6cf: {  	[sflag:s17] =	ssyncadd.s32 $0xFFFFD000  }
0x6d0: {  	_ =	swait.ge [sflag:s19], $0x3000  }
0x6d1: {  	[sflag:s19] =	ssyncset.done $0x0  }
0x6d2: {  	[sflag:s19] =	ssyncadd.s32 $0xFFFFD000  }
0x6d3: {  	_ =	swait.ge [sflag:s23], $0x3000  }
0x6d4: {  	[sflag:s23] =	ssyncset.done $0x0  }
0x6d5: {  	[sflag:s23] =	ssyncadd.s32 $0xFFFFD000  }
0x6d6: {  	_ =	swait.ge [sflag:s28], $0x3000  }
0x6d7: {  	s29 =	sadd.s32 $0x1, s29;
	s31 =	rddreg [dreg:$0x1a]  }
0x6d8: {  	p0 =	sne.s32 s29, s31  }
.Ltmp40:
0x6d9: {  	_ = 	snop;
	(pc) =	sbr.rel @p0 .LBB2_1-.Ltmp40, $3  }
0x6da: {  	_ =	sdelay $0x1  }
0x6db: {  	[sflag:s28] =	ssyncset.done $0x0  }
0x6dc: {  	[sflag:s28] =	ssyncadd.s32 $0xFFFFD000  }
0x6dd: {  	_ =	sfence.sel $0x180000  }
0x6de: {  	[bflag:$0x0] =	sbarrier.arrive $0xFFFF  }
0x6df: {  	_ =	strace $0x90000047  }
0x6e0: {  	s0 =	stileid.u32;
	[bflag:$0x2] =	sbarrier.arrive $0xFFFF  }
0x6e1: {  	p0 =	sne.s32 s0, $0x0;
	s0 =	rddreg [dreg:$0x6]  }
0x6e2: {  	s0 =	sadd.s32 @!p0 $0x100000, s0  }
0x6e3: {  	[sflag:s0] =	ssyncadd.tile.s32 @!p0 $0x1;
	_ =	shalt  }
.Lfunc_end2:
_tile_overlayer_lowered:
.L_overlay_start_2:
0x6e4: {  	(tag) =	ssettag $0x2  }
0x6e5: {  	s0 =	rddreg [dreg:$0x0];
	s2 =	stileid.u32  }
0x6e6: {  	s1 =	rddreg [dreg:$0x1];
	p0 =	sne.s32 s2, $0x0  }
0x6e7: {  	s3 =	rddreg [dreg:$0x2];
	[bflag:$0x3] =	sbarrier.arrive $0xFFFF;
	s2 =	simm.s32 @!p0 $0x1C0F  }
0x6e8: {  	[timem:s3], [sflag:s2] =	dma.local @!p0 [hbm:s0], s1  }
0x6e9: {  	s0 =	simm.s32 @!p0 $0xF  }
0x6ea: {  	_ =	swait.ge @!p0 [sflag:s0], s1  }
0x6eb: {  	s1 =	ssub.s32 @!p0 $0x0, s1;
	[sflag:s0] =	ssyncset.done @!p0 $0x0  }
0x6ec: {  	[sflag:s0] =	ssyncadd.s32 @!p0 s1  }
0x6ed: {  	[bflag:$0x3] =	sbarrier.arrive $0xFFFF  }
0x6ee: {  	_ =	shalt  }

</sc_bundles>
